<compile_context>
chip_gen: v7x
topology: tpu7x:2x2x1
jax: 0.10.2.dev20260603
libtpu: 0.0.44.dev20260713+nightly
codegen_flags: <defaults>
</compile_context>

<pallas_src>
import functools

import numpy as np
import jax
import jax.numpy as jnp
from jax import lax
from jax.experimental import pallas as pl
from jax.experimental.pallas import tpu as pltpu
from jax.experimental.pallas import tpu_sc as plsc

_KS = 5
_SIGMA = 2.0
_HALF = _KS // 2

_NC = 2
_NS = 16
_NW = _NC * _NS
_L = 16
_CH = 64


def _gauss1d():
    d = np.arange(-_HALF, _HALF + 1, dtype=np.float64)
    g = np.exp(-(d * d) / (2.0 * _SIGMA * _SIGMA))
    g = g / g.sum()
    return [float(v) for v in g]


_G = _gauss1d()


def _roll(v, shift, axis):
    if shift == 0:
        return v
    return jnp.roll(v, shift, axis)


def _yblur_body(in_ref, out_ref):
    h = in_ref.shape[1]
    n = h - 2 * _HALF
    acc = _G[0] * (in_ref[:, pl.ds(0, n), :] + in_ref[:, pl.ds(4, n), :])
    acc += _G[1] * (in_ref[:, pl.ds(1, n), :] + in_ref[:, pl.ds(3, n), :])
    acc += _G[2] * in_ref[:, pl.ds(2, n), :]
    out_ref[:, pl.ds(_HALF, n), :] = acc


def _tr_body(in_ref, out_ref):
    c, hb, w = in_ref.shape
    rows = hb * w
    t = jnp.concatenate([in_ref[:, hl, :].T for hl in range(hb)], axis=0)
    acc = _G[0] * (_roll(t, 2, 0) + _roll(t, -2, 0))
    acc += _G[1] * (_roll(t, 1, 0) + _roll(t, -1, 0))
    acc += _G[2] * t
    a0 = acc[:, 0:128].reshape(rows // 8, 1, 8, 128)
    a1 = jnp.concatenate(
        [acc[:, 128:c], jnp.zeros((rows, 256 - c), jnp.float32)], axis=1,
    ).reshape(rows // 8, 1, 8, 128)
    out_ref[...] = jnp.concatenate([a0, a1], axis=1).reshape(rows * 2, 128)


def _out_tr_body(in_ref, out_ref):
    out_ref[...] = in_ref[...].T


def _make_gather(hw, c, n):
    bpw = -(-(-(-n // _NW)) // 8) * 8
    n_chunks = -(-bpw // _CH)
    sizes = [_CH] * (n_chunks - 1)
    sizes.append(bpw - _CH * (n_chunks - 1))
    mesh = plsc.VectorSubcoreMesh(
        core_axis_name="c", subcore_axis_name="s",
        num_cores=_NC, num_subcores=_NS)

    @functools.partial(
        pl.kernel,
        mesh=mesh,
        compiler_params=pltpu.CompilerParams(use_tc_tiling_on_sc=False),
        out_type=jax.ShapeDtypeStruct((n, c), jnp.float32),
        scratch_types=[
            pltpu.VMEM((-(-bpw // _L) * _L,), jnp.int32),
            pltpu.VMEM((n_chunks, 2 * _CH), jnp.int32),
            pltpu.VMEM((2, 2 * _CH, 128), jnp.float32),
            pltpu.SemaphoreType.DMA,
            pltpu.SemaphoreType.DMA,
        ],
    )
    def gather_k(table_hbm, p_hbm, out_hbm, pv, offv, rows,
                 sem0, sem1):
        wid = lax.axis_index("s") * _NC + lax.axis_index("c")
        base = jnp.minimum(wid * bpw, jnp.int32(n - bpw))
        sems = (sem0, sem1)
        pltpu.sync_copy(p_hbm.at[pl.ds(base, bpw)], pv.at[pl.ds(0, bpw)])
        lo = jnp.int32(_HALF)
        hi = jnp.int32(511 - _HALF)

        def drain(j):
            sz = sizes[j]
            b = j % 2
            o = base + j * _CH
            pltpu.sync_copy(
                rows.at[b].at[pl.ds(0, sz)],
                out_hbm.at[pl.ds(o, sz), pl.ds(0, 128)])
            pltpu.sync_copy(
                rows.at[b].at[pl.ds(_CH, sz), pl.ds(0, c - 128)],
                out_hbm.at[pl.ds(o, sz), pl.ds(128, c - 128)])

        copies = [None] * n_chunks
        for j in range(n_chunks):
            for kk in range(_CH // _L):
                lane0 = j * _CH + kk * _L
                v = pv[pl.ds(lane0, _L)]
                xi = jnp.clip(v & jnp.int32(0xFFFF), lo, hi)
                yi = jnp.clip(v >> jnp.int32(16), lo, hi)
                q0 = (yi * jnp.int32(1024)
                      + (xi >> 3) * jnp.int32(16) + (xi & 7))
                offv[j, pl.ds(kk * _L, _L)] = q0
                offv[j, pl.ds(_CH + kk * _L, _L)] = q0 + jnp.int32(8)
            copies[j] = pltpu.async_copy(
                table_hbm.at[offv.at[j]], rows.at[j % 2], sems[j % 2])
            if j >= 1:
                copies[j - 1].wait()
                drain(j - 1)
        copies[n_chunks - 1].wait()
        drain(n_chunks - 1)

    return gather_k


def kernel(feature_map, keypoints):
    c, h, w = feature_map.shape
    n = keypoints.shape[0]

    cb = 8
    blurred = pl.pallas_call(
        _yblur_body,
        grid=(c // cb,),
        in_specs=[pl.BlockSpec((cb, h, w), lambda i: (i, 0, 0))],
        out_specs=pl.BlockSpec((cb, h, w), lambda i: (i, 0, 0)),
        out_shape=jax.ShapeDtypeStruct((c, h, w), jnp.float32),
    )(feature_map)

    hw = h * w
    hb = 16
    table = pl.pallas_call(
        _tr_body,
        grid=(h // hb,),
        in_specs=[pl.BlockSpec((c, hb, w), lambda i: (0, i, 0))],
        out_specs=pl.BlockSpec((hb * w * 2, 128), lambda i: (i, 0)),
        out_shape=jax.ShapeDtypeStruct((hw * 2, 128), jnp.float32),
    )(blurred)

    kp = keypoints.astype(jnp.int32)
    packed = (kp * jnp.array([1, 65536], jnp.int32)).sum(axis=1)
    out_nc = _make_gather(hw, c, n)(table, packed)

    out_cn = pl.pallas_call(
        _out_tr_body,
        in_specs=[pl.BlockSpec((n, c), lambda: (0, 0))],
        out_specs=pl.BlockSpec((c, n), lambda: (0, 0)),
        out_shape=jax.ShapeDtypeStruct((c, n), jnp.float32),
    )(out_nc)
    return out_cn.T

# --- scband reference (transcript-rebuilt; emitter-appended) ---
"""Pipeline reference for scband-gaussian-pooling-68822555951688 (READ-ONLY COPY).

The authoritative reference and input builder live on the scoring server;
editing this copy changes nothing except your own understanding.
"""

import jax, jax.numpy as jnp
import numpy as np

KERNEL_SIZE = 5
SIGMA = 2.0
C, H, W = 192, 512, 512
N = 20000


def _gaussian_kernel(kernel_size, sigma):
    ax = jnp.arange(-kernel_size // 2 + 1.0, kernel_size // 2 + 1.0)
    xx, yy = jnp.meshgrid(ax, ax, indexing='ij')
    kernel = jnp.exp(-(xx ** 2 + yy ** 2) / (2.0 * sigma ** 2))
    kernel = kernel / kernel.sum()
    return kernel


def setup_inputs(seed: int = 0) -> dict:
    key = jax.random.key(seed)
    k1, k2 = jax.random.split(key)
    feature_map = jax.random.normal(k1, (C, H, W), dtype=jnp.float32)
    keypoints = jax.random.randint(k2, (N, 2), 0, W)
    return {"feature_map": feature_map, "keypoints": keypoints}


def reference(feature_map, keypoints):
    Cc, Hh, Ww = feature_map.shape
    ks = KERNEL_SIZE
    half_k = ks // 2
    kernel = _gaussian_kernel(ks, SIGMA)  # (ks, ks), matches torch buffer (1, ks, ks) via broadcast
    x = jnp.clip(keypoints[:, 0], half_k, Ww - half_k - 1)
    y = jnp.clip(keypoints[:, 1], half_k, Hh - half_k - 1)
    offs = jnp.arange(-half_k, half_k + 1)
    ys = y[:, None] + offs[None, :]  # (N, ks)
    xs = x[:, None] + offs[None, :]  # (N, ks)
    # gather patches: (C, N, ks, ks)
    patches = feature_map[:, ys[:, :, None], xs[:, None, :]]
    weighted = patches * kernel[None, None, :, :]
    pooled = weighted.sum(axis=(-2, -1))  # (C, N)
    return pooled.T  # (N, C)

if __name__ == "__main__":
    import jax
    _d = setup_inputs()
    print(jax.jit(kernel)(*tuple(_d.values())))

</pallas_src>

<mosaic_0001>
#map = affine_map<(d0, d1) -> (0, 0)>
#map1 = affine_map<(d0, d1) -> (0)>
module attributes {stable_mosaic.version = 14 : i64} {
  func.func @gather_k(%arg0: i32, %arg1: i32, %arg2: memref<524288x128xf32, #tpu.memory_space<hbm>>, %arg3: memref<20000xi32, #tpu.memory_space<hbm>>, %arg4: memref<20000x192xf32, #tpu.memory_space<hbm>>, %arg5: memref<640xi32, #tpu.memory_space<vmem>>, %arg6: memref<10x128xi32, #tpu.memory_space<vmem>>, %arg7: memref<2x128x128xf32, #tpu.memory_space<vmem>>, %arg8: memref<!tpu.dma_semaphore, #tpu.memory_space<semaphore_mem>>, %arg9: memref<!tpu.dma_semaphore, #tpu.memory_space<semaphore_mem>>) attributes {dimension_semantics = [#tpu.dimension_semantics<core_parallel>, #tpu.dimension_semantics<subcore_parallel>], iteration_bounds = array<i64: 2, 16>, scalar_prefetch = 0 : i64, scratch_operands = 5 : i64, tpu.core_type = #tpu.core_type<sc_vector_subcore>, window_params = [{transform_indices = #map}, {transform_indices = #map1}, {transform_indices = #map}]} {
    %mul3A = arith.constant 2 : i32
    %mul3A_0 = arith.muli %arg1, %mul3A : i32
    %add3A = arith.addi %mul3A_0, %arg0 : i32
    %mul3A_1 = arith.constant 632 : i32
    %mul3A_2 = arith.muli %add3A, %mul3A_1 : i32
    %min3A = arith.constant 19368 : i32
    %min3A_3 = arith.minsi %mul3A_2, %min3A : i32
    "tpu.region"() ({
      %run_scoped3A_2275 = tpu.sem_alloc : memref<!tpu.dma_semaphore, #tpu.memory_space<semaphore_mem>>
      %dma_start3A_2276 = arith.constant 0 : i32
      %dma_start3A_2277 = tpu.memref_slice %arg5[%dma_start3A_2276] : memref<640xi32, #tpu.memory_space<vmem>> -> memref<632xi32, #tpu.memory_space<vmem>>
      %dma_start3A_2278 = tpu.memref_slice %arg3[%min3A_3] : memref<20000xi32, #tpu.memory_space<hbm>> -> memref<632xi32, #tpu.memory_space<hbm>>
      %dma_start3A_2279 = arith.constant 0 : i32
      %dma_start3A_2280 = tpu.memref_slice %arg5[%dma_start3A_2279] : memref<640xi32, #tpu.memory_space<vmem>> -> memref<632xi32, #tpu.memory_space<vmem>>
      %dma_start3A_2281 = tpu.memref_slice %arg3[%min3A_3] : memref<20000xi32, #tpu.memory_space<hbm>> -> memref<632xi32, #tpu.memory_space<hbm>>
      tpu.enqueue_dma source(%dma_start3A_2281 : memref<632xi32, #tpu.memory_space<hbm>>) target(%dma_start3A_2280 : memref<632xi32, #tpu.memory_space<vmem>>) target_semaphore(%run_scoped3A_2275 : memref<!tpu.dma_semaphore, #tpu.memory_space<semaphore_mem>>)
      %dma_wait3A_2282 = arith.constant 0 : i32
      %dma_wait3A_2283 = tpu.memref_slice %arg5[%dma_wait3A_2282] : memref<640xi32, #tpu.memory_space<vmem>> -> memref<632xi32, #tpu.memory_space<vmem>>
      %dma_wait3A_2284 = tpu.memref_slice %arg3[%min3A_3] : memref<20000xi32, #tpu.memory_space<hbm>> -> memref<632xi32, #tpu.memory_space<hbm>>
      %dma_wait3A_2285 = arith.constant 0 : i32
      %dma_wait3A_2286 = tpu.memref_slice %arg5[%dma_wait3A_2285] : memref<640xi32, #tpu.memory_space<vmem>> -> memref<632xi32, #tpu.memory_space<vmem>>
      %dma_wait3A_2287 = tpu.memref_slice %arg3[%min3A_3] : memref<20000xi32, #tpu.memory_space<hbm>> -> memref<632xi32, #tpu.memory_space<hbm>>
      tpu.wait_dma2 semaphore(%run_scoped3A_2275 : memref<!tpu.dma_semaphore, #tpu.memory_space<semaphore_mem>>) src(%dma_wait3A_2287 : memref<632xi32, #tpu.memory_space<hbm>>) dst(%dma_wait3A_2286 : memref<632xi32, #tpu.memory_space<vmem>>)
      tpu.yield
    }) : () -> ()
    %get3A = arith.constant 0 : index
    %get3A_4 = tpu.vector_load %arg5[%get3A] {strides = array<i32>} : memref<640xi32, #tpu.memory_space<vmem>>, vector<16xi32>,
    %get3A_5 = vector.shape_cast %get3A_4 : vector<16xi32> to vector<16xi32>
    %and3A = arith.constant 65535 : i32
    %and3A_6 = vector.broadcast %and3A : i32 to vector<16xi32>
    %and3A_7 = arith.andi %get3A_5, %and3A_6 : vector<16xi32>
    %jit3A = arith.constant 2 : i32
    %jit3A_8 = arith.constant 509 : i32
    %max3A = vector.broadcast %jit3A : i32 to vector<16xi32>
    %max3A_9 = arith.maxsi %max3A, %and3A_7 : vector<16xi32>
    %min3A_10 = vector.broadcast %jit3A_8 : i32 to vector<16xi32>
    %min3A_11 = arith.minsi %min3A_10, %max3A_9 : vector<16xi32>
    %shift_right_arithmetic3A = arith.constant 16 : i32
    %shift_right_arithmetic3A_12 = vector.broadcast %shift_right_arithmetic3A : i32 to vector<16xi32>
    %shift_right_arithmetic3A_13 = arith.shrsi %get3A_5, %shift_right_arithmetic3A_12 : vector<16xi32>
    %jit3A_14 = arith.constant 2 : i32
    %jit3A_15 = arith.constant 509 : i32
    %max3A_16 = vector.broadcast %jit3A_14 : i32 to vector<16xi32>
    %max3A_17 = arith.maxsi %max3A_16, %shift_right_arithmetic3A_13 : vector<16xi32>
    %min3A_18 = vector.broadcast %jit3A_15 : i32 to vector<16xi32>
    %min3A_19 = arith.minsi %min3A_18, %max3A_17 : vector<16xi32>
    %mul3A_20 = arith.constant 1024 : i32
    %mul3A_21 = vector.broadcast %mul3A_20 : i32 to vector<16xi32>
    %mul3A_22 = arith.muli %min3A_19, %mul3A_21 : vector<16xi32>
    %shift_right_arithmetic3A_23 = arith.constant 3 : i32
    %shift_right_arithmetic3A_24 = vector.broadcast %shift_right_arithmetic3A_23 : i32 to vector<16xi32>
    %shift_right_arithmetic3A_25 = arith.shrsi %min3A_11, %shift_right_arithmetic3A_24 : vector<16xi32>
    %mul3A_26 = arith.constant 16 : i32
    %mul3A_27 = vector.broadcast %mul3A_26 : i32 to vector<16xi32>
    %mul3A_28 = arith.muli %shift_right_arithmetic3A_25, %mul3A_27 : vector<16xi32>
    %add3A_29 = arith.addi %mul3A_22, %mul3A_28 : vector<16xi32>
    %and3A_30 = arith.constant 7 : i32
    %and3A_31 = vector.broadcast %and3A_30 : i32 to vector<16xi32>
    %and3A_32 = arith.andi %min3A_11, %and3A_31 : vector<16xi32>
    %add3A_33 = arith.addi %add3A_29, %and3A_32 : vector<16xi32>
    %swap3A = arith.constant 0 : i32
    %swap3A_34 = arith.index_cast %swap3A : i32 to index
    %swap3A_35 = arith.constant 0 : index
    %swap3A_36 = tpu.vector_load %arg6[%swap3A_34, %swap3A_35] {strides = array<i32>} : memref<10x128xi32, #tpu.memory_space<vmem>>, vector<1x16xi32>,
    %swap3A_37 = vector.shape_cast %swap3A_36 : vector<1x16xi32> to vector<16xi32>
    %swap3A_38 = vector.shape_cast %add3A_33 : vector<16xi32> to vector<1x16xi32>
    tpu.vector_store %arg6[%swap3A_34, %swap3A_35], %swap3A_38 {strides = array<i32>} : memref<10x128xi32, #tpu.memory_space<vmem>>, vector<1x16xi32>,
    %add3A_39 = arith.constant 8 : i32
    %add3A_40 = vector.broadcast %add3A_39 : i32 to vector<16xi32>
    %add3A_41 = arith.addi %add3A_33, %add3A_40 : vector<16xi32>
    %swap3A_42 = arith.constant 0 : i32
    %swap3A_43 = arith.index_cast %swap3A_42 : i32 to index
    %swap3A_44 = arith.constant 64 : index
    %swap3A_45 = tpu.vector_load %arg6[%swap3A_43, %swap3A_44] {strides = array<i32>} : memref<10x128xi32, #tpu.memory_space<vmem>>, vector<1x16xi32>,
    %swap3A_46 = vector.shape_cast %swap3A_45 : vector<1x16xi32> to vector<16xi32>
    %swap3A_47 = vector.shape_cast %add3A_41 : vector<16xi32> to vector<1x16xi32>
    tpu.vector_store %arg6[%swap3A_43, %swap3A_44], %swap3A_47 {strides = array<i32>} : memref<10x128xi32, #tpu.memory_space<vmem>>, vector<1x16xi32>,
    %get3A_48 = arith.constant 16 : index
    %get3A_49 = tpu.vector_load %arg5[%get3A_48] {strides = array<i32>} : memref<640xi32, #tpu.memory_space<vmem>>, vector<16xi32>,
    %get3A_50 = vector.shape_cast %get3A_49 : vector<16xi32> to vector<16xi32>
    %and3A_51 = arith.constant 65535 : i32
    %and3A_52 = vector.broadcast %and3A_51 : i32 to vector<16xi32>
    %and3A_53 = arith.andi %get3A_50, %and3A_52 : vector<16xi32>
    %jit3A_54 = arith.constant 2 : i32
    %jit3A_55 = arith.constant 509 : i32
    %max3A_56 = vector.broadcast %jit3A_54 : i32 to vector<16xi32>
    %max3A_57 = arith.maxsi %max3A_56, %and3A_53 : vector<16xi32>
    %min3A_58 = vector.broadcast %jit3A_55 : i32 to vector<16xi32>
    %min3A_59 = arith.minsi %min3A_58, %max3A_57 : vector<16xi32>
    %shift_right_arithmetic3A_60 = arith.constant 16 : i32
    %shift_right_arithmetic3A_61 = vector.broadcast %shift_right_arithmetic3A_60 : i32 to vector<16xi32>
    %shift_right_arithmetic3A_62 = arith.shrsi %get3A_50, %shift_right_arithmetic3A_61 : vector<16xi32>
    %jit3A_63 = arith.constant 2 : i32
    %jit3A_64 = arith.constant 509 : i32
    %max3A_65 = vector.broadcast %jit3A_63 : i32 to vector<16xi32>
    %max3A_66 = arith.maxsi %max3A_65, %shift_right_arithmetic3A_62 : vector<16xi32>
    %min3A_67 = vector.broadcast %jit3A_64 : i32 to vector<16xi32>
    %min3A_68 = arith.minsi %min3A_67, %max3A_66 : vector<16xi32>
    %mul3A_69 = arith.constant 1024 : i32
    %mul3A_70 = vector.broadcast %mul3A_69 : i32 to vector<16xi32>
    %mul3A_71 = arith.muli %min3A_68, %mul3A_70 : vector<16xi32>
    %shift_right_arithmetic3A_72 = arith.constant 3 : i32
    %shift_right_arithmetic3A_73 = vector.broadcast %shift_right_arithmetic3A_72 : i32 to vector<16xi32>
    %shift_right_arithmetic3A_74 = arith.shrsi %min3A_59, %shift_right_arithmetic3A_73 : vector<16xi32>
    %mul3A_75 = arith.constant 16 : i32
    %mul3A_76 = vector.broadcast %mul3A_75 : i32 to vector<16xi32>
    %mul3A_77 = arith.muli %shift_right_arithmetic3A_74, %mul3A_76 : vector<16xi32>
    %add3A_78 = arith.addi %mul3A_71, %mul3A_77 : vector<16xi32>
    %and3A_79 = arith.constant 7 : i32
    %and3A_80 = vector.broadcast %and3A_79 : i32 to vector<16xi32>
    %and3A_81 = arith.andi %min3A_59, %and3A_80 : vector<16xi32>
    %add3A_82 = arith.addi %add3A_78, %and3A_81 : vector<16xi32>
    %swap3A_83 = arith.constant 0 : i32
    %swap3A_84 = arith.index_cast %swap3A_83 : i32 to index
    %swap3A_85 = arith.constant 16 : index
    %swap3A_86 = tpu.vector_load %arg6[%swap3A_84, %swap3A_85] {strides = array<i32>} : memref<10x128xi32, #tpu.memory_space<vmem>>, vector<1x16xi32>,
    %swap3A_87 = vector.shape_cast %swap3A_86 : vector<1x16xi32> to vector<16xi32>
    %swap3A_88 = vector.shape_cast %add3A_82 : vector<16xi32> to vector<1x16xi32>
    tpu.vector_store %arg6[%swap3A_84, %swap3A_85], %swap3A_88 {strides = array<i32>} : memref<10x128xi32, #tpu.memory_space<vmem>>, vector<1x16xi32>,
    %add3A_89 = arith.constant 8 : i32
    %add3A_90 = vector.broadcast %add3A_89 : i32 to vector<16xi32>
    %add3A_91 = arith.addi %add3A_82, %add3A_90 : vector<16xi32>
    %swap3A_92 = arith.constant 0 : i32
    %swap3A_93 = arith.index_cast %swap3A_92 : i32 to index
    %swap3A_94 = arith.constant 80 : index
    %swap3A_95 = tpu.vector_load %arg6[%swap3A_93, %swap3A_94] {strides = array<i32>} : memref<10x128xi32, #tpu.memory_space<vmem>>, vector<1x16xi32>,
    %swap3A_96 = vector.shape_cast %swap3A_95 : vector<1x16xi32> to vector<16xi32>
    %swap3A_97 = vector.shape_cast %add3A_91 : vector<16xi32> to vector<1x16xi32>
    tpu.vector_store %arg6[%swap3A_93, %swap3A_94], %swap3A_97 {strides = array<i32>} : memref<10x128xi32, #tpu.memory_space<vmem>>, vector<1x16xi32>,
    %get3A_98 = arith.constant 32 : index
    %get3A_99 = tpu.vector_load %arg5[%get3A_98] {strides = array<i32>} : memref<640xi32, #tpu.memory_space<vmem>>, vector<16xi32>,
    %get3A_100 = vector.shape_cast %get3A_99 : vector<16xi32> to vector<16xi32>
    %and3A_101 = arith.constant 65535 : i32
    %and3A_102 = vector.broadcast %and3A_101 : i32 to vector<16xi32>
    %and3A_103 = arith.andi %get3A_100, %and3A_102 : vector<16xi32>
    %jit3A_104 = arith.constant 2 : i32
    %jit3A_105 = arith.constant 509 : i32
    %max3A_106 = vector.broadcast %jit3A_104 : i32 to vector<16xi32>
    %max3A_107 = arith.maxsi %max3A_106, %and3A_103 : vector<16xi32>
    %min3A_108 = vector.broadcast %jit3A_105 : i32 to vector<16xi32>
    %min3A_109 = arith.minsi %min3A_108, %max3A_107 : vector<16xi32>
    %shift_right_arithmetic3A_110 = arith.constant 16 : i32
    %shift_right_arithmetic3A_111 = vector.broadcast %shift_right_arithmetic3A_110 : i32 to vector<16xi32>
    %shift_right_arithmetic3A_112 = arith.shrsi %get3A_100, %shift_right_arithmetic3A_111 : vector<16xi32>
    %jit3A_113 = arith.constant 2 : i32
    %jit3A_114 = arith.constant 509 : i32
    %max3A_115 = vector.broadcast %jit3A_113 : i32 to vector<16xi32>
    %max3A_116 = arith.maxsi %max3A_115, %shift_right_arithmetic3A_112 : vector<16xi32>
    %min3A_117 = vector.broadcast %jit3A_114 : i32 to vector<16xi32>
    %min3A_118 = arith.minsi %min3A_117, %max3A_116 : vector<16xi32>
    %mul3A_119 = arith.constant 1024 : i32
    %mul3A_120 = vector.broadcast %mul3A_119 : i32 to vector<16xi32>
    %mul3A_121 = arith.muli %min3A_118, %mul3A_120 : vector<16xi32>
    %shift_right_arithmetic3A_122 = arith.constant 3 : i32
    %shift_right_arithmetic3A_123 = vector.broadcast %shift_right_arithmetic3A_122 : i32 to vector<16xi32>
    %shift_right_arithmetic3A_124 = arith.shrsi %min3A_109, %shift_right_arithmetic3A_123 : vector<16xi32>
    %mul3A_125 = arith.constant 16 : i32
    %mul3A_126 = vector.broadcast %mul3A_125 : i32 to vector<16xi32>
    %mul3A_127 = arith.muli %shift_right_arithmetic3A_124, %mul3A_126 : vector<16xi32>
    %add3A_128 = arith.addi %mul3A_121, %mul3A_127 : vector<16xi32>
    %and3A_129 = arith.constant 7 : i32
    %and3A_130 = vector.broadcast %and3A_129 : i32 to vector<16xi32>
    %and3A_131 = arith.andi %min3A_109, %and3A_130 : vector<16xi32>
    %add3A_132 = arith.addi %add3A_128, %and3A_131 : vector<16xi32>
    %swap3A_133 = arith.constant 0 : i32
    %swap3A_134 = arith.index_cast %swap3A_133 : i32 to index
    %swap3A_135 = arith.constant 32 : index
    %swap3A_136 = tpu.vector_load %arg6[%swap3A_134, %swap3A_135] {strides = array<i32>} : memref<10x128xi32, #tpu.memory_space<vmem>>, vector<1x16xi32>,
    %swap3A_137 = vector.shape_cast %swap3A_136 : vector<1x16xi32> to vector<16xi32>
    %swap3A_138 = vector.shape_cast %add3A_132 : vector<16xi32> to vector<1x16xi32>
    tpu.vector_store %arg6[%swap3A_134, %swap3A_135], %swap3A_138 {strides = array<i32>} : memref<10x128xi32, #tpu.memory_space<vmem>>, vector<1x16xi32>,
    %add3A_139 = arith.constant 8 : i32
    %add3A_140 = vector.broadcast %add3A_139 : i32 to vector<16xi32>
    %add3A_141 = arith.addi %add3A_132, %add3A_140 : vector<16xi32>
    %swap3A_142 = arith.constant 0 : i32
    %swap3A_143 = arith.index_cast %swap3A_142 : i32 to index
    %swap3A_144 = arith.constant 96 : index
    %swap3A_145 = tpu.vector_load %arg6[%swap3A_143, %swap3A_144] {strides = array<i32>} : memref<10x128xi32, #tpu.memory_space<vmem>>, vector<1x16xi32>,
    %swap3A_146 = vector.shape_cast %swap3A_145 : vector<1x16xi32> to vector<16xi32>
    %swap3A_147 = vector.shape_cast %add3A_141 : vector<16xi32> to vector<1x16xi32>
    tpu.vector_store %arg6[%swap3A_143, %swap3A_144], %swap3A_147 {strides = array<i32>} : memref<10x128xi32, #tpu.memory_space<vmem>>, vector<1x16xi32>,
    %get3A_148 = arith.constant 48 : index
    %get3A_149 = tpu.vector_load %arg5[%get3A_148] {strides = array<i32>} : memref<640xi32, #tpu.memory_space<vmem>>, vector<16xi32>,
    %get3A_150 = vector.shape_cast %get3A_149 : vector<16xi32> to vector<16xi32>
    %and3A_151 = arith.constant 65535 : i32
    %and3A_152 = vector.broadcast %and3A_151 : i32 to vector<16xi32>
    %and3A_153 = arith.andi %get3A_150, %and3A_152 : vector<16xi32>
    %jit3A_154 = arith.constant 2 : i32
    %jit3A_155 = arith.constant 509 : i32
    %max3A_156 = vector.broadcast %jit3A_154 : i32 to vector<16xi32>
    %max3A_157 = arith.maxsi %max3A_156, %and3A_153 : vector<16xi32>
    %min3A_158 = vector.broadcast %jit3A_155 : i32 to vector<16xi32>
    %min3A_159 = arith.minsi %min3A_158, %max3A_157 : vector<16xi32>
    %shift_right_arithmetic3A_160 = arith.constant 16 : i32
    %shift_right_arithmetic3A_161 = vector.broadcast %shift_right_arithmetic3A_160 : i32 to vector<16xi32>
    %shift_right_arithmetic3A_162 = arith.shrsi %get3A_150, %shift_right_arithmetic3A_161 : vector<16xi32>
    %jit3A_163 = arith.constant 2 : i32
    %jit3A_164 = arith.constant 509 : i32
    %max3A_165 = vector.broadcast %jit3A_163 : i32 to vector<16xi32>
    %max3A_166 = arith.maxsi %max3A_165, %shift_right_arithmetic3A_162 : vector<16xi32>
    %min3A_167 = vector.broadcast %jit3A_164 : i32 to vector<16xi32>
    %min3A_168 = arith.minsi %min3A_167, %max3A_166 : vector<16xi32>
    %mul3A_169 = arith.constant 1024 : i32
    %mul3A_170 = vector.broadcast %mul3A_169 : i32 to vector<16xi32>
    %mul3A_171 = arith.muli %min3A_168, %mul3A_170 : vector<16xi32>
    %shift_right_arithmetic3A_172 = arith.constant 3 : i32
    %shift_right_arithmetic3A_173 = vector.broadcast %shift_right_arithmetic3A_172 : i32 to vector<16xi32>
    %shift_right_arithmetic3A_174 = arith.shrsi %min3A_159, %shift_right_arithmetic3A_173 : vector<16xi32>
    %mul3A_175 = arith.constant 16 : i32
    %mul3A_176 = vector.broadcast %mul3A_175 : i32 to vector<16xi32>
    %mul3A_177 = arith.muli %shift_right_arithmetic3A_174, %mul3A_176 : vector<16xi32>
    %add3A_178 = arith.addi %mul3A_171, %mul3A_177 : vector<16xi32>
    %and3A_179 = arith.constant 7 : i32
    %and3A_180 = vector.broadcast %and3A_179 : i32 to vector<16xi32>
    %and3A_181 = arith.andi %min3A_159, %and3A_180 : vector<16xi32>
    %add3A_182 = arith.addi %add3A_178, %and3A_181 : vector<16xi32>
    %swap3A_183 = arith.constant 0 : i32
    %swap3A_184 = arith.index_cast %swap3A_183 : i32 to index
    %swap3A_185 = arith.constant 48 : index
    %swap3A_186 = tpu.vector_load %arg6[%swap3A_184, %swap3A_185] {strides = array<i32>} : memref<10x128xi32, #tpu.memory_space<vmem>>, vector<1x16xi32>,
    %swap3A_187 = vector.shape_cast %swap3A_186 : vector<1x16xi32> to vector<16xi32>
    %swap3A_188 = vector.shape_cast %add3A_182 : vector<16xi32> to vector<1x16xi32>
    tpu.vector_store %arg6[%swap3A_184, %swap3A_185], %swap3A_188 {strides = array<i32>} : memref<10x128xi32, #tpu.memory_space<vmem>>, vector<1x16xi32>,
    %add3A_189 = arith.constant 8 : i32
    %add3A_190 = vector.broadcast %add3A_189 : i32 to vector<16xi32>
    %add3A_191 = arith.addi %add3A_182, %add3A_190 : vector<16xi32>
    %swap3A_192 = arith.constant 0 : i32
    %swap3A_193 = arith.index_cast %swap3A_192 : i32 to index
    %swap3A_194 = arith.constant 112 : index
    %swap3A_195 = tpu.vector_load %arg6[%swap3A_193, %swap3A_194] {strides = array<i32>} : memref<10x128xi32, #tpu.memory_space<vmem>>, vector<1x16xi32>,
    %swap3A_196 = vector.shape_cast %swap3A_195 : vector<1x16xi32> to vector<16xi32>
    %swap3A_197 = vector.shape_cast %add3A_191 : vector<16xi32> to vector<1x16xi32>
    tpu.vector_store %arg6[%swap3A_193, %swap3A_194], %swap3A_197 {strides = array<i32>} : memref<10x128xi32, #tpu.memory_space<vmem>>, vector<1x16xi32>,
    %dma_start3A = arith.constant 0 : i32
    %dma_start3A_198 = arith.constant 0 : i32
    %dma_start3A_199 = arith.constant 0 : i32
    %dma_start3A_200 = arith.constant 0 : i32
    %dma_start3A_201 = tpu.memref_slice %arg7[%dma_start3A_198, %dma_start3A_199, %dma_start3A_200] : memref<2x128x128xf32, #tpu.memory_space<vmem>> -> memref<1x128x128xf32, #tpu.memory_space<vmem>>
    %dma_start3A_202 = tpu.memref_squeeze %dma_start3A_201 : memref<1x128x128xf32, #tpu.memory_space<vmem>> -> memref<128x128xf32, #tpu.memory_space<vmem>>
    %dma_start3A_203 = arith.constant 0 : i32
    %dma_start3A_204 = tpu.memref_slice %arg6[%dma_start3A, %dma_start3A_203] : memref<10x128xi32, #tpu.memory_space<vmem>> -> memref<1x128xi32, #tpu.memory_space<vmem>>
    %dma_start3A_205 = tpu.memref_squeeze %dma_start3A_204 : memref<1x128xi32, #tpu.memory_space<vmem>> -> memref<128xi32, #tpu.memory_space<vmem>>
    %dma_start3A_206 = arith.constant 0 : i32
    %dma_start3A_207 = arith.constant 0 : i32
    %dma_start3A_208 = tpu.memref_slice %arg2[%dma_start3A_206, %dma_start3A_207] : memref<524288x128xf32, #tpu.memory_space<hbm>> -> memref<524288x128xf32, #tpu.memory_space<hbm>>
    tpu.enqueue_indirect_dma source(%dma_start3A_208 : memref<524288x128xf32, #tpu.memory_space<hbm>>) target(%dma_start3A_202 : memref<128x128xf32, #tpu.memory_space<vmem>>) offsets(%dma_start3A_205 : memref<128xi32, #tpu.memory_space<vmem>>) semaphore(%arg8 : memref<!tpu.dma_semaphore, #tpu.memory_space<semaphore_mem>>)
    %get3A_209 = arith.constant 64 : index
    %get3A_210 = tpu.vector_load %arg5[%get3A_209] {strides = array<i32>} : memref<640xi32, #tpu.memory_space<vmem>>, vector<16xi32>,
    %get3A_211 = vector.shape_cast %get3A_210 : vector<16xi32> to vector<16xi32>
    %and3A_212 = arith.constant 65535 : i32
    %and3A_213 = vector.broadcast %and3A_212 : i32 to vector<16xi32>
    %and3A_214 = arith.andi %get3A_211, %and3A_213 : vector<16xi32>
    %jit3A_215 = arith.constant 2 : i32
    %jit3A_216 = arith.constant 509 : i32
    %max3A_217 = vector.broadcast %jit3A_215 : i32 to vector<16xi32>
    %max3A_218 = arith.maxsi %max3A_217, %and3A_214 : vector<16xi32>
    %min3A_219 = vector.broadcast %jit3A_216 : i32 to vector<16xi32>
    %min3A_220 = arith.minsi %min3A_219, %max3A_218 : vector<16xi32>
    %shift_right_arithmetic3A_221 = arith.constant 16 : i32
    %shift_right_arithmetic3A_222 = vector.broadcast %shift_right_arithmetic3A_221 : i32 to vector<16xi32>
    %shift_right_arithmetic3A_223 = arith.shrsi %get3A_211, %shift_right_arithmetic3A_222 : vector<16xi32>
    %jit3A_224 = arith.constant 2 : i32
    %jit3A_225 = arith.constant 509 : i32
    %max3A_226 = vector.broadcast %jit3A_224 : i32 to vector<16xi32>
    %max3A_227 = arith.maxsi %max3A_226, %shift_right_arithmetic3A_223 : vector<16xi32>
    %min3A_228 = vector.broadcast %jit3A_225 : i32 to vector<16xi32>
    %min3A_229 = arith.minsi %min3A_228, %max3A_227 : vector<16xi32>
    %mul3A_230 = arith.constant 1024 : i32
    %mul3A_231 = vector.broadcast %mul3A_230 : i32 to vector<16xi32>
    %mul3A_232 = arith.muli %min3A_229, %mul3A_231 : vector<16xi32>
    %shift_right_arithmetic3A_233 = arith.constant 3 : i32
    %shift_right_arithmetic3A_234 = vector.broadcast %shift_right_arithmetic3A_233 : i32 to vector<16xi32>
    %shift_right_arithmetic3A_235 = arith.shrsi %min3A_220, %shift_right_arithmetic3A_234 : vector<16xi32>
    %mul3A_236 = arith.constant 16 : i32
    %mul3A_237 = vector.broadcast %mul3A_236 : i32 to vector<16xi32>
    %mul3A_238 = arith.muli %shift_right_arithmetic3A_235, %mul3A_237 : vector<16xi32>
    %add3A_239 = arith.addi %mul3A_232, %mul3A_238 : vector<16xi32>
    %and3A_240 = arith.constant 7 : i32
    %and3A_241 = vector.broadcast %and3A_240 : i32 to vector<16xi32>
    %and3A_242 = arith.andi %min3A_220, %and3A_241 : vector<16xi32>
    %add3A_243 = arith.addi %add3A_239, %and3A_242 : vector<16xi32>
    %swap3A_244 = arith.constant 1 : i32
    %swap3A_245 = arith.index_cast %swap3A_244 : i32 to index
    %swap3A_246 = arith.constant 0 : index
    %swap3A_247 = tpu.vector_load %arg6[%swap3A_245, %swap3A_246] {strides = array<i32>} : memref<10x128xi32, #tpu.memory_space<vmem>>, vector<1x16xi32>,
    %swap3A_248 = vector.shape_cast %swap3A_247 : vector<1x16xi32> to vector<16xi32>
    %swap3A_249 = vector.shape_cast %add3A_243 : vector<16xi32> to vector<1x16xi32>
    tpu.vector_store %arg6[%swap3A_245, %swap3A_246], %swap3A_249 {strides = array<i32>} : memref<10x128xi32, #tpu.memory_space<vmem>>, vector<1x16xi32>,
    %add3A_250 = arith.constant 8 : i32
    %add3A_251 = vector.broadcast %add3A_250 : i32 to vector<16xi32>
    %add3A_252 = arith.addi %add3A_243, %add3A_251 : vector<16xi32>
    %swap3A_253 = arith.constant 1 : i32
    %swap3A_254 = arith.index_cast %swap3A_253 : i32 to index
    %swap3A_255 = arith.constant 64 : index
    %swap3A_256 = tpu.vector_load %arg6[%swap3A_254, %swap3A_255] {strides = array<i32>} : memref<10x128xi32, #tpu.memory_space<vmem>>, vector<1x16xi32>,
    %swap3A_257 = vector.shape_cast %swap3A_256 : vector<1x16xi32> to vector<16xi32>
    %swap3A_258 = vector.shape_cast %add3A_252 : vector<16xi32> to vector<1x16xi32>
    tpu.vector_store %arg6[%swap3A_254, %swap3A_255], %swap3A_258 {strides = array<i32>} : memref<10x128xi32, #tpu.memory_space<vmem>>, vector<1x16xi32>,
    %get3A_259 = arith.constant 80 : index
    %get3A_260 = tpu.vector_load %arg5[%get3A_259] {strides = array<i32>} : memref<640xi32, #tpu.memory_space<vmem>>, vector<16xi32>,
    %get3A_261 = vector.shape_cast %get3A_260 : vector<16xi32> to vector<16xi32>
    %and3A_262 = arith.constant 65535 : i32
    %and3A_263 = vector.broadcast %and3A_262 : i32 to vector<16xi32>
    %and3A_264 = arith.andi %get3A_261, %and3A_263 : vector<16xi32>
    %jit3A_265 = arith.constant 2 : i32
    %jit3A_266 = arith.constant 509 : i32
    %max3A_267 = vector.broadcast %jit3A_265 : i32 to vector<16xi32>
    %max3A_268 = arith.maxsi %max3A_267, %and3A_264 : vector<16xi32>
    %min3A_269 = vector.broadcast %jit3A_266 : i32 to vector<16xi32>
    %min3A_270 = arith.minsi %min3A_269, %max3A_268 : vector<16xi32>
    %shift_right_arithmetic3A_271 = arith.constant 16 : i32
    %shift_right_arithmetic3A_272 = vector.broadcast %shift_right_arithmetic3A_271 : i32 to vector<16xi32>
    %shift_right_arithmetic3A_273 = arith.shrsi %get3A_261, %shift_right_arithmetic3A_272 : vector<16xi32>
    %jit3A_274 = arith.constant 2 : i32
    %jit3A_275 = arith.constant 509 : i32
    %max3A_276 = vector.broadcast %jit3A_274 : i32 to vector<16xi32>
    %max3A_277 = arith.maxsi %max3A_276, %shift_right_arithmetic3A_273 : vector<16xi32>
    %min3A_278 = vector.broadcast %jit3A_275 : i32 to vector<16xi32>
    %min3A_279 = arith.minsi %min3A_278, %max3A_277 : vector<16xi32>
    %mul3A_280 = arith.constant 1024 : i32
    %mul3A_281 = vector.broadcast %mul3A_280 : i32 to vector<16xi32>
    %mul3A_282 = arith.muli %min3A_279, %mul3A_281 : vector<16xi32>
    %shift_right_arithmetic3A_283 = arith.constant 3 : i32
    %shift_right_arithmetic3A_284 = vector.broadcast %shift_right_arithmetic3A_283 : i32 to vector<16xi32>
    %shift_right_arithmetic3A_285 = arith.shrsi %min3A_270, %shift_right_arithmetic3A_284 : vector<16xi32>
    %mul3A_286 = arith.constant 16 : i32
    %mul3A_287 = vector.broadcast %mul3A_286 : i32 to vector<16xi32>
    %mul3A_288 = arith.muli %shift_right_arithmetic3A_285, %mul3A_287 : vector<16xi32>
    %add3A_289 = arith.addi %mul3A_282, %mul3A_288 : vector<16xi32>
    %and3A_290 = arith.constant 7 : i32
    %and3A_291 = vector.broadcast %and3A_290 : i32 to vector<16xi32>
    %and3A_292 = arith.andi %min3A_270, %and3A_291 : vector<16xi32>
    %add3A_293 = arith.addi %add3A_289, %and3A_292 : vector<16xi32>
    %swap3A_294 = arith.constant 1 : i32
    %swap3A_295 = arith.index_cast %swap3A_294 : i32 to index
    %swap3A_296 = arith.constant 16 : index
    %swap3A_297 = tpu.vector_load %arg6[%swap3A_295, %swap3A_296] {strides = array<i32>} : memref<10x128xi32, #tpu.memory_space<vmem>>, vector<1x16xi32>,
    %swap3A_298 = vector.shape_cast %swap3A_297 : vector<1x16xi32> to vector<16xi32>
    %swap3A_299 = vector.shape_cast %add3A_293 : vector<16xi32> to vector<1x16xi32>
    tpu.vector_store %arg6[%swap3A_295, %swap3A_296], %swap3A_299 {strides = array<i32>} : memref<10x128xi32, #tpu.memory_space<vmem>>, vector<1x16xi32>,
    %add3A_300 = arith.constant 8 : i32
    %add3A_301 = vector.broadcast %add3A_300 : i32 to vector<16xi32>
    %add3A_302 = arith.addi %add3A_293, %add3A_301 : vector<16xi32>
    %swap3A_303 = arith.constant 1 : i32
    %swap3A_304 = arith.index_cast %swap3A_303 : i32 to index
    %swap3A_305 = arith.constant 80 : index
    %swap3A_306 = tpu.vector_load %arg6[%swap3A_304, %swap3A_305] {strides = array<i32>} : memref<10x128xi32, #tpu.memory_space<vmem>>, vector<1x16xi32>,
    %swap3A_307 = vector.shape_cast %swap3A_306 : vector<1x16xi32> to vector<16xi32>
    %swap3A_308 = vector.shape_cast %add3A_302 : vector<16xi32> to vector<1x16xi32>
    tpu.vector_store %arg6[%swap3A_304, %swap3A_305], %swap3A_308 {strides = array<i32>} : memref<10x128xi32, #tpu.memory_space<vmem>>, vector<1x16xi32>,
    %get3A_309 = arith.constant 96 : index
    %get3A_310 = tpu.vector_load %arg5[%get3A_309] {strides = array<i32>} : memref<640xi32, #tpu.memory_space<vmem>>, vector<16xi32>,
    %get3A_311 = vector.shape_cast %get3A_310 : vector<16xi32> to vector<16xi32>
    %and3A_312 = arith.constant 65535 : i32
    %and3A_313 = vector.broadcast %and3A_312 : i32 to vector<16xi32>
    %and3A_314 = arith.andi %get3A_311, %and3A_313 : vector<16xi32>
    %jit3A_315 = arith.constant 2 : i32
    %jit3A_316 = arith.constant 509 : i32
    %max3A_317 = vector.broadcast %jit3A_315 : i32 to vector<16xi32>
    %max3A_318 = arith.maxsi %max3A_317, %and3A_314 : vector<16xi32>
    %min3A_319 = vector.broadcast %jit3A_316 : i32 to vector<16xi32>
    %min3A_320 = arith.minsi %min3A_319, %max3A_318 : vector<16xi32>
    %shift_right_arithmetic3A_321 = arith.constant 16 : i32
    %shift_right_arithmetic3A_322 = vector.broadcast %shift_right_arithmetic3A_321 : i32 to vector<16xi32>
    %shift_right_arithmetic3A_323 = arith.shrsi %get3A_311, %shift_right_arithmetic3A_322 : vector<16xi32>
    %jit3A_324 = arith.constant 2 : i32
    %jit3A_325 = arith.constant 509 : i32
    %max3A_326 = vector.broadcast %jit3A_324 : i32 to vector<16xi32>
    %max3A_327 = arith.maxsi %max3A_326, %shift_right_arithmetic3A_323 : vector<16xi32>
    %min3A_328 = vector.broadcast %jit3A_325 : i32 to vector<16xi32>
    %min3A_329 = arith.minsi %min3A_328, %max3A_327 : vector<16xi32>
    %mul3A_330 = arith.constant 1024 : i32
    %mul3A_331 = vector.broadcast %mul3A_330 : i32 to vector<16xi32>
    %mul3A_332 = arith.muli %min3A_329, %mul3A_331 : vector<16xi32>
    %shift_right_arithmetic3A_333 = arith.constant 3 : i32
    %shift_right_arithmetic3A_334 = vector.broadcast %shift_right_arithmetic3A_333 : i32 to vector<16xi32>
    %shift_right_arithmetic3A_335 = arith.shrsi %min3A_320, %shift_right_arithmetic3A_334 : vector<16xi32>
    %mul3A_336 = arith.constant 16 : i32
    %mul3A_337 = vector.broadcast %mul3A_336 : i32 to vector<16xi32>
    %mul3A_338 = arith.muli %shift_right_arithmetic3A_335, %mul3A_337 : vector<16xi32>
    %add3A_339 = arith.addi %mul3A_332, %mul3A_338 : vector<16xi32>
    %and3A_340 = arith.constant 7 : i32
    %and3A_341 = vector.broadcast %and3A_340 : i32 to vector<16xi32>
    %and3A_342 = arith.andi %min3A_320, %and3A_341 : vector<16xi32>
    %add3A_343 = arith.addi %add3A_339, %and3A_342 : vector<16xi32>
    %swap3A_344 = arith.constant 1 : i32
    %swap3A_345 = arith.index_cast %swap3A_344 : i32 to index
    %swap3A_346 = arith.constant 32 : index
    %swap3A_347 = tpu.vector_load %arg6[%swap3A_345, %swap3A_346] {strides = array<i32>} : memref<10x128xi32, #tpu.memory_space<vmem>>, vector<1x16xi32>,
    %swap3A_348 = vector.shape_cast %swap3A_347 : vector<1x16xi32> to vector<16xi32>
    %swap3A_349 = vector.shape_cast %add3A_343 : vector<16xi32> to vector<1x16xi32>
    tpu.vector_store %arg6[%swap3A_345, %swap3A_346], %swap3A_349 {strides = array<i32>} : memref<10x128xi32, #tpu.memory_space<vmem>>, vector<1x16xi32>,
    %add3A_350 = arith.constant 8 : i32
    %add3A_351 = vector.broadcast %add3A_350 : i32 to vector<16xi32>
    %add3A_352 = arith.addi %add3A_343, %add3A_351 : vector<16xi32>
    %swap3A_353 = arith.constant 1 : i32
    %swap3A_354 = arith.index_cast %swap3A_353 : i32 to index
    %swap3A_355 = arith.constant 96 : index
    %swap3A_356 = tpu.vector_load %arg6[%swap3A_354, %swap3A_355] {strides = array<i32>} : memref<10x128xi32, #tpu.memory_space<vmem>>, vector<1x16xi32>,
    %swap3A_357 = vector.shape_cast %swap3A_356 : vector<1x16xi32> to vector<16xi32>
    %swap3A_358 = vector.shape_cast %add3A_352 : vector<16xi32> to vector<1x16xi32>
    tpu.vector_store %arg6[%swap3A_354, %swap3A_355], %swap3A_358 {strides = array<i32>} : memref<10x128xi32, #tpu.memory_space<vmem>>, vector<1x16xi32>,
    %get3A_359 = arith.constant 112 : index
    %get3A_360 = tpu.vector_load %arg5[%get3A_359] {strides = array<i32>} : memref<640xi32, #tpu.memory_space<vmem>>, vector<16xi32>,
    %get3A_361 = vector.shape_cast %get3A_360 : vector<16xi32> to vector<16xi32>
    %and3A_362 = arith.constant 65535 : i32
    %and3A_363 = vector.broadcast %and3A_362 : i32 to vector<16xi32>
    %and3A_364 = arith.andi %get3A_361, %and3A_363 : vector<16xi32>
    %jit3A_365 = arith.constant 2 : i32
    %jit3A_366 = arith.constant 509 : i32
    %max3A_367 = vector.broadcast %jit3A_365 : i32 to vector<16xi32>
    %max3A_368 = arith.maxsi %max3A_367, %and3A_364 : vector<16xi32>
    %min3A_369 = vector.broadcast %jit3A_366 : i32 to vector<16xi32>
    %min3A_370 = arith.minsi %min3A_369, %max3A_368 : vector<16xi32>
    %shift_right_arithmetic3A_371 = arith.constant 16 : i32
    %shift_right_arithmetic3A_372 = vector.broadcast %shift_right_arithmetic3A_371 : i32 to vector<16xi32>
    %shift_right_arithmetic3A_373 = arith.shrsi %get3A_361, %shift_right_arithmetic3A_372 : vector<16xi32>
    %jit3A_374 = arith.constant 2 : i32
    %jit3A_375 = arith.constant 509 : i32
    %max3A_376 = vector.broadcast %jit3A_374 : i32 to vector<16xi32>
    %max3A_377 = arith.maxsi %max3A_376, %shift_right_arithmetic3A_373 : vector<16xi32>
    %min3A_378 = vector.broadcast %jit3A_375 : i32 to vector<16xi32>
    %min3A_379 = arith.minsi %min3A_378, %max3A_377 : vector<16xi32>
    %mul3A_380 = arith.constant 1024 : i32
    %mul3A_381 = vector.broadcast %mul3A_380 : i32 to vector<16xi32>
    %mul3A_382 = arith.muli %min3A_379, %mul3A_381 : vector<16xi32>
    %shift_right_arithmetic3A_383 = arith.constant 3 : i32
    %shift_right_arithmetic3A_384 = vector.broadcast %shift_right_arithmetic3A_383 : i32 to vector<16xi32>
    %shift_right_arithmetic3A_385 = arith.shrsi %min3A_370, %shift_right_arithmetic3A_384 : vector<16xi32>
    %mul3A_386 = arith.constant 16 : i32
    %mul3A_387 = vector.broadcast %mul3A_386 : i32 to vector<16xi32>
    %mul3A_388 = arith.muli %shift_right_arithmetic3A_385, %mul3A_387 : vector<16xi32>
    %add3A_389 = arith.addi %mul3A_382, %mul3A_388 : vector<16xi32>
    %and3A_390 = arith.constant 7 : i32
    %and3A_391 = vector.broadcast %and3A_390 : i32 to vector<16xi32>
    %and3A_392 = arith.andi %min3A_370, %and3A_391 : vector<16xi32>
    %add3A_393 = arith.addi %add3A_389, %and3A_392 : vector<16xi32>
    %swap3A_394 = arith.constant 1 : i32
    %swap3A_395 = arith.index_cast %swap3A_394 : i32 to index
    %swap3A_396 = arith.constant 48 : index
    %swap3A_397 = tpu.vector_load %arg6[%swap3A_395, %swap3A_396] {strides = array<i32>} : memref<10x128xi32, #tpu.memory_space<vmem>>, vector<1x16xi32>,
    %swap3A_398 = vector.shape_cast %swap3A_397 : vector<1x16xi32> to vector<16xi32>
    %swap3A_399 = vector.shape_cast %add3A_393 : vector<16xi32> to vector<1x16xi32>
    tpu.vector_store %arg6[%swap3A_395, %swap3A_396], %swap3A_399 {strides = array<i32>} : memref<10x128xi32, #tpu.memory_space<vmem>>, vector<1x16xi32>,
    %add3A_400 = arith.constant 8 : i32
    %add3A_401 = vector.broadcast %add3A_400 : i32 to vector<16xi32>
    %add3A_402 = arith.addi %add3A_393, %add3A_401 : vector<16xi32>
    %swap3A_403 = arith.constant 1 : i32
    %swap3A_404 = arith.index_cast %swap3A_403 : i32 to index
    %swap3A_405 = arith.constant 112 : index
    %swap3A_406 = tpu.vector_load %arg6[%swap3A_404, %swap3A_405] {strides = array<i32>} : memref<10x128xi32, #tpu.memory_space<vmem>>, vector<1x16xi32>,
    %swap3A_407 = vector.shape_cast %swap3A_406 : vector<1x16xi32> to vector<16xi32>
    %swap3A_408 = vector.shape_cast %add3A_402 : vector<16xi32> to vector<1x16xi32>
    tpu.vector_store %arg6[%swap3A_404, %swap3A_405], %swap3A_408 {strides = array<i32>} : memref<10x128xi32, #tpu.memory_space<vmem>>, vector<1x16xi32>,
    %dma_start3A_409 = arith.constant 1 : i32
    %dma_start3A_410 = arith.constant 1 : i32
    %dma_start3A_411 = arith.constant 0 : i32
    %dma_start3A_412 = arith.constant 0 : i32
    %dma_start3A_413 = tpu.memref_slice %arg7[%dma_start3A_410, %dma_start3A_411, %dma_start3A_412] : memref<2x128x128xf32, #tpu.memory_space<vmem>> -> memref<1x128x128xf32, #tpu.memory_space<vmem>>
    %dma_start3A_414 = tpu.memref_squeeze %dma_start3A_413 : memref<1x128x128xf32, #tpu.memory_space<vmem>> -> memref<128x128xf32, #tpu.memory_space<vmem>>
    %dma_start3A_415 = arith.constant 0 : i32
    %dma_start3A_416 = tpu.memref_slice %arg6[%dma_start3A_409, %dma_start3A_415] : memref<10x128xi32, #tpu.memory_space<vmem>> -> memref<1x128xi32, #tpu.memory_space<vmem>>
    %dma_start3A_417 = tpu.memref_squeeze %dma_start3A_416 : memref<1x128xi32, #tpu.memory_space<vmem>> -> memref<128xi32, #tpu.memory_space<vmem>>
    %dma_start3A_418 = arith.constant 0 : i32
    %dma_start3A_419 = arith.constant 0 : i32
    %dma_start3A_420 = tpu.memref_slice %arg2[%dma_start3A_418, %dma_start3A_419] : memref<524288x128xf32, #tpu.memory_space<hbm>> -> memref<524288x128xf32, #tpu.memory_space<hbm>>
    tpu.enqueue_indirect_dma source(%dma_start3A_420 : memref<524288x128xf32, #tpu.memory_space<hbm>>) target(%dma_start3A_414 : memref<128x128xf32, #tpu.memory_space<vmem>>) offsets(%dma_start3A_417 : memref<128xi32, #tpu.memory_space<vmem>>) semaphore(%arg9 : memref<!tpu.dma_semaphore, #tpu.memory_space<semaphore_mem>>)
    %dma_wait3A = arith.constant 0 : i32
    %dma_wait3A_421 = arith.constant 0 : i32
    %dma_wait3A_422 = arith.constant 0 : i32
    %dma_wait3A_423 = arith.constant 0 : i32
    %dma_wait3A_424 = tpu.memref_slice %arg7[%dma_wait3A_421, %dma_wait3A_422, %dma_wait3A_423] : memref<2x128x128xf32, #tpu.memory_space<vmem>> -> memref<1x128x128xf32, #tpu.memory_space<vmem>>
    %dma_wait3A_425 = tpu.memref_squeeze %dma_wait3A_424 : memref<1x128x128xf32, #tpu.memory_space<vmem>> -> memref<128x128xf32, #tpu.memory_space<vmem>>
    %dma_wait3A_426 = arith.constant 0 : i32
    %dma_wait3A_427 = tpu.memref_slice %arg6[%dma_wait3A, %dma_wait3A_426] : memref<10x128xi32, #tpu.memory_space<vmem>> -> memref<1x128xi32, #tpu.memory_space<vmem>>
    %dma_wait3A_428 = tpu.memref_squeeze %dma_wait3A_427 : memref<1x128xi32, #tpu.memory_space<vmem>> -> memref<128xi32, #tpu.memory_space<vmem>>
    %dma_wait3A_429 = arith.constant 0 : i32
    %dma_wait3A_430 = arith.constant 0 : i32
    %dma_wait3A_431 = tpu.memref_slice %arg2[%dma_wait3A_429, %dma_wait3A_430] : memref<524288x128xf32, #tpu.memory_space<hbm>> -> memref<524288x128xf32, #tpu.memory_space<hbm>>
    tpu.wait_indirect_dma semaphore(%arg8 : memref<!tpu.dma_semaphore, #tpu.memory_space<semaphore_mem>>) src(%dma_wait3A_431 : memref<524288x128xf32, #tpu.memory_space<hbm>>) dst(%dma_wait3A_425 : memref<128x128xf32, #tpu.memory_space<vmem>>)
    %add3A_432 = arith.constant 0 : i32
    %add3A_433 = arith.addi %min3A_3, %add3A_432 : i32
    %run_scoped3A = arith.constant 0 : i32
    "tpu.region"() ({
      %run_scoped3A_2275 = tpu.sem_alloc : memref<!tpu.dma_semaphore, #tpu.memory_space<semaphore_mem>>
      %dma_start3A_2276 = arith.constant 0 : i32
      %dma_start3A_2277 = arith.constant 0 : i32
      %dma_start3A_2278 = tpu.memref_slice %arg7[%run_scoped3A, %dma_start3A_2276, %dma_start3A_2277] : memref<2x128x128xf32, #tpu.memory_space<vmem>> -> memref<1x128x128xf32, #tpu.memory_space<vmem>>
      %dma_start3A_2279 = tpu.memref_squeeze %dma_start3A_2278 : memref<1x128x128xf32, #tpu.memory_space<vmem>> -> memref<128x128xf32, #tpu.memory_space<vmem>>
      %dma_start3A_2280 = arith.constant 0 : i32
      %dma_start3A_2281 = arith.constant 0 : i32
      %dma_start3A_2282 = tpu.memref_slice %dma_start3A_2279[%dma_start3A_2280, %dma_start3A_2281] : memref<128x128xf32, #tpu.memory_space<vmem>> -> memref<64x128xf32, #tpu.memory_space<vmem>>
      %dma_start3A_2283 = arith.constant 0 : i32
      %dma_start3A_2284 = tpu.memref_slice %arg4[%add3A_433, %dma_start3A_2283] : memref<20000x192xf32, #tpu.memory_space<hbm>> -> memref<64x128xf32, #tpu.memory_space<hbm>>
      %dma_start3A_2285 = arith.constant 0 : i32
      %dma_start3A_2286 = tpu.memref_slice %arg4[%add3A_433, %dma_start3A_2285] : memref<20000x192xf32, #tpu.memory_space<hbm>> -> memref<64x128xf32, #tpu.memory_space<hbm>>
      %dma_start3A_2287 = arith.constant 0 : i32
      %dma_start3A_2288 = arith.constant 0 : i32
      %dma_start3A_2289 = tpu.memref_slice %arg7[%run_scoped3A, %dma_start3A_2287, %dma_start3A_2288] : memref<2x128x128xf32, #tpu.memory_space<vmem>> -> memref<1x128x128xf32, #tpu.memory_space<vmem>>
      %dma_start3A_2290 = tpu.memref_squeeze %dma_start3A_2289 : memref<1x128x128xf32, #tpu.memory_space<vmem>> -> memref<128x128xf32, #tpu.memory_space<vmem>>
      %dma_start3A_2291 = arith.constant 0 : i32
      %dma_start3A_2292 = arith.constant 0 : i32
      %dma_start3A_2293 = tpu.memref_slice %dma_start3A_2290[%dma_start3A_2291, %dma_start3A_2292] : memref<128x128xf32, #tpu.memory_space<vmem>> -> memref<64x128xf32, #tpu.memory_space<vmem>>
      tpu.enqueue_dma source(%dma_start3A_2293 : memref<64x128xf32, #tpu.memory_space<vmem>>) target(%dma_start3A_2286 : memref<64x128xf32, #tpu.memory_space<hbm>>) target_semaphore(%run_scoped3A_2275 : memref<!tpu.dma_semaphore, #tpu.memory_space<semaphore_mem>>)
      %dma_wait3A_2294 = arith.constant 0 : i32
      %dma_wait3A_2295 = arith.constant 0 : i32
      %dma_wait3A_2296 = tpu.memref_slice %arg7[%run_scoped3A, %dma_wait3A_2294, %dma_wait3A_2295] : memref<2x128x128xf32, #tpu.memory_space<vmem>> -> memref<1x128x128xf32, #tpu.memory_space<vmem>>
      %dma_wait3A_2297 = tpu.memref_squeeze %dma_wait3A_2296 : memref<1x128x128xf32, #tpu.memory_space<vmem>> -> memref<128x128xf32, #tpu.memory_space<vmem>>
      %dma_wait3A_2298 = arith.constant 0 : i32
      %dma_wait3A_2299 = arith.constant 0 : i32
      %dma_wait3A_2300 = tpu.memref_slice %dma_wait3A_2297[%dma_wait3A_2298, %dma_wait3A_2299] : memref<128x128xf32, #tpu.memory_space<vmem>> -> memref<64x128xf32, #tpu.memory_space<vmem>>
      %dma_wait3A_2301 = arith.constant 0 : i32
      %dma_wait3A_2302 = tpu.memref_slice %arg4[%add3A_433, %dma_wait3A_2301] : memref<20000x192xf32, #tpu.memory_space<hbm>> -> memref<64x128xf32, #tpu.memory_space<hbm>>
      %dma_wait3A_2303 = arith.constant 0 : i32
      %dma_wait3A_2304 = tpu.memref_slice %arg4[%add3A_433, %dma_wait3A_2303] : memref<20000x192xf32, #tpu.memory_space<hbm>> -> memref<64x128xf32, #tpu.memory_space<hbm>>
      %dma_wait3A_2305 = arith.constant 0 : i32
      %dma_wait3A_2306 = arith.constant 0 : i32
      %dma_wait3A_2307 = tpu.memref_slice %arg7[%run_scoped3A, %dma_wait3A_2305, %dma_wait3A_2306] : memref<2x128x128xf32, #tpu.memory_space<vmem>> -> memref<1x128x128xf32, #tpu.memory_space<vmem>>
      %dma_wait3A_2308 = tpu.memref_squeeze %dma_wait3A_2307 : memref<1x128x128xf32, #tpu.memory_space<vmem>> -> memref<128x128xf32, #tpu.memory_space<vmem>>
      %dma_wait3A_2309 = arith.constant 0 : i32
      %dma_wait3A_2310 = arith.constant 0 : i32
      %dma_wait3A_2311 = tpu.memref_slice %dma_wait3A_2308[%dma_wait3A_2309, %dma_wait3A_2310] : memref<128x128xf32, #tpu.memory_space<vmem>> -> memref<64x128xf32, #tpu.memory_space<vmem>>
      tpu.wait_dma2 semaphore(%run_scoped3A_2275 : memref<!tpu.dma_semaphore, #tpu.memory_space<semaphore_mem>>) src(%dma_wait3A_2311 : memref<64x128xf32, #tpu.memory_space<vmem>>) dst(%dma_wait3A_2304 : memref<64x128xf32, #tpu.memory_space<hbm>>)
      tpu.yield
    }) : () -> ()
    %run_scoped3A_434 = arith.constant 0 : i32
    "tpu.region"() ({
      %run_scoped3A_2275 = tpu.sem_alloc : memref<!tpu.dma_semaphore, #tpu.memory_space<semaphore_mem>>
      %dma_start3A_2276 = arith.constant 0 : i32
      %dma_start3A_2277 = arith.constant 0 : i32
      %dma_start3A_2278 = tpu.memref_slice %arg7[%run_scoped3A_434, %dma_start3A_2276, %dma_start3A_2277] : memref<2x128x128xf32, #tpu.memory_space<vmem>> -> memref<1x128x128xf32, #tpu.memory_space<vmem>>
      %dma_start3A_2279 = tpu.memref_squeeze %dma_start3A_2278 : memref<1x128x128xf32, #tpu.memory_space<vmem>> -> memref<128x128xf32, #tpu.memory_space<vmem>>
      %dma_start3A_2280 = arith.constant 64 : i32
      %dma_start3A_2281 = arith.constant 0 : i32
      %dma_start3A_2282 = tpu.memref_slice %dma_start3A_2279[%dma_start3A_2280, %dma_start3A_2281] : memref<128x128xf32, #tpu.memory_space<vmem>> -> memref<64x64xf32, #tpu.memory_space<vmem>>
      %dma_start3A_2283 = arith.constant 128 : i32
      %dma_start3A_2284 = tpu.memref_slice %arg4[%add3A_433, %dma_start3A_2283] : memref<20000x192xf32, #tpu.memory_space<hbm>> -> memref<64x64xf32, #tpu.memory_space<hbm>>
      %dma_start3A_2285 = arith.constant 128 : i32
      %dma_start3A_2286 = tpu.memref_slice %arg4[%add3A_433, %dma_start3A_2285] : memref<20000x192xf32, #tpu.memory_space<hbm>> -> memref<64x64xf32, #tpu.memory_space<hbm>>
      %dma_start3A_2287 = arith.constant 0 : i32
      %dma_start3A_2288 = arith.constant 0 : i32
      %dma_start3A_2289 = tpu.memref_slice %arg7[%run_scoped3A_434, %dma_start3A_2287, %dma_start3A_2288] : memref<2x128x128xf32, #tpu.memory_space<vmem>> -> memref<1x128x128xf32, #tpu.memory_space<vmem>>
      %dma_start3A_2290 = tpu.memref_squeeze %dma_start3A_2289 : memref<1x128x128xf32, #tpu.memory_space<vmem>> -> memref<128x128xf32, #tpu.memory_space<vmem>>
      %dma_start3A_2291 = arith.constant 64 : i32
      %dma_start3A_2292 = arith.constant 0 : i32
      %dma_start3A_2293 = tpu.memref_slice %dma_start3A_2290[%dma_start3A_2291, %dma_start3A_2292] : memref<128x128xf32, #tpu.memory_space<vmem>> -> memref<64x64xf32, #tpu.memory_space<vmem>>
      tpu.enqueue_dma source(%dma_start3A_2293 : memref<64x64xf32, #tpu.memory_space<vmem>>) target(%dma_start3A_2286 : memref<64x64xf32, #tpu.memory_space<hbm>>) target_semaphore(%run_scoped3A_2275 : memref<!tpu.dma_semaphore, #tpu.memory_space<semaphore_mem>>)
      %dma_wait3A_2294 = arith.constant 0 : i32
      %dma_wait3A_2295 = arith.constant 0 : i32
      %dma_wait3A_2296 = tpu.memref_slice %arg7[%run_scoped3A_434, %dma_wait3A_2294, %dma_wait3A_2295] : memref<2x128x128xf32, #tpu.memory_space<vmem>> -> memref<1x128x128xf32, #tpu.memory_space<vmem>>
      %dma_wait3A_2297 = tpu.memref_squeeze %dma_wait3A_2296 : memref<1x128x128xf32, #tpu.memory_space<vmem>> -> memref<128x128xf32, #tpu.memory_space<vmem>>
      %dma_wait3A_2298 = arith.constant 64 : i32
      %dma_wait3A_2299 = arith.constant 0 : i32
      %dma_wait3A_2300 = tpu.memref_slice %dma_wait3A_2297[%dma_wait3A_2298, %dma_wait3A_2299] : memref<128x128xf32, #tpu.memory_space<vmem>> -> memref<64x64xf32, #tpu.memory_space<vmem>>
      %dma_wait3A_2301 = arith.constant 128 : i32
      %dma_wait3A_2302 = tpu.memref_slice %arg4[%add3A_433, %dma_wait3A_2301] : memref<20000x192xf32, #tpu.memory_space<hbm>> -> memref<64x64xf32, #tpu.memory_space<hbm>>
      %dma_wait3A_2303 = arith.constant 128 : i32
      %dma_wait3A_2304 = tpu.memref_slice %arg4[%add3A_433, %dma_wait3A_2303] : memref<20000x192xf32, #tpu.memory_space<hbm>> -> memref<64x64xf32, #tpu.memory_space<hbm>>
      %dma_wait3A_2305 = arith.constant 0 : i32
      %dma_wait3A_2306 = arith.constant 0 : i32
      %dma_wait3A_2307 = tpu.memref_slice %arg7[%run_scoped3A_434, %dma_wait3A_2305, %dma_wait3A_2306] : memref<2x128x128xf32, #tpu.memory_space<vmem>> -> memref<1x128x128xf32, #tpu.memory_space<vmem>>
      %dma_wait3A_2308 = tpu.memref_squeeze %dma_wait3A_2307 : memref<1x128x128xf32, #tpu.memory_space<vmem>> -> memref<128x128xf32, #tpu.memory_space<vmem>>
      %dma_wait3A_2309 = arith.constant 64 : i32
      %dma_wait3A_2310 = arith.constant 0 : i32
      %dma_wait3A_2311 = tpu.memref_slice %dma_wait3A_2308[%dma_wait3A_2309, %dma_wait3A_2310] : memref<128x128xf32, #tpu.memory_space<vmem>> -> memref<64x64xf32, #tpu.memory_space<vmem>>
      tpu.wait_dma2 semaphore(%run_scoped3A_2275 : memref<!tpu.dma_semaphore, #tpu.memory_space<semaphore_mem>>) src(%dma_wait3A_2311 : memref<64x64xf32, #tpu.memory_space<vmem>>) dst(%dma_wait3A_2304 : memref<64x64xf32, #tpu.memory_space<hbm>>)
      tpu.yield
    }) : () -> ()
    %get3A_435 = arith.constant 128 : index
    %get3A_436 = tpu.vector_load %arg5[%get3A_435] {strides = array<i32>} : memref<640xi32, #tpu.memory_space<vmem>>, vector<16xi32>,
    %get3A_437 = vector.shape_cast %get3A_436 : vector<16xi32> to vector<16xi32>
    %and3A_438 = arith.constant 65535 : i32
    %and3A_439 = vector.broadcast %and3A_438 : i32 to vector<16xi32>
    %and3A_440 = arith.andi %get3A_437, %and3A_439 : vector<16xi32>
    %jit3A_441 = arith.constant 2 : i32
    %jit3A_442 = arith.constant 509 : i32
    %max3A_443 = vector.broadcast %jit3A_441 : i32 to vector<16xi32>
    %max3A_444 = arith.maxsi %max3A_443, %and3A_440 : vector<16xi32>
    %min3A_445 = vector.broadcast %jit3A_442 : i32 to vector<16xi32>
    %min3A_446 = arith.minsi %min3A_445, %max3A_444 : vector<16xi32>
    %shift_right_arithmetic3A_447 = arith.constant 16 : i32
    %shift_right_arithmetic3A_448 = vector.broadcast %shift_right_arithmetic3A_447 : i32 to vector<16xi32>
    %shift_right_arithmetic3A_449 = arith.shrsi %get3A_437, %shift_right_arithmetic3A_448 : vector<16xi32>
    %jit3A_450 = arith.constant 2 : i32
    %jit3A_451 = arith.constant 509 : i32
    %max3A_452 = vector.broadcast %jit3A_450 : i32 to vector<16xi32>
    %max3A_453 = arith.maxsi %max3A_452, %shift_right_arithmetic3A_449 : vector<16xi32>
    %min3A_454 = vector.broadcast %jit3A_451 : i32 to vector<16xi32>
    %min3A_455 = arith.minsi %min3A_454, %max3A_453 : vector<16xi32>
    %mul3A_456 = arith.constant 1024 : i32
    %mul3A_457 = vector.broadcast %mul3A_456 : i32 to vector<16xi32>
    %mul3A_458 = arith.muli %min3A_455, %mul3A_457 : vector<16xi32>
    %shift_right_arithmetic3A_459 = arith.constant 3 : i32
    %shift_right_arithmetic3A_460 = vector.broadcast %shift_right_arithmetic3A_459 : i32 to vector<16xi32>
    %shift_right_arithmetic3A_461 = arith.shrsi %min3A_446, %shift_right_arithmetic3A_460 : vector<16xi32>
    %mul3A_462 = arith.constant 16 : i32
    %mul3A_463 = vector.broadcast %mul3A_462 : i32 to vector<16xi32>
    %mul3A_464 = arith.muli %shift_right_arithmetic3A_461, %mul3A_463 : vector<16xi32>
    %add3A_465 = arith.addi %mul3A_458, %mul3A_464 : vector<16xi32>
    %and3A_466 = arith.constant 7 : i32
    %and3A_467 = vector.broadcast %and3A_466 : i32 to vector<16xi32>
    %and3A_468 = arith.andi %min3A_446, %and3A_467 : vector<16xi32>
    %add3A_469 = arith.addi %add3A_465, %and3A_468 : vector<16xi32>
    %swap3A_470 = arith.constant 2 : i32
    %swap3A_471 = arith.index_cast %swap3A_470 : i32 to index
    %swap3A_472 = arith.constant 0 : index
    %swap3A_473 = tpu.vector_load %arg6[%swap3A_471, %swap3A_472] {strides = array<i32>} : memref<10x128xi32, #tpu.memory_space<vmem>>, vector<1x16xi32>,
    %swap3A_474 = vector.shape_cast %swap3A_473 : vector<1x16xi32> to vector<16xi32>
    %swap3A_475 = vector.shape_cast %add3A_469 : vector<16xi32> to vector<1x16xi32>
    tpu.vector_store %arg6[%swap3A_471, %swap3A_472], %swap3A_475 {strides = array<i32>} : memref<10x128xi32, #tpu.memory_space<vmem>>, vector<1x16xi32>,
    %add3A_476 = arith.constant 8 : i32
    %add3A_477 = vector.broadcast %add3A_476 : i32 to vector<16xi32>
    %add3A_478 = arith.addi %add3A_469, %add3A_477 : vector<16xi32>
    %swap3A_479 = arith.constant 2 : i32
    %swap3A_480 = arith.index_cast %swap3A_479 : i32 to index
    %swap3A_481 = arith.constant 64 : index
    %swap3A_482 = tpu.vector_load %arg6[%swap3A_480, %swap3A_481] {strides = array<i32>} : memref<10x128xi32, #tpu.memory_space<vmem>>, vector<1x16xi32>,
    %swap3A_483 = vector.shape_cast %swap3A_482 : vector<1x16xi32> to vector<16xi32>
    %swap3A_484 = vector.shape_cast %add3A_478 : vector<16xi32> to vector<1x16xi32>
    tpu.vector_store %arg6[%swap3A_480, %swap3A_481], %swap3A_484 {strides = array<i32>} : memref<10x128xi32, #tpu.memory_space<vmem>>, vector<1x16xi32>,
    %get3A_485 = arith.constant 144 : index
    %get3A_486 = tpu.vector_load %arg5[%get3A_485] {strides = array<i32>} : memref<640xi32, #tpu.memory_space<vmem>>, vector<16xi32>,
    %get3A_487 = vector.shape_cast %get3A_486 : vector<16xi32> to vector<16xi32>
    %and3A_488 = arith.constant 65535 : i32
    %and3A_489 = vector.broadcast %and3A_488 : i32 to vector<16xi32>
    %and3A_490 = arith.andi %get3A_487, %and3A_489 : vector<16xi32>
    %jit3A_491 = arith.constant 2 : i32
    %jit3A_492 = arith.constant 509 : i32
    %max3A_493 = vector.broadcast %jit3A_491 : i32 to vector<16xi32>
    %max3A_494 = arith.maxsi %max3A_493, %and3A_490 : vector<16xi32>
    %min3A_495 = vector.broadcast %jit3A_492 : i32 to vector<16xi32>
    %min3A_496 = arith.minsi %min3A_495, %max3A_494 : vector<16xi32>
    %shift_right_arithmetic3A_497 = arith.constant 16 : i32
    %shift_right_arithmetic3A_498 = vector.broadcast %shift_right_arithmetic3A_497 : i32 to vector<16xi32>
    %shift_right_arithmetic3A_499 = arith.shrsi %get3A_487, %shift_right_arithmetic3A_498 : vector<16xi32>
    %jit3A_500 = arith.constant 2 : i32
    %jit3A_501 = arith.constant 509 : i32
    %max3A_502 = vector.broadcast %jit3A_500 : i32 to vector<16xi32>
    %max3A_503 = arith.maxsi %max3A_502, %shift_right_arithmetic3A_499 : vector<16xi32>
    %min3A_504 = vector.broadcast %jit3A_501 : i32 to vector<16xi32>
    %min3A_505 = arith.minsi %min3A_504, %max3A_503 : vector<16xi32>
    %mul3A_506 = arith.constant 1024 : i32
    %mul3A_507 = vector.broadcast %mul3A_506 : i32 to vector<16xi32>
    %mul3A_508 = arith.muli %min3A_505, %mul3A_507 : vector<16xi32>
    %shift_right_arithmetic3A_509 = arith.constant 3 : i32
    %shift_right_arithmetic3A_510 = vector.broadcast %shift_right_arithmetic3A_509 : i32 to vector<16xi32>
    %shift_right_arithmetic3A_511 = arith.shrsi %min3A_496, %shift_right_arithmetic3A_510 : vector<16xi32>
    %mul3A_512 = arith.constant 16 : i32
    %mul3A_513 = vector.broadcast %mul3A_512 : i32 to vector<16xi32>
    %mul3A_514 = arith.muli %shift_right_arithmetic3A_511, %mul3A_513 : vector<16xi32>
    %add3A_515 = arith.addi %mul3A_508, %mul3A_514 : vector<16xi32>
    %and3A_516 = arith.constant 7 : i32
    %and3A_517 = vector.broadcast %and3A_516 : i32 to vector<16xi32>
    %and3A_518 = arith.andi %min3A_496, %and3A_517 : vector<16xi32>
    %add3A_519 = arith.addi %add3A_515, %and3A_518 : vector<16xi32>
    %swap3A_520 = arith.constant 2 : i32
    %swap3A_521 = arith.index_cast %swap3A_520 : i32 to index
    %swap3A_522 = arith.constant 16 : index
    %swap3A_523 = tpu.vector_load %arg6[%swap3A_521, %swap3A_522] {strides = array<i32>} : memref<10x128xi32, #tpu.memory_space<vmem>>, vector<1x16xi32>,
    %swap3A_524 = vector.shape_cast %swap3A_523 : vector<1x16xi32> to vector<16xi32>
    %swap3A_525 = vector.shape_cast %add3A_519 : vector<16xi32> to vector<1x16xi32>
    tpu.vector_store %arg6[%swap3A_521, %swap3A_522], %swap3A_525 {strides = array<i32>} : memref<10x128xi32, #tpu.memory_space<vmem>>, vector<1x16xi32>,
    %add3A_526 = arith.constant 8 : i32
    %add3A_527 = vector.broadcast %add3A_526 : i32 to vector<16xi32>
    %add3A_528 = arith.addi %add3A_519, %add3A_527 : vector<16xi32>
    %swap3A_529 = arith.constant 2 : i32
    %swap3A_530 = arith.index_cast %swap3A_529 : i32 to index
    %swap3A_531 = arith.constant 80 : index
    %swap3A_532 = tpu.vector_load %arg6[%swap3A_530, %swap3A_531] {strides = array<i32>} : memref<10x128xi32, #tpu.memory_space<vmem>>, vector<1x16xi32>,
    %swap3A_533 = vector.shape_cast %swap3A_532 : vector<1x16xi32> to vector<16xi32>
    %swap3A_534 = vector.shape_cast %add3A_528 : vector<16xi32> to vector<1x16xi32>
    tpu.vector_store %arg6[%swap3A_530, %swap3A_531], %swap3A_534 {strides = array<i32>} : memref<10x128xi32, #tpu.memory_space<vmem>>, vector<1x16xi32>,
    %get3A_535 = arith.constant 160 : index
    %get3A_536 = tpu.vector_load %arg5[%get3A_535] {strides = array<i32>} : memref<640xi32, #tpu.memory_space<vmem>>, vector<16xi32>,
    %get3A_537 = vector.shape_cast %get3A_536 : vector<16xi32> to vector<16xi32>
    %and3A_538 = arith.constant 65535 : i32
    %and3A_539 = vector.broadcast %and3A_538 : i32 to vector<16xi32>
    %and3A_540 = arith.andi %get3A_537, %and3A_539 : vector<16xi32>
    %jit3A_541 = arith.constant 2 : i32
    %jit3A_542 = arith.constant 509 : i32
    %max3A_543 = vector.broadcast %jit3A_541 : i32 to vector<16xi32>
    %max3A_544 = arith.maxsi %max3A_543, %and3A_540 : vector<16xi32>
    %min3A_545 = vector.broadcast %jit3A_542 : i32 to vector<16xi32>
    %min3A_546 = arith.minsi %min3A_545, %max3A_544 : vector<16xi32>
    %shift_right_arithmetic3A_547 = arith.constant 16 : i32
    %shift_right_arithmetic3A_548 = vector.broadcast %shift_right_arithmetic3A_547 : i32 to vector<16xi32>
    %shift_right_arithmetic3A_549 = arith.shrsi %get3A_537, %shift_right_arithmetic3A_548 : vector<16xi32>
    %jit3A_550 = arith.constant 2 : i32
    %jit3A_551 = arith.constant 509 : i32
    %max3A_552 = vector.broadcast %jit3A_550 : i32 to vector<16xi32>
    %max3A_553 = arith.maxsi %max3A_552, %shift_right_arithmetic3A_549 : vector<16xi32>
    %min3A_554 = vector.broadcast %jit3A_551 : i32 to vector<16xi32>
    %min3A_555 = arith.minsi %min3A_554, %max3A_553 : vector<16xi32>
    %mul3A_556 = arith.constant 1024 : i32
    %mul3A_557 = vector.broadcast %mul3A_556 : i32 to vector<16xi32>
    %mul3A_558 = arith.muli %min3A_555, %mul3A_557 : vector<16xi32>
    %shift_right_arithmetic3A_559 = arith.constant 3 : i32
    %shift_right_arithmetic3A_560 = vector.broadcast %shift_right_arithmetic3A_559 : i32 to vector<16xi32>
    %shift_right_arithmetic3A_561 = arith.shrsi %min3A_546, %shift_right_arithmetic3A_560 : vector<16xi32>
    %mul3A_562 = arith.constant 16 : i32
    %mul3A_563 = vector.broadcast %mul3A_562 : i32 to vector<16xi32>
    %mul3A_564 = arith.muli %shift_right_arithmetic3A_561, %mul3A_563 : vector<16xi32>
    %add3A_565 = arith.addi %mul3A_558, %mul3A_564 : vector<16xi32>
    %and3A_566 = arith.constant 7 : i32
    %and3A_567 = vector.broadcast %and3A_566 : i32 to vector<16xi32>
    %and3A_568 = arith.andi %min3A_546, %and3A_567 : vector<16xi32>
    %add3A_569 = arith.addi %add3A_565, %and3A_568 : vector<16xi32>
    %swap3A_570 = arith.constant 2 : i32
    %swap3A_571 = arith.index_cast %swap3A_570 : i32 to index
    %swap3A_572 = arith.constant 32 : index
    %swap3A_573 = tpu.vector_load %arg6[%swap3A_571, %swap3A_572] {strides = array<i32>} : memref<10x128xi32, #tpu.memory_space<vmem>>, vector<1x16xi32>,
    %swap3A_574 = vector.shape_cast %swap3A_573 : vector<1x16xi32> to vector<16xi32>
    %swap3A_575 = vector.shape_cast %add3A_569 : vector<16xi32> to vector<1x16xi32>
    tpu.vector_store %arg6[%swap3A_571, %swap3A_572], %swap3A_575 {strides = array<i32>} : memref<10x128xi32, #tpu.memory_space<vmem>>, vector<1x16xi32>,
    %add3A_576 = arith.constant 8 : i32
    %add3A_577 = vector.broadcast %add3A_576 : i32 to vector<16xi32>
    %add3A_578 = arith.addi %add3A_569, %add3A_577 : vector<16xi32>
    %swap3A_579 = arith.constant 2 : i32
    %swap3A_580 = arith.index_cast %swap3A_579 : i32 to index
    %swap3A_581 = arith.constant 96 : index
    %swap3A_582 = tpu.vector_load %arg6[%swap3A_580, %swap3A_581] {strides = array<i32>} : memref<10x128xi32, #tpu.memory_space<vmem>>, vector<1x16xi32>,
    %swap3A_583 = vector.shape_cast %swap3A_582 : vector<1x16xi32> to vector<16xi32>
    %swap3A_584 = vector.shape_cast %add3A_578 : vector<16xi32> to vector<1x16xi32>
    tpu.vector_store %arg6[%swap3A_580, %swap3A_581], %swap3A_584 {strides = array<i32>} : memref<10x128xi32, #tpu.memory_space<vmem>>, vector<1x16xi32>,
    %get3A_585 = arith.constant 176 : index
    %get3A_586 = tpu.vector_load %arg5[%get3A_585] {strides = array<i32>} : memref<640xi32, #tpu.memory_space<vmem>>, vector<16xi32>,
    %get3A_587 = vector.shape_cast %get3A_586 : vector<16xi32> to vector<16xi32>
    %and3A_588 = arith.constant 65535 : i32
    %and3A_589 = vector.broadcast %and3A_588 : i32 to vector<16xi32>
    %and3A_590 = arith.andi %get3A_587, %and3A_589 : vector<16xi32>
    %jit3A_591 = arith.constant 2 : i32
    %jit3A_592 = arith.constant 509 : i32
    %max3A_593 = vector.broadcast %jit3A_591 : i32 to vector<16xi32>
    %max3A_594 = arith.maxsi %max3A_593, %and3A_590 : vector<16xi32>
    %min3A_595 = vector.broadcast %jit3A_592 : i32 to vector<16xi32>
    %min3A_596 = arith.minsi %min3A_595, %max3A_594 : vector<16xi32>
    %shift_right_arithmetic3A_597 = arith.constant 16 : i32
    %shift_right_arithmetic3A_598 = vector.broadcast %shift_right_arithmetic3A_597 : i32 to vector<16xi32>
    %shift_right_arithmetic3A_599 = arith.shrsi %get3A_587, %shift_right_arithmetic3A_598 : vector<16xi32>
    %jit3A_600 = arith.constant 2 : i32
    %jit3A_601 = arith.constant 509 : i32
    %max3A_602 = vector.broadcast %jit3A_600 : i32 to vector<16xi32>
    %max3A_603 = arith.maxsi %max3A_602, %shift_right_arithmetic3A_599 : vector<16xi32>
    %min3A_604 = vector.broadcast %jit3A_601 : i32 to vector<16xi32>
    %min3A_605 = arith.minsi %min3A_604, %max3A_603 : vector<16xi32>
    %mul3A_606 = arith.constant 1024 : i32
    %mul3A_607 = vector.broadcast %mul3A_606 : i32 to vector<16xi32>
    %mul3A_608 = arith.muli %min3A_605, %mul3A_607 : vector<16xi32>
    %shift_right_arithmetic3A_609 = arith.constant 3 : i32
    %shift_right_arithmetic3A_610 = vector.broadcast %shift_right_arithmetic3A_609 : i32 to vector<16xi32>
    %shift_right_arithmetic3A_611 = arith.shrsi %min3A_596, %shift_right_arithmetic3A_610 : vector<16xi32>
    %mul3A_612 = arith.constant 16 : i32
    %mul3A_613 = vector.broadcast %mul3A_612 : i32 to vector<16xi32>
    %mul3A_614 = arith.muli %shift_right_arithmetic3A_611, %mul3A_613 : vector<16xi32>
    %add3A_615 = arith.addi %mul3A_608, %mul3A_614 : vector<16xi32>
    %and3A_616 = arith.constant 7 : i32
    %and3A_617 = vector.broadcast %and3A_616 : i32 to vector<16xi32>
    %and3A_618 = arith.andi %min3A_596, %and3A_617 : vector<16xi32>
    %add3A_619 = arith.addi %add3A_615, %and3A_618 : vector<16xi32>
    %swap3A_620 = arith.constant 2 : i32
    %swap3A_621 = arith.index_cast %swap3A_620 : i32 to index
    %swap3A_622 = arith.constant 48 : index
    %swap3A_623 = tpu.vector_load %arg6[%swap3A_621, %swap3A_622] {strides = array<i32>} : memref<10x128xi32, #tpu.memory_space<vmem>>, vector<1x16xi32>,
    %swap3A_624 = vector.shape_cast %swap3A_623 : vector<1x16xi32> to vector<16xi32>
    %swap3A_625 = vector.shape_cast %add3A_619 : vector<16xi32> to vector<1x16xi32>
    tpu.vector_store %arg6[%swap3A_621, %swap3A_622], %swap3A_625 {strides = array<i32>} : memref<10x128xi32, #tpu.memory_space<vmem>>, vector<1x16xi32>,
    %add3A_626 = arith.constant 8 : i32
    %add3A_627 = vector.broadcast %add3A_626 : i32 to vector<16xi32>
    %add3A_628 = arith.addi %add3A_619, %add3A_627 : vector<16xi32>
    %swap3A_629 = arith.constant 2 : i32
    %swap3A_630 = arith.index_cast %swap3A_629 : i32 to index
    %swap3A_631 = arith.constant 112 : index
    %swap3A_632 = tpu.vector_load %arg6[%swap3A_630, %swap3A_631] {strides = array<i32>} : memref<10x128xi32, #tpu.memory_space<vmem>>, vector<1x16xi32>,
    %swap3A_633 = vector.shape_cast %swap3A_632 : vector<1x16xi32> to vector<16xi32>
    %swap3A_634 = vector.shape_cast %add3A_628 : vector<16xi32> to vector<1x16xi32>
    tpu.vector_store %arg6[%swap3A_630, %swap3A_631], %swap3A_634 {strides = array<i32>} : memref<10x128xi32, #tpu.memory_space<vmem>>, vector<1x16xi32>,
    %dma_start3A_635 = arith.constant 2 : i32
    %dma_start3A_636 = arith.constant 0 : i32
    %dma_start3A_637 = arith.constant 0 : i32
    %dma_start3A_638 = arith.constant 0 : i32
    %dma_start3A_639 = tpu.memref_slice %arg7[%dma_start3A_636, %dma_start3A_637, %dma_start3A_638] : memref<2x128x128xf32, #tpu.memory_space<vmem>> -> memref<1x128x128xf32, #tpu.memory_space<vmem>>
    %dma_start3A_640 = tpu.memref_squeeze %dma_start3A_639 : memref<1x128x128xf32, #tpu.memory_space<vmem>> -> memref<128x128xf32, #tpu.memory_space<vmem>>
    %dma_start3A_641 = arith.constant 0 : i32
    %dma_start3A_642 = tpu.memref_slice %arg6[%dma_start3A_635, %dma_start3A_641] : memref<10x128xi32, #tpu.memory_space<vmem>> -> memref<1x128xi32, #tpu.memory_space<vmem>>
    %dma_start3A_643 = tpu.memref_squeeze %dma_start3A_642 : memref<1x128xi32, #tpu.memory_space<vmem>> -> memref<128xi32, #tpu.memory_space<vmem>>
    %dma_start3A_644 = arith.constant 0 : i32
    %dma_start3A_645 = arith.constant 0 : i32
    %dma_start3A_646 = tpu.memref_slice %arg2[%dma_start3A_644, %dma_start3A_645] : memref<524288x128xf32, #tpu.memory_space<hbm>> -> memref<524288x128xf32, #tpu.memory_space<hbm>>
    tpu.enqueue_indirect_dma source(%dma_start3A_646 : memref<524288x128xf32, #tpu.memory_space<hbm>>) target(%dma_start3A_640 : memref<128x128xf32, #tpu.memory_space<vmem>>) offsets(%dma_start3A_643 : memref<128xi32, #tpu.memory_space<vmem>>) semaphore(%arg8 : memref<!tpu.dma_semaphore, #tpu.memory_space<semaphore_mem>>)
    %dma_wait3A_647 = arith.constant 1 : i32
    %dma_wait3A_648 = arith.constant 1 : i32
    %dma_wait3A_649 = arith.constant 0 : i32
    %dma_wait3A_650 = arith.constant 0 : i32
    %dma_wait3A_651 = tpu.memref_slice %arg7[%dma_wait3A_648, %dma_wait3A_649, %dma_wait3A_650] : memref<2x128x128xf32, #tpu.memory_space<vmem>> -> memref<1x128x128xf32, #tpu.memory_space<vmem>>
    %dma_wait3A_652 = tpu.memref_squeeze %dma_wait3A_651 : memref<1x128x128xf32, #tpu.memory_space<vmem>> -> memref<128x128xf32, #tpu.memory_space<vmem>>
    %dma_wait3A_653 = arith.constant 0 : i32
    %dma_wait3A_654 = tpu.memref_slice %arg6[%dma_wait3A_647, %dma_wait3A_653] : memref<10x128xi32, #tpu.memory_space<vmem>> -> memref<1x128xi32, #tpu.memory_space<vmem>>
    %dma_wait3A_655 = tpu.memref_squeeze %dma_wait3A_654 : memref<1x128xi32, #tpu.memory_space<vmem>> -> memref<128xi32, #tpu.memory_space<vmem>>
    %dma_wait3A_656 = arith.constant 0 : i32
    %dma_wait3A_657 = arith.constant 0 : i32
    %dma_wait3A_658 = tpu.memref_slice %arg2[%dma_wait3A_656, %dma_wait3A_657] : memref<524288x128xf32, #tpu.memory_space<hbm>> -> memref<524288x128xf32, #tpu.memory_space<hbm>>
    tpu.wait_indirect_dma semaphore(%arg9 : memref<!tpu.dma_semaphore, #tpu.memory_space<semaphore_mem>>) src(%dma_wait3A_658 : memref<524288x128xf32, #tpu.memory_space<hbm>>) dst(%dma_wait3A_652 : memref<128x128xf32, #tpu.memory_space<vmem>>)
    %add3A_659 = arith.constant 64 : i32
    %add3A_660 = arith.addi %min3A_3, %add3A_659 : i32
    %run_scoped3A_661 = arith.constant 1 : i32
    "tpu.region"() ({
      %run_scoped3A_2275 = tpu.sem_alloc : memref<!tpu.dma_semaphore, #tpu.memory_space<semaphore_mem>>
      %dma_start3A_2276 = arith.constant 0 : i32
      %dma_start3A_2277 = arith.constant 0 : i32
      %dma_start3A_2278 = tpu.memref_slice %arg7[%run_scoped3A_661, %dma_start3A_2276, %dma_start3A_2277] : memref<2x128x128xf32, #tpu.memory_space<vmem>> -> memref<1x128x128xf32, #tpu.memory_space<vmem>>
      %dma_start3A_2279 = tpu.memref_squeeze %dma_start3A_2278 : memref<1x128x128xf32, #tpu.memory_space<vmem>> -> memref<128x128xf32, #tpu.memory_space<vmem>>
      %dma_start3A_2280 = arith.constant 0 : i32
      %dma_start3A_2281 = arith.constant 0 : i32
      %dma_start3A_2282 = tpu.memref_slice %dma_start3A_2279[%dma_start3A_2280, %dma_start3A_2281] : memref<128x128xf32, #tpu.memory_space<vmem>> -> memref<64x128xf32, #tpu.memory_space<vmem>>
      %dma_start3A_2283 = arith.constant 0 : i32
      %dma_start3A_2284 = tpu.memref_slice %arg4[%add3A_660, %dma_start3A_2283] : memref<20000x192xf32, #tpu.memory_space<hbm>> -> memref<64x128xf32, #tpu.memory_space<hbm>>
      %dma_start3A_2285 = arith.constant 0 : i32
      %dma_start3A_2286 = tpu.memref_slice %arg4[%add3A_660, %dma_start3A_2285] : memref<20000x192xf32, #tpu.memory_space<hbm>> -> memref<64x128xf32, #tpu.memory_space<hbm>>
      %dma_start3A_2287 = arith.constant 0 : i32
      %dma_start3A_2288 = arith.constant 0 : i32
      %dma_start3A_2289 = tpu.memref_slice %arg7[%run_scoped3A_661, %dma_start3A_2287, %dma_start3A_2288] : memref<2x128x128xf32, #tpu.memory_space<vmem>> -> memref<1x128x128xf32, #tpu.memory_space<vmem>>
      %dma_start3A_2290 = tpu.memref_squeeze %dma_start3A_2289 : memref<1x128x128xf32, #tpu.memory_space<vmem>> -> memref<128x128xf32, #tpu.memory_space<vmem>>
      %dma_start3A_2291 = arith.constant 0 : i32
      %dma_start3A_2292 = arith.constant 0 : i32
      %dma_start3A_2293 = tpu.memref_slice %dma_start3A_2290[%dma_start3A_2291, %dma_start3A_2292] : memref<128x128xf32, #tpu.memory_space<vmem>> -> memref<64x128xf32, #tpu.memory_space<vmem>>
      tpu.enqueue_dma source(%dma_start3A_2293 : memref<64x128xf32, #tpu.memory_space<vmem>>) target(%dma_start3A_2286 : memref<64x128xf32, #tpu.memory_space<hbm>>) target_semaphore(%run_scoped3A_2275 : memref<!tpu.dma_semaphore, #tpu.memory_space<semaphore_mem>>)
      %dma_wait3A_2294 = arith.constant 0 : i32
      %dma_wait3A_2295 = arith.constant 0 : i32
      %dma_wait3A_2296 = tpu.memref_slice %arg7[%run_scoped3A_661, %dma_wait3A_2294, %dma_wait3A_2295] : memref<2x128x128xf32, #tpu.memory_space<vmem>> -> memref<1x128x128xf32, #tpu.memory_space<vmem>>
      %dma_wait3A_2297 = tpu.memref_squeeze %dma_wait3A_2296 : memref<1x128x128xf32, #tpu.memory_space<vmem>> -> memref<128x128xf32, #tpu.memory_space<vmem>>
      %dma_wait3A_2298 = arith.constant 0 : i32
      %dma_wait3A_2299 = arith.constant 0 : i32
      %dma_wait3A_2300 = tpu.memref_slice %dma_wait3A_2297[%dma_wait3A_2298, %dma_wait3A_2299] : memref<128x128xf32, #tpu.memory_space<vmem>> -> memref<64x128xf32, #tpu.memory_space<vmem>>
      %dma_wait3A_2301 = arith.constant 0 : i32
      %dma_wait3A_2302 = tpu.memref_slice %arg4[%add3A_660, %dma_wait3A_2301] : memref<20000x192xf32, #tpu.memory_space<hbm>> -> memref<64x128xf32, #tpu.memory_space<hbm>>
      %dma_wait3A_2303 = arith.constant 0 : i32
      %dma_wait3A_2304 = tpu.memref_slice %arg4[%add3A_660, %dma_wait3A_2303] : memref<20000x192xf32, #tpu.memory_space<hbm>> -> memref<64x128xf32, #tpu.memory_space<hbm>>
      %dma_wait3A_2305 = arith.constant 0 : i32
      %dma_wait3A_2306 = arith.constant 0 : i32
      %dma_wait3A_2307 = tpu.memref_slice %arg7[%run_scoped3A_661, %dma_wait3A_2305, %dma_wait3A_2306] : memref<2x128x128xf32, #tpu.memory_space<vmem>> -> memref<1x128x128xf32, #tpu.memory_space<vmem>>
      %dma_wait3A_2308 = tpu.memref_squeeze %dma_wait3A_2307 : memref<1x128x128xf32, #tpu.memory_space<vmem>> -> memref<128x128xf32, #tpu.memory_space<vmem>>
      %dma_wait3A_2309 = arith.constant 0 : i32
      %dma_wait3A_2310 = arith.constant 0 : i32
      %dma_wait3A_2311 = tpu.memref_slice %dma_wait3A_2308[%dma_wait3A_2309, %dma_wait3A_2310] : memref<128x128xf32, #tpu.memory_space<vmem>> -> memref<64x128xf32, #tpu.memory_space<vmem>>
      tpu.wait_dma2 semaphore(%run_scoped3A_2275 : memref<!tpu.dma_semaphore, #tpu.memory_space<semaphore_mem>>) src(%dma_wait3A_2311 : memref<64x128xf32, #tpu.memory_space<vmem>>) dst(%dma_wait3A_2304 : memref<64x128xf32, #tpu.memory_space<hbm>>)
      tpu.yield
    }) : () -> ()
    %run_scoped3A_662 = arith.constant 1 : i32
    "tpu.region"() ({
      %run_scoped3A_2275 = tpu.sem_alloc : memref<!tpu.dma_semaphore, #tpu.memory_space<semaphore_mem>>
      %dma_start3A_2276 = arith.constant 0 : i32
      %dma_start3A_2277 = arith.constant 0 : i32
      %dma_start3A_2278 = tpu.memref_slice %arg7[%run_scoped3A_662, %dma_start3A_2276, %dma_start3A_2277] : memref<2x128x128xf32, #tpu.memory_space<vmem>> -> memref<1x128x128xf32, #tpu.memory_space<vmem>>
      %dma_start3A_2279 = tpu.memref_squeeze %dma_start3A_2278 : memref<1x128x128xf32, #tpu.memory_space<vmem>> -> memref<128x128xf32, #tpu.memory_space<vmem>>
      %dma_start3A_2280 = arith.constant 64 : i32
      %dma_start3A_2281 = arith.constant 0 : i32
      %dma_start3A_2282 = tpu.memref_slice %dma_start3A_2279[%dma_start3A_2280, %dma_start3A_2281] : memref<128x128xf32, #tpu.memory_space<vmem>> -> memref<64x64xf32, #tpu.memory_space<vmem>>
      %dma_start3A_2283 = arith.constant 128 : i32
      %dma_start3A_2284 = tpu.memref_slice %arg4[%add3A_660, %dma_start3A_2283] : memref<20000x192xf32, #tpu.memory_space<hbm>> -> memref<64x64xf32, #tpu.memory_space<hbm>>
      %dma_start3A_2285 = arith.constant 128 : i32
      %dma_start3A_2286 = tpu.memref_slice %arg4[%add3A_660, %dma_start3A_2285] : memref<20000x192xf32, #tpu.memory_space<hbm>> -> memref<64x64xf32, #tpu.memory_space<hbm>>
      %dma_start3A_2287 = arith.constant 0 : i32
      %dma_start3A_2288 = arith.constant 0 : i32
      %dma_start3A_2289 = tpu.memref_slice %arg7[%run_scoped3A_662, %dma_start3A_2287, %dma_start3A_2288] : memref<2x128x128xf32, #tpu.memory_space<vmem>> -> memref<1x128x128xf32, #tpu.memory_space<vmem>>
      %dma_start3A_2290 = tpu.memref_squeeze %dma_start3A_2289 : memref<1x128x128xf32, #tpu.memory_space<vmem>> -> memref<128x128xf32, #tpu.memory_space<vmem>>
      %dma_start3A_2291 = arith.constant 64 : i32
      %dma_start3A_2292 = arith.constant 0 : i32
      %dma_start3A_2293 = tpu.memref_slice %dma_start3A_2290[%dma_start3A_2291, %dma_start3A_2292] : memref<128x128xf32, #tpu.memory_space<vmem>> -> memref<64x64xf32, #tpu.memory_space<vmem>>
      tpu.enqueue_dma source(%dma_start3A_2293 : memref<64x64xf32, #tpu.memory_space<vmem>>) target(%dma_start3A_2286 : memref<64x64xf32, #tpu.memory_space<hbm>>) target_semaphore(%run_scoped3A_2275 : memref<!tpu.dma_semaphore, #tpu.memory_space<semaphore_mem>>)
      %dma_wait3A_2294 = arith.constant 0 : i32
      %dma_wait3A_2295 = arith.constant 0 : i32
      %dma_wait3A_2296 = tpu.memref_slice %arg7[%run_scoped3A_662, %dma_wait3A_2294, %dma_wait3A_2295] : memref<2x128x128xf32, #tpu.memory_space<vmem>> -> memref<1x128x128xf32, #tpu.memory_space<vmem>>
      %dma_wait3A_2297 = tpu.memref_squeeze %dma_wait3A_2296 : memref<1x128x128xf32, #tpu.memory_space<vmem>> -> memref<128x128xf32, #tpu.memory_space<vmem>>
      %dma_wait3A_2298 = arith.constant 64 : i32
      %dma_wait3A_2299 = arith.constant 0 : i32
      %dma_wait3A_2300 = tpu.memref_slice %dma_wait3A_2297[%dma_wait3A_2298, %dma_wait3A_2299] : memref<128x128xf32, #tpu.memory_space<vmem>> -> memref<64x64xf32, #tpu.memory_space<vmem>>
      %dma_wait3A_2301 = arith.constant 128 : i32
      %dma_wait3A_2302 = tpu.memref_slice %arg4[%add3A_660, %dma_wait3A_2301] : memref<20000x192xf32, #tpu.memory_space<hbm>> -> memref<64x64xf32, #tpu.memory_space<hbm>>
      %dma_wait3A_2303 = arith.constant 128 : i32
      %dma_wait3A_2304 = tpu.memref_slice %arg4[%add3A_660, %dma_wait3A_2303] : memref<20000x192xf32, #tpu.memory_space<hbm>> -> memref<64x64xf32, #tpu.memory_space<hbm>>
      %dma_wait3A_2305 = arith.constant 0 : i32
      %dma_wait3A_2306 = arith.constant 0 : i32
      %dma_wait3A_2307 = tpu.memref_slice %arg7[%run_scoped3A_662, %dma_wait3A_2305, %dma_wait3A_2306] : memref<2x128x128xf32, #tpu.memory_space<vmem>> -> memref<1x128x128xf32, #tpu.memory_space<vmem>>
      %dma_wait3A_2308 = tpu.memref_squeeze %dma_wait3A_2307 : memref<1x128x128xf32, #tpu.memory_space<vmem>> -> memref<128x128xf32, #tpu.memory_space<vmem>>
      %dma_wait3A_2309 = arith.constant 64 : i32
      %dma_wait3A_2310 = arith.constant 0 : i32
      %dma_wait3A_2311 = tpu.memref_slice %dma_wait3A_2308[%dma_wait3A_2309, %dma_wait3A_2310] : memref<128x128xf32, #tpu.memory_space<vmem>> -> memref<64x64xf32, #tpu.memory_space<vmem>>
      tpu.wait_dma2 semaphore(%run_scoped3A_2275 : memref<!tpu.dma_semaphore, #tpu.memory_space<semaphore_mem>>) src(%dma_wait3A_2311 : memref<64x64xf32, #tpu.memory_space<vmem>>) dst(%dma_wait3A_2304 : memref<64x64xf32, #tpu.memory_space<hbm>>)
      tpu.yield
    }) : () -> ()
    %get3A_663 = arith.constant 192 : index
    %get3A_664 = tpu.vector_load %arg5[%get3A_663] {strides = array<i32>} : memref<640xi32, #tpu.memory_space<vmem>>, vector<16xi32>,
    %get3A_665 = vector.shape_cast %get3A_664 : vector<16xi32> to vector<16xi32>
    %and3A_666 = arith.constant 65535 : i32
    %and3A_667 = vector.broadcast %and3A_666 : i32 to vector<16xi32>
    %and3A_668 = arith.andi %get3A_665, %and3A_667 : vector<16xi32>
    %jit3A_669 = arith.constant 2 : i32
    %jit3A_670 = arith.constant 509 : i32
    %max3A_671 = vector.broadcast %jit3A_669 : i32 to vector<16xi32>
    %max3A_672 = arith.maxsi %max3A_671, %and3A_668 : vector<16xi32>
    %min3A_673 = vector.broadcast %jit3A_670 : i32 to vector<16xi32>
    %min3A_674 = arith.minsi %min3A_673, %max3A_672 : vector<16xi32>
    %shift_right_arithmetic3A_675 = arith.constant 16 : i32
    %shift_right_arithmetic3A_676 = vector.broadcast %shift_right_arithmetic3A_675 : i32 to vector<16xi32>
    %shift_right_arithmetic3A_677 = arith.shrsi %get3A_665, %shift_right_arithmetic3A_676 : vector<16xi32>
    %jit3A_678 = arith.constant 2 : i32
    %jit3A_679 = arith.constant 509 : i32
    %max3A_680 = vector.broadcast %jit3A_678 : i32 to vector<16xi32>
    %max3A_681 = arith.maxsi %max3A_680, %shift_right_arithmetic3A_677 : vector<16xi32>
    %min3A_682 = vector.broadcast %jit3A_679 : i32 to vector<16xi32>
    %min3A_683 = arith.minsi %min3A_682, %max3A_681 : vector<16xi32>
    %mul3A_684 = arith.constant 1024 : i32
    %mul3A_685 = vector.broadcast %mul3A_684 : i32 to vector<16xi32>
    %mul3A_686 = arith.muli %min3A_683, %mul3A_685 : vector<16xi32>
    %shift_right_arithmetic3A_687 = arith.constant 3 : i32
    %shift_right_arithmetic3A_688 = vector.broadcast %shift_right_arithmetic3A_687 : i32 to vector<16xi32>
    %shift_right_arithmetic3A_689 = arith.shrsi %min3A_674, %shift_right_arithmetic3A_688 : vector<16xi32>
    %mul3A_690 = arith.constant 16 : i32
    %mul3A_691 = vector.broadcast %mul3A_690 : i32 to vector<16xi32>
    %mul3A_692 = arith.muli %shift_right_arithmetic3A_689, %mul3A_691 : vector<16xi32>
    %add3A_693 = arith.addi %mul3A_686, %mul3A_692 : vector<16xi32>
    %and3A_694 = arith.constant 7 : i32
    %and3A_695 = vector.broadcast %and3A_694 : i32 to vector<16xi32>
    %and3A_696 = arith.andi %min3A_674, %and3A_695 : vector<16xi32>
    %add3A_697 = arith.addi %add3A_693, %and3A_696 : vector<16xi32>
    %swap3A_698 = arith.constant 3 : i32
    %swap3A_699 = arith.index_cast %swap3A_698 : i32 to index
    %swap3A_700 = arith.constant 0 : index
    %swap3A_701 = tpu.vector_load %arg6[%swap3A_699, %swap3A_700] {strides = array<i32>} : memref<10x128xi32, #tpu.memory_space<vmem>>, vector<1x16xi32>,
    %swap3A_702 = vector.shape_cast %swap3A_701 : vector<1x16xi32> to vector<16xi32>
    %swap3A_703 = vector.shape_cast %add3A_697 : vector<16xi32> to vector<1x16xi32>
    tpu.vector_store %arg6[%swap3A_699, %swap3A_700], %swap3A_703 {strides = array<i32>} : memref<10x128xi32, #tpu.memory_space<vmem>>, vector<1x16xi32>,
    %add3A_704 = arith.constant 8 : i32
    %add3A_705 = vector.broadcast %add3A_704 : i32 to vector<16xi32>
    %add3A_706 = arith.addi %add3A_697, %add3A_705 : vector<16xi32>
    %swap3A_707 = arith.constant 3 : i32
    %swap3A_708 = arith.index_cast %swap3A_707 : i32 to index
    %swap3A_709 = arith.constant 64 : index
    %swap3A_710 = tpu.vector_load %arg6[%swap3A_708, %swap3A_709] {strides = array<i32>} : memref<10x128xi32, #tpu.memory_space<vmem>>, vector<1x16xi32>,
    %swap3A_711 = vector.shape_cast %swap3A_710 : vector<1x16xi32> to vector<16xi32>
    %swap3A_712 = vector.shape_cast %add3A_706 : vector<16xi32> to vector<1x16xi32>
    tpu.vector_store %arg6[%swap3A_708, %swap3A_709], %swap3A_712 {strides = array<i32>} : memref<10x128xi32, #tpu.memory_space<vmem>>, vector<1x16xi32>,
    %get3A_713 = arith.constant 208 : index
    %get3A_714 = tpu.vector_load %arg5[%get3A_713] {strides = array<i32>} : memref<640xi32, #tpu.memory_space<vmem>>, vector<16xi32>,
    %get3A_715 = vector.shape_cast %get3A_714 : vector<16xi32> to vector<16xi32>
    %and3A_716 = arith.constant 65535 : i32
    %and3A_717 = vector.broadcast %and3A_716 : i32 to vector<16xi32>
    %and3A_718 = arith.andi %get3A_715, %and3A_717 : vector<16xi32>
    %jit3A_719 = arith.constant 2 : i32
    %jit3A_720 = arith.constant 509 : i32
    %max3A_721 = vector.broadcast %jit3A_719 : i32 to vector<16xi32>
    %max3A_722 = arith.maxsi %max3A_721, %and3A_718 : vector<16xi32>
    %min3A_723 = vector.broadcast %jit3A_720 : i32 to vector<16xi32>
    %min3A_724 = arith.minsi %min3A_723, %max3A_722 : vector<16xi32>
    %shift_right_arithmetic3A_725 = arith.constant 16 : i32
    %shift_right_arithmetic3A_726 = vector.broadcast %shift_right_arithmetic3A_725 : i32 to vector<16xi32>
    %shift_right_arithmetic3A_727 = arith.shrsi %get3A_715, %shift_right_arithmetic3A_726 : vector<16xi32>
    %jit3A_728 = arith.constant 2 : i32
    %jit3A_729 = arith.constant 509 : i32
    %max3A_730 = vector.broadcast %jit3A_728 : i32 to vector<16xi32>
    %max3A_731 = arith.maxsi %max3A_730, %shift_right_arithmetic3A_727 : vector<16xi32>
    %min3A_732 = vector.broadcast %jit3A_729 : i32 to vector<16xi32>
    %min3A_733 = arith.minsi %min3A_732, %max3A_731 : vector<16xi32>
    %mul3A_734 = arith.constant 1024 : i32
    %mul3A_735 = vector.broadcast %mul3A_734 : i32 to vector<16xi32>
    %mul3A_736 = arith.muli %min3A_733, %mul3A_735 : vector<16xi32>
    %shift_right_arithmetic3A_737 = arith.constant 3 : i32
    %shift_right_arithmetic3A_738 = vector.broadcast %shift_right_arithmetic3A_737 : i32 to vector<16xi32>
    %shift_right_arithmetic3A_739 = arith.shrsi %min3A_724, %shift_right_arithmetic3A_738 : vector<16xi32>
    %mul3A_740 = arith.constant 16 : i32
    %mul3A_741 = vector.broadcast %mul3A_740 : i32 to vector<16xi32>
    %mul3A_742 = arith.muli %shift_right_arithmetic3A_739, %mul3A_741 : vector<16xi32>
    %add3A_743 = arith.addi %mul3A_736, %mul3A_742 : vector<16xi32>
    %and3A_744 = arith.constant 7 : i32
    %and3A_745 = vector.broadcast %and3A_744 : i32 to vector<16xi32>
    %and3A_746 = arith.andi %min3A_724, %and3A_745 : vector<16xi32>
    %add3A_747 = arith.addi %add3A_743, %and3A_746 : vector<16xi32>
    %swap3A_748 = arith.constant 3 : i32
    %swap3A_749 = arith.index_cast %swap3A_748 : i32 to index
    %swap3A_750 = arith.constant 16 : index
    %swap3A_751 = tpu.vector_load %arg6[%swap3A_749, %swap3A_750] {strides = array<i32>} : memref<10x128xi32, #tpu.memory_space<vmem>>, vector<1x16xi32>,
    %swap3A_752 = vector.shape_cast %swap3A_751 : vector<1x16xi32> to vector<16xi32>
    %swap3A_753 = vector.shape_cast %add3A_747 : vector<16xi32> to vector<1x16xi32>
    tpu.vector_store %arg6[%swap3A_749, %swap3A_750], %swap3A_753 {strides = array<i32>} : memref<10x128xi32, #tpu.memory_space<vmem>>, vector<1x16xi32>,
    %add3A_754 = arith.constant 8 : i32
    %add3A_755 = vector.broadcast %add3A_754 : i32 to vector<16xi32>
    %add3A_756 = arith.addi %add3A_747, %add3A_755 : vector<16xi32>
    %swap3A_757 = arith.constant 3 : i32
    %swap3A_758 = arith.index_cast %swap3A_757 : i32 to index
    %swap3A_759 = arith.constant 80 : index
    %swap3A_760 = tpu.vector_load %arg6[%swap3A_758, %swap3A_759] {strides = array<i32>} : memref<10x128xi32, #tpu.memory_space<vmem>>, vector<1x16xi32>,
    %swap3A_761 = vector.shape_cast %swap3A_760 : vector<1x16xi32> to vector<16xi32>
    %swap3A_762 = vector.shape_cast %add3A_756 : vector<16xi32> to vector<1x16xi32>
    tpu.vector_store %arg6[%swap3A_758, %swap3A_759], %swap3A_762 {strides = array<i32>} : memref<10x128xi32, #tpu.memory_space<vmem>>, vector<1x16xi32>,
    %get3A_763 = arith.constant 224 : index
    %get3A_764 = tpu.vector_load %arg5[%get3A_763] {strides = array<i32>} : memref<640xi32, #tpu.memory_space<vmem>>, vector<16xi32>,
    %get3A_765 = vector.shape_cast %get3A_764 : vector<16xi32> to vector<16xi32>
    %and3A_766 = arith.constant 65535 : i32
    %and3A_767 = vector.broadcast %and3A_766 : i32 to vector<16xi32>
    %and3A_768 = arith.andi %get3A_765, %and3A_767 : vector<16xi32>
    %jit3A_769 = arith.constant 2 : i32
    %jit3A_770 = arith.constant 509 : i32
    %max3A_771 = vector.broadcast %jit3A_769 : i32 to vector<16xi32>
    %max3A_772 = arith.maxsi %max3A_771, %and3A_768 : vector<16xi32>
    %min3A_773 = vector.broadcast %jit3A_770 : i32 to vector<16xi32>
    %min3A_774 = arith.minsi %min3A_773, %max3A_772 : vector<16xi32>
    %shift_right_arithmetic3A_775 = arith.constant 16 : i32
    %shift_right_arithmetic3A_776 = vector.broadcast %shift_right_arithmetic3A_775 : i32 to vector<16xi32>
    %shift_right_arithmetic3A_777 = arith.shrsi %get3A_765, %shift_right_arithmetic3A_776 : vector<16xi32>
    %jit3A_778 = arith.constant 2 : i32
    %jit3A_779 = arith.constant 509 : i32
    %max3A_780 = vector.broadcast %jit3A_778 : i32 to vector<16xi32>
    %max3A_781 = arith.maxsi %max3A_780, %shift_right_arithmetic3A_777 : vector<16xi32>
    %min3A_782 = vector.broadcast %jit3A_779 : i32 to vector<16xi32>
    %min3A_783 = arith.minsi %min3A_782, %max3A_781 : vector<16xi32>
    %mul3A_784 = arith.constant 1024 : i32
    %mul3A_785 = vector.broadcast %mul3A_784 : i32 to vector<16xi32>
    %mul3A_786 = arith.muli %min3A_783, %mul3A_785 : vector<16xi32>
    %shift_right_arithmetic3A_787 = arith.constant 3 : i32
    %shift_right_arithmetic3A_788 = vector.broadcast %shift_right_arithmetic3A_787 : i32 to vector<16xi32>
    %shift_right_arithmetic3A_789 = arith.shrsi %min3A_774, %shift_right_arithmetic3A_788 : vector<16xi32>
    %mul3A_790 = arith.constant 16 : i32
    %mul3A_791 = vector.broadcast %mul3A_790 : i32 to vector<16xi32>
    %mul3A_792 = arith.muli %shift_right_arithmetic3A_789, %mul3A_791 : vector<16xi32>
    %add3A_793 = arith.addi %mul3A_786, %mul3A_792 : vector<16xi32>
    %and3A_794 = arith.constant 7 : i32
    %and3A_795 = vector.broadcast %and3A_794 : i32 to vector<16xi32>
    %and3A_796 = arith.andi %min3A_774, %and3A_795 : vector<16xi32>
    %add3A_797 = arith.addi %add3A_793, %and3A_796 : vector<16xi32>
    %swap3A_798 = arith.constant 3 : i32
    %swap3A_799 = arith.index_cast %swap3A_798 : i32 to index
    %swap3A_800 = arith.constant 32 : index
    %swap3A_801 = tpu.vector_load %arg6[%swap3A_799, %swap3A_800] {strides = array<i32>} : memref<10x128xi32, #tpu.memory_space<vmem>>, vector<1x16xi32>,
    %swap3A_802 = vector.shape_cast %swap3A_801 : vector<1x16xi32> to vector<16xi32>
    %swap3A_803 = vector.shape_cast %add3A_797 : vector<16xi32> to vector<1x16xi32>
    tpu.vector_store %arg6[%swap3A_799, %swap3A_800], %swap3A_803 {strides = array<i32>} : memref<10x128xi32, #tpu.memory_space<vmem>>, vector<1x16xi32>,
    %add3A_804 = arith.constant 8 : i32
    %add3A_805 = vector.broadcast %add3A_804 : i32 to vector<16xi32>
    %add3A_806 = arith.addi %add3A_797, %add3A_805 : vector<16xi32>
    %swap3A_807 = arith.constant 3 : i32
    %swap3A_808 = arith.index_cast %swap3A_807 : i32 to index
    %swap3A_809 = arith.constant 96 : index
    %swap3A_810 = tpu.vector_load %arg6[%swap3A_808, %swap3A_809] {strides = array<i32>} : memref<10x128xi32, #tpu.memory_space<vmem>>, vector<1x16xi32>,
    %swap3A_811 = vector.shape_cast %swap3A_810 : vector<1x16xi32> to vector<16xi32>
    %swap3A_812 = vector.shape_cast %add3A_806 : vector<16xi32> to vector<1x16xi32>
    tpu.vector_store %arg6[%swap3A_808, %swap3A_809], %swap3A_812 {strides = array<i32>} : memref<10x128xi32, #tpu.memory_space<vmem>>, vector<1x16xi32>,
    %get3A_813 = arith.constant 240 : index
    %get3A_814 = tpu.vector_load %arg5[%get3A_813] {strides = array<i32>} : memref<640xi32, #tpu.memory_space<vmem>>, vector<16xi32>,
    %get3A_815 = vector.shape_cast %get3A_814 : vector<16xi32> to vector<16xi32>
    %and3A_816 = arith.constant 65535 : i32
    %and3A_817 = vector.broadcast %and3A_816 : i32 to vector<16xi32>
    %and3A_818 = arith.andi %get3A_815, %and3A_817 : vector<16xi32>
    %jit3A_819 = arith.constant 2 : i32
    %jit3A_820 = arith.constant 509 : i32
    %max3A_821 = vector.broadcast %jit3A_819 : i32 to vector<16xi32>
    %max3A_822 = arith.maxsi %max3A_821, %and3A_818 : vector<16xi32>
    %min3A_823 = vector.broadcast %jit3A_820 : i32 to vector<16xi32>
    %min3A_824 = arith.minsi %min3A_823, %max3A_822 : vector<16xi32>
    %shift_right_arithmetic3A_825 = arith.constant 16 : i32
    %shift_right_arithmetic3A_826 = vector.broadcast %shift_right_arithmetic3A_825 : i32 to vector<16xi32>
    %shift_right_arithmetic3A_827 = arith.shrsi %get3A_815, %shift_right_arithmetic3A_826 : vector<16xi32>
    %jit3A_828 = arith.constant 2 : i32
    %jit3A_829 = arith.constant 509 : i32
    %max3A_830 = vector.broadcast %jit3A_828 : i32 to vector<16xi32>
    %max3A_831 = arith.maxsi %max3A_830, %shift_right_arithmetic3A_827 : vector<16xi32>
    %min3A_832 = vector.broadcast %jit3A_829 : i32 to vector<16xi32>
    %min3A_833 = arith.minsi %min3A_832, %max3A_831 : vector<16xi32>
    %mul3A_834 = arith.constant 1024 : i32
    %mul3A_835 = vector.broadcast %mul3A_834 : i32 to vector<16xi32>
    %mul3A_836 = arith.muli %min3A_833, %mul3A_835 : vector<16xi32>
    %shift_right_arithmetic3A_837 = arith.constant 3 : i32
    %shift_right_arithmetic3A_838 = vector.broadcast %shift_right_arithmetic3A_837 : i32 to vector<16xi32>
    %shift_right_arithmetic3A_839 = arith.shrsi %min3A_824, %shift_right_arithmetic3A_838 : vector<16xi32>
    %mul3A_840 = arith.constant 16 : i32
    %mul3A_841 = vector.broadcast %mul3A_840 : i32 to vector<16xi32>
    %mul3A_842 = arith.muli %shift_right_arithmetic3A_839, %mul3A_841 : vector<16xi32>
    %add3A_843 = arith.addi %mul3A_836, %mul3A_842 : vector<16xi32>
    %and3A_844 = arith.constant 7 : i32
    %and3A_845 = vector.broadcast %and3A_844 : i32 to vector<16xi32>
    %and3A_846 = arith.andi %min3A_824, %and3A_845 : vector<16xi32>
    %add3A_847 = arith.addi %add3A_843, %and3A_846 : vector<16xi32>
    %swap3A_848 = arith.constant 3 : i32
    %swap3A_849 = arith.index_cast %swap3A_848 : i32 to index
    %swap3A_850 = arith.constant 48 : index
    %swap3A_851 = tpu.vector_load %arg6[%swap3A_849, %swap3A_850] {strides = array<i32>} : memref<10x128xi32, #tpu.memory_space<vmem>>, vector<1x16xi32>,
    %swap3A_852 = vector.shape_cast %swap3A_851 : vector<1x16xi32> to vector<16xi32>
    %swap3A_853 = vector.shape_cast %add3A_847 : vector<16xi32> to vector<1x16xi32>
    tpu.vector_store %arg6[%swap3A_849, %swap3A_850], %swap3A_853 {strides = array<i32>} : memref<10x128xi32, #tpu.memory_space<vmem>>, vector<1x16xi32>,
    %add3A_854 = arith.constant 8 : i32
    %add3A_855 = vector.broadcast %add3A_854 : i32 to vector<16xi32>
    %add3A_856 = arith.addi %add3A_847, %add3A_855 : vector<16xi32>
    %swap3A_857 = arith.constant 3 : i32
    %swap3A_858 = arith.index_cast %swap3A_857 : i32 to index
    %swap3A_859 = arith.constant 112 : index
    %swap3A_860 = tpu.vector_load %arg6[%swap3A_858, %swap3A_859] {strides = array<i32>} : memref<10x128xi32, #tpu.memory_space<vmem>>, vector<1x16xi32>,
    %swap3A_861 = vector.shape_cast %swap3A_860 : vector<1x16xi32> to vector<16xi32>
    %swap3A_862 = vector.shape_cast %add3A_856 : vector<16xi32> to vector<1x16xi32>
    tpu.vector_store %arg6[%swap3A_858, %swap3A_859], %swap3A_862 {strides = array<i32>} : memref<10x128xi32, #tpu.memory_space<vmem>>, vector<1x16xi32>,
    %dma_start3A_863 = arith.constant 3 : i32
    %dma_start3A_864 = arith.constant 1 : i32
    %dma_start3A_865 = arith.constant 0 : i32
    %dma_start3A_866 = arith.constant 0 : i32
    %dma_start3A_867 = tpu.memref_slice %arg7[%dma_start3A_864, %dma_start3A_865, %dma_start3A_866] : memref<2x128x128xf32, #tpu.memory_space<vmem>> -> memref<1x128x128xf32, #tpu.memory_space<vmem>>
    %dma_start3A_868 = tpu.memref_squeeze %dma_start3A_867 : memref<1x128x128xf32, #tpu.memory_space<vmem>> -> memref<128x128xf32, #tpu.memory_space<vmem>>
    %dma_start3A_869 = arith.constant 0 : i32
    %dma_start3A_870 = tpu.memref_slice %arg6[%dma_start3A_863, %dma_start3A_869] : memref<10x128xi32, #tpu.memory_space<vmem>> -> memref<1x128xi32, #tpu.memory_space<vmem>>
    %dma_start3A_871 = tpu.memref_squeeze %dma_start3A_870 : memref<1x128xi32, #tpu.memory_space<vmem>> -> memref<128xi32, #tpu.memory_space<vmem>>
    %dma_start3A_872 = arith.constant 0 : i32
    %dma_start3A_873 = arith.constant 0 : i32
    %dma_start3A_874 = tpu.memref_slice %arg2[%dma_start3A_872, %dma_start3A_873] : memref<524288x128xf32, #tpu.memory_space<hbm>> -> memref<524288x128xf32, #tpu.memory_space<hbm>>
    tpu.enqueue_indirect_dma source(%dma_start3A_874 : memref<524288x128xf32, #tpu.memory_space<hbm>>) target(%dma_start3A_868 : memref<128x128xf32, #tpu.memory_space<vmem>>) offsets(%dma_start3A_871 : memref<128xi32, #tpu.memory_space<vmem>>) semaphore(%arg9 : memref<!tpu.dma_semaphore, #tpu.memory_space<semaphore_mem>>)
    %dma_wait3A_875 = arith.constant 2 : i32
    %dma_wait3A_876 = arith.constant 0 : i32
    %dma_wait3A_877 = arith.constant 0 : i32
    %dma_wait3A_878 = arith.constant 0 : i32
    %dma_wait3A_879 = tpu.memref_slice %arg7[%dma_wait3A_876, %dma_wait3A_877, %dma_wait3A_878] : memref<2x128x128xf32, #tpu.memory_space<vmem>> -> memref<1x128x128xf32, #tpu.memory_space<vmem>>
    %dma_wait3A_880 = tpu.memref_squeeze %dma_wait3A_879 : memref<1x128x128xf32, #tpu.memory_space<vmem>> -> memref<128x128xf32, #tpu.memory_space<vmem>>
    %dma_wait3A_881 = arith.constant 0 : i32
    %dma_wait3A_882 = tpu.memref_slice %arg6[%dma_wait3A_875, %dma_wait3A_881] : memref<10x128xi32, #tpu.memory_space<vmem>> -> memref<1x128xi32, #tpu.memory_space<vmem>>
    %dma_wait3A_883 = tpu.memref_squeeze %dma_wait3A_882 : memref<1x128xi32, #tpu.memory_space<vmem>> -> memref<128xi32, #tpu.memory_space<vmem>>
    %dma_wait3A_884 = arith.constant 0 : i32
    %dma_wait3A_885 = arith.constant 0 : i32
    %dma_wait3A_886 = tpu.memref_slice %arg2[%dma_wait3A_884, %dma_wait3A_885] : memref<524288x128xf32, #tpu.memory_space<hbm>> -> memref<524288x128xf32, #tpu.memory_space<hbm>>
    tpu.wait_indirect_dma semaphore(%arg8 : memref<!tpu.dma_semaphore, #tpu.memory_space<semaphore_mem>>) src(%dma_wait3A_886 : memref<524288x128xf32, #tpu.memory_space<hbm>>) dst(%dma_wait3A_880 : memref<128x128xf32, #tpu.memory_space<vmem>>)
    %add3A_887 = arith.constant 128 : i32
    %add3A_888 = arith.addi %min3A_3, %add3A_887 : i32
    %run_scoped3A_889 = arith.constant 0 : i32
    "tpu.region"() ({
      %run_scoped3A_2275 = tpu.sem_alloc : memref<!tpu.dma_semaphore, #tpu.memory_space<semaphore_mem>>
      %dma_start3A_2276 = arith.constant 0 : i32
      %dma_start3A_2277 = arith.constant 0 : i32
      %dma_start3A_2278 = tpu.memref_slice %arg7[%run_scoped3A_889, %dma_start3A_2276, %dma_start3A_2277] : memref<2x128x128xf32, #tpu.memory_space<vmem>> -> memref<1x128x128xf32, #tpu.memory_space<vmem>>
      %dma_start3A_2279 = tpu.memref_squeeze %dma_start3A_2278 : memref<1x128x128xf32, #tpu.memory_space<vmem>> -> memref<128x128xf32, #tpu.memory_space<vmem>>
      %dma_start3A_2280 = arith.constant 0 : i32
      %dma_start3A_2281 = arith.constant 0 : i32
      %dma_start3A_2282 = tpu.memref_slice %dma_start3A_2279[%dma_start3A_2280, %dma_start3A_2281] : memref<128x128xf32, #tpu.memory_space<vmem>> -> memref<64x128xf32, #tpu.memory_space<vmem>>
      %dma_start3A_2283 = arith.constant 0 : i32
      %dma_start3A_2284 = tpu.memref_slice %arg4[%add3A_888, %dma_start3A_2283] : memref<20000x192xf32, #tpu.memory_space<hbm>> -> memref<64x128xf32, #tpu.memory_space<hbm>>
      %dma_start3A_2285 = arith.constant 0 : i32
      %dma_start3A_2286 = tpu.memref_slice %arg4[%add3A_888, %dma_start3A_2285] : memref<20000x192xf32, #tpu.memory_space<hbm>> -> memref<64x128xf32, #tpu.memory_space<hbm>>
      %dma_start3A_2287 = arith.constant 0 : i32
      %dma_start3A_2288 = arith.constant 0 : i32
      %dma_start3A_2289 = tpu.memref_slice %arg7[%run_scoped3A_889, %dma_start3A_2287, %dma_start3A_2288] : memref<2x128x128xf32, #tpu.memory_space<vmem>> -> memref<1x128x128xf32, #tpu.memory_space<vmem>>
      %dma_start3A_2290 = tpu.memref_squeeze %dma_start3A_2289 : memref<1x128x128xf32, #tpu.memory_space<vmem>> -> memref<128x128xf32, #tpu.memory_space<vmem>>
      %dma_start3A_2291 = arith.constant 0 : i32
      %dma_start3A_2292 = arith.constant 0 : i32
      %dma_start3A_2293 = tpu.memref_slice %dma_start3A_2290[%dma_start3A_2291, %dma_start3A_2292] : memref<128x128xf32, #tpu.memory_space<vmem>> -> memref<64x128xf32, #tpu.memory_space<vmem>>
      tpu.enqueue_dma source(%dma_start3A_2293 : memref<64x128xf32, #tpu.memory_space<vmem>>) target(%dma_start3A_2286 : memref<64x128xf32, #tpu.memory_space<hbm>>) target_semaphore(%run_scoped3A_2275 : memref<!tpu.dma_semaphore, #tpu.memory_space<semaphore_mem>>)
      %dma_wait3A_2294 = arith.constant 0 : i32
      %dma_wait3A_2295 = arith.constant 0 : i32
      %dma_wait3A_2296 = tpu.memref_slice %arg7[%run_scoped3A_889, %dma_wait3A_2294, %dma_wait3A_2295] : memref<2x128x128xf32, #tpu.memory_space<vmem>> -> memref<1x128x128xf32, #tpu.memory_space<vmem>>
      %dma_wait3A_2297 = tpu.memref_squeeze %dma_wait3A_2296 : memref<1x128x128xf32, #tpu.memory_space<vmem>> -> memref<128x128xf32, #tpu.memory_space<vmem>>
      %dma_wait3A_2298 = arith.constant 0 : i32
      %dma_wait3A_2299 = arith.constant 0 : i32
      %dma_wait3A_2300 = tpu.memref_slice %dma_wait3A_2297[%dma_wait3A_2298, %dma_wait3A_2299] : memref<128x128xf32, #tpu.memory_space<vmem>> -> memref<64x128xf32, #tpu.memory_space<vmem>>
      %dma_wait3A_2301 = arith.constant 0 : i32
      %dma_wait3A_2302 = tpu.memref_slice %arg4[%add3A_888, %dma_wait3A_2301] : memref<20000x192xf32, #tpu.memory_space<hbm>> -> memref<64x128xf32, #tpu.memory_space<hbm>>
      %dma_wait3A_2303 = arith.constant 0 : i32
      %dma_wait3A_2304 = tpu.memref_slice %arg4[%add3A_888, %dma_wait3A_2303] : memref<20000x192xf32, #tpu.memory_space<hbm>> -> memref<64x128xf32, #tpu.memory_space<hbm>>
      %dma_wait3A_2305 = arith.constant 0 : i32
      %dma_wait3A_2306 = arith.constant 0 : i32
      %dma_wait3A_2307 = tpu.memref_slice %arg7[%run_scoped3A_889, %dma_wait3A_2305, %dma_wait3A_2306] : memref<2x128x128xf32, #tpu.memory_space<vmem>> -> memref<1x128x128xf32, #tpu.memory_space<vmem>>
      %dma_wait3A_2308 = tpu.memref_squeeze %dma_wait3A_2307 : memref<1x128x128xf32, #tpu.memory_space<vmem>> -> memref<128x128xf32, #tpu.memory_space<vmem>>
      %dma_wait3A_2309 = arith.constant 0 : i32
      %dma_wait3A_2310 = arith.constant 0 : i32
      %dma_wait3A_2311 = tpu.memref_slice %dma_wait3A_2308[%dma_wait3A_2309, %dma_wait3A_2310] : memref<128x128xf32, #tpu.memory_space<vmem>> -> memref<64x128xf32, #tpu.memory_space<vmem>>
      tpu.wait_dma2 semaphore(%run_scoped3A_2275 : memref<!tpu.dma_semaphore, #tpu.memory_space<semaphore_mem>>) src(%dma_wait3A_2311 : memref<64x128xf32, #tpu.memory_space<vmem>>) dst(%dma_wait3A_2304 : memref<64x128xf32, #tpu.memory_space<hbm>>)
      tpu.yield
    }) : () -> ()
    %run_scoped3A_890 = arith.constant 0 : i32
    "tpu.region"() ({
      %run_scoped3A_2275 = tpu.sem_alloc : memref<!tpu.dma_semaphore, #tpu.memory_space<semaphore_mem>>
      %dma_start3A_2276 = arith.constant 0 : i32
      %dma_start3A_2277 = arith.constant 0 : i32
      %dma_start3A_2278 = tpu.memref_slice %arg7[%run_scoped3A_890, %dma_start3A_2276, %dma_start3A_2277] : memref<2x128x128xf32, #tpu.memory_space<vmem>> -> memref<1x128x128xf32, #tpu.memory_space<vmem>>
      %dma_start3A_2279 = tpu.memref_squeeze %dma_start3A_2278 : memref<1x128x128xf32, #tpu.memory_space<vmem>> -> memref<128x128xf32, #tpu.memory_space<vmem>>
      %dma_start3A_2280 = arith.constant 64 : i32
      %dma_start3A_2281 = arith.constant 0 : i32
      %dma_start3A_2282 = tpu.memref_slice %dma_start3A_2279[%dma_start3A_2280, %dma_start3A_2281] : memref<128x128xf32, #tpu.memory_space<vmem>> -> memref<64x64xf32, #tpu.memory_space<vmem>>
      %dma_start3A_2283 = arith.constant 128 : i32
      %dma_start3A_2284 = tpu.memref_slice %arg4[%add3A_888, %dma_start3A_2283] : memref<20000x192xf32, #tpu.memory_space<hbm>> -> memref<64x64xf32, #tpu.memory_space<hbm>>
      %dma_start3A_2285 = arith.constant 128 : i32
      %dma_start3A_2286 = tpu.memref_slice %arg4[%add3A_888, %dma_start3A_2285] : memref<20000x192xf32, #tpu.memory_space<hbm>> -> memref<64x64xf32, #tpu.memory_space<hbm>>
      %dma_start3A_2287 = arith.constant 0 : i32
      %dma_start3A_2288 = arith.constant 0 : i32
      %dma_start3A_2289 = tpu.memref_slice %arg7[%run_scoped3A_890, %dma_start3A_2287, %dma_start3A_2288] : memref<2x128x128xf32, #tpu.memory_space<vmem>> -> memref<1x128x128xf32, #tpu.memory_space<vmem>>
      %dma_start3A_2290 = tpu.memref_squeeze %dma_start3A_2289 : memref<1x128x128xf32, #tpu.memory_space<vmem>> -> memref<128x128xf32, #tpu.memory_space<vmem>>
      %dma_start3A_2291 = arith.constant 64 : i32
      %dma_start3A_2292 = arith.constant 0 : i32
      %dma_start3A_2293 = tpu.memref_slice %dma_start3A_2290[%dma_start3A_2291, %dma_start3A_2292] : memref<128x128xf32, #tpu.memory_space<vmem>> -> memref<64x64xf32, #tpu.memory_space<vmem>>
      tpu.enqueue_dma source(%dma_start3A_2293 : memref<64x64xf32, #tpu.memory_space<vmem>>) target(%dma_start3A_2286 : memref<64x64xf32, #tpu.memory_space<hbm>>) target_semaphore(%run_scoped3A_2275 : memref<!tpu.dma_semaphore, #tpu.memory_space<semaphore_mem>>)
      %dma_wait3A_2294 = arith.constant 0 : i32
      %dma_wait3A_2295 = arith.constant 0 : i32
      %dma_wait3A_2296 = tpu.memref_slice %arg7[%run_scoped3A_890, %dma_wait3A_2294, %dma_wait3A_2295] : memref<2x128x128xf32, #tpu.memory_space<vmem>> -> memref<1x128x128xf32, #tpu.memory_space<vmem>>
      %dma_wait3A_2297 = tpu.memref_squeeze %dma_wait3A_2296 : memref<1x128x128xf32, #tpu.memory_space<vmem>> -> memref<128x128xf32, #tpu.memory_space<vmem>>
      %dma_wait3A_2298 = arith.constant 64 : i32
      %dma_wait3A_2299 = arith.constant 0 : i32
      %dma_wait3A_2300 = tpu.memref_slice %dma_wait3A_2297[%dma_wait3A_2298, %dma_wait3A_2299] : memref<128x128xf32, #tpu.memory_space<vmem>> -> memref<64x64xf32, #tpu.memory_space<vmem>>
      %dma_wait3A_2301 = arith.constant 128 : i32
      %dma_wait3A_2302 = tpu.memref_slice %arg4[%add3A_888, %dma_wait3A_2301] : memref<20000x192xf32, #tpu.memory_space<hbm>> -> memref<64x64xf32, #tpu.memory_space<hbm>>
      %dma_wait3A_2303 = arith.constant 128 : i32
      %dma_wait3A_2304 = tpu.memref_slice %arg4[%add3A_888, %dma_wait3A_2303] : memref<20000x192xf32, #tpu.memory_space<hbm>> -> memref<64x64xf32, #tpu.memory_space<hbm>>
      %dma_wait3A_2305 = arith.constant 0 : i32
      %dma_wait3A_2306 = arith.constant 0 : i32
      %dma_wait3A_2307 = tpu.memref_slice %arg7[%run_scoped3A_890, %dma_wait3A_2305, %dma_wait3A_2306] : memref<2x128x128xf32, #tpu.memory_space<vmem>> -> memref<1x128x128xf32, #tpu.memory_space<vmem>>
      %dma_wait3A_2308 = tpu.memref_squeeze %dma_wait3A_2307 : memref<1x128x128xf32, #tpu.memory_space<vmem>> -> memref<128x128xf32, #tpu.memory_space<vmem>>
      %dma_wait3A_2309 = arith.constant 64 : i32
      %dma_wait3A_2310 = arith.constant 0 : i32
      %dma_wait3A_2311 = tpu.memref_slice %dma_wait3A_2308[%dma_wait3A_2309, %dma_wait3A_2310] : memref<128x128xf32, #tpu.memory_space<vmem>> -> memref<64x64xf32, #tpu.memory_space<vmem>>
      tpu.wait_dma2 semaphore(%run_scoped3A_2275 : memref<!tpu.dma_semaphore, #tpu.memory_space<semaphore_mem>>) src(%dma_wait3A_2311 : memref<64x64xf32, #tpu.memory_space<vmem>>) dst(%dma_wait3A_2304 : memref<64x64xf32, #tpu.memory_space<hbm>>)
      tpu.yield
    }) : () -> ()
    %get3A_891 = arith.constant 256 : index
    %get3A_892 = tpu.vector_load %arg5[%get3A_891] {strides = array<i32>} : memref<640xi32, #tpu.memory_space<vmem>>, vector<16xi32>,
    %get3A_893 = vector.shape_cast %get3A_892 : vector<16xi32> to vector<16xi32>
    %and3A_894 = arith.constant 65535 : i32
    %and3A_895 = vector.broadcast %and3A_894 : i32 to vector<16xi32>
    %and3A_896 = arith.andi %get3A_893, %and3A_895 : vector<16xi32>
    %jit3A_897 = arith.constant 2 : i32
    %jit3A_898 = arith.constant 509 : i32
    %max3A_899 = vector.broadcast %jit3A_897 : i32 to vector<16xi32>
    %max3A_900 = arith.maxsi %max3A_899, %and3A_896 : vector<16xi32>
    %min3A_901 = vector.broadcast %jit3A_898 : i32 to vector<16xi32>
    %min3A_902 = arith.minsi %min3A_901, %max3A_900 : vector<16xi32>
    %shift_right_arithmetic3A_903 = arith.constant 16 : i32
    %shift_right_arithmetic3A_904 = vector.broadcast %shift_right_arithmetic3A_903 : i32 to vector<16xi32>
    %shift_right_arithmetic3A_905 = arith.shrsi %get3A_893, %shift_right_arithmetic3A_904 : vector<16xi32>
    %jit3A_906 = arith.constant 2 : i32
    %jit3A_907 = arith.constant 509 : i32
    %max3A_908 = vector.broadcast %jit3A_906 : i32 to vector<16xi32>
    %max3A_909 = arith.maxsi %max3A_908, %shift_right_arithmetic3A_905 : vector<16xi32>
    %min3A_910 = vector.broadcast %jit3A_907 : i32 to vector<16xi32>
    %min3A_911 = arith.minsi %min3A_910, %max3A_909 : vector<16xi32>
    %mul3A_912 = arith.constant 1024 : i32
    %mul3A_913 = vector.broadcast %mul3A_912 : i32 to vector<16xi32>
    %mul3A_914 = arith.muli %min3A_911, %mul3A_913 : vector<16xi32>
    %shift_right_arithmetic3A_915 = arith.constant 3 : i32
    %shift_right_arithmetic3A_916 = vector.broadcast %shift_right_arithmetic3A_915 : i32 to vector<16xi32>
    %shift_right_arithmetic3A_917 = arith.shrsi %min3A_902, %shift_right_arithmetic3A_916 : vector<16xi32>
    %mul3A_918 = arith.constant 16 : i32
    %mul3A_919 = vector.broadcast %mul3A_918 : i32 to vector<16xi32>
    %mul3A_920 = arith.muli %shift_right_arithmetic3A_917, %mul3A_919 : vector<16xi32>
    %add3A_921 = arith.addi %mul3A_914, %mul3A_920 : vector<16xi32>
    %and3A_922 = arith.constant 7 : i32
    %and3A_923 = vector.broadcast %and3A_922 : i32 to vector<16xi32>
    %and3A_924 = arith.andi %min3A_902, %and3A_923 : vector<16xi32>
    %add3A_925 = arith.addi %add3A_921, %and3A_924 : vector<16xi32>
    %swap3A_926 = arith.constant 4 : i32
    %swap3A_927 = arith.index_cast %swap3A_926 : i32 to index
    %swap3A_928 = arith.constant 0 : index
    %swap3A_929 = tpu.vector_load %arg6[%swap3A_927, %swap3A_928] {strides = array<i32>} : memref<10x128xi32, #tpu.memory_space<vmem>>, vector<1x16xi32>,
    %swap3A_930 = vector.shape_cast %swap3A_929 : vector<1x16xi32> to vector<16xi32>
    %swap3A_931 = vector.shape_cast %add3A_925 : vector<16xi32> to vector<1x16xi32>
    tpu.vector_store %arg6[%swap3A_927, %swap3A_928], %swap3A_931 {strides = array<i32>} : memref<10x128xi32, #tpu.memory_space<vmem>>, vector<1x16xi32>,
    %add3A_932 = arith.constant 8 : i32
    %add3A_933 = vector.broadcast %add3A_932 : i32 to vector<16xi32>
    %add3A_934 = arith.addi %add3A_925, %add3A_933 : vector<16xi32>
    %swap3A_935 = arith.constant 4 : i32
    %swap3A_936 = arith.index_cast %swap3A_935 : i32 to index
    %swap3A_937 = arith.constant 64 : index
    %swap3A_938 = tpu.vector_load %arg6[%swap3A_936, %swap3A_937] {strides = array<i32>} : memref<10x128xi32, #tpu.memory_space<vmem>>, vector<1x16xi32>,
    %swap3A_939 = vector.shape_cast %swap3A_938 : vector<1x16xi32> to vector<16xi32>
    %swap3A_940 = vector.shape_cast %add3A_934 : vector<16xi32> to vector<1x16xi32>
    tpu.vector_store %arg6[%swap3A_936, %swap3A_937], %swap3A_940 {strides = array<i32>} : memref<10x128xi32, #tpu.memory_space<vmem>>, vector<1x16xi32>,
    %get3A_941 = arith.constant 272 : index
    %get3A_942 = tpu.vector_load %arg5[%get3A_941] {strides = array<i32>} : memref<640xi32, #tpu.memory_space<vmem>>, vector<16xi32>,
    %get3A_943 = vector.shape_cast %get3A_942 : vector<16xi32> to vector<16xi32>
    %and3A_944 = arith.constant 65535 : i32
    %and3A_945 = vector.broadcast %and3A_944 : i32 to vector<16xi32>
    %and3A_946 = arith.andi %get3A_943, %and3A_945 : vector<16xi32>
    %jit3A_947 = arith.constant 2 : i32
    %jit3A_948 = arith.constant 509 : i32
    %max3A_949 = vector.broadcast %jit3A_947 : i32 to vector<16xi32>
    %max3A_950 = arith.maxsi %max3A_949, %and3A_946 : vector<16xi32>
    %min3A_951 = vector.broadcast %jit3A_948 : i32 to vector<16xi32>
    %min3A_952 = arith.minsi %min3A_951, %max3A_950 : vector<16xi32>
    %shift_right_arithmetic3A_953 = arith.constant 16 : i32
    %shift_right_arithmetic3A_954 = vector.broadcast %shift_right_arithmetic3A_953 : i32 to vector<16xi32>
    %shift_right_arithmetic3A_955 = arith.shrsi %get3A_943, %shift_right_arithmetic3A_954 : vector<16xi32>
    %jit3A_956 = arith.constant 2 : i32
    %jit3A_957 = arith.constant 509 : i32
    %max3A_958 = vector.broadcast %jit3A_956 : i32 to vector<16xi32>
    %max3A_959 = arith.maxsi %max3A_958, %shift_right_arithmetic3A_955 : vector<16xi32>
    %min3A_960 = vector.broadcast %jit3A_957 : i32 to vector<16xi32>
    %min3A_961 = arith.minsi %min3A_960, %max3A_959 : vector<16xi32>
    %mul3A_962 = arith.constant 1024 : i32
    %mul3A_963 = vector.broadcast %mul3A_962 : i32 to vector<16xi32>
    %mul3A_964 = arith.muli %min3A_961, %mul3A_963 : vector<16xi32>
    %shift_right_arithmetic3A_965 = arith.constant 3 : i32
    %shift_right_arithmetic3A_966 = vector.broadcast %shift_right_arithmetic3A_965 : i32 to vector<16xi32>
    %shift_right_arithmetic3A_967 = arith.shrsi %min3A_952, %shift_right_arithmetic3A_966 : vector<16xi32>
    %mul3A_968 = arith.constant 16 : i32
    %mul3A_969 = vector.broadcast %mul3A_968 : i32 to vector<16xi32>
    %mul3A_970 = arith.muli %shift_right_arithmetic3A_967, %mul3A_969 : vector<16xi32>
    %add3A_971 = arith.addi %mul3A_964, %mul3A_970 : vector<16xi32>
    %and3A_972 = arith.constant 7 : i32
    %and3A_973 = vector.broadcast %and3A_972 : i32 to vector<16xi32>
    %and3A_974 = arith.andi %min3A_952, %and3A_973 : vector<16xi32>
    %add3A_975 = arith.addi %add3A_971, %and3A_974 : vector<16xi32>
    %swap3A_976 = arith.constant 4 : i32
    %swap3A_977 = arith.index_cast %swap3A_976 : i32 to index
    %swap3A_978 = arith.constant 16 : index
    %swap3A_979 = tpu.vector_load %arg6[%swap3A_977, %swap3A_978] {strides = array<i32>} : memref<10x128xi32, #tpu.memory_space<vmem>>, vector<1x16xi32>,
    %swap3A_980 = vector.shape_cast %swap3A_979 : vector<1x16xi32> to vector<16xi32>
    %swap3A_981 = vector.shape_cast %add3A_975 : vector<16xi32> to vector<1x16xi32>
    tpu.vector_store %arg6[%swap3A_977, %swap3A_978], %swap3A_981 {strides = array<i32>} : memref<10x128xi32, #tpu.memory_space<vmem>>, vector<1x16xi32>,
    %add3A_982 = arith.constant 8 : i32
    %add3A_983 = vector.broadcast %add3A_982 : i32 to vector<16xi32>
    %add3A_984 = arith.addi %add3A_975, %add3A_983 : vector<16xi32>
    %swap3A_985 = arith.constant 4 : i32
    %swap3A_986 = arith.index_cast %swap3A_985 : i32 to index
    %swap3A_987 = arith.constant 80 : index
    %swap3A_988 = tpu.vector_load %arg6[%swap3A_986, %swap3A_987] {strides = array<i32>} : memref<10x128xi32, #tpu.memory_space<vmem>>, vector<1x16xi32>,
    %swap3A_989 = vector.shape_cast %swap3A_988 : vector<1x16xi32> to vector<16xi32>
    %swap3A_990 = vector.shape_cast %add3A_984 : vector<16xi32> to vector<1x16xi32>
    tpu.vector_store %arg6[%swap3A_986, %swap3A_987], %swap3A_990 {strides = array<i32>} : memref<10x128xi32, #tpu.memory_space<vmem>>, vector<1x16xi32>,
    %get3A_991 = arith.constant 288 : index
    %get3A_992 = tpu.vector_load %arg5[%get3A_991] {strides = array<i32>} : memref<640xi32, #tpu.memory_space<vmem>>, vector<16xi32>,
    %get3A_993 = vector.shape_cast %get3A_992 : vector<16xi32> to vector<16xi32>
    %and3A_994 = arith.constant 65535 : i32
    %and3A_995 = vector.broadcast %and3A_994 : i32 to vector<16xi32>
    %and3A_996 = arith.andi %get3A_993, %and3A_995 : vector<16xi32>
    %jit3A_997 = arith.constant 2 : i32
    %jit3A_998 = arith.constant 509 : i32
    %max3A_999 = vector.broadcast %jit3A_997 : i32 to vector<16xi32>
    %max3A_1000 = arith.maxsi %max3A_999, %and3A_996 : vector<16xi32>
    %min3A_1001 = vector.broadcast %jit3A_998 : i32 to vector<16xi32>
    %min3A_1002 = arith.minsi %min3A_1001, %max3A_1000 : vector<16xi32>
    %shift_right_arithmetic3A_1003 = arith.constant 16 : i32
    %shift_right_arithmetic3A_1004 = vector.broadcast %shift_right_arithmetic3A_1003 : i32 to vector<16xi32>
    %shift_right_arithmetic3A_1005 = arith.shrsi %get3A_993, %shift_right_arithmetic3A_1004 : vector<16xi32>
    %jit3A_1006 = arith.constant 2 : i32
    %jit3A_1007 = arith.constant 509 : i32
    %max3A_1008 = vector.broadcast %jit3A_1006 : i32 to vector<16xi32>
    %max3A_1009 = arith.maxsi %max3A_1008, %shift_right_arithmetic3A_1005 : vector<16xi32>
    %min3A_1010 = vector.broadcast %jit3A_1007 : i32 to vector<16xi32>
    %min3A_1011 = arith.minsi %min3A_1010, %max3A_1009 : vector<16xi32>
    %mul3A_1012 = arith.constant 1024 : i32
    %mul3A_1013 = vector.broadcast %mul3A_1012 : i32 to vector<16xi32>
    %mul3A_1014 = arith.muli %min3A_1011, %mul3A_1013 : vector<16xi32>
    %shift_right_arithmetic3A_1015 = arith.constant 3 : i32
    %shift_right_arithmetic3A_1016 = vector.broadcast %shift_right_arithmetic3A_1015 : i32 to vector<16xi32>
    %shift_right_arithmetic3A_1017 = arith.shrsi %min3A_1002, %shift_right_arithmetic3A_1016 : vector<16xi32>
    %mul3A_1018 = arith.constant 16 : i32
    %mul3A_1019 = vector.broadcast %mul3A_1018 : i32 to vector<16xi32>
    %mul3A_1020 = arith.muli %shift_right_arithmetic3A_1017, %mul3A_1019 : vector<16xi32>
    %add3A_1021 = arith.addi %mul3A_1014, %mul3A_1020 : vector<16xi32>
    %and3A_1022 = arith.constant 7 : i32
    %and3A_1023 = vector.broadcast %and3A_1022 : i32 to vector<16xi32>
    %and3A_1024 = arith.andi %min3A_1002, %and3A_1023 : vector<16xi32>
    %add3A_1025 = arith.addi %add3A_1021, %and3A_1024 : vector<16xi32>
    %swap3A_1026 = arith.constant 4 : i32
    %swap3A_1027 = arith.index_cast %swap3A_1026 : i32 to index
    %swap3A_1028 = arith.constant 32 : index
    %swap3A_1029 = tpu.vector_load %arg6[%swap3A_1027, %swap3A_1028] {strides = array<i32>} : memref<10x128xi32, #tpu.memory_space<vmem>>, vector<1x16xi32>,
    %swap3A_1030 = vector.shape_cast %swap3A_1029 : vector<1x16xi32> to vector<16xi32>
    %swap3A_1031 = vector.shape_cast %add3A_1025 : vector<16xi32> to vector<1x16xi32>
    tpu.vector_store %arg6[%swap3A_1027, %swap3A_1028], %swap3A_1031 {strides = array<i32>} : memref<10x128xi32, #tpu.memory_space<vmem>>, vector<1x16xi32>,
    %add3A_1032 = arith.constant 8 : i32
    %add3A_1033 = vector.broadcast %add3A_1032 : i32 to vector<16xi32>
    %add3A_1034 = arith.addi %add3A_1025, %add3A_1033 : vector<16xi32>
    %swap3A_1035 = arith.constant 4 : i32
    %swap3A_1036 = arith.index_cast %swap3A_1035 : i32 to index
    %swap3A_1037 = arith.constant 96 : index
    %swap3A_1038 = tpu.vector_load %arg6[%swap3A_1036, %swap3A_1037] {strides = array<i32>} : memref<10x128xi32, #tpu.memory_space<vmem>>, vector<1x16xi32>,
    %swap3A_1039 = vector.shape_cast %swap3A_1038 : vector<1x16xi32> to vector<16xi32>
    %swap3A_1040 = vector.shape_cast %add3A_1034 : vector<16xi32> to vector<1x16xi32>
    tpu.vector_store %arg6[%swap3A_1036, %swap3A_1037], %swap3A_1040 {strides = array<i32>} : memref<10x128xi32, #tpu.memory_space<vmem>>, vector<1x16xi32>,
    %get3A_1041 = arith.constant 304 : index
    %get3A_1042 = tpu.vector_load %arg5[%get3A_1041] {strides = array<i32>} : memref<640xi32, #tpu.memory_space<vmem>>, vector<16xi32>,
    %get3A_1043 = vector.shape_cast %get3A_1042 : vector<16xi32> to vector<16xi32>
    %and3A_1044 = arith.constant 65535 : i32
    %and3A_1045 = vector.broadcast %and3A_1044 : i32 to vector<16xi32>
    %and3A_1046 = arith.andi %get3A_1043, %and3A_1045 : vector<16xi32>
    %jit3A_1047 = arith.constant 2 : i32
    %jit3A_1048 = arith.constant 509 : i32
    %max3A_1049 = vector.broadcast %jit3A_1047 : i32 to vector<16xi32>
    %max3A_1050 = arith.maxsi %max3A_1049, %and3A_1046 : vector<16xi32>
    %min3A_1051 = vector.broadcast %jit3A_1048 : i32 to vector<16xi32>
    %min3A_1052 = arith.minsi %min3A_1051, %max3A_1050 : vector<16xi32>
    %shift_right_arithmetic3A_1053 = arith.constant 16 : i32
    %shift_right_arithmetic3A_1054 = vector.broadcast %shift_right_arithmetic3A_1053 : i32 to vector<16xi32>
    %shift_right_arithmetic3A_1055 = arith.shrsi %get3A_1043, %shift_right_arithmetic3A_1054 : vector<16xi32>
    %jit3A_1056 = arith.constant 2 : i32
    %jit3A_1057 = arith.constant 509 : i32
    %max3A_1058 = vector.broadcast %jit3A_1056 : i32 to vector<16xi32>
    %max3A_1059 = arith.maxsi %max3A_1058, %shift_right_arithmetic3A_1055 : vector<16xi32>
    %min3A_1060 = vector.broadcast %jit3A_1057 : i32 to vector<16xi32>
    %min3A_1061 = arith.minsi %min3A_1060, %max3A_1059 : vector<16xi32>
    %mul3A_1062 = arith.constant 1024 : i32
    %mul3A_1063 = vector.broadcast %mul3A_1062 : i32 to vector<16xi32>
    %mul3A_1064 = arith.muli %min3A_1061, %mul3A_1063 : vector<16xi32>
    %shift_right_arithmetic3A_1065 = arith.constant 3 : i32
    %shift_right_arithmetic3A_1066 = vector.broadcast %shift_right_arithmetic3A_1065 : i32 to vector<16xi32>
    %shift_right_arithmetic3A_1067 = arith.shrsi %min3A_1052, %shift_right_arithmetic3A_1066 : vector<16xi32>
    %mul3A_1068 = arith.constant 16 : i32
    %mul3A_1069 = vector.broadcast %mul3A_1068 : i32 to vector<16xi32>
    %mul3A_1070 = arith.muli %shift_right_arithmetic3A_1067, %mul3A_1069 : vector<16xi32>
    %add3A_1071 = arith.addi %mul3A_1064, %mul3A_1070 : vector<16xi32>
    %and3A_1072 = arith.constant 7 : i32
    %and3A_1073 = vector.broadcast %and3A_1072 : i32 to vector<16xi32>
    %and3A_1074 = arith.andi %min3A_1052, %and3A_1073 : vector<16xi32>
    %add3A_1075 = arith.addi %add3A_1071, %and3A_1074 : vector<16xi32>
    %swap3A_1076 = arith.constant 4 : i32
    %swap3A_1077 = arith.index_cast %swap3A_1076 : i32 to index
    %swap3A_1078 = arith.constant 48 : index
    %swap3A_1079 = tpu.vector_load %arg6[%swap3A_1077, %swap3A_1078] {strides = array<i32>} : memref<10x128xi32, #tpu.memory_space<vmem>>, vector<1x16xi32>,
    %swap3A_1080 = vector.shape_cast %swap3A_1079 : vector<1x16xi32> to vector<16xi32>
    %swap3A_1081 = vector.shape_cast %add3A_1075 : vector<16xi32> to vector<1x16xi32>
    tpu.vector_store %arg6[%swap3A_1077, %swap3A_1078], %swap3A_1081 {strides = array<i32>} : memref<10x128xi32, #tpu.memory_space<vmem>>, vector<1x16xi32>,
    %add3A_1082 = arith.constant 8 : i32
    %add3A_1083 = vector.broadcast %add3A_1082 : i32 to vector<16xi32>
    %add3A_1084 = arith.addi %add3A_1075, %add3A_1083 : vector<16xi32>
    %swap3A_1085 = arith.constant 4 : i32
    %swap3A_1086 = arith.index_cast %swap3A_1085 : i32 to index
    %swap3A_1087 = arith.constant 112 : index
    %swap3A_1088 = tpu.vector_load %arg6[%swap3A_1086, %swap3A_1087] {strides = array<i32>} : memref<10x128xi32, #tpu.memory_space<vmem>>, vector<1x16xi32>,
    %swap3A_1089 = vector.shape_cast %swap3A_1088 : vector<1x16xi32> to vector<16xi32>
    %swap3A_1090 = vector.shape_cast %add3A_1084 : vector<16xi32> to vector<1x16xi32>
    tpu.vector_store %arg6[%swap3A_1086, %swap3A_1087], %swap3A_1090 {strides = array<i32>} : memref<10x128xi32, #tpu.memory_space<vmem>>, vector<1x16xi32>,
    %dma_start3A_1091 = arith.constant 4 : i32
    %dma_start3A_1092 = arith.constant 0 : i32
    %dma_start3A_1093 = arith.constant 0 : i32
    %dma_start3A_1094 = arith.constant 0 : i32
    %dma_start3A_1095 = tpu.memref_slice %arg7[%dma_start3A_1092, %dma_start3A_1093, %dma_start3A_1094] : memref<2x128x128xf32, #tpu.memory_space<vmem>> -> memref<1x128x128xf32, #tpu.memory_space<vmem>>
    %dma_start3A_1096 = tpu.memref_squeeze %dma_start3A_1095 : memref<1x128x128xf32, #tpu.memory_space<vmem>> -> memref<128x128xf32, #tpu.memory_space<vmem>>
    %dma_start3A_1097 = arith.constant 0 : i32
    %dma_start3A_1098 = tpu.memref_slice %arg6[%dma_start3A_1091, %dma_start3A_1097] : memref<10x128xi32, #tpu.memory_space<vmem>> -> memref<1x128xi32, #tpu.memory_space<vmem>>
    %dma_start3A_1099 = tpu.memref_squeeze %dma_start3A_1098 : memref<1x128xi32, #tpu.memory_space<vmem>> -> memref<128xi32, #tpu.memory_space<vmem>>
    %dma_start3A_1100 = arith.constant 0 : i32
    %dma_start3A_1101 = arith.constant 0 : i32
    %dma_start3A_1102 = tpu.memref_slice %arg2[%dma_start3A_1100, %dma_start3A_1101] : memref<524288x128xf32, #tpu.memory_space<hbm>> -> memref<524288x128xf32, #tpu.memory_space<hbm>>
    tpu.enqueue_indirect_dma source(%dma_start3A_1102 : memref<524288x128xf32, #tpu.memory_space<hbm>>) target(%dma_start3A_1096 : memref<128x128xf32, #tpu.memory_space<vmem>>) offsets(%dma_start3A_1099 : memref<128xi32, #tpu.memory_space<vmem>>) semaphore(%arg8 : memref<!tpu.dma_semaphore, #tpu.memory_space<semaphore_mem>>)
    %dma_wait3A_1103 = arith.constant 3 : i32
    %dma_wait3A_1104 = arith.constant 1 : i32
    %dma_wait3A_1105 = arith.constant 0 : i32
    %dma_wait3A_1106 = arith.constant 0 : i32
    %dma_wait3A_1107 = tpu.memref_slice %arg7[%dma_wait3A_1104, %dma_wait3A_1105, %dma_wait3A_1106] : memref<2x128x128xf32, #tpu.memory_space<vmem>> -> memref<1x128x128xf32, #tpu.memory_space<vmem>>
    %dma_wait3A_1108 = tpu.memref_squeeze %dma_wait3A_1107 : memref<1x128x128xf32, #tpu.memory_space<vmem>> -> memref<128x128xf32, #tpu.memory_space<vmem>>
    %dma_wait3A_1109 = arith.constant 0 : i32
    %dma_wait3A_1110 = tpu.memref_slice %arg6[%dma_wait3A_1103, %dma_wait3A_1109] : memref<10x128xi32, #tpu.memory_space<vmem>> -> memref<1x128xi32, #tpu.memory_space<vmem>>
    %dma_wait3A_1111 = tpu.memref_squeeze %dma_wait3A_1110 : memref<1x128xi32, #tpu.memory_space<vmem>> -> memref<128xi32, #tpu.memory_space<vmem>>
    %dma_wait3A_1112 = arith.constant 0 : i32
    %dma_wait3A_1113 = arith.constant 0 : i32
    %dma_wait3A_1114 = tpu.memref_slice %arg2[%dma_wait3A_1112, %dma_wait3A_1113] : memref<524288x128xf32, #tpu.memory_space<hbm>> -> memref<524288x128xf32, #tpu.memory_space<hbm>>
    tpu.wait_indirect_dma semaphore(%arg9 : memref<!tpu.dma_semaphore, #tpu.memory_space<semaphore_mem>>) src(%dma_wait3A_1114 : memref<524288x128xf32, #tpu.memory_space<hbm>>) dst(%dma_wait3A_1108 : memref<128x128xf32, #tpu.memory_space<vmem>>)
    %add3A_1115 = arith.constant 192 : i32
    %add3A_1116 = arith.addi %min3A_3, %add3A_1115 : i32
    %run_scoped3A_1117 = arith.constant 1 : i32
    "tpu.region"() ({
      %run_scoped3A_2275 = tpu.sem_alloc : memref<!tpu.dma_semaphore, #tpu.memory_space<semaphore_mem>>
      %dma_start3A_2276 = arith.constant 0 : i32
      %dma_start3A_2277 = arith.constant 0 : i32
      %dma_start3A_2278 = tpu.memref_slice %arg7[%run_scoped3A_1117, %dma_start3A_2276, %dma_start3A_2277] : memref<2x128x128xf32, #tpu.memory_space<vmem>> -> memref<1x128x128xf32, #tpu.memory_space<vmem>>
      %dma_start3A_2279 = tpu.memref_squeeze %dma_start3A_2278 : memref<1x128x128xf32, #tpu.memory_space<vmem>> -> memref<128x128xf32, #tpu.memory_space<vmem>>
      %dma_start3A_2280 = arith.constant 0 : i32
      %dma_start3A_2281 = arith.constant 0 : i32
      %dma_start3A_2282 = tpu.memref_slice %dma_start3A_2279[%dma_start3A_2280, %dma_start3A_2281] : memref<128x128xf32, #tpu.memory_space<vmem>> -> memref<64x128xf32, #tpu.memory_space<vmem>>
      %dma_start3A_2283 = arith.constant 0 : i32
      %dma_start3A_2284 = tpu.memref_slice %arg4[%add3A_1116, %dma_start3A_2283] : memref<20000x192xf32, #tpu.memory_space<hbm>> -> memref<64x128xf32, #tpu.memory_space<hbm>>
      %dma_start3A_2285 = arith.constant 0 : i32
      %dma_start3A_2286 = tpu.memref_slice %arg4[%add3A_1116, %dma_start3A_2285] : memref<20000x192xf32, #tpu.memory_space<hbm>> -> memref<64x128xf32, #tpu.memory_space<hbm>>
      %dma_start3A_2287 = arith.constant 0 : i32
      %dma_start3A_2288 = arith.constant 0 : i32
      %dma_start3A_2289 = tpu.memref_slice %arg7[%run_scoped3A_1117, %dma_start3A_2287, %dma_start3A_2288] : memref<2x128x128xf32, #tpu.memory_space<vmem>> -> memref<1x128x128xf32, #tpu.memory_space<vmem>>
      %dma_start3A_2290 = tpu.memref_squeeze %dma_start3A_2289 : memref<1x128x128xf32, #tpu.memory_space<vmem>> -> memref<128x128xf32, #tpu.memory_space<vmem>>
      %dma_start3A_2291 = arith.constant 0 : i32
      %dma_start3A_2292 = arith.constant 0 : i32
      %dma_start3A_2293 = tpu.memref_slice %dma_start3A_2290[%dma_start3A_2291, %dma_start3A_2292] : memref<128x128xf32, #tpu.memory_space<vmem>> -> memref<64x128xf32, #tpu.memory_space<vmem>>
      tpu.enqueue_dma source(%dma_start3A_2293 : memref<64x128xf32, #tpu.memory_space<vmem>>) target(%dma_start3A_2286 : memref<64x128xf32, #tpu.memory_space<hbm>>) target_semaphore(%run_scoped3A_2275 : memref<!tpu.dma_semaphore, #tpu.memory_space<semaphore_mem>>)
      %dma_wait3A_2294 = arith.constant 0 : i32
      %dma_wait3A_2295 = arith.constant 0 : i32
      %dma_wait3A_2296 = tpu.memref_slice %arg7[%run_scoped3A_1117, %dma_wait3A_2294, %dma_wait3A_2295] : memref<2x128x128xf32, #tpu.memory_space<vmem>> -> memref<1x128x128xf32, #tpu.memory_space<vmem>>
      %dma_wait3A_2297 = tpu.memref_squeeze %dma_wait3A_2296 : memref<1x128x128xf32, #tpu.memory_space<vmem>> -> memref<128x128xf32, #tpu.memory_space<vmem>>
      %dma_wait3A_2298 = arith.constant 0 : i32
      %dma_wait3A_2299 = arith.constant 0 : i32
      %dma_wait3A_2300 = tpu.memref_slice %dma_wait3A_2297[%dma_wait3A_2298, %dma_wait3A_2299] : memref<128x128xf32, #tpu.memory_space<vmem>> -> memref<64x128xf32, #tpu.memory_space<vmem>>
      %dma_wait3A_2301 = arith.constant 0 : i32
      %dma_wait3A_2302 = tpu.memref_slice %arg4[%add3A_1116, %dma_wait3A_2301] : memref<20000x192xf32, #tpu.memory_space<hbm>> -> memref<64x128xf32, #tpu.memory_space<hbm>>
      %dma_wait3A_2303 = arith.constant 0 : i32
      %dma_wait3A_2304 = tpu.memref_slice %arg4[%add3A_1116, %dma_wait3A_2303] : memref<20000x192xf32, #tpu.memory_space<hbm>> -> memref<64x128xf32, #tpu.memory_space<hbm>>
      %dma_wait3A_2305 = arith.constant 0 : i32
      %dma_wait3A_2306 = arith.constant 0 : i32
      %dma_wait3A_2307 = tpu.memref_slice %arg7[%run_scoped3A_1117, %dma_wait3A_2305, %dma_wait3A_2306] : memref<2x128x128xf32, #tpu.memory_space<vmem>> -> memref<1x128x128xf32, #tpu.memory_space<vmem>>
      %dma_wait3A_2308 = tpu.memref_squeeze %dma_wait3A_2307 : memref<1x128x128xf32, #tpu.memory_space<vmem>> -> memref<128x128xf32, #tpu.memory_space<vmem>>
      %dma_wait3A_2309 = arith.constant 0 : i32
      %dma_wait3A_2310 = arith.constant 0 : i32
      %dma_wait3A_2311 = tpu.memref_slice %dma_wait3A_2308[%dma_wait3A_2309, %dma_wait3A_2310] : memref<128x128xf32, #tpu.memory_space<vmem>> -> memref<64x128xf32, #tpu.memory_space<vmem>>
      tpu.wait_dma2 semaphore(%run_scoped3A_2275 : memref<!tpu.dma_semaphore, #tpu.memory_space<semaphore_mem>>) src(%dma_wait3A_2311 : memref<64x128xf32, #tpu.memory_space<vmem>>) dst(%dma_wait3A_2304 : memref<64x128xf32, #tpu.memory_space<hbm>>)
      tpu.yield
    }) : () -> ()
    %run_scoped3A_1118 = arith.constant 1 : i32
    "tpu.region"() ({
      %run_scoped3A_2275 = tpu.sem_alloc : memref<!tpu.dma_semaphore, #tpu.memory_space<semaphore_mem>>
      %dma_start3A_2276 = arith.constant 0 : i32
      %dma_start3A_2277 = arith.constant 0 : i32
      %dma_start3A_2278 = tpu.memref_slice %arg7[%run_scoped3A_1118, %dma_start3A_2276, %dma_start3A_2277] : memref<2x128x128xf32, #tpu.memory_space<vmem>> -> memref<1x128x128xf32, #tpu.memory_space<vmem>>
      %dma_start3A_2279 = tpu.memref_squeeze %dma_start3A_2278 : memref<1x128x128xf32, #tpu.memory_space<vmem>> -> memref<128x128xf32, #tpu.memory_space<vmem>>
      %dma_start3A_2280 = arith.constant 64 : i32
      %dma_start3A_2281 = arith.constant 0 : i32
      %dma_start3A_2282 = tpu.memref_slice %dma_start3A_2279[%dma_start3A_2280, %dma_start3A_2281] : memref<128x128xf32, #tpu.memory_space<vmem>> -> memref<64x64xf32, #tpu.memory_space<vmem>>
      %dma_start3A_2283 = arith.constant 128 : i32
      %dma_start3A_2284 = tpu.memref_slice %arg4[%add3A_1116, %dma_start3A_2283] : memref<20000x192xf32, #tpu.memory_space<hbm>> -> memref<64x64xf32, #tpu.memory_space<hbm>>
      %dma_start3A_2285 = arith.constant 128 : i32
      %dma_start3A_2286 = tpu.memref_slice %arg4[%add3A_1116, %dma_start3A_2285] : memref<20000x192xf32, #tpu.memory_space<hbm>> -> memref<64x64xf32, #tpu.memory_space<hbm>>
      %dma_start3A_2287 = arith.constant 0 : i32
      %dma_start3A_2288 = arith.constant 0 : i32
      %dma_start3A_2289 = tpu.memref_slice %arg7[%run_scoped3A_1118, %dma_start3A_2287, %dma_start3A_2288] : memref<2x128x128xf32, #tpu.memory_space<vmem>> -> memref<1x128x128xf32, #tpu.memory_space<vmem>>
      %dma_start3A_2290 = tpu.memref_squeeze %dma_start3A_2289 : memref<1x128x128xf32, #tpu.memory_space<vmem>> -> memref<128x128xf32, #tpu.memory_space<vmem>>
      %dma_start3A_2291 = arith.constant 64 : i32
      %dma_start3A_2292 = arith.constant 0 : i32
      %dma_start3A_2293 = tpu.memref_slice %dma_start3A_2290[%dma_start3A_2291, %dma_start3A_2292] : memref<128x128xf32, #tpu.memory_space<vmem>> -> memref<64x64xf32, #tpu.memory_space<vmem>>
      tpu.enqueue_dma source(%dma_start3A_2293 : memref<64x64xf32, #tpu.memory_space<vmem>>) target(%dma_start3A_2286 : memref<64x64xf32, #tpu.memory_space<hbm>>) target_semaphore(%run_scoped3A_2275 : memref<!tpu.dma_semaphore, #tpu.memory_space<semaphore_mem>>)
      %dma_wait3A_2294 = arith.constant 0 : i32
      %dma_wait3A_2295 = arith.constant 0 : i32
      %dma_wait3A_2296 = tpu.memref_slice %arg7[%run_scoped3A_1118, %dma_wait3A_2294, %dma_wait3A_2295] : memref<2x128x128xf32, #tpu.memory_space<vmem>> -> memref<1x128x128xf32, #tpu.memory_space<vmem>>
      %dma_wait3A_2297 = tpu.memref_squeeze %dma_wait3A_2296 : memref<1x128x128xf32, #tpu.memory_space<vmem>> -> memref<128x128xf32, #tpu.memory_space<vmem>>
      %dma_wait3A_2298 = arith.constant 64 : i32
      %dma_wait3A_2299 = arith.constant 0 : i32
      %dma_wait3A_2300 = tpu.memref_slice %dma_wait3A_2297[%dma_wait3A_2298, %dma_wait3A_2299] : memref<128x128xf32, #tpu.memory_space<vmem>> -> memref<64x64xf32, #tpu.memory_space<vmem>>
      %dma_wait3A_2301 = arith.constant 128 : i32
      %dma_wait3A_2302 = tpu.memref_slice %arg4[%add3A_1116, %dma_wait3A_2301] : memref<20000x192xf32, #tpu.memory_space<hbm>> -> memref<64x64xf32, #tpu.memory_space<hbm>>
      %dma_wait3A_2303 = arith.constant 128 : i32
      %dma_wait3A_2304 = tpu.memref_slice %arg4[%add3A_1116, %dma_wait3A_2303] : memref<20000x192xf32, #tpu.memory_space<hbm>> -> memref<64x64xf32, #tpu.memory_space<hbm>>
      %dma_wait3A_2305 = arith.constant 0 : i32
      %dma_wait3A_2306 = arith.constant 0 : i32
      %dma_wait3A_2307 = tpu.memref_slice %arg7[%run_scoped3A_1118, %dma_wait3A_2305, %dma_wait3A_2306] : memref<2x128x128xf32, #tpu.memory_space<vmem>> -> memref<1x128x128xf32, #tpu.memory_space<vmem>>
      %dma_wait3A_2308 = tpu.memref_squeeze %dma_wait3A_2307 : memref<1x128x128xf32, #tpu.memory_space<vmem>> -> memref<128x128xf32, #tpu.memory_space<vmem>>
      %dma_wait3A_2309 = arith.constant 64 : i32
      %dma_wait3A_2310 = arith.constant 0 : i32
      %dma_wait3A_2311 = tpu.memref_slice %dma_wait3A_2308[%dma_wait3A_2309, %dma_wait3A_2310] : memref<128x128xf32, #tpu.memory_space<vmem>> -> memref<64x64xf32, #tpu.memory_space<vmem>>
      tpu.wait_dma2 semaphore(%run_scoped3A_2275 : memref<!tpu.dma_semaphore, #tpu.memory_space<semaphore_mem>>) src(%dma_wait3A_2311 : memref<64x64xf32, #tpu.memory_space<vmem>>) dst(%dma_wait3A_2304 : memref<64x64xf32, #tpu.memory_space<hbm>>)
      tpu.yield
    }) : () -> ()
    %get3A_1119 = arith.constant 320 : index
    %get3A_1120 = tpu.vector_load %arg5[%get3A_1119] {strides = array<i32>} : memref<640xi32, #tpu.memory_space<vmem>>, vector<16xi32>,
    %get3A_1121 = vector.shape_cast %get3A_1120 : vector<16xi32> to vector<16xi32>
    %and3A_1122 = arith.constant 65535 : i32
    %and3A_1123 = vector.broadcast %and3A_1122 : i32 to vector<16xi32>
    %and3A_1124 = arith.andi %get3A_1121, %and3A_1123 : vector<16xi32>
    %jit3A_1125 = arith.constant 2 : i32
    %jit3A_1126 = arith.constant 509 : i32
    %max3A_1127 = vector.broadcast %jit3A_1125 : i32 to vector<16xi32>
    %max3A_1128 = arith.maxsi %max3A_1127, %and3A_1124 : vector<16xi32>
    %min3A_1129 = vector.broadcast %jit3A_1126 : i32 to vector<16xi32>
    %min3A_1130 = arith.minsi %min3A_1129, %max3A_1128 : vector<16xi32>
    %shift_right_arithmetic3A_1131 = arith.constant 16 : i32
    %shift_right_arithmetic3A_1132 = vector.broadcast %shift_right_arithmetic3A_1131 : i32 to vector<16xi32>
    %shift_right_arithmetic3A_1133 = arith.shrsi %get3A_1121, %shift_right_arithmetic3A_1132 : vector<16xi32>
    %jit3A_1134 = arith.constant 2 : i32
    %jit3A_1135 = arith.constant 509 : i32
    %max3A_1136 = vector.broadcast %jit3A_1134 : i32 to vector<16xi32>
    %max3A_1137 = arith.maxsi %max3A_1136, %shift_right_arithmetic3A_1133 : vector<16xi32>
    %min3A_1138 = vector.broadcast %jit3A_1135 : i32 to vector<16xi32>
    %min3A_1139 = arith.minsi %min3A_1138, %max3A_1137 : vector<16xi32>
    %mul3A_1140 = arith.constant 1024 : i32
    %mul3A_1141 = vector.broadcast %mul3A_1140 : i32 to vector<16xi32>
    %mul3A_1142 = arith.muli %min3A_1139, %mul3A_1141 : vector<16xi32>
    %shift_right_arithmetic3A_1143 = arith.constant 3 : i32
    %shift_right_arithmetic3A_1144 = vector.broadcast %shift_right_arithmetic3A_1143 : i32 to vector<16xi32>
    %shift_right_arithmetic3A_1145 = arith.shrsi %min3A_1130, %shift_right_arithmetic3A_1144 : vector<16xi32>
    %mul3A_1146 = arith.constant 16 : i32
    %mul3A_1147 = vector.broadcast %mul3A_1146 : i32 to vector<16xi32>
    %mul3A_1148 = arith.muli %shift_right_arithmetic3A_1145, %mul3A_1147 : vector<16xi32>
    %add3A_1149 = arith.addi %mul3A_1142, %mul3A_1148 : vector<16xi32>
    %and3A_1150 = arith.constant 7 : i32
    %and3A_1151 = vector.broadcast %and3A_1150 : i32 to vector<16xi32>
    %and3A_1152 = arith.andi %min3A_1130, %and3A_1151 : vector<16xi32>
    %add3A_1153 = arith.addi %add3A_1149, %and3A_1152 : vector<16xi32>
    %swap3A_1154 = arith.constant 5 : i32
    %swap3A_1155 = arith.index_cast %swap3A_1154 : i32 to index
    %swap3A_1156 = arith.constant 0 : index
    %swap3A_1157 = tpu.vector_load %arg6[%swap3A_1155, %swap3A_1156] {strides = array<i32>} : memref<10x128xi32, #tpu.memory_space<vmem>>, vector<1x16xi32>,
    %swap3A_1158 = vector.shape_cast %swap3A_1157 : vector<1x16xi32> to vector<16xi32>
    %swap3A_1159 = vector.shape_cast %add3A_1153 : vector<16xi32> to vector<1x16xi32>
    tpu.vector_store %arg6[%swap3A_1155, %swap3A_1156], %swap3A_1159 {strides = array<i32>} : memref<10x128xi32, #tpu.memory_space<vmem>>, vector<1x16xi32>,
    %add3A_1160 = arith.constant 8 : i32
    %add3A_1161 = vector.broadcast %add3A_1160 : i32 to vector<16xi32>
    %add3A_1162 = arith.addi %add3A_1153, %add3A_1161 : vector<16xi32>
    %swap3A_1163 = arith.constant 5 : i32
    %swap3A_1164 = arith.index_cast %swap3A_1163 : i32 to index
    %swap3A_1165 = arith.constant 64 : index
    %swap3A_1166 = tpu.vector_load %arg6[%swap3A_1164, %swap3A_1165] {strides = array<i32>} : memref<10x128xi32, #tpu.memory_space<vmem>>, vector<1x16xi32>,
    %swap3A_1167 = vector.shape_cast %swap3A_1166 : vector<1x16xi32> to vector<16xi32>
    %swap3A_1168 = vector.shape_cast %add3A_1162 : vector<16xi32> to vector<1x16xi32>
    tpu.vector_store %arg6[%swap3A_1164, %swap3A_1165], %swap3A_1168 {strides = array<i32>} : memref<10x128xi32, #tpu.memory_space<vmem>>, vector<1x16xi32>,
    %get3A_1169 = arith.constant 336 : index
    %get3A_1170 = tpu.vector_load %arg5[%get3A_1169] {strides = array<i32>} : memref<640xi32, #tpu.memory_space<vmem>>, vector<16xi32>,
    %get3A_1171 = vector.shape_cast %get3A_1170 : vector<16xi32> to vector<16xi32>
    %and3A_1172 = arith.constant 65535 : i32
    %and3A_1173 = vector.broadcast %and3A_1172 : i32 to vector<16xi32>
    %and3A_1174 = arith.andi %get3A_1171, %and3A_1173 : vector<16xi32>
    %jit3A_1175 = arith.constant 2 : i32
    %jit3A_1176 = arith.constant 509 : i32
    %max3A_1177 = vector.broadcast %jit3A_1175 : i32 to vector<16xi32>
    %max3A_1178 = arith.maxsi %max3A_1177, %and3A_1174 : vector<16xi32>
    %min3A_1179 = vector.broadcast %jit3A_1176 : i32 to vector<16xi32>
    %min3A_1180 = arith.minsi %min3A_1179, %max3A_1178 : vector<16xi32>
    %shift_right_arithmetic3A_1181 = arith.constant 16 : i32
    %shift_right_arithmetic3A_1182 = vector.broadcast %shift_right_arithmetic3A_1181 : i32 to vector<16xi32>
    %shift_right_arithmetic3A_1183 = arith.shrsi %get3A_1171, %shift_right_arithmetic3A_1182 : vector<16xi32>
    %jit3A_1184 = arith.constant 2 : i32
    %jit3A_1185 = arith.constant 509 : i32
    %max3A_1186 = vector.broadcast %jit3A_1184 : i32 to vector<16xi32>
    %max3A_1187 = arith.maxsi %max3A_1186, %shift_right_arithmetic3A_1183 : vector<16xi32>
    %min3A_1188 = vector.broadcast %jit3A_1185 : i32 to vector<16xi32>
    %min3A_1189 = arith.minsi %min3A_1188, %max3A_1187 : vector<16xi32>
    %mul3A_1190 = arith.constant 1024 : i32
    %mul3A_1191 = vector.broadcast %mul3A_1190 : i32 to vector<16xi32>
    %mul3A_1192 = arith.muli %min3A_1189, %mul3A_1191 : vector<16xi32>
    %shift_right_arithmetic3A_1193 = arith.constant 3 : i32
    %shift_right_arithmetic3A_1194 = vector.broadcast %shift_right_arithmetic3A_1193 : i32 to vector<16xi32>
    %shift_right_arithmetic3A_1195 = arith.shrsi %min3A_1180, %shift_right_arithmetic3A_1194 : vector<16xi32>
    %mul3A_1196 = arith.constant 16 : i32
    %mul3A_1197 = vector.broadcast %mul3A_1196 : i32 to vector<16xi32>
    %mul3A_1198 = arith.muli %shift_right_arithmetic3A_1195, %mul3A_1197 : vector<16xi32>
    %add3A_1199 = arith.addi %mul3A_1192, %mul3A_1198 : vector<16xi32>
    %and3A_1200 = arith.constant 7 : i32
    %and3A_1201 = vector.broadcast %and3A_1200 : i32 to vector<16xi32>
    %and3A_1202 = arith.andi %min3A_1180, %and3A_1201 : vector<16xi32>
    %add3A_1203 = arith.addi %add3A_1199, %and3A_1202 : vector<16xi32>
    %swap3A_1204 = arith.constant 5 : i32
    %swap3A_1205 = arith.index_cast %swap3A_1204 : i32 to index
    %swap3A_1206 = arith.constant 16 : index
    %swap3A_1207 = tpu.vector_load %arg6[%swap3A_1205, %swap3A_1206] {strides = array<i32>} : memref<10x128xi32, #tpu.memory_space<vmem>>, vector<1x16xi32>,
    %swap3A_1208 = vector.shape_cast %swap3A_1207 : vector<1x16xi32> to vector<16xi32>
    %swap3A_1209 = vector.shape_cast %add3A_1203 : vector<16xi32> to vector<1x16xi32>
    tpu.vector_store %arg6[%swap3A_1205, %swap3A_1206], %swap3A_1209 {strides = array<i32>} : memref<10x128xi32, #tpu.memory_space<vmem>>, vector<1x16xi32>,
    %add3A_1210 = arith.constant 8 : i32
    %add3A_1211 = vector.broadcast %add3A_1210 : i32 to vector<16xi32>
    %add3A_1212 = arith.addi %add3A_1203, %add3A_1211 : vector<16xi32>
    %swap3A_1213 = arith.constant 5 : i32
    %swap3A_1214 = arith.index_cast %swap3A_1213 : i32 to index
    %swap3A_1215 = arith.constant 80 : index
    %swap3A_1216 = tpu.vector_load %arg6[%swap3A_1214, %swap3A_1215] {strides = array<i32>} : memref<10x128xi32, #tpu.memory_space<vmem>>, vector<1x16xi32>,
    %swap3A_1217 = vector.shape_cast %swap3A_1216 : vector<1x16xi32> to vector<16xi32>
    %swap3A_1218 = vector.shape_cast %add3A_1212 : vector<16xi32> to vector<1x16xi32>
    tpu.vector_store %arg6[%swap3A_1214, %swap3A_1215], %swap3A_1218 {strides = array<i32>} : memref<10x128xi32, #tpu.memory_space<vmem>>, vector<1x16xi32>,
    %get3A_1219 = arith.constant 352 : index
    %get3A_1220 = tpu.vector_load %arg5[%get3A_1219] {strides = array<i32>} : memref<640xi32, #tpu.memory_space<vmem>>, vector<16xi32>,
    %get3A_1221 = vector.shape_cast %get3A_1220 : vector<16xi32> to vector<16xi32>
    %and3A_1222 = arith.constant 65535 : i32
    %and3A_1223 = vector.broadcast %and3A_1222 : i32 to vector<16xi32>
    %and3A_1224 = arith.andi %get3A_1221, %and3A_1223 : vector<16xi32>
    %jit3A_1225 = arith.constant 2 : i32
    %jit3A_1226 = arith.constant 509 : i32
    %max3A_1227 = vector.broadcast %jit3A_1225 : i32 to vector<16xi32>
    %max3A_1228 = arith.maxsi %max3A_1227, %and3A_1224 : vector<16xi32>
    %min3A_1229 = vector.broadcast %jit3A_1226 : i32 to vector<16xi32>
    %min3A_1230 = arith.minsi %min3A_1229, %max3A_1228 : vector<16xi32>
    %shift_right_arithmetic3A_1231 = arith.constant 16 : i32
    %shift_right_arithmetic3A_1232 = vector.broadcast %shift_right_arithmetic3A_1231 : i32 to vector<16xi32>
    %shift_right_arithmetic3A_1233 = arith.shrsi %get3A_1221, %shift_right_arithmetic3A_1232 : vector<16xi32>
    %jit3A_1234 = arith.constant 2 : i32
    %jit3A_1235 = arith.constant 509 : i32
    %max3A_1236 = vector.broadcast %jit3A_1234 : i32 to vector<16xi32>
    %max3A_1237 = arith.maxsi %max3A_1236, %shift_right_arithmetic3A_1233 : vector<16xi32>
    %min3A_1238 = vector.broadcast %jit3A_1235 : i32 to vector<16xi32>
    %min3A_1239 = arith.minsi %min3A_1238, %max3A_1237 : vector<16xi32>
    %mul3A_1240 = arith.constant 1024 : i32
    %mul3A_1241 = vector.broadcast %mul3A_1240 : i32 to vector<16xi32>
    %mul3A_1242 = arith.muli %min3A_1239, %mul3A_1241 : vector<16xi32>
    %shift_right_arithmetic3A_1243 = arith.constant 3 : i32
    %shift_right_arithmetic3A_1244 = vector.broadcast %shift_right_arithmetic3A_1243 : i32 to vector<16xi32>
    %shift_right_arithmetic3A_1245 = arith.shrsi %min3A_1230, %shift_right_arithmetic3A_1244 : vector<16xi32>
    %mul3A_1246 = arith.constant 16 : i32
    %mul3A_1247 = vector.broadcast %mul3A_1246 : i32 to vector<16xi32>
    %mul3A_1248 = arith.muli %shift_right_arithmetic3A_1245, %mul3A_1247 : vector<16xi32>
    %add3A_1249 = arith.addi %mul3A_1242, %mul3A_1248 : vector<16xi32>
    %and3A_1250 = arith.constant 7 : i32
    %and3A_1251 = vector.broadcast %and3A_1250 : i32 to vector<16xi32>
    %and3A_1252 = arith.andi %min3A_1230, %and3A_1251 : vector<16xi32>
    %add3A_1253 = arith.addi %add3A_1249, %and3A_1252 : vector<16xi32>
    %swap3A_1254 = arith.constant 5 : i32
    %swap3A_1255 = arith.index_cast %swap3A_1254 : i32 to index
    %swap3A_1256 = arith.constant 32 : index
    %swap3A_1257 = tpu.vector_load %arg6[%swap3A_1255, %swap3A_1256] {strides = array<i32>} : memref<10x128xi32, #tpu.memory_space<vmem>>, vector<1x16xi32>,
    %swap3A_1258 = vector.shape_cast %swap3A_1257 : vector<1x16xi32> to vector<16xi32>
    %swap3A_1259 = vector.shape_cast %add3A_1253 : vector<16xi32> to vector<1x16xi32>
    tpu.vector_store %arg6[%swap3A_1255, %swap3A_1256], %swap3A_1259 {strides = array<i32>} : memref<10x128xi32, #tpu.memory_space<vmem>>, vector<1x16xi32>,
    %add3A_1260 = arith.constant 8 : i32
    %add3A_1261 = vector.broadcast %add3A_1260 : i32 to vector<16xi32>
    %add3A_1262 = arith.addi %add3A_1253, %add3A_1261 : vector<16xi32>
    %swap3A_1263 = arith.constant 5 : i32
    %swap3A_1264 = arith.index_cast %swap3A_1263 : i32 to index
    %swap3A_1265 = arith.constant 96 : index
    %swap3A_1266 = tpu.vector_load %arg6[%swap3A_1264, %swap3A_1265] {strides = array<i32>} : memref<10x128xi32, #tpu.memory_space<vmem>>, vector<1x16xi32>,
    %swap3A_1267 = vector.shape_cast %swap3A_1266 : vector<1x16xi32> to vector<16xi32>
    %swap3A_1268 = vector.shape_cast %add3A_1262 : vector<16xi32> to vector<1x16xi32>
    tpu.vector_store %arg6[%swap3A_1264, %swap3A_1265], %swap3A_1268 {strides = array<i32>} : memref<10x128xi32, #tpu.memory_space<vmem>>, vector<1x16xi32>,
    %get3A_1269 = arith.constant 368 : index
    %get3A_1270 = tpu.vector_load %arg5[%get3A_1269] {strides = array<i32>} : memref<640xi32, #tpu.memory_space<vmem>>, vector<16xi32>,
    %get3A_1271 = vector.shape_cast %get3A_1270 : vector<16xi32> to vector<16xi32>
    %and3A_1272 = arith.constant 65535 : i32
    %and3A_1273 = vector.broadcast %and3A_1272 : i32 to vector<16xi32>
    %and3A_1274 = arith.andi %get3A_1271, %and3A_1273 : vector<16xi32>
    %jit3A_1275 = arith.constant 2 : i32
    %jit3A_1276 = arith.constant 509 : i32
    %max3A_1277 = vector.broadcast %jit3A_1275 : i32 to vector<16xi32>
    %max3A_1278 = arith.maxsi %max3A_1277, %and3A_1274 : vector<16xi32>
    %min3A_1279 = vector.broadcast %jit3A_1276 : i32 to vector<16xi32>
    %min3A_1280 = arith.minsi %min3A_1279, %max3A_1278 : vector<16xi32>
    %shift_right_arithmetic3A_1281 = arith.constant 16 : i32
    %shift_right_arithmetic3A_1282 = vector.broadcast %shift_right_arithmetic3A_1281 : i32 to vector<16xi32>
    %shift_right_arithmetic3A_1283 = arith.shrsi %get3A_1271, %shift_right_arithmetic3A_1282 : vector<16xi32>
    %jit3A_1284 = arith.constant 2 : i32
    %jit3A_1285 = arith.constant 509 : i32
    %max3A_1286 = vector.broadcast %jit3A_1284 : i32 to vector<16xi32>
    %max3A_1287 = arith.maxsi %max3A_1286, %shift_right_arithmetic3A_1283 : vector<16xi32>
    %min3A_1288 = vector.broadcast %jit3A_1285 : i32 to vector<16xi32>
    %min3A_1289 = arith.minsi %min3A_1288, %max3A_1287 : vector<16xi32>
    %mul3A_1290 = arith.constant 1024 : i32
    %mul3A_1291 = vector.broadcast %mul3A_1290 : i32 to vector<16xi32>
    %mul3A_1292 = arith.muli %min3A_1289, %mul3A_1291 : vector<16xi32>
    %shift_right_arithmetic3A_1293 = arith.constant 3 : i32
    %shift_right_arithmetic3A_1294 = vector.broadcast %shift_right_arithmetic3A_1293 : i32 to vector<16xi32>
    %shift_right_arithmetic3A_1295 = arith.shrsi %min3A_1280, %shift_right_arithmetic3A_1294 : vector<16xi32>
    %mul3A_1296 = arith.constant 16 : i32
    %mul3A_1297 = vector.broadcast %mul3A_1296 : i32 to vector<16xi32>
    %mul3A_1298 = arith.muli %shift_right_arithmetic3A_1295, %mul3A_1297 : vector<16xi32>
    %add3A_1299 = arith.addi %mul3A_1292, %mul3A_1298 : vector<16xi32>
    %and3A_1300 = arith.constant 7 : i32
    %and3A_1301 = vector.broadcast %and3A_1300 : i32 to vector<16xi32>
    %and3A_1302 = arith.andi %min3A_1280, %and3A_1301 : vector<16xi32>
    %add3A_1303 = arith.addi %add3A_1299, %and3A_1302 : vector<16xi32>
    %swap3A_1304 = arith.constant 5 : i32
    %swap3A_1305 = arith.index_cast %swap3A_1304 : i32 to index
    %swap3A_1306 = arith.constant 48 : index
    %swap3A_1307 = tpu.vector_load %arg6[%swap3A_1305, %swap3A_1306] {strides = array<i32>} : memref<10x128xi32, #tpu.memory_space<vmem>>, vector<1x16xi32>,
    %swap3A_1308 = vector.shape_cast %swap3A_1307 : vector<1x16xi32> to vector<16xi32>
    %swap3A_1309 = vector.shape_cast %add3A_1303 : vector<16xi32> to vector<1x16xi32>
    tpu.vector_store %arg6[%swap3A_1305, %swap3A_1306], %swap3A_1309 {strides = array<i32>} : memref<10x128xi32, #tpu.memory_space<vmem>>, vector<1x16xi32>,
    %add3A_1310 = arith.constant 8 : i32
    %add3A_1311 = vector.broadcast %add3A_1310 : i32 to vector<16xi32>
    %add3A_1312 = arith.addi %add3A_1303, %add3A_1311 : vector<16xi32>
    %swap3A_1313 = arith.constant 5 : i32
    %swap3A_1314 = arith.index_cast %swap3A_1313 : i32 to index
    %swap3A_1315 = arith.constant 112 : index
    %swap3A_1316 = tpu.vector_load %arg6[%swap3A_1314, %swap3A_1315] {strides = array<i32>} : memref<10x128xi32, #tpu.memory_space<vmem>>, vector<1x16xi32>,
    %swap3A_1317 = vector.shape_cast %swap3A_1316 : vector<1x16xi32> to vector<16xi32>
    %swap3A_1318 = vector.shape_cast %add3A_1312 : vector<16xi32> to vector<1x16xi32>
    tpu.vector_store %arg6[%swap3A_1314, %swap3A_1315], %swap3A_1318 {strides = array<i32>} : memref<10x128xi32, #tpu.memory_space<vmem>>, vector<1x16xi32>,
    %dma_start3A_1319 = arith.constant 5 : i32
    %dma_start3A_1320 = arith.constant 1 : i32
    %dma_start3A_1321 = arith.constant 0 : i32
    %dma_start3A_1322 = arith.constant 0 : i32
    %dma_start3A_1323 = tpu.memref_slice %arg7[%dma_start3A_1320, %dma_start3A_1321, %dma_start3A_1322] : memref<2x128x128xf32, #tpu.memory_space<vmem>> -> memref<1x128x128xf32, #tpu.memory_space<vmem>>
    %dma_start3A_1324 = tpu.memref_squeeze %dma_start3A_1323 : memref<1x128x128xf32, #tpu.memory_space<vmem>> -> memref<128x128xf32, #tpu.memory_space<vmem>>
    %dma_start3A_1325 = arith.constant 0 : i32
    %dma_start3A_1326 = tpu.memref_slice %arg6[%dma_start3A_1319, %dma_start3A_1325] : memref<10x128xi32, #tpu.memory_space<vmem>> -> memref<1x128xi32, #tpu.memory_space<vmem>>
    %dma_start3A_1327 = tpu.memref_squeeze %dma_start3A_1326 : memref<1x128xi32, #tpu.memory_space<vmem>> -> memref<128xi32, #tpu.memory_space<vmem>>
    %dma_start3A_1328 = arith.constant 0 : i32
    %dma_start3A_1329 = arith.constant 0 : i32
    %dma_start3A_1330 = tpu.memref_slice %arg2[%dma_start3A_1328, %dma_start3A_1329] : memref<524288x128xf32, #tpu.memory_space<hbm>> -> memref<524288x128xf32, #tpu.memory_space<hbm>>
    tpu.enqueue_indirect_dma source(%dma_start3A_1330 : memref<524288x128xf32, #tpu.memory_space<hbm>>) target(%dma_start3A_1324 : memref<128x128xf32, #tpu.memory_space<vmem>>) offsets(%dma_start3A_1327 : memref<128xi32, #tpu.memory_space<vmem>>) semaphore(%arg9 : memref<!tpu.dma_semaphore, #tpu.memory_space<semaphore_mem>>)
    %dma_wait3A_1331 = arith.constant 4 : i32
    %dma_wait3A_1332 = arith.constant 0 : i32
    %dma_wait3A_1333 = arith.constant 0 : i32
    %dma_wait3A_1334 = arith.constant 0 : i32
    %dma_wait3A_1335 = tpu.memref_slice %arg7[%dma_wait3A_1332, %dma_wait3A_1333, %dma_wait3A_1334] : memref<2x128x128xf32, #tpu.memory_space<vmem>> -> memref<1x128x128xf32, #tpu.memory_space<vmem>>
    %dma_wait3A_1336 = tpu.memref_squeeze %dma_wait3A_1335 : memref<1x128x128xf32, #tpu.memory_space<vmem>> -> memref<128x128xf32, #tpu.memory_space<vmem>>
    %dma_wait3A_1337 = arith.constant 0 : i32
    %dma_wait3A_1338 = tpu.memref_slice %arg6[%dma_wait3A_1331, %dma_wait3A_1337] : memref<10x128xi32, #tpu.memory_space<vmem>> -> memref<1x128xi32, #tpu.memory_space<vmem>>
    %dma_wait3A_1339 = tpu.memref_squeeze %dma_wait3A_1338 : memref<1x128xi32, #tpu.memory_space<vmem>> -> memref<128xi32, #tpu.memory_space<vmem>>
    %dma_wait3A_1340 = arith.constant 0 : i32
    %dma_wait3A_1341 = arith.constant 0 : i32
    %dma_wait3A_1342 = tpu.memref_slice %arg2[%dma_wait3A_1340, %dma_wait3A_1341] : memref<524288x128xf32, #tpu.memory_space<hbm>> -> memref<524288x128xf32, #tpu.memory_space<hbm>>
    tpu.wait_indirect_dma semaphore(%arg8 : memref<!tpu.dma_semaphore, #tpu.memory_space<semaphore_mem>>) src(%dma_wait3A_1342 : memref<524288x128xf32, #tpu.memory_space<hbm>>) dst(%dma_wait3A_1336 : memref<128x128xf32, #tpu.memory_space<vmem>>)
    %add3A_1343 = arith.constant 256 : i32
    %add3A_1344 = arith.addi %min3A_3, %add3A_1343 : i32
    %run_scoped3A_1345 = arith.constant 0 : i32
    "tpu.region"() ({
      %run_scoped3A_2275 = tpu.sem_alloc : memref<!tpu.dma_semaphore, #tpu.memory_space<semaphore_mem>>
      %dma_start3A_2276 = arith.constant 0 : i32
      %dma_start3A_2277 = arith.constant 0 : i32
      %dma_start3A_2278 = tpu.memref_slice %arg7[%run_scoped3A_1345, %dma_start3A_2276, %dma_start3A_2277] : memref<2x128x128xf32, #tpu.memory_space<vmem>> -> memref<1x128x128xf32, #tpu.memory_space<vmem>>
      %dma_start3A_2279 = tpu.memref_squeeze %dma_start3A_2278 : memref<1x128x128xf32, #tpu.memory_space<vmem>> -> memref<128x128xf32, #tpu.memory_space<vmem>>
      %dma_start3A_2280 = arith.constant 0 : i32
      %dma_start3A_2281 = arith.constant 0 : i32
      %dma_start3A_2282 = tpu.memref_slice %dma_start3A_2279[%dma_start3A_2280, %dma_start3A_2281] : memref<128x128xf32, #tpu.memory_space<vmem>> -> memref<64x128xf32, #tpu.memory_space<vmem>>
      %dma_start3A_2283 = arith.constant 0 : i32
      %dma_start3A_2284 = tpu.memref_slice %arg4[%add3A_1344, %dma_start3A_2283] : memref<20000x192xf32, #tpu.memory_space<hbm>> -> memref<64x128xf32, #tpu.memory_space<hbm>>
      %dma_start3A_2285 = arith.constant 0 : i32
      %dma_start3A_2286 = tpu.memref_slice %arg4[%add3A_1344, %dma_start3A_2285] : memref<20000x192xf32, #tpu.memory_space<hbm>> -> memref<64x128xf32, #tpu.memory_space<hbm>>
      %dma_start3A_2287 = arith.constant 0 : i32
      %dma_start3A_2288 = arith.constant 0 : i32
      %dma_start3A_2289 = tpu.memref_slice %arg7[%run_scoped3A_1345, %dma_start3A_2287, %dma_start3A_2288] : memref<2x128x128xf32, #tpu.memory_space<vmem>> -> memref<1x128x128xf32, #tpu.memory_space<vmem>>
      %dma_start3A_2290 = tpu.memref_squeeze %dma_start3A_2289 : memref<1x128x128xf32, #tpu.memory_space<vmem>> -> memref<128x128xf32, #tpu.memory_space<vmem>>
      %dma_start3A_2291 = arith.constant 0 : i32
      %dma_start3A_2292 = arith.constant 0 : i32
      %dma_start3A_2293 = tpu.memref_slice %dma_start3A_2290[%dma_start3A_2291, %dma_start3A_2292] : memref<128x128xf32, #tpu.memory_space<vmem>> -> memref<64x128xf32, #tpu.memory_space<vmem>>
      tpu.enqueue_dma source(%dma_start3A_2293 : memref<64x128xf32, #tpu.memory_space<vmem>>) target(%dma_start3A_2286 : memref<64x128xf32, #tpu.memory_space<hbm>>) target_semaphore(%run_scoped3A_2275 : memref<!tpu.dma_semaphore, #tpu.memory_space<semaphore_mem>>)
      %dma_wait3A_2294 = arith.constant 0 : i32
      %dma_wait3A_2295 = arith.constant 0 : i32
      %dma_wait3A_2296 = tpu.memref_slice %arg7[%run_scoped3A_1345, %dma_wait3A_2294, %dma_wait3A_2295] : memref<2x128x128xf32, #tpu.memory_space<vmem>> -> memref<1x128x128xf32, #tpu.memory_space<vmem>>
      %dma_wait3A_2297 = tpu.memref_squeeze %dma_wait3A_2296 : memref<1x128x128xf32, #tpu.memory_space<vmem>> -> memref<128x128xf32, #tpu.memory_space<vmem>>
      %dma_wait3A_2298 = arith.constant 0 : i32
      %dma_wait3A_2299 = arith.constant 0 : i32
      %dma_wait3A_2300 = tpu.memref_slice %dma_wait3A_2297[%dma_wait3A_2298, %dma_wait3A_2299] : memref<128x128xf32, #tpu.memory_space<vmem>> -> memref<64x128xf32, #tpu.memory_space<vmem>>
      %dma_wait3A_2301 = arith.constant 0 : i32
      %dma_wait3A_2302 = tpu.memref_slice %arg4[%add3A_1344, %dma_wait3A_2301] : memref<20000x192xf32, #tpu.memory_space<hbm>> -> memref<64x128xf32, #tpu.memory_space<hbm>>
      %dma_wait3A_2303 = arith.constant 0 : i32
      %dma_wait3A_2304 = tpu.memref_slice %arg4[%add3A_1344, %dma_wait3A_2303] : memref<20000x192xf32, #tpu.memory_space<hbm>> -> memref<64x128xf32, #tpu.memory_space<hbm>>
      %dma_wait3A_2305 = arith.constant 0 : i32
      %dma_wait3A_2306 = arith.constant 0 : i32
      %dma_wait3A_2307 = tpu.memref_slice %arg7[%run_scoped3A_1345, %dma_wait3A_2305, %dma_wait3A_2306] : memref<2x128x128xf32, #tpu.memory_space<vmem>> -> memref<1x128x128xf32, #tpu.memory_space<vmem>>
      %dma_wait3A_2308 = tpu.memref_squeeze %dma_wait3A_2307 : memref<1x128x128xf32, #tpu.memory_space<vmem>> -> memref<128x128xf32, #tpu.memory_space<vmem>>
      %dma_wait3A_2309 = arith.constant 0 : i32
      %dma_wait3A_2310 = arith.constant 0 : i32
      %dma_wait3A_2311 = tpu.memref_slice %dma_wait3A_2308[%dma_wait3A_2309, %dma_wait3A_2310] : memref<128x128xf32, #tpu.memory_space<vmem>> -> memref<64x128xf32, #tpu.memory_space<vmem>>
      tpu.wait_dma2 semaphore(%run_scoped3A_2275 : memref<!tpu.dma_semaphore, #tpu.memory_space<semaphore_mem>>) src(%dma_wait3A_2311 : memref<64x128xf32, #tpu.memory_space<vmem>>) dst(%dma_wait3A_2304 : memref<64x128xf32, #tpu.memory_space<hbm>>)
      tpu.yield
    }) : () -> ()
    %run_scoped3A_1346 = arith.constant 0 : i32
    "tpu.region"() ({
      %run_scoped3A_2275 = tpu.sem_alloc : memref<!tpu.dma_semaphore, #tpu.memory_space<semaphore_mem>>
      %dma_start3A_2276 = arith.constant 0 : i32
      %dma_start3A_2277 = arith.constant 0 : i32
      %dma_start3A_2278 = tpu.memref_slice %arg7[%run_scoped3A_1346, %dma_start3A_2276, %dma_start3A_2277] : memref<2x128x128xf32, #tpu.memory_space<vmem>> -> memref<1x128x128xf32, #tpu.memory_space<vmem>>
      %dma_start3A_2279 = tpu.memref_squeeze %dma_start3A_2278 : memref<1x128x128xf32, #tpu.memory_space<vmem>> -> memref<128x128xf32, #tpu.memory_space<vmem>>
      %dma_start3A_2280 = arith.constant 64 : i32
      %dma_start3A_2281 = arith.constant 0 : i32
      %dma_start3A_2282 = tpu.memref_slice %dma_start3A_2279[%dma_start3A_2280, %dma_start3A_2281] : memref<128x128xf32, #tpu.memory_space<vmem>> -> memref<64x64xf32, #tpu.memory_space<vmem>>
      %dma_start3A_2283 = arith.constant 128 : i32
      %dma_start3A_2284 = tpu.memref_slice %arg4[%add3A_1344, %dma_start3A_2283] : memref<20000x192xf32, #tpu.memory_space<hbm>> -> memref<64x64xf32, #tpu.memory_space<hbm>>
      %dma_start3A_2285 = arith.constant 128 : i32
      %dma_start3A_2286 = tpu.memref_slice %arg4[%add3A_1344, %dma_start3A_2285] : memref<20000x192xf32, #tpu.memory_space<hbm>> -> memref<64x64xf32, #tpu.memory_space<hbm>>
      %dma_start3A_2287 = arith.constant 0 : i32
      %dma_start3A_2288 = arith.constant 0 : i32
      %dma_start3A_2289 = tpu.memref_slice %arg7[%run_scoped3A_1346, %dma_start3A_2287, %dma_start3A_2288] : memref<2x128x128xf32, #tpu.memory_space<vmem>> -> memref<1x128x128xf32, #tpu.memory_space<vmem>>
      %dma_start3A_2290 = tpu.memref_squeeze %dma_start3A_2289 : memref<1x128x128xf32, #tpu.memory_space<vmem>> -> memref<128x128xf32, #tpu.memory_space<vmem>>
      %dma_start3A_2291 = arith.constant 64 : i32
      %dma_start3A_2292 = arith.constant 0 : i32
      %dma_start3A_2293 = tpu.memref_slice %dma_start3A_2290[%dma_start3A_2291, %dma_start3A_2292] : memref<128x128xf32, #tpu.memory_space<vmem>> -> memref<64x64xf32, #tpu.memory_space<vmem>>
      tpu.enqueue_dma source(%dma_start3A_2293 : memref<64x64xf32, #tpu.memory_space<vmem>>) target(%dma_start3A_2286 : memref<64x64xf32, #tpu.memory_space<hbm>>) target_semaphore(%run_scoped3A_2275 : memref<!tpu.dma_semaphore, #tpu.memory_space<semaphore_mem>>)
      %dma_wait3A_2294 = arith.constant 0 : i32
      %dma_wait3A_2295 = arith.constant 0 : i32
      %dma_wait3A_2296 = tpu.memref_slice %arg7[%run_scoped3A_1346, %dma_wait3A_2294, %dma_wait3A_2295] : memref<2x128x128xf32, #tpu.memory_space<vmem>> -> memref<1x128x128xf32, #tpu.memory_space<vmem>>
      %dma_wait3A_2297 = tpu.memref_squeeze %dma_wait3A_2296 : memref<1x128x128xf32, #tpu.memory_space<vmem>> -> memref<128x128xf32, #tpu.memory_space<vmem>>
      %dma_wait3A_2298 = arith.constant 64 : i32
      %dma_wait3A_2299 = arith.constant 0 : i32
      %dma_wait3A_2300 = tpu.memref_slice %dma_wait3A_2297[%dma_wait3A_2298, %dma_wait3A_2299] : memref<128x128xf32, #tpu.memory_space<vmem>> -> memref<64x64xf32, #tpu.memory_space<vmem>>
      %dma_wait3A_2301 = arith.constant 128 : i32
      %dma_wait3A_2302 = tpu.memref_slice %arg4[%add3A_1344, %dma_wait3A_2301] : memref<20000x192xf32, #tpu.memory_space<hbm>> -> memref<64x64xf32, #tpu.memory_space<hbm>>
      %dma_wait3A_2303 = arith.constant 128 : i32
      %dma_wait3A_2304 = tpu.memref_slice %arg4[%add3A_1344, %dma_wait3A_2303] : memref<20000x192xf32, #tpu.memory_space<hbm>> -> memref<64x64xf32, #tpu.memory_space<hbm>>
      %dma_wait3A_2305 = arith.constant 0 : i32
      %dma_wait3A_2306 = arith.constant 0 : i32
      %dma_wait3A_2307 = tpu.memref_slice %arg7[%run_scoped3A_1346, %dma_wait3A_2305, %dma_wait3A_2306] : memref<2x128x128xf32, #tpu.memory_space<vmem>> -> memref<1x128x128xf32, #tpu.memory_space<vmem>>
      %dma_wait3A_2308 = tpu.memref_squeeze %dma_wait3A_2307 : memref<1x128x128xf32, #tpu.memory_space<vmem>> -> memref<128x128xf32, #tpu.memory_space<vmem>>
      %dma_wait3A_2309 = arith.constant 64 : i32
      %dma_wait3A_2310 = arith.constant 0 : i32
      %dma_wait3A_2311 = tpu.memref_slice %dma_wait3A_2308[%dma_wait3A_2309, %dma_wait3A_2310] : memref<128x128xf32, #tpu.memory_space<vmem>> -> memref<64x64xf32, #tpu.memory_space<vmem>>
      tpu.wait_dma2 semaphore(%run_scoped3A_2275 : memref<!tpu.dma_semaphore, #tpu.memory_space<semaphore_mem>>) src(%dma_wait3A_2311 : memref<64x64xf32, #tpu.memory_space<vmem>>) dst(%dma_wait3A_2304 : memref<64x64xf32, #tpu.memory_space<hbm>>)
      tpu.yield
    }) : () -> ()
    %get3A_1347 = arith.constant 384 : index
    %get3A_1348 = tpu.vector_load %arg5[%get3A_1347] {strides = array<i32>} : memref<640xi32, #tpu.memory_space<vmem>>, vector<16xi32>,
    %get3A_1349 = vector.shape_cast %get3A_1348 : vector<16xi32> to vector<16xi32>
    %and3A_1350 = arith.constant 65535 : i32
    %and3A_1351 = vector.broadcast %and3A_1350 : i32 to vector<16xi32>
    %and3A_1352 = arith.andi %get3A_1349, %and3A_1351 : vector<16xi32>
    %jit3A_1353 = arith.constant 2 : i32
    %jit3A_1354 = arith.constant 509 : i32
    %max3A_1355 = vector.broadcast %jit3A_1353 : i32 to vector<16xi32>
    %max3A_1356 = arith.maxsi %max3A_1355, %and3A_1352 : vector<16xi32>
    %min3A_1357 = vector.broadcast %jit3A_1354 : i32 to vector<16xi32>
    %min3A_1358 = arith.minsi %min3A_1357, %max3A_1356 : vector<16xi32>
    %shift_right_arithmetic3A_1359 = arith.constant 16 : i32
    %shift_right_arithmetic3A_1360 = vector.broadcast %shift_right_arithmetic3A_1359 : i32 to vector<16xi32>
    %shift_right_arithmetic3A_1361 = arith.shrsi %get3A_1349, %shift_right_arithmetic3A_1360 : vector<16xi32>
    %jit3A_1362 = arith.constant 2 : i32
    %jit3A_1363 = arith.constant 509 : i32
    %max3A_1364 = vector.broadcast %jit3A_1362 : i32 to vector<16xi32>
    %max3A_1365 = arith.maxsi %max3A_1364, %shift_right_arithmetic3A_1361 : vector<16xi32>
    %min3A_1366 = vector.broadcast %jit3A_1363 : i32 to vector<16xi32>
    %min3A_1367 = arith.minsi %min3A_1366, %max3A_1365 : vector<16xi32>
    %mul3A_1368 = arith.constant 1024 : i32
    %mul3A_1369 = vector.broadcast %mul3A_1368 : i32 to vector<16xi32>
    %mul3A_1370 = arith.muli %min3A_1367, %mul3A_1369 : vector<16xi32>
    %shift_right_arithmetic3A_1371 = arith.constant 3 : i32
    %shift_right_arithmetic3A_1372 = vector.broadcast %shift_right_arithmetic3A_1371 : i32 to vector<16xi32>
    %shift_right_arithmetic3A_1373 = arith.shrsi %min3A_1358, %shift_right_arithmetic3A_1372 : vector<16xi32>
    %mul3A_1374 = arith.constant 16 : i32
    %mul3A_1375 = vector.broadcast %mul3A_1374 : i32 to vector<16xi32>
    %mul3A_1376 = arith.muli %shift_right_arithmetic3A_1373, %mul3A_1375 : vector<16xi32>
    %add3A_1377 = arith.addi %mul3A_1370, %mul3A_1376 : vector<16xi32>
    %and3A_1378 = arith.constant 7 : i32
    %and3A_1379 = vector.broadcast %and3A_1378 : i32 to vector<16xi32>
    %and3A_1380 = arith.andi %min3A_1358, %and3A_1379 : vector<16xi32>
    %add3A_1381 = arith.addi %add3A_1377, %and3A_1380 : vector<16xi32>
    %swap3A_1382 = arith.constant 6 : i32
    %swap3A_1383 = arith.index_cast %swap3A_1382 : i32 to index
    %swap3A_1384 = arith.constant 0 : index
    %swap3A_1385 = tpu.vector_load %arg6[%swap3A_1383, %swap3A_1384] {strides = array<i32>} : memref<10x128xi32, #tpu.memory_space<vmem>>, vector<1x16xi32>,
    %swap3A_1386 = vector.shape_cast %swap3A_1385 : vector<1x16xi32> to vector<16xi32>
    %swap3A_1387 = vector.shape_cast %add3A_1381 : vector<16xi32> to vector<1x16xi32>
    tpu.vector_store %arg6[%swap3A_1383, %swap3A_1384], %swap3A_1387 {strides = array<i32>} : memref<10x128xi32, #tpu.memory_space<vmem>>, vector<1x16xi32>,
    %add3A_1388 = arith.constant 8 : i32
    %add3A_1389 = vector.broadcast %add3A_1388 : i32 to vector<16xi32>
    %add3A_1390 = arith.addi %add3A_1381, %add3A_1389 : vector<16xi32>
    %swap3A_1391 = arith.constant 6 : i32
    %swap3A_1392 = arith.index_cast %swap3A_1391 : i32 to index
    %swap3A_1393 = arith.constant 64 : index
    %swap3A_1394 = tpu.vector_load %arg6[%swap3A_1392, %swap3A_1393] {strides = array<i32>} : memref<10x128xi32, #tpu.memory_space<vmem>>, vector<1x16xi32>,
    %swap3A_1395 = vector.shape_cast %swap3A_1394 : vector<1x16xi32> to vector<16xi32>
    %swap3A_1396 = vector.shape_cast %add3A_1390 : vector<16xi32> to vector<1x16xi32>
    tpu.vector_store %arg6[%swap3A_1392, %swap3A_1393], %swap3A_1396 {strides = array<i32>} : memref<10x128xi32, #tpu.memory_space<vmem>>, vector<1x16xi32>,
    %get3A_1397 = arith.constant 400 : index
    %get3A_1398 = tpu.vector_load %arg5[%get3A_1397] {strides = array<i32>} : memref<640xi32, #tpu.memory_space<vmem>>, vector<16xi32>,
    %get3A_1399 = vector.shape_cast %get3A_1398 : vector<16xi32> to vector<16xi32>
    %and3A_1400 = arith.constant 65535 : i32
    %and3A_1401 = vector.broadcast %and3A_1400 : i32 to vector<16xi32>
    %and3A_1402 = arith.andi %get3A_1399, %and3A_1401 : vector<16xi32>
    %jit3A_1403 = arith.constant 2 : i32
    %jit3A_1404 = arith.constant 509 : i32
    %max3A_1405 = vector.broadcast %jit3A_1403 : i32 to vector<16xi32>
    %max3A_1406 = arith.maxsi %max3A_1405, %and3A_1402 : vector<16xi32>
    %min3A_1407 = vector.broadcast %jit3A_1404 : i32 to vector<16xi32>
    %min3A_1408 = arith.minsi %min3A_1407, %max3A_1406 : vector<16xi32>
    %shift_right_arithmetic3A_1409 = arith.constant 16 : i32
    %shift_right_arithmetic3A_1410 = vector.broadcast %shift_right_arithmetic3A_1409 : i32 to vector<16xi32>
    %shift_right_arithmetic3A_1411 = arith.shrsi %get3A_1399, %shift_right_arithmetic3A_1410 : vector<16xi32>
    %jit3A_1412 = arith.constant 2 : i32
    %jit3A_1413 = arith.constant 509 : i32
    %max3A_1414 = vector.broadcast %jit3A_1412 : i32 to vector<16xi32>
    %max3A_1415 = arith.maxsi %max3A_1414, %shift_right_arithmetic3A_1411 : vector<16xi32>
    %min3A_1416 = vector.broadcast %jit3A_1413 : i32 to vector<16xi32>
    %min3A_1417 = arith.minsi %min3A_1416, %max3A_1415 : vector<16xi32>
    %mul3A_1418 = arith.constant 1024 : i32
    %mul3A_1419 = vector.broadcast %mul3A_1418 : i32 to vector<16xi32>
    %mul3A_1420 = arith.muli %min3A_1417, %mul3A_1419 : vector<16xi32>
    %shift_right_arithmetic3A_1421 = arith.constant 3 : i32
    %shift_right_arithmetic3A_1422 = vector.broadcast %shift_right_arithmetic3A_1421 : i32 to vector<16xi32>
    %shift_right_arithmetic3A_1423 = arith.shrsi %min3A_1408, %shift_right_arithmetic3A_1422 : vector<16xi32>
    %mul3A_1424 = arith.constant 16 : i32
    %mul3A_1425 = vector.broadcast %mul3A_1424 : i32 to vector<16xi32>
    %mul3A_1426 = arith.muli %shift_right_arithmetic3A_1423, %mul3A_1425 : vector<16xi32>
    %add3A_1427 = arith.addi %mul3A_1420, %mul3A_1426 : vector<16xi32>
    %and3A_1428 = arith.constant 7 : i32
    %and3A_1429 = vector.broadcast %and3A_1428 : i32 to vector<16xi32>
    %and3A_1430 = arith.andi %min3A_1408, %and3A_1429 : vector<16xi32>
    %add3A_1431 = arith.addi %add3A_1427, %and3A_1430 : vector<16xi32>
    %swap3A_1432 = arith.constant 6 : i32
    %swap3A_1433 = arith.index_cast %swap3A_1432 : i32 to index
    %swap3A_1434 = arith.constant 16 : index
    %swap3A_1435 = tpu.vector_load %arg6[%swap3A_1433, %swap3A_1434] {strides = array<i32>} : memref<10x128xi32, #tpu.memory_space<vmem>>, vector<1x16xi32>,
    %swap3A_1436 = vector.shape_cast %swap3A_1435 : vector<1x16xi32> to vector<16xi32>
    %swap3A_1437 = vector.shape_cast %add3A_1431 : vector<16xi32> to vector<1x16xi32>
    tpu.vector_store %arg6[%swap3A_1433, %swap3A_1434], %swap3A_1437 {strides = array<i32>} : memref<10x128xi32, #tpu.memory_space<vmem>>, vector<1x16xi32>,
    %add3A_1438 = arith.constant 8 : i32
    %add3A_1439 = vector.broadcast %add3A_1438 : i32 to vector<16xi32>
    %add3A_1440 = arith.addi %add3A_1431, %add3A_1439 : vector<16xi32>
    %swap3A_1441 = arith.constant 6 : i32
    %swap3A_1442 = arith.index_cast %swap3A_1441 : i32 to index
    %swap3A_1443 = arith.constant 80 : index
    %swap3A_1444 = tpu.vector_load %arg6[%swap3A_1442, %swap3A_1443] {strides = array<i32>} : memref<10x128xi32, #tpu.memory_space<vmem>>, vector<1x16xi32>,
    %swap3A_1445 = vector.shape_cast %swap3A_1444 : vector<1x16xi32> to vector<16xi32>
    %swap3A_1446 = vector.shape_cast %add3A_1440 : vector<16xi32> to vector<1x16xi32>
    tpu.vector_store %arg6[%swap3A_1442, %swap3A_1443], %swap3A_1446 {strides = array<i32>} : memref<10x128xi32, #tpu.memory_space<vmem>>, vector<1x16xi32>,
    %get3A_1447 = arith.constant 416 : index
    %get3A_1448 = tpu.vector_load %arg5[%get3A_1447] {strides = array<i32>} : memref<640xi32, #tpu.memory_space<vmem>>, vector<16xi32>,
    %get3A_1449 = vector.shape_cast %get3A_1448 : vector<16xi32> to vector<16xi32>
    %and3A_1450 = arith.constant 65535 : i32
    %and3A_1451 = vector.broadcast %and3A_1450 : i32 to vector<16xi32>
    %and3A_1452 = arith.andi %get3A_1449, %and3A_1451 : vector<16xi32>
    %jit3A_1453 = arith.constant 2 : i32
    %jit3A_1454 = arith.constant 509 : i32
    %max3A_1455 = vector.broadcast %jit3A_1453 : i32 to vector<16xi32>
    %max3A_1456 = arith.maxsi %max3A_1455, %and3A_1452 : vector<16xi32>
    %min3A_1457 = vector.broadcast %jit3A_1454 : i32 to vector<16xi32>
    %min3A_1458 = arith.minsi %min3A_1457, %max3A_1456 : vector<16xi32>
    %shift_right_arithmetic3A_1459 = arith.constant 16 : i32
    %shift_right_arithmetic3A_1460 = vector.broadcast %shift_right_arithmetic3A_1459 : i32 to vector<16xi32>
    %shift_right_arithmetic3A_1461 = arith.shrsi %get3A_1449, %shift_right_arithmetic3A_1460 : vector<16xi32>
    %jit3A_1462 = arith.constant 2 : i32
    %jit3A_1463 = arith.constant 509 : i32
    %max3A_1464 = vector.broadcast %jit3A_1462 : i32 to vector<16xi32>
    %max3A_1465 = arith.maxsi %max3A_1464, %shift_right_arithmetic3A_1461 : vector<16xi32>
    %min3A_1466 = vector.broadcast %jit3A_1463 : i32 to vector<16xi32>
    %min3A_1467 = arith.minsi %min3A_1466, %max3A_1465 : vector<16xi32>
    %mul3A_1468 = arith.constant 1024 : i32
    %mul3A_1469 = vector.broadcast %mul3A_1468 : i32 to vector<16xi32>
    %mul3A_1470 = arith.muli %min3A_1467, %mul3A_1469 : vector<16xi32>
    %shift_right_arithmetic3A_1471 = arith.constant 3 : i32
    %shift_right_arithmetic3A_1472 = vector.broadcast %shift_right_arithmetic3A_1471 : i32 to vector<16xi32>
    %shift_right_arithmetic3A_1473 = arith.shrsi %min3A_1458, %shift_right_arithmetic3A_1472 : vector<16xi32>
    %mul3A_1474 = arith.constant 16 : i32
    %mul3A_1475 = vector.broadcast %mul3A_1474 : i32 to vector<16xi32>
    %mul3A_1476 = arith.muli %shift_right_arithmetic3A_1473, %mul3A_1475 : vector<16xi32>
    %add3A_1477 = arith.addi %mul3A_1470, %mul3A_1476 : vector<16xi32>
    %and3A_1478 = arith.constant 7 : i32
    %and3A_1479 = vector.broadcast %and3A_1478 : i32 to vector<16xi32>
    %and3A_1480 = arith.andi %min3A_1458, %and3A_1479 : vector<16xi32>
    %add3A_1481 = arith.addi %add3A_1477, %and3A_1480 : vector<16xi32>
    %swap3A_1482 = arith.constant 6 : i32
    %swap3A_1483 = arith.index_cast %swap3A_1482 : i32 to index
    %swap3A_1484 = arith.constant 32 : index
    %swap3A_1485 = tpu.vector_load %arg6[%swap3A_1483, %swap3A_1484] {strides = array<i32>} : memref<10x128xi32, #tpu.memory_space<vmem>>, vector<1x16xi32>,
    %swap3A_1486 = vector.shape_cast %swap3A_1485 : vector<1x16xi32> to vector<16xi32>
    %swap3A_1487 = vector.shape_cast %add3A_1481 : vector<16xi32> to vector<1x16xi32>
    tpu.vector_store %arg6[%swap3A_1483, %swap3A_1484], %swap3A_1487 {strides = array<i32>} : memref<10x128xi32, #tpu.memory_space<vmem>>, vector<1x16xi32>,
    %add3A_1488 = arith.constant 8 : i32
    %add3A_1489 = vector.broadcast %add3A_1488 : i32 to vector<16xi32>
    %add3A_1490 = arith.addi %add3A_1481, %add3A_1489 : vector<16xi32>
    %swap3A_1491 = arith.constant 6 : i32
    %swap3A_1492 = arith.index_cast %swap3A_1491 : i32 to index
    %swap3A_1493 = arith.constant 96 : index
    %swap3A_1494 = tpu.vector_load %arg6[%swap3A_1492, %swap3A_1493] {strides = array<i32>} : memref<10x128xi32, #tpu.memory_space<vmem>>, vector<1x16xi32>,
    %swap3A_1495 = vector.shape_cast %swap3A_1494 : vector<1x16xi32> to vector<16xi32>
    %swap3A_1496 = vector.shape_cast %add3A_1490 : vector<16xi32> to vector<1x16xi32>
    tpu.vector_store %arg6[%swap3A_1492, %swap3A_1493], %swap3A_1496 {strides = array<i32>} : memref<10x128xi32, #tpu.memory_space<vmem>>, vector<1x16xi32>,
    %get3A_1497 = arith.constant 432 : index
    %get3A_1498 = tpu.vector_load %arg5[%get3A_1497] {strides = array<i32>} : memref<640xi32, #tpu.memory_space<vmem>>, vector<16xi32>,
    %get3A_1499 = vector.shape_cast %get3A_1498 : vector<16xi32> to vector<16xi32>
    %and3A_1500 = arith.constant 65535 : i32
    %and3A_1501 = vector.broadcast %and3A_1500 : i32 to vector<16xi32>
    %and3A_1502 = arith.andi %get3A_1499, %and3A_1501 : vector<16xi32>
    %jit3A_1503 = arith.constant 2 : i32
    %jit3A_1504 = arith.constant 509 : i32
    %max3A_1505 = vector.broadcast %jit3A_1503 : i32 to vector<16xi32>
    %max3A_1506 = arith.maxsi %max3A_1505, %and3A_1502 : vector<16xi32>
    %min3A_1507 = vector.broadcast %jit3A_1504 : i32 to vector<16xi32>
    %min3A_1508 = arith.minsi %min3A_1507, %max3A_1506 : vector<16xi32>
    %shift_right_arithmetic3A_1509 = arith.constant 16 : i32
    %shift_right_arithmetic3A_1510 = vector.broadcast %shift_right_arithmetic3A_1509 : i32 to vector<16xi32>
    %shift_right_arithmetic3A_1511 = arith.shrsi %get3A_1499, %shift_right_arithmetic3A_1510 : vector<16xi32>
    %jit3A_1512 = arith.constant 2 : i32
    %jit3A_1513 = arith.constant 509 : i32
    %max3A_1514 = vector.broadcast %jit3A_1512 : i32 to vector<16xi32>
    %max3A_1515 = arith.maxsi %max3A_1514, %shift_right_arithmetic3A_1511 : vector<16xi32>
    %min3A_1516 = vector.broadcast %jit3A_1513 : i32 to vector<16xi32>
    %min3A_1517 = arith.minsi %min3A_1516, %max3A_1515 : vector<16xi32>
    %mul3A_1518 = arith.constant 1024 : i32
    %mul3A_1519 = vector.broadcast %mul3A_1518 : i32 to vector<16xi32>
    %mul3A_1520 = arith.muli %min3A_1517, %mul3A_1519 : vector<16xi32>
    %shift_right_arithmetic3A_1521 = arith.constant 3 : i32
    %shift_right_arithmetic3A_1522 = vector.broadcast %shift_right_arithmetic3A_1521 : i32 to vector<16xi32>
    %shift_right_arithmetic3A_1523 = arith.shrsi %min3A_1508, %shift_right_arithmetic3A_1522 : vector<16xi32>
    %mul3A_1524 = arith.constant 16 : i32
    %mul3A_1525 = vector.broadcast %mul3A_1524 : i32 to vector<16xi32>
    %mul3A_1526 = arith.muli %shift_right_arithmetic3A_1523, %mul3A_1525 : vector<16xi32>
    %add3A_1527 = arith.addi %mul3A_1520, %mul3A_1526 : vector<16xi32>
    %and3A_1528 = arith.constant 7 : i32
    %and3A_1529 = vector.broadcast %and3A_1528 : i32 to vector<16xi32>
    %and3A_1530 = arith.andi %min3A_1508, %and3A_1529 : vector<16xi32>
    %add3A_1531 = arith.addi %add3A_1527, %and3A_1530 : vector<16xi32>
    %swap3A_1532 = arith.constant 6 : i32
    %swap3A_1533 = arith.index_cast %swap3A_1532 : i32 to index
    %swap3A_1534 = arith.constant 48 : index
    %swap3A_1535 = tpu.vector_load %arg6[%swap3A_1533, %swap3A_1534] {strides = array<i32>} : memref<10x128xi32, #tpu.memory_space<vmem>>, vector<1x16xi32>,
    %swap3A_1536 = vector.shape_cast %swap3A_1535 : vector<1x16xi32> to vector<16xi32>
    %swap3A_1537 = vector.shape_cast %add3A_1531 : vector<16xi32> to vector<1x16xi32>
    tpu.vector_store %arg6[%swap3A_1533, %swap3A_1534], %swap3A_1537 {strides = array<i32>} : memref<10x128xi32, #tpu.memory_space<vmem>>, vector<1x16xi32>,
    %add3A_1538 = arith.constant 8 : i32
    %add3A_1539 = vector.broadcast %add3A_1538 : i32 to vector<16xi32>
    %add3A_1540 = arith.addi %add3A_1531, %add3A_1539 : vector<16xi32>
    %swap3A_1541 = arith.constant 6 : i32
    %swap3A_1542 = arith.index_cast %swap3A_1541 : i32 to index
    %swap3A_1543 = arith.constant 112 : index
    %swap3A_1544 = tpu.vector_load %arg6[%swap3A_1542, %swap3A_1543] {strides = array<i32>} : memref<10x128xi32, #tpu.memory_space<vmem>>, vector<1x16xi32>,
    %swap3A_1545 = vector.shape_cast %swap3A_1544 : vector<1x16xi32> to vector<16xi32>
    %swap3A_1546 = vector.shape_cast %add3A_1540 : vector<16xi32> to vector<1x16xi32>
    tpu.vector_store %arg6[%swap3A_1542, %swap3A_1543], %swap3A_1546 {strides = array<i32>} : memref<10x128xi32, #tpu.memory_space<vmem>>, vector<1x16xi32>,
    %dma_start3A_1547 = arith.constant 6 : i32
    %dma_start3A_1548 = arith.constant 0 : i32
    %dma_start3A_1549 = arith.constant 0 : i32
    %dma_start3A_1550 = arith.constant 0 : i32
    %dma_start3A_1551 = tpu.memref_slice %arg7[%dma_start3A_1548, %dma_start3A_1549, %dma_start3A_1550] : memref<2x128x128xf32, #tpu.memory_space<vmem>> -> memref<1x128x128xf32, #tpu.memory_space<vmem>>
    %dma_start3A_1552 = tpu.memref_squeeze %dma_start3A_1551 : memref<1x128x128xf32, #tpu.memory_space<vmem>> -> memref<128x128xf32, #tpu.memory_space<vmem>>
    %dma_start3A_1553 = arith.constant 0 : i32
    %dma_start3A_1554 = tpu.memref_slice %arg6[%dma_start3A_1547, %dma_start3A_1553] : memref<10x128xi32, #tpu.memory_space<vmem>> -> memref<1x128xi32, #tpu.memory_space<vmem>>
    %dma_start3A_1555 = tpu.memref_squeeze %dma_start3A_1554 : memref<1x128xi32, #tpu.memory_space<vmem>> -> memref<128xi32, #tpu.memory_space<vmem>>
    %dma_start3A_1556 = arith.constant 0 : i32
    %dma_start3A_1557 = arith.constant 0 : i32
    %dma_start3A_1558 = tpu.memref_slice %arg2[%dma_start3A_1556, %dma_start3A_1557] : memref<524288x128xf32, #tpu.memory_space<hbm>> -> memref<524288x128xf32, #tpu.memory_space<hbm>>
    tpu.enqueue_indirect_dma source(%dma_start3A_1558 : memref<524288x128xf32, #tpu.memory_space<hbm>>) target(%dma_start3A_1552 : memref<128x128xf32, #tpu.memory_space<vmem>>) offsets(%dma_start3A_1555 : memref<128xi32, #tpu.memory_space<vmem>>) semaphore(%arg8 : memref<!tpu.dma_semaphore, #tpu.memory_space<semaphore_mem>>)
    %dma_wait3A_1559 = arith.constant 5 : i32
    %dma_wait3A_1560 = arith.constant 1 : i32
    %dma_wait3A_1561 = arith.constant 0 : i32
    %dma_wait3A_1562 = arith.constant 0 : i32
    %dma_wait3A_1563 = tpu.memref_slice %arg7[%dma_wait3A_1560, %dma_wait3A_1561, %dma_wait3A_1562] : memref<2x128x128xf32, #tpu.memory_space<vmem>> -> memref<1x128x128xf32, #tpu.memory_space<vmem>>
    %dma_wait3A_1564 = tpu.memref_squeeze %dma_wait3A_1563 : memref<1x128x128xf32, #tpu.memory_space<vmem>> -> memref<128x128xf32, #tpu.memory_space<vmem>>
    %dma_wait3A_1565 = arith.constant 0 : i32
    %dma_wait3A_1566 = tpu.memref_slice %arg6[%dma_wait3A_1559, %dma_wait3A_1565] : memref<10x128xi32, #tpu.memory_space<vmem>> -> memref<1x128xi32, #tpu.memory_space<vmem>>
    %dma_wait3A_1567 = tpu.memref_squeeze %dma_wait3A_1566 : memref<1x128xi32, #tpu.memory_space<vmem>> -> memref<128xi32, #tpu.memory_space<vmem>>
    %dma_wait3A_1568 = arith.constant 0 : i32
    %dma_wait3A_1569 = arith.constant 0 : i32
    %dma_wait3A_1570 = tpu.memref_slice %arg2[%dma_wait3A_1568, %dma_wait3A_1569] : memref<524288x128xf32, #tpu.memory_space<hbm>> -> memref<524288x128xf32, #tpu.memory_space<hbm>>
    tpu.wait_indirect_dma semaphore(%arg9 : memref<!tpu.dma_semaphore, #tpu.memory_space<semaphore_mem>>) src(%dma_wait3A_1570 : memref<524288x128xf32, #tpu.memory_space<hbm>>) dst(%dma_wait3A_1564 : memref<128x128xf32, #tpu.memory_space<vmem>>)
    %add3A_1571 = arith.constant 320 : i32
    %add3A_1572 = arith.addi %min3A_3, %add3A_1571 : i32
    %run_scoped3A_1573 = arith.constant 1 : i32
    "tpu.region"() ({
      %run_scoped3A_2275 = tpu.sem_alloc : memref<!tpu.dma_semaphore, #tpu.memory_space<semaphore_mem>>
      %dma_start3A_2276 = arith.constant 0 : i32
      %dma_start3A_2277 = arith.constant 0 : i32
      %dma_start3A_2278 = tpu.memref_slice %arg7[%run_scoped3A_1573, %dma_start3A_2276, %dma_start3A_2277] : memref<2x128x128xf32, #tpu.memory_space<vmem>> -> memref<1x128x128xf32, #tpu.memory_space<vmem>>
      %dma_start3A_2279 = tpu.memref_squeeze %dma_start3A_2278 : memref<1x128x128xf32, #tpu.memory_space<vmem>> -> memref<128x128xf32, #tpu.memory_space<vmem>>
      %dma_start3A_2280 = arith.constant 0 : i32
      %dma_start3A_2281 = arith.constant 0 : i32
      %dma_start3A_2282 = tpu.memref_slice %dma_start3A_2279[%dma_start3A_2280, %dma_start3A_2281] : memref<128x128xf32, #tpu.memory_space<vmem>> -> memref<64x128xf32, #tpu.memory_space<vmem>>
      %dma_start3A_2283 = arith.constant 0 : i32
      %dma_start3A_2284 = tpu.memref_slice %arg4[%add3A_1572, %dma_start3A_2283] : memref<20000x192xf32, #tpu.memory_space<hbm>> -> memref<64x128xf32, #tpu.memory_space<hbm>>
      %dma_start3A_2285 = arith.constant 0 : i32
      %dma_start3A_2286 = tpu.memref_slice %arg4[%add3A_1572, %dma_start3A_2285] : memref<20000x192xf32, #tpu.memory_space<hbm>> -> memref<64x128xf32, #tpu.memory_space<hbm>>
      %dma_start3A_2287 = arith.constant 0 : i32
      %dma_start3A_2288 = arith.constant 0 : i32
      %dma_start3A_2289 = tpu.memref_slice %arg7[%run_scoped3A_1573, %dma_start3A_2287, %dma_start3A_2288] : memref<2x128x128xf32, #tpu.memory_space<vmem>> -> memref<1x128x128xf32, #tpu.memory_space<vmem>>
      %dma_start3A_2290 = tpu.memref_squeeze %dma_start3A_2289 : memref<1x128x128xf32, #tpu.memory_space<vmem>> -> memref<128x128xf32, #tpu.memory_space<vmem>>
      %dma_start3A_2291 = arith.constant 0 : i32
      %dma_start3A_2292 = arith.constant 0 : i32
      %dma_start3A_2293 = tpu.memref_slice %dma_start3A_2290[%dma_start3A_2291, %dma_start3A_2292] : memref<128x128xf32, #tpu.memory_space<vmem>> -> memref<64x128xf32, #tpu.memory_space<vmem>>
      tpu.enqueue_dma source(%dma_start3A_2293 : memref<64x128xf32, #tpu.memory_space<vmem>>) target(%dma_start3A_2286 : memref<64x128xf32, #tpu.memory_space<hbm>>) target_semaphore(%run_scoped3A_2275 : memref<!tpu.dma_semaphore, #tpu.memory_space<semaphore_mem>>)
      %dma_wait3A_2294 = arith.constant 0 : i32
      %dma_wait3A_2295 = arith.constant 0 : i32
      %dma_wait3A_2296 = tpu.memref_slice %arg7[%run_scoped3A_1573, %dma_wait3A_2294, %dma_wait3A_2295] : memref<2x128x128xf32, #tpu.memory_space<vmem>> -> memref<1x128x128xf32, #tpu.memory_space<vmem>>
      %dma_wait3A_2297 = tpu.memref_squeeze %dma_wait3A_2296 : memref<1x128x128xf32, #tpu.memory_space<vmem>> -> memref<128x128xf32, #tpu.memory_space<vmem>>
      %dma_wait3A_2298 = arith.constant 0 : i32
      %dma_wait3A_2299 = arith.constant 0 : i32
      %dma_wait3A_2300 = tpu.memref_slice %dma_wait3A_2297[%dma_wait3A_2298, %dma_wait3A_2299] : memref<128x128xf32, #tpu.memory_space<vmem>> -> memref<64x128xf32, #tpu.memory_space<vmem>>
      %dma_wait3A_2301 = arith.constant 0 : i32
      %dma_wait3A_2302 = tpu.memref_slice %arg4[%add3A_1572, %dma_wait3A_2301] : memref<20000x192xf32, #tpu.memory_space<hbm>> -> memref<64x128xf32, #tpu.memory_space<hbm>>
      %dma_wait3A_2303 = arith.constant 0 : i32
      %dma_wait3A_2304 = tpu.memref_slice %arg4[%add3A_1572, %dma_wait3A_2303] : memref<20000x192xf32, #tpu.memory_space<hbm>> -> memref<64x128xf32, #tpu.memory_space<hbm>>
      %dma_wait3A_2305 = arith.constant 0 : i32
      %dma_wait3A_2306 = arith.constant 0 : i32
      %dma_wait3A_2307 = tpu.memref_slice %arg7[%run_scoped3A_1573, %dma_wait3A_2305, %dma_wait3A_2306] : memref<2x128x128xf32, #tpu.memory_space<vmem>> -> memref<1x128x128xf32, #tpu.memory_space<vmem>>
      %dma_wait3A_2308 = tpu.memref_squeeze %dma_wait3A_2307 : memref<1x128x128xf32, #tpu.memory_space<vmem>> -> memref<128x128xf32, #tpu.memory_space<vmem>>
      %dma_wait3A_2309 = arith.constant 0 : i32
      %dma_wait3A_2310 = arith.constant 0 : i32
      %dma_wait3A_2311 = tpu.memref_slice %dma_wait3A_2308[%dma_wait3A_2309, %dma_wait3A_2310] : memref<128x128xf32, #tpu.memory_space<vmem>> -> memref<64x128xf32, #tpu.memory_space<vmem>>
      tpu.wait_dma2 semaphore(%run_scoped3A_2275 : memref<!tpu.dma_semaphore, #tpu.memory_space<semaphore_mem>>) src(%dma_wait3A_2311 : memref<64x128xf32, #tpu.memory_space<vmem>>) dst(%dma_wait3A_2304 : memref<64x128xf32, #tpu.memory_space<hbm>>)
      tpu.yield
    }) : () -> ()
    %run_scoped3A_1574 = arith.constant 1 : i32
    "tpu.region"() ({
      %run_scoped3A_2275 = tpu.sem_alloc : memref<!tpu.dma_semaphore, #tpu.memory_space<semaphore_mem>>
      %dma_start3A_2276 = arith.constant 0 : i32
      %dma_start3A_2277 = arith.constant 0 : i32
      %dma_start3A_2278 = tpu.memref_slice %arg7[%run_scoped3A_1574, %dma_start3A_2276, %dma_start3A_2277] : memref<2x128x128xf32, #tpu.memory_space<vmem>> -> memref<1x128x128xf32, #tpu.memory_space<vmem>>
      %dma_start3A_2279 = tpu.memref_squeeze %dma_start3A_2278 : memref<1x128x128xf32, #tpu.memory_space<vmem>> -> memref<128x128xf32, #tpu.memory_space<vmem>>
      %dma_start3A_2280 = arith.constant 64 : i32
      %dma_start3A_2281 = arith.constant 0 : i32
      %dma_start3A_2282 = tpu.memref_slice %dma_start3A_2279[%dma_start3A_2280, %dma_start3A_2281] : memref<128x128xf32, #tpu.memory_space<vmem>> -> memref<64x64xf32, #tpu.memory_space<vmem>>
      %dma_start3A_2283 = arith.constant 128 : i32
      %dma_start3A_2284 = tpu.memref_slice %arg4[%add3A_1572, %dma_start3A_2283] : memref<20000x192xf32, #tpu.memory_space<hbm>> -> memref<64x64xf32, #tpu.memory_space<hbm>>
      %dma_start3A_2285 = arith.constant 128 : i32
      %dma_start3A_2286 = tpu.memref_slice %arg4[%add3A_1572, %dma_start3A_2285] : memref<20000x192xf32, #tpu.memory_space<hbm>> -> memref<64x64xf32, #tpu.memory_space<hbm>>
      %dma_start3A_2287 = arith.constant 0 : i32
      %dma_start3A_2288 = arith.constant 0 : i32
      %dma_start3A_2289 = tpu.memref_slice %arg7[%run_scoped3A_1574, %dma_start3A_2287, %dma_start3A_2288] : memref<2x128x128xf32, #tpu.memory_space<vmem>> -> memref<1x128x128xf32, #tpu.memory_space<vmem>>
      %dma_start3A_2290 = tpu.memref_squeeze %dma_start3A_2289 : memref<1x128x128xf32, #tpu.memory_space<vmem>> -> memref<128x128xf32, #tpu.memory_space<vmem>>
      %dma_start3A_2291 = arith.constant 64 : i32
      %dma_start3A_2292 = arith.constant 0 : i32
      %dma_start3A_2293 = tpu.memref_slice %dma_start3A_2290[%dma_start3A_2291, %dma_start3A_2292] : memref<128x128xf32, #tpu.memory_space<vmem>> -> memref<64x64xf32, #tpu.memory_space<vmem>>
      tpu.enqueue_dma source(%dma_start3A_2293 : memref<64x64xf32, #tpu.memory_space<vmem>>) target(%dma_start3A_2286 : memref<64x64xf32, #tpu.memory_space<hbm>>) target_semaphore(%run_scoped3A_2275 : memref<!tpu.dma_semaphore, #tpu.memory_space<semaphore_mem>>)
      %dma_wait3A_2294 = arith.constant 0 : i32
      %dma_wait3A_2295 = arith.constant 0 : i32
      %dma_wait3A_2296 = tpu.memref_slice %arg7[%run_scoped3A_1574, %dma_wait3A_2294, %dma_wait3A_2295] : memref<2x128x128xf32, #tpu.memory_space<vmem>> -> memref<1x128x128xf32, #tpu.memory_space<vmem>>
      %dma_wait3A_2297 = tpu.memref_squeeze %dma_wait3A_2296 : memref<1x128x128xf32, #tpu.memory_space<vmem>> -> memref<128x128xf32, #tpu.memory_space<vmem>>
      %dma_wait3A_2298 = arith.constant 64 : i32
      %dma_wait3A_2299 = arith.constant 0 : i32
      %dma_wait3A_2300 = tpu.memref_slice %dma_wait3A_2297[%dma_wait3A_2298, %dma_wait3A_2299] : memref<128x128xf32, #tpu.memory_space<vmem>> -> memref<64x64xf32, #tpu.memory_space<vmem>>
      %dma_wait3A_2301 = arith.constant 128 : i32
      %dma_wait3A_2302 = tpu.memref_slice %arg4[%add3A_1572, %dma_wait3A_2301] : memref<20000x192xf32, #tpu.memory_space<hbm>> -> memref<64x64xf32, #tpu.memory_space<hbm>>
      %dma_wait3A_2303 = arith.constant 128 : i32
      %dma_wait3A_2304 = tpu.memref_slice %arg4[%add3A_1572, %dma_wait3A_2303] : memref<20000x192xf32, #tpu.memory_space<hbm>> -> memref<64x64xf32, #tpu.memory_space<hbm>>
      %dma_wait3A_2305 = arith.constant 0 : i32
      %dma_wait3A_2306 = arith.constant 0 : i32
      %dma_wait3A_2307 = tpu.memref_slice %arg7[%run_scoped3A_1574, %dma_wait3A_2305, %dma_wait3A_2306] : memref<2x128x128xf32, #tpu.memory_space<vmem>> -> memref<1x128x128xf32, #tpu.memory_space<vmem>>
      %dma_wait3A_2308 = tpu.memref_squeeze %dma_wait3A_2307 : memref<1x128x128xf32, #tpu.memory_space<vmem>> -> memref<128x128xf32, #tpu.memory_space<vmem>>
      %dma_wait3A_2309 = arith.constant 64 : i32
      %dma_wait3A_2310 = arith.constant 0 : i32
      %dma_wait3A_2311 = tpu.memref_slice %dma_wait3A_2308[%dma_wait3A_2309, %dma_wait3A_2310] : memref<128x128xf32, #tpu.memory_space<vmem>> -> memref<64x64xf32, #tpu.memory_space<vmem>>
      tpu.wait_dma2 semaphore(%run_scoped3A_2275 : memref<!tpu.dma_semaphore, #tpu.memory_space<semaphore_mem>>) src(%dma_wait3A_2311 : memref<64x64xf32, #tpu.memory_space<vmem>>) dst(%dma_wait3A_2304 : memref<64x64xf32, #tpu.memory_space<hbm>>)
      tpu.yield
    }) : () -> ()
    %get3A_1575 = arith.constant 448 : index
    %get3A_1576 = tpu.vector_load %arg5[%get3A_1575] {strides = array<i32>} : memref<640xi32, #tpu.memory_space<vmem>>, vector<16xi32>,
    %get3A_1577 = vector.shape_cast %get3A_1576 : vector<16xi32> to vector<16xi32>
    %and3A_1578 = arith.constant 65535 : i32
    %and3A_1579 = vector.broadcast %and3A_1578 : i32 to vector<16xi32>
    %and3A_1580 = arith.andi %get3A_1577, %and3A_1579 : vector<16xi32>
    %jit3A_1581 = arith.constant 2 : i32
    %jit3A_1582 = arith.constant 509 : i32
    %max3A_1583 = vector.broadcast %jit3A_1581 : i32 to vector<16xi32>
    %max3A_1584 = arith.maxsi %max3A_1583, %and3A_1580 : vector<16xi32>
    %min3A_1585 = vector.broadcast %jit3A_1582 : i32 to vector<16xi32>
    %min3A_1586 = arith.minsi %min3A_1585, %max3A_1584 : vector<16xi32>
    %shift_right_arithmetic3A_1587 = arith.constant 16 : i32
    %shift_right_arithmetic3A_1588 = vector.broadcast %shift_right_arithmetic3A_1587 : i32 to vector<16xi32>
    %shift_right_arithmetic3A_1589 = arith.shrsi %get3A_1577, %shift_right_arithmetic3A_1588 : vector<16xi32>
    %jit3A_1590 = arith.constant 2 : i32
    %jit3A_1591 = arith.constant 509 : i32
    %max3A_1592 = vector.broadcast %jit3A_1590 : i32 to vector<16xi32>
    %max3A_1593 = arith.maxsi %max3A_1592, %shift_right_arithmetic3A_1589 : vector<16xi32>
    %min3A_1594 = vector.broadcast %jit3A_1591 : i32 to vector<16xi32>
    %min3A_1595 = arith.minsi %min3A_1594, %max3A_1593 : vector<16xi32>
    %mul3A_1596 = arith.constant 1024 : i32
    %mul3A_1597 = vector.broadcast %mul3A_1596 : i32 to vector<16xi32>
    %mul3A_1598 = arith.muli %min3A_1595, %mul3A_1597 : vector<16xi32>
    %shift_right_arithmetic3A_1599 = arith.constant 3 : i32
    %shift_right_arithmetic3A_1600 = vector.broadcast %shift_right_arithmetic3A_1599 : i32 to vector<16xi32>
    %shift_right_arithmetic3A_1601 = arith.shrsi %min3A_1586, %shift_right_arithmetic3A_1600 : vector<16xi32>
    %mul3A_1602 = arith.constant 16 : i32
    %mul3A_1603 = vector.broadcast %mul3A_1602 : i32 to vector<16xi32>
    %mul3A_1604 = arith.muli %shift_right_arithmetic3A_1601, %mul3A_1603 : vector<16xi32>
    %add3A_1605 = arith.addi %mul3A_1598, %mul3A_1604 : vector<16xi32>
    %and3A_1606 = arith.constant 7 : i32
    %and3A_1607 = vector.broadcast %and3A_1606 : i32 to vector<16xi32>
    %and3A_1608 = arith.andi %min3A_1586, %and3A_1607 : vector<16xi32>
    %add3A_1609 = arith.addi %add3A_1605, %and3A_1608 : vector<16xi32>
    %swap3A_1610 = arith.constant 7 : i32
    %swap3A_1611 = arith.index_cast %swap3A_1610 : i32 to index
    %swap3A_1612 = arith.constant 0 : index
    %swap3A_1613 = tpu.vector_load %arg6[%swap3A_1611, %swap3A_1612] {strides = array<i32>} : memref<10x128xi32, #tpu.memory_space<vmem>>, vector<1x16xi32>,
    %swap3A_1614 = vector.shape_cast %swap3A_1613 : vector<1x16xi32> to vector<16xi32>
    %swap3A_1615 = vector.shape_cast %add3A_1609 : vector<16xi32> to vector<1x16xi32>
    tpu.vector_store %arg6[%swap3A_1611, %swap3A_1612], %swap3A_1615 {strides = array<i32>} : memref<10x128xi32, #tpu.memory_space<vmem>>, vector<1x16xi32>,
    %add3A_1616 = arith.constant 8 : i32
    %add3A_1617 = vector.broadcast %add3A_1616 : i32 to vector<16xi32>
    %add3A_1618 = arith.addi %add3A_1609, %add3A_1617 : vector<16xi32>
    %swap3A_1619 = arith.constant 7 : i32
    %swap3A_1620 = arith.index_cast %swap3A_1619 : i32 to index
    %swap3A_1621 = arith.constant 64 : index
    %swap3A_1622 = tpu.vector_load %arg6[%swap3A_1620, %swap3A_1621] {strides = array<i32>} : memref<10x128xi32, #tpu.memory_space<vmem>>, vector<1x16xi32>,
    %swap3A_1623 = vector.shape_cast %swap3A_1622 : vector<1x16xi32> to vector<16xi32>
    %swap3A_1624 = vector.shape_cast %add3A_1618 : vector<16xi32> to vector<1x16xi32>
    tpu.vector_store %arg6[%swap3A_1620, %swap3A_1621], %swap3A_1624 {strides = array<i32>} : memref<10x128xi32, #tpu.memory_space<vmem>>, vector<1x16xi32>,
    %get3A_1625 = arith.constant 464 : index
    %get3A_1626 = tpu.vector_load %arg5[%get3A_1625] {strides = array<i32>} : memref<640xi32, #tpu.memory_space<vmem>>, vector<16xi32>,
    %get3A_1627 = vector.shape_cast %get3A_1626 : vector<16xi32> to vector<16xi32>
    %and3A_1628 = arith.constant 65535 : i32
    %and3A_1629 = vector.broadcast %and3A_1628 : i32 to vector<16xi32>
    %and3A_1630 = arith.andi %get3A_1627, %and3A_1629 : vector<16xi32>
    %jit3A_1631 = arith.constant 2 : i32
    %jit3A_1632 = arith.constant 509 : i32
    %max3A_1633 = vector.broadcast %jit3A_1631 : i32 to vector<16xi32>
    %max3A_1634 = arith.maxsi %max3A_1633, %and3A_1630 : vector<16xi32>
    %min3A_1635 = vector.broadcast %jit3A_1632 : i32 to vector<16xi32>
    %min3A_1636 = arith.minsi %min3A_1635, %max3A_1634 : vector<16xi32>
    %shift_right_arithmetic3A_1637 = arith.constant 16 : i32
    %shift_right_arithmetic3A_1638 = vector.broadcast %shift_right_arithmetic3A_1637 : i32 to vector<16xi32>
    %shift_right_arithmetic3A_1639 = arith.shrsi %get3A_1627, %shift_right_arithmetic3A_1638 : vector<16xi32>
    %jit3A_1640 = arith.constant 2 : i32
    %jit3A_1641 = arith.constant 509 : i32
    %max3A_1642 = vector.broadcast %jit3A_1640 : i32 to vector<16xi32>
    %max3A_1643 = arith.maxsi %max3A_1642, %shift_right_arithmetic3A_1639 : vector<16xi32>
    %min3A_1644 = vector.broadcast %jit3A_1641 : i32 to vector<16xi32>
    %min3A_1645 = arith.minsi %min3A_1644, %max3A_1643 : vector<16xi32>
    %mul3A_1646 = arith.constant 1024 : i32
    %mul3A_1647 = vector.broadcast %mul3A_1646 : i32 to vector<16xi32>
    %mul3A_1648 = arith.muli %min3A_1645, %mul3A_1647 : vector<16xi32>
    %shift_right_arithmetic3A_1649 = arith.constant 3 : i32
    %shift_right_arithmetic3A_1650 = vector.broadcast %shift_right_arithmetic3A_1649 : i32 to vector<16xi32>
    %shift_right_arithmetic3A_1651 = arith.shrsi %min3A_1636, %shift_right_arithmetic3A_1650 : vector<16xi32>
    %mul3A_1652 = arith.constant 16 : i32
    %mul3A_1653 = vector.broadcast %mul3A_1652 : i32 to vector<16xi32>
    %mul3A_1654 = arith.muli %shift_right_arithmetic3A_1651, %mul3A_1653 : vector<16xi32>
    %add3A_1655 = arith.addi %mul3A_1648, %mul3A_1654 : vector<16xi32>
    %and3A_1656 = arith.constant 7 : i32
    %and3A_1657 = vector.broadcast %and3A_1656 : i32 to vector<16xi32>
    %and3A_1658 = arith.andi %min3A_1636, %and3A_1657 : vector<16xi32>
    %add3A_1659 = arith.addi %add3A_1655, %and3A_1658 : vector<16xi32>
    %swap3A_1660 = arith.constant 7 : i32
    %swap3A_1661 = arith.index_cast %swap3A_1660 : i32 to index
    %swap3A_1662 = arith.constant 16 : index
    %swap3A_1663 = tpu.vector_load %arg6[%swap3A_1661, %swap3A_1662] {strides = array<i32>} : memref<10x128xi32, #tpu.memory_space<vmem>>, vector<1x16xi32>,
    %swap3A_1664 = vector.shape_cast %swap3A_1663 : vector<1x16xi32> to vector<16xi32>
    %swap3A_1665 = vector.shape_cast %add3A_1659 : vector<16xi32> to vector<1x16xi32>
    tpu.vector_store %arg6[%swap3A_1661, %swap3A_1662], %swap3A_1665 {strides = array<i32>} : memref<10x128xi32, #tpu.memory_space<vmem>>, vector<1x16xi32>,
    %add3A_1666 = arith.constant 8 : i32
    %add3A_1667 = vector.broadcast %add3A_1666 : i32 to vector<16xi32>
    %add3A_1668 = arith.addi %add3A_1659, %add3A_1667 : vector<16xi32>
    %swap3A_1669 = arith.constant 7 : i32
    %swap3A_1670 = arith.index_cast %swap3A_1669 : i32 to index
    %swap3A_1671 = arith.constant 80 : index
    %swap3A_1672 = tpu.vector_load %arg6[%swap3A_1670, %swap3A_1671] {strides = array<i32>} : memref<10x128xi32, #tpu.memory_space<vmem>>, vector<1x16xi32>,
    %swap3A_1673 = vector.shape_cast %swap3A_1672 : vector<1x16xi32> to vector<16xi32>
    %swap3A_1674 = vector.shape_cast %add3A_1668 : vector<16xi32> to vector<1x16xi32>
    tpu.vector_store %arg6[%swap3A_1670, %swap3A_1671], %swap3A_1674 {strides = array<i32>} : memref<10x128xi32, #tpu.memory_space<vmem>>, vector<1x16xi32>,
    %get3A_1675 = arith.constant 480 : index
    %get3A_1676 = tpu.vector_load %arg5[%get3A_1675] {strides = array<i32>} : memref<640xi32, #tpu.memory_space<vmem>>, vector<16xi32>,
    %get3A_1677 = vector.shape_cast %get3A_1676 : vector<16xi32> to vector<16xi32>
    %and3A_1678 = arith.constant 65535 : i32
    %and3A_1679 = vector.broadcast %and3A_1678 : i32 to vector<16xi32>
    %and3A_1680 = arith.andi %get3A_1677, %and3A_1679 : vector<16xi32>
    %jit3A_1681 = arith.constant 2 : i32
    %jit3A_1682 = arith.constant 509 : i32
    %max3A_1683 = vector.broadcast %jit3A_1681 : i32 to vector<16xi32>
    %max3A_1684 = arith.maxsi %max3A_1683, %and3A_1680 : vector<16xi32>
    %min3A_1685 = vector.broadcast %jit3A_1682 : i32 to vector<16xi32>
    %min3A_1686 = arith.minsi %min3A_1685, %max3A_1684 : vector<16xi32>
    %shift_right_arithmetic3A_1687 = arith.constant 16 : i32
    %shift_right_arithmetic3A_1688 = vector.broadcast %shift_right_arithmetic3A_1687 : i32 to vector<16xi32>
    %shift_right_arithmetic3A_1689 = arith.shrsi %get3A_1677, %shift_right_arithmetic3A_1688 : vector<16xi32>
    %jit3A_1690 = arith.constant 2 : i32
    %jit3A_1691 = arith.constant 509 : i32
    %max3A_1692 = vector.broadcast %jit3A_1690 : i32 to vector<16xi32>
    %max3A_1693 = arith.maxsi %max3A_1692, %shift_right_arithmetic3A_1689 : vector<16xi32>
    %min3A_1694 = vector.broadcast %jit3A_1691 : i32 to vector<16xi32>
    %min3A_1695 = arith.minsi %min3A_1694, %max3A_1693 : vector<16xi32>
    %mul3A_1696 = arith.constant 1024 : i32
    %mul3A_1697 = vector.broadcast %mul3A_1696 : i32 to vector<16xi32>
    %mul3A_1698 = arith.muli %min3A_1695, %mul3A_1697 : vector<16xi32>
    %shift_right_arithmetic3A_1699 = arith.constant 3 : i32
    %shift_right_arithmetic3A_1700 = vector.broadcast %shift_right_arithmetic3A_1699 : i32 to vector<16xi32>
    %shift_right_arithmetic3A_1701 = arith.shrsi %min3A_1686, %shift_right_arithmetic3A_1700 : vector<16xi32>
    %mul3A_1702 = arith.constant 16 : i32
    %mul3A_1703 = vector.broadcast %mul3A_1702 : i32 to vector<16xi32>
    %mul3A_1704 = arith.muli %shift_right_arithmetic3A_1701, %mul3A_1703 : vector<16xi32>
    %add3A_1705 = arith.addi %mul3A_1698, %mul3A_1704 : vector<16xi32>
    %and3A_1706 = arith.constant 7 : i32
    %and3A_1707 = vector.broadcast %and3A_1706 : i32 to vector<16xi32>
    %and3A_1708 = arith.andi %min3A_1686, %and3A_1707 : vector<16xi32>
    %add3A_1709 = arith.addi %add3A_1705, %and3A_1708 : vector<16xi32>
    %swap3A_1710 = arith.constant 7 : i32
    %swap3A_1711 = arith.index_cast %swap3A_1710 : i32 to index
    %swap3A_1712 = arith.constant 32 : index
    %swap3A_1713 = tpu.vector_load %arg6[%swap3A_1711, %swap3A_1712] {strides = array<i32>} : memref<10x128xi32, #tpu.memory_space<vmem>>, vector<1x16xi32>,
    %swap3A_1714 = vector.shape_cast %swap3A_1713 : vector<1x16xi32> to vector<16xi32>
    %swap3A_1715 = vector.shape_cast %add3A_1709 : vector<16xi32> to vector<1x16xi32>
    tpu.vector_store %arg6[%swap3A_1711, %swap3A_1712], %swap3A_1715 {strides = array<i32>} : memref<10x128xi32, #tpu.memory_space<vmem>>, vector<1x16xi32>,
    %add3A_1716 = arith.constant 8 : i32
    %add3A_1717 = vector.broadcast %add3A_1716 : i32 to vector<16xi32>
    %add3A_1718 = arith.addi %add3A_1709, %add3A_1717 : vector<16xi32>
    %swap3A_1719 = arith.constant 7 : i32
    %swap3A_1720 = arith.index_cast %swap3A_1719 : i32 to index
    %swap3A_1721 = arith.constant 96 : index
    %swap3A_1722 = tpu.vector_load %arg6[%swap3A_1720, %swap3A_1721] {strides = array<i32>} : memref<10x128xi32, #tpu.memory_space<vmem>>, vector<1x16xi32>,
    %swap3A_1723 = vector.shape_cast %swap3A_1722 : vector<1x16xi32> to vector<16xi32>
    %swap3A_1724 = vector.shape_cast %add3A_1718 : vector<16xi32> to vector<1x16xi32>
    tpu.vector_store %arg6[%swap3A_1720, %swap3A_1721], %swap3A_1724 {strides = array<i32>} : memref<10x128xi32, #tpu.memory_space<vmem>>, vector<1x16xi32>,
    %get3A_1725 = arith.constant 496 : index
    %get3A_1726 = tpu.vector_load %arg5[%get3A_1725] {strides = array<i32>} : memref<640xi32, #tpu.memory_space<vmem>>, vector<16xi32>,
    %get3A_1727 = vector.shape_cast %get3A_1726 : vector<16xi32> to vector<16xi32>
    %and3A_1728 = arith.constant 65535 : i32
    %and3A_1729 = vector.broadcast %and3A_1728 : i32 to vector<16xi32>
    %and3A_1730 = arith.andi %get3A_1727, %and3A_1729 : vector<16xi32>
    %jit3A_1731 = arith.constant 2 : i32
    %jit3A_1732 = arith.constant 509 : i32
    %max3A_1733 = vector.broadcast %jit3A_1731 : i32 to vector<16xi32>
    %max3A_1734 = arith.maxsi %max3A_1733, %and3A_1730 : vector<16xi32>
    %min3A_1735 = vector.broadcast %jit3A_1732 : i32 to vector<16xi32>
    %min3A_1736 = arith.minsi %min3A_1735, %max3A_1734 : vector<16xi32>
    %shift_right_arithmetic3A_1737 = arith.constant 16 : i32
    %shift_right_arithmetic3A_1738 = vector.broadcast %shift_right_arithmetic3A_1737 : i32 to vector<16xi32>
    %shift_right_arithmetic3A_1739 = arith.shrsi %get3A_1727, %shift_right_arithmetic3A_1738 : vector<16xi32>
    %jit3A_1740 = arith.constant 2 : i32
    %jit3A_1741 = arith.constant 509 : i32
    %max3A_1742 = vector.broadcast %jit3A_1740 : i32 to vector<16xi32>
    %max3A_1743 = arith.maxsi %max3A_1742, %shift_right_arithmetic3A_1739 : vector<16xi32>
    %min3A_1744 = vector.broadcast %jit3A_1741 : i32 to vector<16xi32>
    %min3A_1745 = arith.minsi %min3A_1744, %max3A_1743 : vector<16xi32>
    %mul3A_1746 = arith.constant 1024 : i32
    %mul3A_1747 = vector.broadcast %mul3A_1746 : i32 to vector<16xi32>
    %mul3A_1748 = arith.muli %min3A_1745, %mul3A_1747 : vector<16xi32>
    %shift_right_arithmetic3A_1749 = arith.constant 3 : i32
    %shift_right_arithmetic3A_1750 = vector.broadcast %shift_right_arithmetic3A_1749 : i32 to vector<16xi32>
    %shift_right_arithmetic3A_1751 = arith.shrsi %min3A_1736, %shift_right_arithmetic3A_1750 : vector<16xi32>
    %mul3A_1752 = arith.constant 16 : i32
    %mul3A_1753 = vector.broadcast %mul3A_1752 : i32 to vector<16xi32>
    %mul3A_1754 = arith.muli %shift_right_arithmetic3A_1751, %mul3A_1753 : vector<16xi32>
    %add3A_1755 = arith.addi %mul3A_1748, %mul3A_1754 : vector<16xi32>
    %and3A_1756 = arith.constant 7 : i32
    %and3A_1757 = vector.broadcast %and3A_1756 : i32 to vector<16xi32>
    %and3A_1758 = arith.andi %min3A_1736, %and3A_1757 : vector<16xi32>
    %add3A_1759 = arith.addi %add3A_1755, %and3A_1758 : vector<16xi32>
    %swap3A_1760 = arith.constant 7 : i32
    %swap3A_1761 = arith.index_cast %swap3A_1760 : i32 to index
    %swap3A_1762 = arith.constant 48 : index
    %swap3A_1763 = tpu.vector_load %arg6[%swap3A_1761, %swap3A_1762] {strides = array<i32>} : memref<10x128xi32, #tpu.memory_space<vmem>>, vector<1x16xi32>,
    %swap3A_1764 = vector.shape_cast %swap3A_1763 : vector<1x16xi32> to vector<16xi32>
    %swap3A_1765 = vector.shape_cast %add3A_1759 : vector<16xi32> to vector<1x16xi32>
    tpu.vector_store %arg6[%swap3A_1761, %swap3A_1762], %swap3A_1765 {strides = array<i32>} : memref<10x128xi32, #tpu.memory_space<vmem>>, vector<1x16xi32>,
    %add3A_1766 = arith.constant 8 : i32
    %add3A_1767 = vector.broadcast %add3A_1766 : i32 to vector<16xi32>
    %add3A_1768 = arith.addi %add3A_1759, %add3A_1767 : vector<16xi32>
    %swap3A_1769 = arith.constant 7 : i32
    %swap3A_1770 = arith.index_cast %swap3A_1769 : i32 to index
    %swap3A_1771 = arith.constant 112 : index
    %swap3A_1772 = tpu.vector_load %arg6[%swap3A_1770, %swap3A_1771] {strides = array<i32>} : memref<10x128xi32, #tpu.memory_space<vmem>>, vector<1x16xi32>,
    %swap3A_1773 = vector.shape_cast %swap3A_1772 : vector<1x16xi32> to vector<16xi32>
    %swap3A_1774 = vector.shape_cast %add3A_1768 : vector<16xi32> to vector<1x16xi32>
    tpu.vector_store %arg6[%swap3A_1770, %swap3A_1771], %swap3A_1774 {strides = array<i32>} : memref<10x128xi32, #tpu.memory_space<vmem>>, vector<1x16xi32>,
    %dma_start3A_1775 = arith.constant 7 : i32
    %dma_start3A_1776 = arith.constant 1 : i32
    %dma_start3A_1777 = arith.constant 0 : i32
    %dma_start3A_1778 = arith.constant 0 : i32
    %dma_start3A_1779 = tpu.memref_slice %arg7[%dma_start3A_1776, %dma_start3A_1777, %dma_start3A_1778] : memref<2x128x128xf32, #tpu.memory_space<vmem>> -> memref<1x128x128xf32, #tpu.memory_space<vmem>>
    %dma_start3A_1780 = tpu.memref_squeeze %dma_start3A_1779 : memref<1x128x128xf32, #tpu.memory_space<vmem>> -> memref<128x128xf32, #tpu.memory_space<vmem>>
    %dma_start3A_1781 = arith.constant 0 : i32
    %dma_start3A_1782 = tpu.memref_slice %arg6[%dma_start3A_1775, %dma_start3A_1781] : memref<10x128xi32, #tpu.memory_space<vmem>> -> memref<1x128xi32, #tpu.memory_space<vmem>>
    %dma_start3A_1783 = tpu.memref_squeeze %dma_start3A_1782 : memref<1x128xi32, #tpu.memory_space<vmem>> -> memref<128xi32, #tpu.memory_space<vmem>>
    %dma_start3A_1784 = arith.constant 0 : i32
    %dma_start3A_1785 = arith.constant 0 : i32
    %dma_start3A_1786 = tpu.memref_slice %arg2[%dma_start3A_1784, %dma_start3A_1785] : memref<524288x128xf32, #tpu.memory_space<hbm>> -> memref<524288x128xf32, #tpu.memory_space<hbm>>
    tpu.enqueue_indirect_dma source(%dma_start3A_1786 : memref<524288x128xf32, #tpu.memory_space<hbm>>) target(%dma_start3A_1780 : memref<128x128xf32, #tpu.memory_space<vmem>>) offsets(%dma_start3A_1783 : memref<128xi32, #tpu.memory_space<vmem>>) semaphore(%arg9 : memref<!tpu.dma_semaphore, #tpu.memory_space<semaphore_mem>>)
    %dma_wait3A_1787 = arith.constant 6 : i32
    %dma_wait3A_1788 = arith.constant 0 : i32
    %dma_wait3A_1789 = arith.constant 0 : i32
    %dma_wait3A_1790 = arith.constant 0 : i32
    %dma_wait3A_1791 = tpu.memref_slice %arg7[%dma_wait3A_1788, %dma_wait3A_1789, %dma_wait3A_1790] : memref<2x128x128xf32, #tpu.memory_space<vmem>> -> memref<1x128x128xf32, #tpu.memory_space<vmem>>
    %dma_wait3A_1792 = tpu.memref_squeeze %dma_wait3A_1791 : memref<1x128x128xf32, #tpu.memory_space<vmem>> -> memref<128x128xf32, #tpu.memory_space<vmem>>
    %dma_wait3A_1793 = arith.constant 0 : i32
    %dma_wait3A_1794 = tpu.memref_slice %arg6[%dma_wait3A_1787, %dma_wait3A_1793] : memref<10x128xi32, #tpu.memory_space<vmem>> -> memref<1x128xi32, #tpu.memory_space<vmem>>
    %dma_wait3A_1795 = tpu.memref_squeeze %dma_wait3A_1794 : memref<1x128xi32, #tpu.memory_space<vmem>> -> memref<128xi32, #tpu.memory_space<vmem>>
    %dma_wait3A_1796 = arith.constant 0 : i32
    %dma_wait3A_1797 = arith.constant 0 : i32
    %dma_wait3A_1798 = tpu.memref_slice %arg2[%dma_wait3A_1796, %dma_wait3A_1797] : memref<524288x128xf32, #tpu.memory_space<hbm>> -> memref<524288x128xf32, #tpu.memory_space<hbm>>
    tpu.wait_indirect_dma semaphore(%arg8 : memref<!tpu.dma_semaphore, #tpu.memory_space<semaphore_mem>>) src(%dma_wait3A_1798 : memref<524288x128xf32, #tpu.memory_space<hbm>>) dst(%dma_wait3A_1792 : memref<128x128xf32, #tpu.memory_space<vmem>>)
    %add3A_1799 = arith.constant 384 : i32
    %add3A_1800 = arith.addi %min3A_3, %add3A_1799 : i32
    %run_scoped3A_1801 = arith.constant 0 : i32
    "tpu.region"() ({
      %run_scoped3A_2275 = tpu.sem_alloc : memref<!tpu.dma_semaphore, #tpu.memory_space<semaphore_mem>>
      %dma_start3A_2276 = arith.constant 0 : i32
      %dma_start3A_2277 = arith.constant 0 : i32
      %dma_start3A_2278 = tpu.memref_slice %arg7[%run_scoped3A_1801, %dma_start3A_2276, %dma_start3A_2277] : memref<2x128x128xf32, #tpu.memory_space<vmem>> -> memref<1x128x128xf32, #tpu.memory_space<vmem>>
      %dma_start3A_2279 = tpu.memref_squeeze %dma_start3A_2278 : memref<1x128x128xf32, #tpu.memory_space<vmem>> -> memref<128x128xf32, #tpu.memory_space<vmem>>
      %dma_start3A_2280 = arith.constant 0 : i32
      %dma_start3A_2281 = arith.constant 0 : i32
      %dma_start3A_2282 = tpu.memref_slice %dma_start3A_2279[%dma_start3A_2280, %dma_start3A_2281] : memref<128x128xf32, #tpu.memory_space<vmem>> -> memref<64x128xf32, #tpu.memory_space<vmem>>
      %dma_start3A_2283 = arith.constant 0 : i32
      %dma_start3A_2284 = tpu.memref_slice %arg4[%add3A_1800, %dma_start3A_2283] : memref<20000x192xf32, #tpu.memory_space<hbm>> -> memref<64x128xf32, #tpu.memory_space<hbm>>
      %dma_start3A_2285 = arith.constant 0 : i32
      %dma_start3A_2286 = tpu.memref_slice %arg4[%add3A_1800, %dma_start3A_2285] : memref<20000x192xf32, #tpu.memory_space<hbm>> -> memref<64x128xf32, #tpu.memory_space<hbm>>
      %dma_start3A_2287 = arith.constant 0 : i32
      %dma_start3A_2288 = arith.constant 0 : i32
      %dma_start3A_2289 = tpu.memref_slice %arg7[%run_scoped3A_1801, %dma_start3A_2287, %dma_start3A_2288] : memref<2x128x128xf32, #tpu.memory_space<vmem>> -> memref<1x128x128xf32, #tpu.memory_space<vmem>>
      %dma_start3A_2290 = tpu.memref_squeeze %dma_start3A_2289 : memref<1x128x128xf32, #tpu.memory_space<vmem>> -> memref<128x128xf32, #tpu.memory_space<vmem>>
      %dma_start3A_2291 = arith.constant 0 : i32
      %dma_start3A_2292 = arith.constant 0 : i32
      %dma_start3A_2293 = tpu.memref_slice %dma_start3A_2290[%dma_start3A_2291, %dma_start3A_2292] : memref<128x128xf32, #tpu.memory_space<vmem>> -> memref<64x128xf32, #tpu.memory_space<vmem>>
      tpu.enqueue_dma source(%dma_start3A_2293 : memref<64x128xf32, #tpu.memory_space<vmem>>) target(%dma_start3A_2286 : memref<64x128xf32, #tpu.memory_space<hbm>>) target_semaphore(%run_scoped3A_2275 : memref<!tpu.dma_semaphore, #tpu.memory_space<semaphore_mem>>)
      %dma_wait3A_2294 = arith.constant 0 : i32
      %dma_wait3A_2295 = arith.constant 0 : i32
      %dma_wait3A_2296 = tpu.memref_slice %arg7[%run_scoped3A_1801, %dma_wait3A_2294, %dma_wait3A_2295] : memref<2x128x128xf32, #tpu.memory_space<vmem>> -> memref<1x128x128xf32, #tpu.memory_space<vmem>>
      %dma_wait3A_2297 = tpu.memref_squeeze %dma_wait3A_2296 : memref<1x128x128xf32, #tpu.memory_space<vmem>> -> memref<128x128xf32, #tpu.memory_space<vmem>>
      %dma_wait3A_2298 = arith.constant 0 : i32
      %dma_wait3A_2299 = arith.constant 0 : i32
      %dma_wait3A_2300 = tpu.memref_slice %dma_wait3A_2297[%dma_wait3A_2298, %dma_wait3A_2299] : memref<128x128xf32, #tpu.memory_space<vmem>> -> memref<64x128xf32, #tpu.memory_space<vmem>>
      %dma_wait3A_2301 = arith.constant 0 : i32
      %dma_wait3A_2302 = tpu.memref_slice %arg4[%add3A_1800, %dma_wait3A_2301] : memref<20000x192xf32, #tpu.memory_space<hbm>> -> memref<64x128xf32, #tpu.memory_space<hbm>>
      %dma_wait3A_2303 = arith.constant 0 : i32
      %dma_wait3A_2304 = tpu.memref_slice %arg4[%add3A_1800, %dma_wait3A_2303] : memref<20000x192xf32, #tpu.memory_space<hbm>> -> memref<64x128xf32, #tpu.memory_space<hbm>>
      %dma_wait3A_2305 = arith.constant 0 : i32
      %dma_wait3A_2306 = arith.constant 0 : i32
      %dma_wait3A_2307 = tpu.memref_slice %arg7[%run_scoped3A_1801, %dma_wait3A_2305, %dma_wait3A_2306] : memref<2x128x128xf32, #tpu.memory_space<vmem>> -> memref<1x128x128xf32, #tpu.memory_space<vmem>>
      %dma_wait3A_2308 = tpu.memref_squeeze %dma_wait3A_2307 : memref<1x128x128xf32, #tpu.memory_space<vmem>> -> memref<128x128xf32, #tpu.memory_space<vmem>>
      %dma_wait3A_2309 = arith.constant 0 : i32
      %dma_wait3A_2310 = arith.constant 0 : i32
      %dma_wait3A_2311 = tpu.memref_slice %dma_wait3A_2308[%dma_wait3A_2309, %dma_wait3A_2310] : memref<128x128xf32, #tpu.memory_space<vmem>> -> memref<64x128xf32, #tpu.memory_space<vmem>>
      tpu.wait_dma2 semaphore(%run_scoped3A_2275 : memref<!tpu.dma_semaphore, #tpu.memory_space<semaphore_mem>>) src(%dma_wait3A_2311 : memref<64x128xf32, #tpu.memory_space<vmem>>) dst(%dma_wait3A_2304 : memref<64x128xf32, #tpu.memory_space<hbm>>)
      tpu.yield
    }) : () -> ()
    %run_scoped3A_1802 = arith.constant 0 : i32
    "tpu.region"() ({
      %run_scoped3A_2275 = tpu.sem_alloc : memref<!tpu.dma_semaphore, #tpu.memory_space<semaphore_mem>>
      %dma_start3A_2276 = arith.constant 0 : i32
      %dma_start3A_2277 = arith.constant 0 : i32
      %dma_start3A_2278 = tpu.memref_slice %arg7[%run_scoped3A_1802, %dma_start3A_2276, %dma_start3A_2277] : memref<2x128x128xf32, #tpu.memory_space<vmem>> -> memref<1x128x128xf32, #tpu.memory_space<vmem>>
      %dma_start3A_2279 = tpu.memref_squeeze %dma_start3A_2278 : memref<1x128x128xf32, #tpu.memory_space<vmem>> -> memref<128x128xf32, #tpu.memory_space<vmem>>
      %dma_start3A_2280 = arith.constant 64 : i32
      %dma_start3A_2281 = arith.constant 0 : i32
      %dma_start3A_2282 = tpu.memref_slice %dma_start3A_2279[%dma_start3A_2280, %dma_start3A_2281] : memref<128x128xf32, #tpu.memory_space<vmem>> -> memref<64x64xf32, #tpu.memory_space<vmem>>
      %dma_start3A_2283 = arith.constant 128 : i32
      %dma_start3A_2284 = tpu.memref_slice %arg4[%add3A_1800, %dma_start3A_2283] : memref<20000x192xf32, #tpu.memory_space<hbm>> -> memref<64x64xf32, #tpu.memory_space<hbm>>
      %dma_start3A_2285 = arith.constant 128 : i32
      %dma_start3A_2286 = tpu.memref_slice %arg4[%add3A_1800, %dma_start3A_2285] : memref<20000x192xf32, #tpu.memory_space<hbm>> -> memref<64x64xf32, #tpu.memory_space<hbm>>
      %dma_start3A_2287 = arith.constant 0 : i32
      %dma_start3A_2288 = arith.constant 0 : i32
      %dma_start3A_2289 = tpu.memref_slice %arg7[%run_scoped3A_1802, %dma_start3A_2287, %dma_start3A_2288] : memref<2x128x128xf32, #tpu.memory_space<vmem>> -> memref<1x128x128xf32, #tpu.memory_space<vmem>>
      %dma_start3A_2290 = tpu.memref_squeeze %dma_start3A_2289 : memref<1x128x128xf32, #tpu.memory_space<vmem>> -> memref<128x128xf32, #tpu.memory_space<vmem>>
      %dma_start3A_2291 = arith.constant 64 : i32
      %dma_start3A_2292 = arith.constant 0 : i32
      %dma_start3A_2293 = tpu.memref_slice %dma_start3A_2290[%dma_start3A_2291, %dma_start3A_2292] : memref<128x128xf32, #tpu.memory_space<vmem>> -> memref<64x64xf32, #tpu.memory_space<vmem>>
      tpu.enqueue_dma source(%dma_start3A_2293 : memref<64x64xf32, #tpu.memory_space<vmem>>) target(%dma_start3A_2286 : memref<64x64xf32, #tpu.memory_space<hbm>>) target_semaphore(%run_scoped3A_2275 : memref<!tpu.dma_semaphore, #tpu.memory_space<semaphore_mem>>)
      %dma_wait3A_2294 = arith.constant 0 : i32
      %dma_wait3A_2295 = arith.constant 0 : i32
      %dma_wait3A_2296 = tpu.memref_slice %arg7[%run_scoped3A_1802, %dma_wait3A_2294, %dma_wait3A_2295] : memref<2x128x128xf32, #tpu.memory_space<vmem>> -> memref<1x128x128xf32, #tpu.memory_space<vmem>>
      %dma_wait3A_2297 = tpu.memref_squeeze %dma_wait3A_2296 : memref<1x128x128xf32, #tpu.memory_space<vmem>> -> memref<128x128xf32, #tpu.memory_space<vmem>>
      %dma_wait3A_2298 = arith.constant 64 : i32
      %dma_wait3A_2299 = arith.constant 0 : i32
      %dma_wait3A_2300 = tpu.memref_slice %dma_wait3A_2297[%dma_wait3A_2298, %dma_wait3A_2299] : memref<128x128xf32, #tpu.memory_space<vmem>> -> memref<64x64xf32, #tpu.memory_space<vmem>>
      %dma_wait3A_2301 = arith.constant 128 : i32
      %dma_wait3A_2302 = tpu.memref_slice %arg4[%add3A_1800, %dma_wait3A_2301] : memref<20000x192xf32, #tpu.memory_space<hbm>> -> memref<64x64xf32, #tpu.memory_space<hbm>>
      %dma_wait3A_2303 = arith.constant 128 : i32
      %dma_wait3A_2304 = tpu.memref_slice %arg4[%add3A_1800, %dma_wait3A_2303] : memref<20000x192xf32, #tpu.memory_space<hbm>> -> memref<64x64xf32, #tpu.memory_space<hbm>>
      %dma_wait3A_2305 = arith.constant 0 : i32
      %dma_wait3A_2306 = arith.constant 0 : i32
      %dma_wait3A_2307 = tpu.memref_slice %arg7[%run_scoped3A_1802, %dma_wait3A_2305, %dma_wait3A_2306] : memref<2x128x128xf32, #tpu.memory_space<vmem>> -> memref<1x128x128xf32, #tpu.memory_space<vmem>>
      %dma_wait3A_2308 = tpu.memref_squeeze %dma_wait3A_2307 : memref<1x128x128xf32, #tpu.memory_space<vmem>> -> memref<128x128xf32, #tpu.memory_space<vmem>>
      %dma_wait3A_2309 = arith.constant 64 : i32
      %dma_wait3A_2310 = arith.constant 0 : i32
      %dma_wait3A_2311 = tpu.memref_slice %dma_wait3A_2308[%dma_wait3A_2309, %dma_wait3A_2310] : memref<128x128xf32, #tpu.memory_space<vmem>> -> memref<64x64xf32, #tpu.memory_space<vmem>>
      tpu.wait_dma2 semaphore(%run_scoped3A_2275 : memref<!tpu.dma_semaphore, #tpu.memory_space<semaphore_mem>>) src(%dma_wait3A_2311 : memref<64x64xf32, #tpu.memory_space<vmem>>) dst(%dma_wait3A_2304 : memref<64x64xf32, #tpu.memory_space<hbm>>)
      tpu.yield
    }) : () -> ()
    %get3A_1803 = arith.constant 512 : index
    %get3A_1804 = tpu.vector_load %arg5[%get3A_1803] {strides = array<i32>} : memref<640xi32, #tpu.memory_space<vmem>>, vector<16xi32>,
    %get3A_1805 = vector.shape_cast %get3A_1804 : vector<16xi32> to vector<16xi32>
    %and3A_1806 = arith.constant 65535 : i32
    %and3A_1807 = vector.broadcast %and3A_1806 : i32 to vector<16xi32>
    %and3A_1808 = arith.andi %get3A_1805, %and3A_1807 : vector<16xi32>
    %jit3A_1809 = arith.constant 2 : i32
    %jit3A_1810 = arith.constant 509 : i32
    %max3A_1811 = vector.broadcast %jit3A_1809 : i32 to vector<16xi32>
    %max3A_1812 = arith.maxsi %max3A_1811, %and3A_1808 : vector<16xi32>
    %min3A_1813 = vector.broadcast %jit3A_1810 : i32 to vector<16xi32>
    %min3A_1814 = arith.minsi %min3A_1813, %max3A_1812 : vector<16xi32>
    %shift_right_arithmetic3A_1815 = arith.constant 16 : i32
    %shift_right_arithmetic3A_1816 = vector.broadcast %shift_right_arithmetic3A_1815 : i32 to vector<16xi32>
    %shift_right_arithmetic3A_1817 = arith.shrsi %get3A_1805, %shift_right_arithmetic3A_1816 : vector<16xi32>
    %jit3A_1818 = arith.constant 2 : i32
    %jit3A_1819 = arith.constant 509 : i32
    %max3A_1820 = vector.broadcast %jit3A_1818 : i32 to vector<16xi32>
    %max3A_1821 = arith.maxsi %max3A_1820, %shift_right_arithmetic3A_1817 : vector<16xi32>
    %min3A_1822 = vector.broadcast %jit3A_1819 : i32 to vector<16xi32>
    %min3A_1823 = arith.minsi %min3A_1822, %max3A_1821 : vector<16xi32>
    %mul3A_1824 = arith.constant 1024 : i32
    %mul3A_1825 = vector.broadcast %mul3A_1824 : i32 to vector<16xi32>
    %mul3A_1826 = arith.muli %min3A_1823, %mul3A_1825 : vector<16xi32>
    %shift_right_arithmetic3A_1827 = arith.constant 3 : i32
    %shift_right_arithmetic3A_1828 = vector.broadcast %shift_right_arithmetic3A_1827 : i32 to vector<16xi32>
    %shift_right_arithmetic3A_1829 = arith.shrsi %min3A_1814, %shift_right_arithmetic3A_1828 : vector<16xi32>
    %mul3A_1830 = arith.constant 16 : i32
    %mul3A_1831 = vector.broadcast %mul3A_1830 : i32 to vector<16xi32>
    %mul3A_1832 = arith.muli %shift_right_arithmetic3A_1829, %mul3A_1831 : vector<16xi32>
    %add3A_1833 = arith.addi %mul3A_1826, %mul3A_1832 : vector<16xi32>
    %and3A_1834 = arith.constant 7 : i32
    %and3A_1835 = vector.broadcast %and3A_1834 : i32 to vector<16xi32>
    %and3A_1836 = arith.andi %min3A_1814, %and3A_1835 : vector<16xi32>
    %add3A_1837 = arith.addi %add3A_1833, %and3A_1836 : vector<16xi32>
    %swap3A_1838 = arith.constant 8 : i32
    %swap3A_1839 = arith.index_cast %swap3A_1838 : i32 to index
    %swap3A_1840 = arith.constant 0 : index
    %swap3A_1841 = tpu.vector_load %arg6[%swap3A_1839, %swap3A_1840] {strides = array<i32>} : memref<10x128xi32, #tpu.memory_space<vmem>>, vector<1x16xi32>,
    %swap3A_1842 = vector.shape_cast %swap3A_1841 : vector<1x16xi32> to vector<16xi32>
    %swap3A_1843 = vector.shape_cast %add3A_1837 : vector<16xi32> to vector<1x16xi32>
    tpu.vector_store %arg6[%swap3A_1839, %swap3A_1840], %swap3A_1843 {strides = array<i32>} : memref<10x128xi32, #tpu.memory_space<vmem>>, vector<1x16xi32>,
    %add3A_1844 = arith.constant 8 : i32
    %add3A_1845 = vector.broadcast %add3A_1844 : i32 to vector<16xi32>
    %add3A_1846 = arith.addi %add3A_1837, %add3A_1845 : vector<16xi32>
    %swap3A_1847 = arith.constant 8 : i32
    %swap3A_1848 = arith.index_cast %swap3A_1847 : i32 to index
    %swap3A_1849 = arith.constant 64 : index
    %swap3A_1850 = tpu.vector_load %arg6[%swap3A_1848, %swap3A_1849] {strides = array<i32>} : memref<10x128xi32, #tpu.memory_space<vmem>>, vector<1x16xi32>,
    %swap3A_1851 = vector.shape_cast %swap3A_1850 : vector<1x16xi32> to vector<16xi32>
    %swap3A_1852 = vector.shape_cast %add3A_1846 : vector<16xi32> to vector<1x16xi32>
    tpu.vector_store %arg6[%swap3A_1848, %swap3A_1849], %swap3A_1852 {strides = array<i32>} : memref<10x128xi32, #tpu.memory_space<vmem>>, vector<1x16xi32>,
    %get3A_1853 = arith.constant 528 : index
    %get3A_1854 = tpu.vector_load %arg5[%get3A_1853] {strides = array<i32>} : memref<640xi32, #tpu.memory_space<vmem>>, vector<16xi32>,
    %get3A_1855 = vector.shape_cast %get3A_1854 : vector<16xi32> to vector<16xi32>
    %and3A_1856 = arith.constant 65535 : i32
    %and3A_1857 = vector.broadcast %and3A_1856 : i32 to vector<16xi32>
    %and3A_1858 = arith.andi %get3A_1855, %and3A_1857 : vector<16xi32>
    %jit3A_1859 = arith.constant 2 : i32
    %jit3A_1860 = arith.constant 509 : i32
    %max3A_1861 = vector.broadcast %jit3A_1859 : i32 to vector<16xi32>
    %max3A_1862 = arith.maxsi %max3A_1861, %and3A_1858 : vector<16xi32>
    %min3A_1863 = vector.broadcast %jit3A_1860 : i32 to vector<16xi32>
    %min3A_1864 = arith.minsi %min3A_1863, %max3A_1862 : vector<16xi32>
    %shift_right_arithmetic3A_1865 = arith.constant 16 : i32
    %shift_right_arithmetic3A_1866 = vector.broadcast %shift_right_arithmetic3A_1865 : i32 to vector<16xi32>
    %shift_right_arithmetic3A_1867 = arith.shrsi %get3A_1855, %shift_right_arithmetic3A_1866 : vector<16xi32>
    %jit3A_1868 = arith.constant 2 : i32
    %jit3A_1869 = arith.constant 509 : i32
    %max3A_1870 = vector.broadcast %jit3A_1868 : i32 to vector<16xi32>
    %max3A_1871 = arith.maxsi %max3A_1870, %shift_right_arithmetic3A_1867 : vector<16xi32>
    %min3A_1872 = vector.broadcast %jit3A_1869 : i32 to vector<16xi32>
    %min3A_1873 = arith.minsi %min3A_1872, %max3A_1871 : vector<16xi32>
    %mul3A_1874 = arith.constant 1024 : i32
    %mul3A_1875 = vector.broadcast %mul3A_1874 : i32 to vector<16xi32>
    %mul3A_1876 = arith.muli %min3A_1873, %mul3A_1875 : vector<16xi32>
    %shift_right_arithmetic3A_1877 = arith.constant 3 : i32
    %shift_right_arithmetic3A_1878 = vector.broadcast %shift_right_arithmetic3A_1877 : i32 to vector<16xi32>
    %shift_right_arithmetic3A_1879 = arith.shrsi %min3A_1864, %shift_right_arithmetic3A_1878 : vector<16xi32>
    %mul3A_1880 = arith.constant 16 : i32
    %mul3A_1881 = vector.broadcast %mul3A_1880 : i32 to vector<16xi32>
    %mul3A_1882 = arith.muli %shift_right_arithmetic3A_1879, %mul3A_1881 : vector<16xi32>
    %add3A_1883 = arith.addi %mul3A_1876, %mul3A_1882 : vector<16xi32>
    %and3A_1884 = arith.constant 7 : i32
    %and3A_1885 = vector.broadcast %and3A_1884 : i32 to vector<16xi32>
    %and3A_1886 = arith.andi %min3A_1864, %and3A_1885 : vector<16xi32>
    %add3A_1887 = arith.addi %add3A_1883, %and3A_1886 : vector<16xi32>
    %swap3A_1888 = arith.constant 8 : i32
    %swap3A_1889 = arith.index_cast %swap3A_1888 : i32 to index
    %swap3A_1890 = arith.constant 16 : index
    %swap3A_1891 = tpu.vector_load %arg6[%swap3A_1889, %swap3A_1890] {strides = array<i32>} : memref<10x128xi32, #tpu.memory_space<vmem>>, vector<1x16xi32>,
    %swap3A_1892 = vector.shape_cast %swap3A_1891 : vector<1x16xi32> to vector<16xi32>
    %swap3A_1893 = vector.shape_cast %add3A_1887 : vector<16xi32> to vector<1x16xi32>
    tpu.vector_store %arg6[%swap3A_1889, %swap3A_1890], %swap3A_1893 {strides = array<i32>} : memref<10x128xi32, #tpu.memory_space<vmem>>, vector<1x16xi32>,
    %add3A_1894 = arith.constant 8 : i32
    %add3A_1895 = vector.broadcast %add3A_1894 : i32 to vector<16xi32>
    %add3A_1896 = arith.addi %add3A_1887, %add3A_1895 : vector<16xi32>
    %swap3A_1897 = arith.constant 8 : i32
    %swap3A_1898 = arith.index_cast %swap3A_1897 : i32 to index
    %swap3A_1899 = arith.constant 80 : index
    %swap3A_1900 = tpu.vector_load %arg6[%swap3A_1898, %swap3A_1899] {strides = array<i32>} : memref<10x128xi32, #tpu.memory_space<vmem>>, vector<1x16xi32>,
    %swap3A_1901 = vector.shape_cast %swap3A_1900 : vector<1x16xi32> to vector<16xi32>
    %swap3A_1902 = vector.shape_cast %add3A_1896 : vector<16xi32> to vector<1x16xi32>
    tpu.vector_store %arg6[%swap3A_1898, %swap3A_1899], %swap3A_1902 {strides = array<i32>} : memref<10x128xi32, #tpu.memory_space<vmem>>, vector<1x16xi32>,
    %get3A_1903 = arith.constant 544 : index
    %get3A_1904 = tpu.vector_load %arg5[%get3A_1903] {strides = array<i32>} : memref<640xi32, #tpu.memory_space<vmem>>, vector<16xi32>,
    %get3A_1905 = vector.shape_cast %get3A_1904 : vector<16xi32> to vector<16xi32>
    %and3A_1906 = arith.constant 65535 : i32
    %and3A_1907 = vector.broadcast %and3A_1906 : i32 to vector<16xi32>
    %and3A_1908 = arith.andi %get3A_1905, %and3A_1907 : vector<16xi32>
    %jit3A_1909 = arith.constant 2 : i32
    %jit3A_1910 = arith.constant 509 : i32
    %max3A_1911 = vector.broadcast %jit3A_1909 : i32 to vector<16xi32>
    %max3A_1912 = arith.maxsi %max3A_1911, %and3A_1908 : vector<16xi32>
    %min3A_1913 = vector.broadcast %jit3A_1910 : i32 to vector<16xi32>
    %min3A_1914 = arith.minsi %min3A_1913, %max3A_1912 : vector<16xi32>
    %shift_right_arithmetic3A_1915 = arith.constant 16 : i32
    %shift_right_arithmetic3A_1916 = vector.broadcast %shift_right_arithmetic3A_1915 : i32 to vector<16xi32>
    %shift_right_arithmetic3A_1917 = arith.shrsi %get3A_1905, %shift_right_arithmetic3A_1916 : vector<16xi32>
    %jit3A_1918 = arith.constant 2 : i32
    %jit3A_1919 = arith.constant 509 : i32
    %max3A_1920 = vector.broadcast %jit3A_1918 : i32 to vector<16xi32>
    %max3A_1921 = arith.maxsi %max3A_1920, %shift_right_arithmetic3A_1917 : vector<16xi32>
    %min3A_1922 = vector.broadcast %jit3A_1919 : i32 to vector<16xi32>
    %min3A_1923 = arith.minsi %min3A_1922, %max3A_1921 : vector<16xi32>
    %mul3A_1924 = arith.constant 1024 : i32
    %mul3A_1925 = vector.broadcast %mul3A_1924 : i32 to vector<16xi32>
    %mul3A_1926 = arith.muli %min3A_1923, %mul3A_1925 : vector<16xi32>
    %shift_right_arithmetic3A_1927 = arith.constant 3 : i32
    %shift_right_arithmetic3A_1928 = vector.broadcast %shift_right_arithmetic3A_1927 : i32 to vector<16xi32>
    %shift_right_arithmetic3A_1929 = arith.shrsi %min3A_1914, %shift_right_arithmetic3A_1928 : vector<16xi32>
    %mul3A_1930 = arith.constant 16 : i32
    %mul3A_1931 = vector.broadcast %mul3A_1930 : i32 to vector<16xi32>
    %mul3A_1932 = arith.muli %shift_right_arithmetic3A_1929, %mul3A_1931 : vector<16xi32>
    %add3A_1933 = arith.addi %mul3A_1926, %mul3A_1932 : vector<16xi32>
    %and3A_1934 = arith.constant 7 : i32
    %and3A_1935 = vector.broadcast %and3A_1934 : i32 to vector<16xi32>
    %and3A_1936 = arith.andi %min3A_1914, %and3A_1935 : vector<16xi32>
    %add3A_1937 = arith.addi %add3A_1933, %and3A_1936 : vector<16xi32>
    %swap3A_1938 = arith.constant 8 : i32
    %swap3A_1939 = arith.index_cast %swap3A_1938 : i32 to index
    %swap3A_1940 = arith.constant 32 : index
    %swap3A_1941 = tpu.vector_load %arg6[%swap3A_1939, %swap3A_1940] {strides = array<i32>} : memref<10x128xi32, #tpu.memory_space<vmem>>, vector<1x16xi32>,
    %swap3A_1942 = vector.shape_cast %swap3A_1941 : vector<1x16xi32> to vector<16xi32>
    %swap3A_1943 = vector.shape_cast %add3A_1937 : vector<16xi32> to vector<1x16xi32>
    tpu.vector_store %arg6[%swap3A_1939, %swap3A_1940], %swap3A_1943 {strides = array<i32>} : memref<10x128xi32, #tpu.memory_space<vmem>>, vector<1x16xi32>,
    %add3A_1944 = arith.constant 8 : i32
    %add3A_1945 = vector.broadcast %add3A_1944 : i32 to vector<16xi32>
    %add3A_1946 = arith.addi %add3A_1937, %add3A_1945 : vector<16xi32>
    %swap3A_1947 = arith.constant 8 : i32
    %swap3A_1948 = arith.index_cast %swap3A_1947 : i32 to index
    %swap3A_1949 = arith.constant 96 : index
    %swap3A_1950 = tpu.vector_load %arg6[%swap3A_1948, %swap3A_1949] {strides = array<i32>} : memref<10x128xi32, #tpu.memory_space<vmem>>, vector<1x16xi32>,
    %swap3A_1951 = vector.shape_cast %swap3A_1950 : vector<1x16xi32> to vector<16xi32>
    %swap3A_1952 = vector.shape_cast %add3A_1946 : vector<16xi32> to vector<1x16xi32>
    tpu.vector_store %arg6[%swap3A_1948, %swap3A_1949], %swap3A_1952 {strides = array<i32>} : memref<10x128xi32, #tpu.memory_space<vmem>>, vector<1x16xi32>,
    %get3A_1953 = arith.constant 560 : index
    %get3A_1954 = tpu.vector_load %arg5[%get3A_1953] {strides = array<i32>} : memref<640xi32, #tpu.memory_space<vmem>>, vector<16xi32>,
    %get3A_1955 = vector.shape_cast %get3A_1954 : vector<16xi32> to vector<16xi32>
    %and3A_1956 = arith.constant 65535 : i32
    %and3A_1957 = vector.broadcast %and3A_1956 : i32 to vector<16xi32>
    %and3A_1958 = arith.andi %get3A_1955, %and3A_1957 : vector<16xi32>
    %jit3A_1959 = arith.constant 2 : i32
    %jit3A_1960 = arith.constant 509 : i32
    %max3A_1961 = vector.broadcast %jit3A_1959 : i32 to vector<16xi32>
    %max3A_1962 = arith.maxsi %max3A_1961, %and3A_1958 : vector<16xi32>
    %min3A_1963 = vector.broadcast %jit3A_1960 : i32 to vector<16xi32>
    %min3A_1964 = arith.minsi %min3A_1963, %max3A_1962 : vector<16xi32>
    %shift_right_arithmetic3A_1965 = arith.constant 16 : i32
    %shift_right_arithmetic3A_1966 = vector.broadcast %shift_right_arithmetic3A_1965 : i32 to vector<16xi32>
    %shift_right_arithmetic3A_1967 = arith.shrsi %get3A_1955, %shift_right_arithmetic3A_1966 : vector<16xi32>
    %jit3A_1968 = arith.constant 2 : i32
    %jit3A_1969 = arith.constant 509 : i32
    %max3A_1970 = vector.broadcast %jit3A_1968 : i32 to vector<16xi32>
    %max3A_1971 = arith.maxsi %max3A_1970, %shift_right_arithmetic3A_1967 : vector<16xi32>
    %min3A_1972 = vector.broadcast %jit3A_1969 : i32 to vector<16xi32>
    %min3A_1973 = arith.minsi %min3A_1972, %max3A_1971 : vector<16xi32>
    %mul3A_1974 = arith.constant 1024 : i32
    %mul3A_1975 = vector.broadcast %mul3A_1974 : i32 to vector<16xi32>
    %mul3A_1976 = arith.muli %min3A_1973, %mul3A_1975 : vector<16xi32>
    %shift_right_arithmetic3A_1977 = arith.constant 3 : i32
    %shift_right_arithmetic3A_1978 = vector.broadcast %shift_right_arithmetic3A_1977 : i32 to vector<16xi32>
    %shift_right_arithmetic3A_1979 = arith.shrsi %min3A_1964, %shift_right_arithmetic3A_1978 : vector<16xi32>
    %mul3A_1980 = arith.constant 16 : i32
    %mul3A_1981 = vector.broadcast %mul3A_1980 : i32 to vector<16xi32>
    %mul3A_1982 = arith.muli %shift_right_arithmetic3A_1979, %mul3A_1981 : vector<16xi32>
    %add3A_1983 = arith.addi %mul3A_1976, %mul3A_1982 : vector<16xi32>
    %and3A_1984 = arith.constant 7 : i32
    %and3A_1985 = vector.broadcast %and3A_1984 : i32 to vector<16xi32>
    %and3A_1986 = arith.andi %min3A_1964, %and3A_1985 : vector<16xi32>
    %add3A_1987 = arith.addi %add3A_1983, %and3A_1986 : vector<16xi32>
    %swap3A_1988 = arith.constant 8 : i32
    %swap3A_1989 = arith.index_cast %swap3A_1988 : i32 to index
    %swap3A_1990 = arith.constant 48 : index
    %swap3A_1991 = tpu.vector_load %arg6[%swap3A_1989, %swap3A_1990] {strides = array<i32>} : memref<10x128xi32, #tpu.memory_space<vmem>>, vector<1x16xi32>,
    %swap3A_1992 = vector.shape_cast %swap3A_1991 : vector<1x16xi32> to vector<16xi32>
    %swap3A_1993 = vector.shape_cast %add3A_1987 : vector<16xi32> to vector<1x16xi32>
    tpu.vector_store %arg6[%swap3A_1989, %swap3A_1990], %swap3A_1993 {strides = array<i32>} : memref<10x128xi32, #tpu.memory_space<vmem>>, vector<1x16xi32>,
    %add3A_1994 = arith.constant 8 : i32
    %add3A_1995 = vector.broadcast %add3A_1994 : i32 to vector<16xi32>
    %add3A_1996 = arith.addi %add3A_1987, %add3A_1995 : vector<16xi32>
    %swap3A_1997 = arith.constant 8 : i32
    %swap3A_1998 = arith.index_cast %swap3A_1997 : i32 to index
    %swap3A_1999 = arith.constant 112 : index
    %swap3A_2000 = tpu.vector_load %arg6[%swap3A_1998, %swap3A_1999] {strides = array<i32>} : memref<10x128xi32, #tpu.memory_space<vmem>>, vector<1x16xi32>,
    %swap3A_2001 = vector.shape_cast %swap3A_2000 : vector<1x16xi32> to vector<16xi32>
    %swap3A_2002 = vector.shape_cast %add3A_1996 : vector<16xi32> to vector<1x16xi32>
    tpu.vector_store %arg6[%swap3A_1998, %swap3A_1999], %swap3A_2002 {strides = array<i32>} : memref<10x128xi32, #tpu.memory_space<vmem>>, vector<1x16xi32>,
    %dma_start3A_2003 = arith.constant 8 : i32
    %dma_start3A_2004 = arith.constant 0 : i32
    %dma_start3A_2005 = arith.constant 0 : i32
    %dma_start3A_2006 = arith.constant 0 : i32
    %dma_start3A_2007 = tpu.memref_slice %arg7[%dma_start3A_2004, %dma_start3A_2005, %dma_start3A_2006] : memref<2x128x128xf32, #tpu.memory_space<vmem>> -> memref<1x128x128xf32, #tpu.memory_space<vmem>>
    %dma_start3A_2008 = tpu.memref_squeeze %dma_start3A_2007 : memref<1x128x128xf32, #tpu.memory_space<vmem>> -> memref<128x128xf32, #tpu.memory_space<vmem>>
    %dma_start3A_2009 = arith.constant 0 : i32
    %dma_start3A_2010 = tpu.memref_slice %arg6[%dma_start3A_2003, %dma_start3A_2009] : memref<10x128xi32, #tpu.memory_space<vmem>> -> memref<1x128xi32, #tpu.memory_space<vmem>>
    %dma_start3A_2011 = tpu.memref_squeeze %dma_start3A_2010 : memref<1x128xi32, #tpu.memory_space<vmem>> -> memref<128xi32, #tpu.memory_space<vmem>>
    %dma_start3A_2012 = arith.constant 0 : i32
    %dma_start3A_2013 = arith.constant 0 : i32
    %dma_start3A_2014 = tpu.memref_slice %arg2[%dma_start3A_2012, %dma_start3A_2013] : memref<524288x128xf32, #tpu.memory_space<hbm>> -> memref<524288x128xf32, #tpu.memory_space<hbm>>
    tpu.enqueue_indirect_dma source(%dma_start3A_2014 : memref<524288x128xf32, #tpu.memory_space<hbm>>) target(%dma_start3A_2008 : memref<128x128xf32, #tpu.memory_space<vmem>>) offsets(%dma_start3A_2011 : memref<128xi32, #tpu.memory_space<vmem>>) semaphore(%arg8 : memref<!tpu.dma_semaphore, #tpu.memory_space<semaphore_mem>>)
    %dma_wait3A_2015 = arith.constant 7 : i32
    %dma_wait3A_2016 = arith.constant 1 : i32
    %dma_wait3A_2017 = arith.constant 0 : i32
    %dma_wait3A_2018 = arith.constant 0 : i32
    %dma_wait3A_2019 = tpu.memref_slice %arg7[%dma_wait3A_2016, %dma_wait3A_2017, %dma_wait3A_2018] : memref<2x128x128xf32, #tpu.memory_space<vmem>> -> memref<1x128x128xf32, #tpu.memory_space<vmem>>
    %dma_wait3A_2020 = tpu.memref_squeeze %dma_wait3A_2019 : memref<1x128x128xf32, #tpu.memory_space<vmem>> -> memref<128x128xf32, #tpu.memory_space<vmem>>
    %dma_wait3A_2021 = arith.constant 0 : i32
    %dma_wait3A_2022 = tpu.memref_slice %arg6[%dma_wait3A_2015, %dma_wait3A_2021] : memref<10x128xi32, #tpu.memory_space<vmem>> -> memref<1x128xi32, #tpu.memory_space<vmem>>
    %dma_wait3A_2023 = tpu.memref_squeeze %dma_wait3A_2022 : memref<1x128xi32, #tpu.memory_space<vmem>> -> memref<128xi32, #tpu.memory_space<vmem>>
    %dma_wait3A_2024 = arith.constant 0 : i32
    %dma_wait3A_2025 = arith.constant 0 : i32
    %dma_wait3A_2026 = tpu.memref_slice %arg2[%dma_wait3A_2024, %dma_wait3A_2025] : memref<524288x128xf32, #tpu.memory_space<hbm>> -> memref<524288x128xf32, #tpu.memory_space<hbm>>
    tpu.wait_indirect_dma semaphore(%arg9 : memref<!tpu.dma_semaphore, #tpu.memory_space<semaphore_mem>>) src(%dma_wait3A_2026 : memref<524288x128xf32, #tpu.memory_space<hbm>>) dst(%dma_wait3A_2020 : memref<128x128xf32, #tpu.memory_space<vmem>>)
    %add3A_2027 = arith.constant 448 : i32
    %add3A_2028 = arith.addi %min3A_3, %add3A_2027 : i32
    %run_scoped3A_2029 = arith.constant 1 : i32
    "tpu.region"() ({
      %run_scoped3A_2275 = tpu.sem_alloc : memref<!tpu.dma_semaphore, #tpu.memory_space<semaphore_mem>>
      %dma_start3A_2276 = arith.constant 0 : i32
      %dma_start3A_2277 = arith.constant 0 : i32
      %dma_start3A_2278 = tpu.memref_slice %arg7[%run_scoped3A_2029, %dma_start3A_2276, %dma_start3A_2277] : memref<2x128x128xf32, #tpu.memory_space<vmem>> -> memref<1x128x128xf32, #tpu.memory_space<vmem>>
      %dma_start3A_2279 = tpu.memref_squeeze %dma_start3A_2278 : memref<1x128x128xf32, #tpu.memory_space<vmem>> -> memref<128x128xf32, #tpu.memory_space<vmem>>
      %dma_start3A_2280 = arith.constant 0 : i32
      %dma_start3A_2281 = arith.constant 0 : i32
      %dma_start3A_2282 = tpu.memref_slice %dma_start3A_2279[%dma_start3A_2280, %dma_start3A_2281] : memref<128x128xf32, #tpu.memory_space<vmem>> -> memref<64x128xf32, #tpu.memory_space<vmem>>
      %dma_start3A_2283 = arith.constant 0 : i32
      %dma_start3A_2284 = tpu.memref_slice %arg4[%add3A_2028, %dma_start3A_2283] : memref<20000x192xf32, #tpu.memory_space<hbm>> -> memref<64x128xf32, #tpu.memory_space<hbm>>
      %dma_start3A_2285 = arith.constant 0 : i32
      %dma_start3A_2286 = tpu.memref_slice %arg4[%add3A_2028, %dma_start3A_2285] : memref<20000x192xf32, #tpu.memory_space<hbm>> -> memref<64x128xf32, #tpu.memory_space<hbm>>
      %dma_start3A_2287 = arith.constant 0 : i32
      %dma_start3A_2288 = arith.constant 0 : i32
      %dma_start3A_2289 = tpu.memref_slice %arg7[%run_scoped3A_2029, %dma_start3A_2287, %dma_start3A_2288] : memref<2x128x128xf32, #tpu.memory_space<vmem>> -> memref<1x128x128xf32, #tpu.memory_space<vmem>>
      %dma_start3A_2290 = tpu.memref_squeeze %dma_start3A_2289 : memref<1x128x128xf32, #tpu.memory_space<vmem>> -> memref<128x128xf32, #tpu.memory_space<vmem>>
      %dma_start3A_2291 = arith.constant 0 : i32
      %dma_start3A_2292 = arith.constant 0 : i32
      %dma_start3A_2293 = tpu.memref_slice %dma_start3A_2290[%dma_start3A_2291, %dma_start3A_2292] : memref<128x128xf32, #tpu.memory_space<vmem>> -> memref<64x128xf32, #tpu.memory_space<vmem>>
      tpu.enqueue_dma source(%dma_start3A_2293 : memref<64x128xf32, #tpu.memory_space<vmem>>) target(%dma_start3A_2286 : memref<64x128xf32, #tpu.memory_space<hbm>>) target_semaphore(%run_scoped3A_2275 : memref<!tpu.dma_semaphore, #tpu.memory_space<semaphore_mem>>)
      %dma_wait3A_2294 = arith.constant 0 : i32
      %dma_wait3A_2295 = arith.constant 0 : i32
      %dma_wait3A_2296 = tpu.memref_slice %arg7[%run_scoped3A_2029, %dma_wait3A_2294, %dma_wait3A_2295] : memref<2x128x128xf32, #tpu.memory_space<vmem>> -> memref<1x128x128xf32, #tpu.memory_space<vmem>>
      %dma_wait3A_2297 = tpu.memref_squeeze %dma_wait3A_2296 : memref<1x128x128xf32, #tpu.memory_space<vmem>> -> memref<128x128xf32, #tpu.memory_space<vmem>>
      %dma_wait3A_2298 = arith.constant 0 : i32
      %dma_wait3A_2299 = arith.constant 0 : i32
      %dma_wait3A_2300 = tpu.memref_slice %dma_wait3A_2297[%dma_wait3A_2298, %dma_wait3A_2299] : memref<128x128xf32, #tpu.memory_space<vmem>> -> memref<64x128xf32, #tpu.memory_space<vmem>>
      %dma_wait3A_2301 = arith.constant 0 : i32
      %dma_wait3A_2302 = tpu.memref_slice %arg4[%add3A_2028, %dma_wait3A_2301] : memref<20000x192xf32, #tpu.memory_space<hbm>> -> memref<64x128xf32, #tpu.memory_space<hbm>>
      %dma_wait3A_2303 = arith.constant 0 : i32
      %dma_wait3A_2304 = tpu.memref_slice %arg4[%add3A_2028, %dma_wait3A_2303] : memref<20000x192xf32, #tpu.memory_space<hbm>> -> memref<64x128xf32, #tpu.memory_space<hbm>>
      %dma_wait3A_2305 = arith.constant 0 : i32
      %dma_wait3A_2306 = arith.constant 0 : i32
      %dma_wait3A_2307 = tpu.memref_slice %arg7[%run_scoped3A_2029, %dma_wait3A_2305, %dma_wait3A_2306] : memref<2x128x128xf32, #tpu.memory_space<vmem>> -> memref<1x128x128xf32, #tpu.memory_space<vmem>>
      %dma_wait3A_2308 = tpu.memref_squeeze %dma_wait3A_2307 : memref<1x128x128xf32, #tpu.memory_space<vmem>> -> memref<128x128xf32, #tpu.memory_space<vmem>>
      %dma_wait3A_2309 = arith.constant 0 : i32
      %dma_wait3A_2310 = arith.constant 0 : i32
      %dma_wait3A_2311 = tpu.memref_slice %dma_wait3A_2308[%dma_wait3A_2309, %dma_wait3A_2310] : memref<128x128xf32, #tpu.memory_space<vmem>> -> memref<64x128xf32, #tpu.memory_space<vmem>>
      tpu.wait_dma2 semaphore(%run_scoped3A_2275 : memref<!tpu.dma_semaphore, #tpu.memory_space<semaphore_mem>>) src(%dma_wait3A_2311 : memref<64x128xf32, #tpu.memory_space<vmem>>) dst(%dma_wait3A_2304 : memref<64x128xf32, #tpu.memory_space<hbm>>)
      tpu.yield
    }) : () -> ()
    %run_scoped3A_2030 = arith.constant 1 : i32
    "tpu.region"() ({
      %run_scoped3A_2275 = tpu.sem_alloc : memref<!tpu.dma_semaphore, #tpu.memory_space<semaphore_mem>>
      %dma_start3A_2276 = arith.constant 0 : i32
      %dma_start3A_2277 = arith.constant 0 : i32
      %dma_start3A_2278 = tpu.memref_slice %arg7[%run_scoped3A_2030, %dma_start3A_2276, %dma_start3A_2277] : memref<2x128x128xf32, #tpu.memory_space<vmem>> -> memref<1x128x128xf32, #tpu.memory_space<vmem>>
      %dma_start3A_2279 = tpu.memref_squeeze %dma_start3A_2278 : memref<1x128x128xf32, #tpu.memory_space<vmem>> -> memref<128x128xf32, #tpu.memory_space<vmem>>
      %dma_start3A_2280 = arith.constant 64 : i32
      %dma_start3A_2281 = arith.constant 0 : i32
      %dma_start3A_2282 = tpu.memref_slice %dma_start3A_2279[%dma_start3A_2280, %dma_start3A_2281] : memref<128x128xf32, #tpu.memory_space<vmem>> -> memref<64x64xf32, #tpu.memory_space<vmem>>
      %dma_start3A_2283 = arith.constant 128 : i32
      %dma_start3A_2284 = tpu.memref_slice %arg4[%add3A_2028, %dma_start3A_2283] : memref<20000x192xf32, #tpu.memory_space<hbm>> -> memref<64x64xf32, #tpu.memory_space<hbm>>
      %dma_start3A_2285 = arith.constant 128 : i32
      %dma_start3A_2286 = tpu.memref_slice %arg4[%add3A_2028, %dma_start3A_2285] : memref<20000x192xf32, #tpu.memory_space<hbm>> -> memref<64x64xf32, #tpu.memory_space<hbm>>
      %dma_start3A_2287 = arith.constant 0 : i32
      %dma_start3A_2288 = arith.constant 0 : i32
      %dma_start3A_2289 = tpu.memref_slice %arg7[%run_scoped3A_2030, %dma_start3A_2287, %dma_start3A_2288] : memref<2x128x128xf32, #tpu.memory_space<vmem>> -> memref<1x128x128xf32, #tpu.memory_space<vmem>>
      %dma_start3A_2290 = tpu.memref_squeeze %dma_start3A_2289 : memref<1x128x128xf32, #tpu.memory_space<vmem>> -> memref<128x128xf32, #tpu.memory_space<vmem>>
      %dma_start3A_2291 = arith.constant 64 : i32
      %dma_start3A_2292 = arith.constant 0 : i32
      %dma_start3A_2293 = tpu.memref_slice %dma_start3A_2290[%dma_start3A_2291, %dma_start3A_2292] : memref<128x128xf32, #tpu.memory_space<vmem>> -> memref<64x64xf32, #tpu.memory_space<vmem>>
      tpu.enqueue_dma source(%dma_start3A_2293 : memref<64x64xf32, #tpu.memory_space<vmem>>) target(%dma_start3A_2286 : memref<64x64xf32, #tpu.memory_space<hbm>>) target_semaphore(%run_scoped3A_2275 : memref<!tpu.dma_semaphore, #tpu.memory_space<semaphore_mem>>)
      %dma_wait3A_2294 = arith.constant 0 : i32
      %dma_wait3A_2295 = arith.constant 0 : i32
      %dma_wait3A_2296 = tpu.memref_slice %arg7[%run_scoped3A_2030, %dma_wait3A_2294, %dma_wait3A_2295] : memref<2x128x128xf32, #tpu.memory_space<vmem>> -> memref<1x128x128xf32, #tpu.memory_space<vmem>>
      %dma_wait3A_2297 = tpu.memref_squeeze %dma_wait3A_2296 : memref<1x128x128xf32, #tpu.memory_space<vmem>> -> memref<128x128xf32, #tpu.memory_space<vmem>>
      %dma_wait3A_2298 = arith.constant 64 : i32
      %dma_wait3A_2299 = arith.constant 0 : i32
      %dma_wait3A_2300 = tpu.memref_slice %dma_wait3A_2297[%dma_wait3A_2298, %dma_wait3A_2299] : memref<128x128xf32, #tpu.memory_space<vmem>> -> memref<64x64xf32, #tpu.memory_space<vmem>>
      %dma_wait3A_2301 = arith.constant 128 : i32
      %dma_wait3A_2302 = tpu.memref_slice %arg4[%add3A_2028, %dma_wait3A_2301] : memref<20000x192xf32, #tpu.memory_space<hbm>> -> memref<64x64xf32, #tpu.memory_space<hbm>>
      %dma_wait3A_2303 = arith.constant 128 : i32
      %dma_wait3A_2304 = tpu.memref_slice %arg4[%add3A_2028, %dma_wait3A_2303] : memref<20000x192xf32, #tpu.memory_space<hbm>> -> memref<64x64xf32, #tpu.memory_space<hbm>>
      %dma_wait3A_2305 = arith.constant 0 : i32
      %dma_wait3A_2306 = arith.constant 0 : i32
      %dma_wait3A_2307 = tpu.memref_slice %arg7[%run_scoped3A_2030, %dma_wait3A_2305, %dma_wait3A_2306] : memref<2x128x128xf32, #tpu.memory_space<vmem>> -> memref<1x128x128xf32, #tpu.memory_space<vmem>>
      %dma_wait3A_2308 = tpu.memref_squeeze %dma_wait3A_2307 : memref<1x128x128xf32, #tpu.memory_space<vmem>> -> memref<128x128xf32, #tpu.memory_space<vmem>>
      %dma_wait3A_2309 = arith.constant 64 : i32
      %dma_wait3A_2310 = arith.constant 0 : i32
      %dma_wait3A_2311 = tpu.memref_slice %dma_wait3A_2308[%dma_wait3A_2309, %dma_wait3A_2310] : memref<128x128xf32, #tpu.memory_space<vmem>> -> memref<64x64xf32, #tpu.memory_space<vmem>>
      tpu.wait_dma2 semaphore(%run_scoped3A_2275 : memref<!tpu.dma_semaphore, #tpu.memory_space<semaphore_mem>>) src(%dma_wait3A_2311 : memref<64x64xf32, #tpu.memory_space<vmem>>) dst(%dma_wait3A_2304 : memref<64x64xf32, #tpu.memory_space<hbm>>)
      tpu.yield
    }) : () -> ()
    %get3A_2031 = arith.constant 576 : index
    %get3A_2032 = tpu.vector_load %arg5[%get3A_2031] {strides = array<i32>} : memref<640xi32, #tpu.memory_space<vmem>>, vector<16xi32>,
    %get3A_2033 = vector.shape_cast %get3A_2032 : vector<16xi32> to vector<16xi32>
    %and3A_2034 = arith.constant 65535 : i32
    %and3A_2035 = vector.broadcast %and3A_2034 : i32 to vector<16xi32>
    %and3A_2036 = arith.andi %get3A_2033, %and3A_2035 : vector<16xi32>
    %jit3A_2037 = arith.constant 2 : i32
    %jit3A_2038 = arith.constant 509 : i32
    %max3A_2039 = vector.broadcast %jit3A_2037 : i32 to vector<16xi32>
    %max3A_2040 = arith.maxsi %max3A_2039, %and3A_2036 : vector<16xi32>
    %min3A_2041 = vector.broadcast %jit3A_2038 : i32 to vector<16xi32>
    %min3A_2042 = arith.minsi %min3A_2041, %max3A_2040 : vector<16xi32>
    %shift_right_arithmetic3A_2043 = arith.constant 16 : i32
    %shift_right_arithmetic3A_2044 = vector.broadcast %shift_right_arithmetic3A_2043 : i32 to vector<16xi32>
    %shift_right_arithmetic3A_2045 = arith.shrsi %get3A_2033, %shift_right_arithmetic3A_2044 : vector<16xi32>
    %jit3A_2046 = arith.constant 2 : i32
    %jit3A_2047 = arith.constant 509 : i32
    %max3A_2048 = vector.broadcast %jit3A_2046 : i32 to vector<16xi32>
    %max3A_2049 = arith.maxsi %max3A_2048, %shift_right_arithmetic3A_2045 : vector<16xi32>
    %min3A_2050 = vector.broadcast %jit3A_2047 : i32 to vector<16xi32>
    %min3A_2051 = arith.minsi %min3A_2050, %max3A_2049 : vector<16xi32>
    %mul3A_2052 = arith.constant 1024 : i32
    %mul3A_2053 = vector.broadcast %mul3A_2052 : i32 to vector<16xi32>
    %mul3A_2054 = arith.muli %min3A_2051, %mul3A_2053 : vector<16xi32>
    %shift_right_arithmetic3A_2055 = arith.constant 3 : i32
    %shift_right_arithmetic3A_2056 = vector.broadcast %shift_right_arithmetic3A_2055 : i32 to vector<16xi32>
    %shift_right_arithmetic3A_2057 = arith.shrsi %min3A_2042, %shift_right_arithmetic3A_2056 : vector<16xi32>
    %mul3A_2058 = arith.constant 16 : i32
    %mul3A_2059 = vector.broadcast %mul3A_2058 : i32 to vector<16xi32>
    %mul3A_2060 = arith.muli %shift_right_arithmetic3A_2057, %mul3A_2059 : vector<16xi32>
    %add3A_2061 = arith.addi %mul3A_2054, %mul3A_2060 : vector<16xi32>
    %and3A_2062 = arith.constant 7 : i32
    %and3A_2063 = vector.broadcast %and3A_2062 : i32 to vector<16xi32>
    %and3A_2064 = arith.andi %min3A_2042, %and3A_2063 : vector<16xi32>
    %add3A_2065 = arith.addi %add3A_2061, %and3A_2064 : vector<16xi32>
    %swap3A_2066 = arith.constant 9 : i32
    %swap3A_2067 = arith.index_cast %swap3A_2066 : i32 to index
    %swap3A_2068 = arith.constant 0 : index
    %swap3A_2069 = tpu.vector_load %arg6[%swap3A_2067, %swap3A_2068] {strides = array<i32>} : memref<10x128xi32, #tpu.memory_space<vmem>>, vector<1x16xi32>,
    %swap3A_2070 = vector.shape_cast %swap3A_2069 : vector<1x16xi32> to vector<16xi32>
    %swap3A_2071 = vector.shape_cast %add3A_2065 : vector<16xi32> to vector<1x16xi32>
    tpu.vector_store %arg6[%swap3A_2067, %swap3A_2068], %swap3A_2071 {strides = array<i32>} : memref<10x128xi32, #tpu.memory_space<vmem>>, vector<1x16xi32>,
    %add3A_2072 = arith.constant 8 : i32
    %add3A_2073 = vector.broadcast %add3A_2072 : i32 to vector<16xi32>
    %add3A_2074 = arith.addi %add3A_2065, %add3A_2073 : vector<16xi32>
    %swap3A_2075 = arith.constant 9 : i32
    %swap3A_2076 = arith.index_cast %swap3A_2075 : i32 to index
    %swap3A_2077 = arith.constant 64 : index
    %swap3A_2078 = tpu.vector_load %arg6[%swap3A_2076, %swap3A_2077] {strides = array<i32>} : memref<10x128xi32, #tpu.memory_space<vmem>>, vector<1x16xi32>,
    %swap3A_2079 = vector.shape_cast %swap3A_2078 : vector<1x16xi32> to vector<16xi32>
    %swap3A_2080 = vector.shape_cast %add3A_2074 : vector<16xi32> to vector<1x16xi32>
    tpu.vector_store %arg6[%swap3A_2076, %swap3A_2077], %swap3A_2080 {strides = array<i32>} : memref<10x128xi32, #tpu.memory_space<vmem>>, vector<1x16xi32>,
    %get3A_2081 = arith.constant 592 : index
    %get3A_2082 = tpu.vector_load %arg5[%get3A_2081] {strides = array<i32>} : memref<640xi32, #tpu.memory_space<vmem>>, vector<16xi32>,
    %get3A_2083 = vector.shape_cast %get3A_2082 : vector<16xi32> to vector<16xi32>
    %and3A_2084 = arith.constant 65535 : i32
    %and3A_2085 = vector.broadcast %and3A_2084 : i32 to vector<16xi32>
    %and3A_2086 = arith.andi %get3A_2083, %and3A_2085 : vector<16xi32>
    %jit3A_2087 = arith.constant 2 : i32
    %jit3A_2088 = arith.constant 509 : i32
    %max3A_2089 = vector.broadcast %jit3A_2087 : i32 to vector<16xi32>
    %max3A_2090 = arith.maxsi %max3A_2089, %and3A_2086 : vector<16xi32>
    %min3A_2091 = vector.broadcast %jit3A_2088 : i32 to vector<16xi32>
    %min3A_2092 = arith.minsi %min3A_2091, %max3A_2090 : vector<16xi32>
    %shift_right_arithmetic3A_2093 = arith.constant 16 : i32
    %shift_right_arithmetic3A_2094 = vector.broadcast %shift_right_arithmetic3A_2093 : i32 to vector<16xi32>
    %shift_right_arithmetic3A_2095 = arith.shrsi %get3A_2083, %shift_right_arithmetic3A_2094 : vector<16xi32>
    %jit3A_2096 = arith.constant 2 : i32
    %jit3A_2097 = arith.constant 509 : i32
    %max3A_2098 = vector.broadcast %jit3A_2096 : i32 to vector<16xi32>
    %max3A_2099 = arith.maxsi %max3A_2098, %shift_right_arithmetic3A_2095 : vector<16xi32>
    %min3A_2100 = vector.broadcast %jit3A_2097 : i32 to vector<16xi32>
    %min3A_2101 = arith.minsi %min3A_2100, %max3A_2099 : vector<16xi32>
    %mul3A_2102 = arith.constant 1024 : i32
    %mul3A_2103 = vector.broadcast %mul3A_2102 : i32 to vector<16xi32>
    %mul3A_2104 = arith.muli %min3A_2101, %mul3A_2103 : vector<16xi32>
    %shift_right_arithmetic3A_2105 = arith.constant 3 : i32
    %shift_right_arithmetic3A_2106 = vector.broadcast %shift_right_arithmetic3A_2105 : i32 to vector<16xi32>
    %shift_right_arithmetic3A_2107 = arith.shrsi %min3A_2092, %shift_right_arithmetic3A_2106 : vector<16xi32>
    %mul3A_2108 = arith.constant 16 : i32
    %mul3A_2109 = vector.broadcast %mul3A_2108 : i32 to vector<16xi32>
    %mul3A_2110 = arith.muli %shift_right_arithmetic3A_2107, %mul3A_2109 : vector<16xi32>
    %add3A_2111 = arith.addi %mul3A_2104, %mul3A_2110 : vector<16xi32>
    %and3A_2112 = arith.constant 7 : i32
    %and3A_2113 = vector.broadcast %and3A_2112 : i32 to vector<16xi32>
    %and3A_2114 = arith.andi %min3A_2092, %and3A_2113 : vector<16xi32>
    %add3A_2115 = arith.addi %add3A_2111, %and3A_2114 : vector<16xi32>
    %swap3A_2116 = arith.constant 9 : i32
    %swap3A_2117 = arith.index_cast %swap3A_2116 : i32 to index
    %swap3A_2118 = arith.constant 16 : index
    %swap3A_2119 = tpu.vector_load %arg6[%swap3A_2117, %swap3A_2118] {strides = array<i32>} : memref<10x128xi32, #tpu.memory_space<vmem>>, vector<1x16xi32>,
    %swap3A_2120 = vector.shape_cast %swap3A_2119 : vector<1x16xi32> to vector<16xi32>
    %swap3A_2121 = vector.shape_cast %add3A_2115 : vector<16xi32> to vector<1x16xi32>
    tpu.vector_store %arg6[%swap3A_2117, %swap3A_2118], %swap3A_2121 {strides = array<i32>} : memref<10x128xi32, #tpu.memory_space<vmem>>, vector<1x16xi32>,
    %add3A_2122 = arith.constant 8 : i32
    %add3A_2123 = vector.broadcast %add3A_2122 : i32 to vector<16xi32>
    %add3A_2124 = arith.addi %add3A_2115, %add3A_2123 : vector<16xi32>
    %swap3A_2125 = arith.constant 9 : i32
    %swap3A_2126 = arith.index_cast %swap3A_2125 : i32 to index
    %swap3A_2127 = arith.constant 80 : index
    %swap3A_2128 = tpu.vector_load %arg6[%swap3A_2126, %swap3A_2127] {strides = array<i32>} : memref<10x128xi32, #tpu.memory_space<vmem>>, vector<1x16xi32>,
    %swap3A_2129 = vector.shape_cast %swap3A_2128 : vector<1x16xi32> to vector<16xi32>
    %swap3A_2130 = vector.shape_cast %add3A_2124 : vector<16xi32> to vector<1x16xi32>
    tpu.vector_store %arg6[%swap3A_2126, %swap3A_2127], %swap3A_2130 {strides = array<i32>} : memref<10x128xi32, #tpu.memory_space<vmem>>, vector<1x16xi32>,
    %get3A_2131 = arith.constant 608 : index
    %get3A_2132 = tpu.vector_load %arg5[%get3A_2131] {strides = array<i32>} : memref<640xi32, #tpu.memory_space<vmem>>, vector<16xi32>,
    %get3A_2133 = vector.shape_cast %get3A_2132 : vector<16xi32> to vector<16xi32>
    %and3A_2134 = arith.constant 65535 : i32
    %and3A_2135 = vector.broadcast %and3A_2134 : i32 to vector<16xi32>
    %and3A_2136 = arith.andi %get3A_2133, %and3A_2135 : vector<16xi32>
    %jit3A_2137 = arith.constant 2 : i32
    %jit3A_2138 = arith.constant 509 : i32
    %max3A_2139 = vector.broadcast %jit3A_2137 : i32 to vector<16xi32>
    %max3A_2140 = arith.maxsi %max3A_2139, %and3A_2136 : vector<16xi32>
    %min3A_2141 = vector.broadcast %jit3A_2138 : i32 to vector<16xi32>
    %min3A_2142 = arith.minsi %min3A_2141, %max3A_2140 : vector<16xi32>
    %shift_right_arithmetic3A_2143 = arith.constant 16 : i32
    %shift_right_arithmetic3A_2144 = vector.broadcast %shift_right_arithmetic3A_2143 : i32 to vector<16xi32>
    %shift_right_arithmetic3A_2145 = arith.shrsi %get3A_2133, %shift_right_arithmetic3A_2144 : vector<16xi32>
    %jit3A_2146 = arith.constant 2 : i32
    %jit3A_2147 = arith.constant 509 : i32
    %max3A_2148 = vector.broadcast %jit3A_2146 : i32 to vector<16xi32>
    %max3A_2149 = arith.maxsi %max3A_2148, %shift_right_arithmetic3A_2145 : vector<16xi32>
    %min3A_2150 = vector.broadcast %jit3A_2147 : i32 to vector<16xi32>
    %min3A_2151 = arith.minsi %min3A_2150, %max3A_2149 : vector<16xi32>
    %mul3A_2152 = arith.constant 1024 : i32
    %mul3A_2153 = vector.broadcast %mul3A_2152 : i32 to vector<16xi32>
    %mul3A_2154 = arith.muli %min3A_2151, %mul3A_2153 : vector<16xi32>
    %shift_right_arithmetic3A_2155 = arith.constant 3 : i32
    %shift_right_arithmetic3A_2156 = vector.broadcast %shift_right_arithmetic3A_2155 : i32 to vector<16xi32>
    %shift_right_arithmetic3A_2157 = arith.shrsi %min3A_2142, %shift_right_arithmetic3A_2156 : vector<16xi32>
    %mul3A_2158 = arith.constant 16 : i32
    %mul3A_2159 = vector.broadcast %mul3A_2158 : i32 to vector<16xi32>
    %mul3A_2160 = arith.muli %shift_right_arithmetic3A_2157, %mul3A_2159 : vector<16xi32>
    %add3A_2161 = arith.addi %mul3A_2154, %mul3A_2160 : vector<16xi32>
    %and3A_2162 = arith.constant 7 : i32
    %and3A_2163 = vector.broadcast %and3A_2162 : i32 to vector<16xi32>
    %and3A_2164 = arith.andi %min3A_2142, %and3A_2163 : vector<16xi32>
    %add3A_2165 = arith.addi %add3A_2161, %and3A_2164 : vector<16xi32>
    %swap3A_2166 = arith.constant 9 : i32
    %swap3A_2167 = arith.index_cast %swap3A_2166 : i32 to index
    %swap3A_2168 = arith.constant 32 : index
    %swap3A_2169 = tpu.vector_load %arg6[%swap3A_2167, %swap3A_2168] {strides = array<i32>} : memref<10x128xi32, #tpu.memory_space<vmem>>, vector<1x16xi32>,
    %swap3A_2170 = vector.shape_cast %swap3A_2169 : vector<1x16xi32> to vector<16xi32>
    %swap3A_2171 = vector.shape_cast %add3A_2165 : vector<16xi32> to vector<1x16xi32>
    tpu.vector_store %arg6[%swap3A_2167, %swap3A_2168], %swap3A_2171 {strides = array<i32>} : memref<10x128xi32, #tpu.memory_space<vmem>>, vector<1x16xi32>,
    %add3A_2172 = arith.constant 8 : i32
    %add3A_2173 = vector.broadcast %add3A_2172 : i32 to vector<16xi32>
    %add3A_2174 = arith.addi %add3A_2165, %add3A_2173 : vector<16xi32>
    %swap3A_2175 = arith.constant 9 : i32
    %swap3A_2176 = arith.index_cast %swap3A_2175 : i32 to index
    %swap3A_2177 = arith.constant 96 : index
    %swap3A_2178 = tpu.vector_load %arg6[%swap3A_2176, %swap3A_2177] {strides = array<i32>} : memref<10x128xi32, #tpu.memory_space<vmem>>, vector<1x16xi32>,
    %swap3A_2179 = vector.shape_cast %swap3A_2178 : vector<1x16xi32> to vector<16xi32>
    %swap3A_2180 = vector.shape_cast %add3A_2174 : vector<16xi32> to vector<1x16xi32>
    tpu.vector_store %arg6[%swap3A_2176, %swap3A_2177], %swap3A_2180 {strides = array<i32>} : memref<10x128xi32, #tpu.memory_space<vmem>>, vector<1x16xi32>,
    %get3A_2181 = arith.constant 624 : index
    %get3A_2182 = tpu.vector_load %arg5[%get3A_2181] {strides = array<i32>} : memref<640xi32, #tpu.memory_space<vmem>>, vector<16xi32>,
    %get3A_2183 = vector.shape_cast %get3A_2182 : vector<16xi32> to vector<16xi32>
    %and3A_2184 = arith.constant 65535 : i32
    %and3A_2185 = vector.broadcast %and3A_2184 : i32 to vector<16xi32>
    %and3A_2186 = arith.andi %get3A_2183, %and3A_2185 : vector<16xi32>
    %jit3A_2187 = arith.constant 2 : i32
    %jit3A_2188 = arith.constant 509 : i32
    %max3A_2189 = vector.broadcast %jit3A_2187 : i32 to vector<16xi32>
    %max3A_2190 = arith.maxsi %max3A_2189, %and3A_2186 : vector<16xi32>
    %min3A_2191 = vector.broadcast %jit3A_2188 : i32 to vector<16xi32>
    %min3A_2192 = arith.minsi %min3A_2191, %max3A_2190 : vector<16xi32>
    %shift_right_arithmetic3A_2193 = arith.constant 16 : i32
    %shift_right_arithmetic3A_2194 = vector.broadcast %shift_right_arithmetic3A_2193 : i32 to vector<16xi32>
    %shift_right_arithmetic3A_2195 = arith.shrsi %get3A_2183, %shift_right_arithmetic3A_2194 : vector<16xi32>
    %jit3A_2196 = arith.constant 2 : i32
    %jit3A_2197 = arith.constant 509 : i32
    %max3A_2198 = vector.broadcast %jit3A_2196 : i32 to vector<16xi32>
    %max3A_2199 = arith.maxsi %max3A_2198, %shift_right_arithmetic3A_2195 : vector<16xi32>
    %min3A_2200 = vector.broadcast %jit3A_2197 : i32 to vector<16xi32>
    %min3A_2201 = arith.minsi %min3A_2200, %max3A_2199 : vector<16xi32>
    %mul3A_2202 = arith.constant 1024 : i32
    %mul3A_2203 = vector.broadcast %mul3A_2202 : i32 to vector<16xi32>
    %mul3A_2204 = arith.muli %min3A_2201, %mul3A_2203 : vector<16xi32>
    %shift_right_arithmetic3A_2205 = arith.constant 3 : i32
    %shift_right_arithmetic3A_2206 = vector.broadcast %shift_right_arithmetic3A_2205 : i32 to vector<16xi32>
    %shift_right_arithmetic3A_2207 = arith.shrsi %min3A_2192, %shift_right_arithmetic3A_2206 : vector<16xi32>
    %mul3A_2208 = arith.constant 16 : i32
    %mul3A_2209 = vector.broadcast %mul3A_2208 : i32 to vector<16xi32>
    %mul3A_2210 = arith.muli %shift_right_arithmetic3A_2207, %mul3A_2209 : vector<16xi32>
    %add3A_2211 = arith.addi %mul3A_2204, %mul3A_2210 : vector<16xi32>
    %and3A_2212 = arith.constant 7 : i32
    %and3A_2213 = vector.broadcast %and3A_2212 : i32 to vector<16xi32>
    %and3A_2214 = arith.andi %min3A_2192, %and3A_2213 : vector<16xi32>
    %add3A_2215 = arith.addi %add3A_2211, %and3A_2214 : vector<16xi32>
    %swap3A_2216 = arith.constant 9 : i32
    %swap3A_2217 = arith.index_cast %swap3A_2216 : i32 to index
    %swap3A_2218 = arith.constant 48 : index
    %swap3A_2219 = tpu.vector_load %arg6[%swap3A_2217, %swap3A_2218] {strides = array<i32>} : memref<10x128xi32, #tpu.memory_space<vmem>>, vector<1x16xi32>,
    %swap3A_2220 = vector.shape_cast %swap3A_2219 : vector<1x16xi32> to vector<16xi32>
    %swap3A_2221 = vector.shape_cast %add3A_2215 : vector<16xi32> to vector<1x16xi32>
    tpu.vector_store %arg6[%swap3A_2217, %swap3A_2218], %swap3A_2221 {strides = array<i32>} : memref<10x128xi32, #tpu.memory_space<vmem>>, vector<1x16xi32>,
    %add3A_2222 = arith.constant 8 : i32
    %add3A_2223 = vector.broadcast %add3A_2222 : i32 to vector<16xi32>
    %add3A_2224 = arith.addi %add3A_2215, %add3A_2223 : vector<16xi32>
    %swap3A_2225 = arith.constant 9 : i32
    %swap3A_2226 = arith.index_cast %swap3A_2225 : i32 to index
    %swap3A_2227 = arith.constant 112 : index
    %swap3A_2228 = tpu.vector_load %arg6[%swap3A_2226, %swap3A_2227] {strides = array<i32>} : memref<10x128xi32, #tpu.memory_space<vmem>>, vector<1x16xi32>,
    %swap3A_2229 = vector.shape_cast %swap3A_2228 : vector<1x16xi32> to vector<16xi32>
    %swap3A_2230 = vector.shape_cast %add3A_2224 : vector<16xi32> to vector<1x16xi32>
    tpu.vector_store %arg6[%swap3A_2226, %swap3A_2227], %swap3A_2230 {strides = array<i32>} : memref<10x128xi32, #tpu.memory_space<vmem>>, vector<1x16xi32>,
    %dma_start3A_2231 = arith.constant 9 : i32
    %dma_start3A_2232 = arith.constant 1 : i32
    %dma_start3A_2233 = arith.constant 0 : i32
    %dma_start3A_2234 = arith.constant 0 : i32
    %dma_start3A_2235 = tpu.memref_slice %arg7[%dma_start3A_2232, %dma_start3A_2233, %dma_start3A_2234] : memref<2x128x128xf32, #tpu.memory_space<vmem>> -> memref<1x128x128xf32, #tpu.memory_space<vmem>>
    %dma_start3A_2236 = tpu.memref_squeeze %dma_start3A_2235 : memref<1x128x128xf32, #tpu.memory_space<vmem>> -> memref<128x128xf32, #tpu.memory_space<vmem>>
    %dma_start3A_2237 = arith.constant 0 : i32
    %dma_start3A_2238 = tpu.memref_slice %arg6[%dma_start3A_2231, %dma_start3A_2237] : memref<10x128xi32, #tpu.memory_space<vmem>> -> memref<1x128xi32, #tpu.memory_space<vmem>>
    %dma_start3A_2239 = tpu.memref_squeeze %dma_start3A_2238 : memref<1x128xi32, #tpu.memory_space<vmem>> -> memref<128xi32, #tpu.memory_space<vmem>>
    %dma_start3A_2240 = arith.constant 0 : i32
    %dma_start3A_2241 = arith.constant 0 : i32
    %dma_start3A_2242 = tpu.memref_slice %arg2[%dma_start3A_2240, %dma_start3A_2241] : memref<524288x128xf32, #tpu.memory_space<hbm>> -> memref<524288x128xf32, #tpu.memory_space<hbm>>
    tpu.enqueue_indirect_dma source(%dma_start3A_2242 : memref<524288x128xf32, #tpu.memory_space<hbm>>) target(%dma_start3A_2236 : memref<128x128xf32, #tpu.memory_space<vmem>>) offsets(%dma_start3A_2239 : memref<128xi32, #tpu.memory_space<vmem>>) semaphore(%arg9 : memref<!tpu.dma_semaphore, #tpu.memory_space<semaphore_mem>>)
    %dma_wait3A_2243 = arith.constant 8 : i32
    %dma_wait3A_2244 = arith.constant 0 : i32
    %dma_wait3A_2245 = arith.constant 0 : i32
    %dma_wait3A_2246 = arith.constant 0 : i32
    %dma_wait3A_2247 = tpu.memref_slice %arg7[%dma_wait3A_2244, %dma_wait3A_2245, %dma_wait3A_2246] : memref<2x128x128xf32, #tpu.memory_space<vmem>> -> memref<1x128x128xf32, #tpu.memory_space<vmem>>
    %dma_wait3A_2248 = tpu.memref_squeeze %dma_wait3A_2247 : memref<1x128x128xf32, #tpu.memory_space<vmem>> -> memref<128x128xf32, #tpu.memory_space<vmem>>
    %dma_wait3A_2249 = arith.constant 0 : i32
    %dma_wait3A_2250 = tpu.memref_slice %arg6[%dma_wait3A_2243, %dma_wait3A_2249] : memref<10x128xi32, #tpu.memory_space<vmem>> -> memref<1x128xi32, #tpu.memory_space<vmem>>
    %dma_wait3A_2251 = tpu.memref_squeeze %dma_wait3A_2250 : memref<1x128xi32, #tpu.memory_space<vmem>> -> memref<128xi32, #tpu.memory_space<vmem>>
    %dma_wait3A_2252 = arith.constant 0 : i32
    %dma_wait3A_2253 = arith.constant 0 : i32
    %dma_wait3A_2254 = tpu.memref_slice %arg2[%dma_wait3A_2252, %dma_wait3A_2253] : memref<524288x128xf32, #tpu.memory_space<hbm>> -> memref<524288x128xf32, #tpu.memory_space<hbm>>
    tpu.wait_indirect_dma semaphore(%arg8 : memref<!tpu.dma_semaphore, #tpu.memory_space<semaphore_mem>>) src(%dma_wait3A_2254 : memref<524288x128xf32, #tpu.memory_space<hbm>>) dst(%dma_wait3A_2248 : memref<128x128xf32, #tpu.memory_space<vmem>>)
    %add3A_2255 = arith.constant 512 : i32
    %add3A_2256 = arith.addi %min3A_3, %add3A_2255 : i32
    %run_scoped3A_2257 = arith.constant 0 : i32
    "tpu.region"() ({
      %run_scoped3A_2275 = tpu.sem_alloc : memref<!tpu.dma_semaphore, #tpu.memory_space<semaphore_mem>>
      %dma_start3A_2276 = arith.constant 0 : i32
      %dma_start3A_2277 = arith.constant 0 : i32
      %dma_start3A_2278 = tpu.memref_slice %arg7[%run_scoped3A_2257, %dma_start3A_2276, %dma_start3A_2277] : memref<2x128x128xf32, #tpu.memory_space<vmem>> -> memref<1x128x128xf32, #tpu.memory_space<vmem>>
      %dma_start3A_2279 = tpu.memref_squeeze %dma_start3A_2278 : memref<1x128x128xf32, #tpu.memory_space<vmem>> -> memref<128x128xf32, #tpu.memory_space<vmem>>
      %dma_start3A_2280 = arith.constant 0 : i32
      %dma_start3A_2281 = arith.constant 0 : i32
      %dma_start3A_2282 = tpu.memref_slice %dma_start3A_2279[%dma_start3A_2280, %dma_start3A_2281] : memref<128x128xf32, #tpu.memory_space<vmem>> -> memref<64x128xf32, #tpu.memory_space<vmem>>
      %dma_start3A_2283 = arith.constant 0 : i32
      %dma_start3A_2284 = tpu.memref_slice %arg4[%add3A_2256, %dma_start3A_2283] : memref<20000x192xf32, #tpu.memory_space<hbm>> -> memref<64x128xf32, #tpu.memory_space<hbm>>
      %dma_start3A_2285 = arith.constant 0 : i32
      %dma_start3A_2286 = tpu.memref_slice %arg4[%add3A_2256, %dma_start3A_2285] : memref<20000x192xf32, #tpu.memory_space<hbm>> -> memref<64x128xf32, #tpu.memory_space<hbm>>
      %dma_start3A_2287 = arith.constant 0 : i32
      %dma_start3A_2288 = arith.constant 0 : i32
      %dma_start3A_2289 = tpu.memref_slice %arg7[%run_scoped3A_2257, %dma_start3A_2287, %dma_start3A_2288] : memref<2x128x128xf32, #tpu.memory_space<vmem>> -> memref<1x128x128xf32, #tpu.memory_space<vmem>>
      %dma_start3A_2290 = tpu.memref_squeeze %dma_start3A_2289 : memref<1x128x128xf32, #tpu.memory_space<vmem>> -> memref<128x128xf32, #tpu.memory_space<vmem>>
      %dma_start3A_2291 = arith.constant 0 : i32
      %dma_start3A_2292 = arith.constant 0 : i32
      %dma_start3A_2293 = tpu.memref_slice %dma_start3A_2290[%dma_start3A_2291, %dma_start3A_2292] : memref<128x128xf32, #tpu.memory_space<vmem>> -> memref<64x128xf32, #tpu.memory_space<vmem>>
      tpu.enqueue_dma source(%dma_start3A_2293 : memref<64x128xf32, #tpu.memory_space<vmem>>) target(%dma_start3A_2286 : memref<64x128xf32, #tpu.memory_space<hbm>>) target_semaphore(%run_scoped3A_2275 : memref<!tpu.dma_semaphore, #tpu.memory_space<semaphore_mem>>)
      %dma_wait3A_2294 = arith.constant 0 : i32
      %dma_wait3A_2295 = arith.constant 0 : i32
      %dma_wait3A_2296 = tpu.memref_slice %arg7[%run_scoped3A_2257, %dma_wait3A_2294, %dma_wait3A_2295] : memref<2x128x128xf32, #tpu.memory_space<vmem>> -> memref<1x128x128xf32, #tpu.memory_space<vmem>>
      %dma_wait3A_2297 = tpu.memref_squeeze %dma_wait3A_2296 : memref<1x128x128xf32, #tpu.memory_space<vmem>> -> memref<128x128xf32, #tpu.memory_space<vmem>>
      %dma_wait3A_2298 = arith.constant 0 : i32
      %dma_wait3A_2299 = arith.constant 0 : i32
      %dma_wait3A_2300 = tpu.memref_slice %dma_wait3A_2297[%dma_wait3A_2298, %dma_wait3A_2299] : memref<128x128xf32, #tpu.memory_space<vmem>> -> memref<64x128xf32, #tpu.memory_space<vmem>>
      %dma_wait3A_2301 = arith.constant 0 : i32
      %dma_wait3A_2302 = tpu.memref_slice %arg4[%add3A_2256, %dma_wait3A_2301] : memref<20000x192xf32, #tpu.memory_space<hbm>> -> memref<64x128xf32, #tpu.memory_space<hbm>>
      %dma_wait3A_2303 = arith.constant 0 : i32
      %dma_wait3A_2304 = tpu.memref_slice %arg4[%add3A_2256, %dma_wait3A_2303] : memref<20000x192xf32, #tpu.memory_space<hbm>> -> memref<64x128xf32, #tpu.memory_space<hbm>>
      %dma_wait3A_2305 = arith.constant 0 : i32
      %dma_wait3A_2306 = arith.constant 0 : i32
      %dma_wait3A_2307 = tpu.memref_slice %arg7[%run_scoped3A_2257, %dma_wait3A_2305, %dma_wait3A_2306] : memref<2x128x128xf32, #tpu.memory_space<vmem>> -> memref<1x128x128xf32, #tpu.memory_space<vmem>>
      %dma_wait3A_2308 = tpu.memref_squeeze %dma_wait3A_2307 : memref<1x128x128xf32, #tpu.memory_space<vmem>> -> memref<128x128xf32, #tpu.memory_space<vmem>>
      %dma_wait3A_2309 = arith.constant 0 : i32
      %dma_wait3A_2310 = arith.constant 0 : i32
      %dma_wait3A_2311 = tpu.memref_slice %dma_wait3A_2308[%dma_wait3A_2309, %dma_wait3A_2310] : memref<128x128xf32, #tpu.memory_space<vmem>> -> memref<64x128xf32, #tpu.memory_space<vmem>>
      tpu.wait_dma2 semaphore(%run_scoped3A_2275 : memref<!tpu.dma_semaphore, #tpu.memory_space<semaphore_mem>>) src(%dma_wait3A_2311 : memref<64x128xf32, #tpu.memory_space<vmem>>) dst(%dma_wait3A_2304 : memref<64x128xf32, #tpu.memory_space<hbm>>)
      tpu.yield
    }) : () -> ()
    %run_scoped3A_2258 = arith.constant 0 : i32
    "tpu.region"() ({
      %run_scoped3A_2275 = tpu.sem_alloc : memref<!tpu.dma_semaphore, #tpu.memory_space<semaphore_mem>>
      %dma_start3A_2276 = arith.constant 0 : i32
      %dma_start3A_2277 = arith.constant 0 : i32
      %dma_start3A_2278 = tpu.memref_slice %arg7[%run_scoped3A_2258, %dma_start3A_2276, %dma_start3A_2277] : memref<2x128x128xf32, #tpu.memory_space<vmem>> -> memref<1x128x128xf32, #tpu.memory_space<vmem>>
      %dma_start3A_2279 = tpu.memref_squeeze %dma_start3A_2278 : memref<1x128x128xf32, #tpu.memory_space<vmem>> -> memref<128x128xf32, #tpu.memory_space<vmem>>
      %dma_start3A_2280 = arith.constant 64 : i32
      %dma_start3A_2281 = arith.constant 0 : i32
      %dma_start3A_2282 = tpu.memref_slice %dma_start3A_2279[%dma_start3A_2280, %dma_start3A_2281] : memref<128x128xf32, #tpu.memory_space<vmem>> -> memref<64x64xf32, #tpu.memory_space<vmem>>
      %dma_start3A_2283 = arith.constant 128 : i32
      %dma_start3A_2284 = tpu.memref_slice %arg4[%add3A_2256, %dma_start3A_2283] : memref<20000x192xf32, #tpu.memory_space<hbm>> -> memref<64x64xf32, #tpu.memory_space<hbm>>
      %dma_start3A_2285 = arith.constant 128 : i32
      %dma_start3A_2286 = tpu.memref_slice %arg4[%add3A_2256, %dma_start3A_2285] : memref<20000x192xf32, #tpu.memory_space<hbm>> -> memref<64x64xf32, #tpu.memory_space<hbm>>
      %dma_start3A_2287 = arith.constant 0 : i32
      %dma_start3A_2288 = arith.constant 0 : i32
      %dma_start3A_2289 = tpu.memref_slice %arg7[%run_scoped3A_2258, %dma_start3A_2287, %dma_start3A_2288] : memref<2x128x128xf32, #tpu.memory_space<vmem>> -> memref<1x128x128xf32, #tpu.memory_space<vmem>>
      %dma_start3A_2290 = tpu.memref_squeeze %dma_start3A_2289 : memref<1x128x128xf32, #tpu.memory_space<vmem>> -> memref<128x128xf32, #tpu.memory_space<vmem>>
      %dma_start3A_2291 = arith.constant 64 : i32
      %dma_start3A_2292 = arith.constant 0 : i32
      %dma_start3A_2293 = tpu.memref_slice %dma_start3A_2290[%dma_start3A_2291, %dma_start3A_2292] : memref<128x128xf32, #tpu.memory_space<vmem>> -> memref<64x64xf32, #tpu.memory_space<vmem>>
      tpu.enqueue_dma source(%dma_start3A_2293 : memref<64x64xf32, #tpu.memory_space<vmem>>) target(%dma_start3A_2286 : memref<64x64xf32, #tpu.memory_space<hbm>>) target_semaphore(%run_scoped3A_2275 : memref<!tpu.dma_semaphore, #tpu.memory_space<semaphore_mem>>)
      %dma_wait3A_2294 = arith.constant 0 : i32
      %dma_wait3A_2295 = arith.constant 0 : i32
      %dma_wait3A_2296 = tpu.memref_slice %arg7[%run_scoped3A_2258, %dma_wait3A_2294, %dma_wait3A_2295] : memref<2x128x128xf32, #tpu.memory_space<vmem>> -> memref<1x128x128xf32, #tpu.memory_space<vmem>>
      %dma_wait3A_2297 = tpu.memref_squeeze %dma_wait3A_2296 : memref<1x128x128xf32, #tpu.memory_space<vmem>> -> memref<128x128xf32, #tpu.memory_space<vmem>>
      %dma_wait3A_2298 = arith.constant 64 : i32
      %dma_wait3A_2299 = arith.constant 0 : i32
      %dma_wait3A_2300 = tpu.memref_slice %dma_wait3A_2297[%dma_wait3A_2298, %dma_wait3A_2299] : memref<128x128xf32, #tpu.memory_space<vmem>> -> memref<64x64xf32, #tpu.memory_space<vmem>>
      %dma_wait3A_2301 = arith.constant 128 : i32
      %dma_wait3A_2302 = tpu.memref_slice %arg4[%add3A_2256, %dma_wait3A_2301] : memref<20000x192xf32, #tpu.memory_space<hbm>> -> memref<64x64xf32, #tpu.memory_space<hbm>>
      %dma_wait3A_2303 = arith.constant 128 : i32
      %dma_wait3A_2304 = tpu.memref_slice %arg4[%add3A_2256, %dma_wait3A_2303] : memref<20000x192xf32, #tpu.memory_space<hbm>> -> memref<64x64xf32, #tpu.memory_space<hbm>>
      %dma_wait3A_2305 = arith.constant 0 : i32
      %dma_wait3A_2306 = arith.constant 0 : i32
      %dma_wait3A_2307 = tpu.memref_slice %arg7[%run_scoped3A_2258, %dma_wait3A_2305, %dma_wait3A_2306] : memref<2x128x128xf32, #tpu.memory_space<vmem>> -> memref<1x128x128xf32, #tpu.memory_space<vmem>>
      %dma_wait3A_2308 = tpu.memref_squeeze %dma_wait3A_2307 : memref<1x128x128xf32, #tpu.memory_space<vmem>> -> memref<128x128xf32, #tpu.memory_space<vmem>>
      %dma_wait3A_2309 = arith.constant 64 : i32
      %dma_wait3A_2310 = arith.constant 0 : i32
      %dma_wait3A_2311 = tpu.memref_slice %dma_wait3A_2308[%dma_wait3A_2309, %dma_wait3A_2310] : memref<128x128xf32, #tpu.memory_space<vmem>> -> memref<64x64xf32, #tpu.memory_space<vmem>>
      tpu.wait_dma2 semaphore(%run_scoped3A_2275 : memref<!tpu.dma_semaphore, #tpu.memory_space<semaphore_mem>>) src(%dma_wait3A_2311 : memref<64x64xf32, #tpu.memory_space<vmem>>) dst(%dma_wait3A_2304 : memref<64x64xf32, #tpu.memory_space<hbm>>)
      tpu.yield
    }) : () -> ()
    %dma_wait3A_2259 = arith.constant 9 : i32
    %dma_wait3A_2260 = arith.constant 1 : i32
    %dma_wait3A_2261 = arith.constant 0 : i32
    %dma_wait3A_2262 = arith.constant 0 : i32
    %dma_wait3A_2263 = tpu.memref_slice %arg7[%dma_wait3A_2260, %dma_wait3A_2261, %dma_wait3A_2262] : memref<2x128x128xf32, #tpu.memory_space<vmem>> -> memref<1x128x128xf32, #tpu.memory_space<vmem>>
    %dma_wait3A_2264 = tpu.memref_squeeze %dma_wait3A_2263 : memref<1x128x128xf32, #tpu.memory_space<vmem>> -> memref<128x128xf32, #tpu.memory_space<vmem>>
    %dma_wait3A_2265 = arith.constant 0 : i32
    %dma_wait3A_2266 = tpu.memref_slice %arg6[%dma_wait3A_2259, %dma_wait3A_2265] : memref<10x128xi32, #tpu.memory_space<vmem>> -> memref<1x128xi32, #tpu.memory_space<vmem>>
    %dma_wait3A_2267 = tpu.memref_squeeze %dma_wait3A_2266 : memref<1x128xi32, #tpu.memory_space<vmem>> -> memref<128xi32, #tpu.memory_space<vmem>>
    %dma_wait3A_2268 = arith.constant 0 : i32
    %dma_wait3A_2269 = arith.constant 0 : i32
    %dma_wait3A_2270 = tpu.memref_slice %arg2[%dma_wait3A_2268, %dma_wait3A_2269] : memref<524288x128xf32, #tpu.memory_space<hbm>> -> memref<524288x128xf32, #tpu.memory_space<hbm>>
    tpu.wait_indirect_dma semaphore(%arg9 : memref<!tpu.dma_semaphore, #tpu.memory_space<semaphore_mem>>) src(%dma_wait3A_2270 : memref<524288x128xf32, #tpu.memory_space<hbm>>) dst(%dma_wait3A_2264 : memref<128x128xf32, #tpu.memory_space<vmem>>)
    %add3A_2271 = arith.constant 576 : i32
    %add3A_2272 = arith.addi %min3A_3, %add3A_2271 : i32
    %run_scoped3A_2273 = arith.constant 1 : i32
    "tpu.region"() ({
      %run_scoped3A_2275 = tpu.sem_alloc : memref<!tpu.dma_semaphore, #tpu.memory_space<semaphore_mem>>
      %dma_start3A_2276 = arith.constant 0 : i32
      %dma_start3A_2277 = arith.constant 0 : i32
      %dma_start3A_2278 = tpu.memref_slice %arg7[%run_scoped3A_2273, %dma_start3A_2276, %dma_start3A_2277] : memref<2x128x128xf32, #tpu.memory_space<vmem>> -> memref<1x128x128xf32, #tpu.memory_space<vmem>>
      %dma_start3A_2279 = tpu.memref_squeeze %dma_start3A_2278 : memref<1x128x128xf32, #tpu.memory_space<vmem>> -> memref<128x128xf32, #tpu.memory_space<vmem>>
      %dma_start3A_2280 = arith.constant 0 : i32
      %dma_start3A_2281 = arith.constant 0 : i32
      %dma_start3A_2282 = tpu.memref_slice %dma_start3A_2279[%dma_start3A_2280, %dma_start3A_2281] : memref<128x128xf32, #tpu.memory_space<vmem>> -> memref<56x128xf32, #tpu.memory_space<vmem>>
      %dma_start3A_2283 = arith.constant 0 : i32
      %dma_start3A_2284 = tpu.memref_slice %arg4[%add3A_2272, %dma_start3A_2283] : memref<20000x192xf32, #tpu.memory_space<hbm>> -> memref<56x128xf32, #tpu.memory_space<hbm>>
      %dma_start3A_2285 = arith.constant 0 : i32
      %dma_start3A_2286 = tpu.memref_slice %arg4[%add3A_2272, %dma_start3A_2285] : memref<20000x192xf32, #tpu.memory_space<hbm>> -> memref<56x128xf32, #tpu.memory_space<hbm>>
      %dma_start3A_2287 = arith.constant 0 : i32
      %dma_start3A_2288 = arith.constant 0 : i32
      %dma_start3A_2289 = tpu.memref_slice %arg7[%run_scoped3A_2273, %dma_start3A_2287, %dma_start3A_2288] : memref<2x128x128xf32, #tpu.memory_space<vmem>> -> memref<1x128x128xf32, #tpu.memory_space<vmem>>
      %dma_start3A_2290 = tpu.memref_squeeze %dma_start3A_2289 : memref<1x128x128xf32, #tpu.memory_space<vmem>> -> memref<128x128xf32, #tpu.memory_space<vmem>>
      %dma_start3A_2291 = arith.constant 0 : i32
      %dma_start3A_2292 = arith.constant 0 : i32
      %dma_start3A_2293 = tpu.memref_slice %dma_start3A_2290[%dma_start3A_2291, %dma_start3A_2292] : memref<128x128xf32, #tpu.memory_space<vmem>> -> memref<56x128xf32, #tpu.memory_space<vmem>>
      tpu.enqueue_dma source(%dma_start3A_2293 : memref<56x128xf32, #tpu.memory_space<vmem>>) target(%dma_start3A_2286 : memref<56x128xf32, #tpu.memory_space<hbm>>) target_semaphore(%run_scoped3A_2275 : memref<!tpu.dma_semaphore, #tpu.memory_space<semaphore_mem>>)
      %dma_wait3A_2294 = arith.constant 0 : i32
      %dma_wait3A_2295 = arith.constant 0 : i32
      %dma_wait3A_2296 = tpu.memref_slice %arg7[%run_scoped3A_2273, %dma_wait3A_2294, %dma_wait3A_2295] : memref<2x128x128xf32, #tpu.memory_space<vmem>> -> memref<1x128x128xf32, #tpu.memory_space<vmem>>
      %dma_wait3A_2297 = tpu.memref_squeeze %dma_wait3A_2296 : memref<1x128x128xf32, #tpu.memory_space<vmem>> -> memref<128x128xf32, #tpu.memory_space<vmem>>
      %dma_wait3A_2298 = arith.constant 0 : i32
      %dma_wait3A_2299 = arith.constant 0 : i32
      %dma_wait3A_2300 = tpu.memref_slice %dma_wait3A_2297[%dma_wait3A_2298, %dma_wait3A_2299] : memref<128x128xf32, #tpu.memory_space<vmem>> -> memref<56x128xf32, #tpu.memory_space<vmem>>
      %dma_wait3A_2301 = arith.constant 0 : i32
      %dma_wait3A_2302 = tpu.memref_slice %arg4[%add3A_2272, %dma_wait3A_2301] : memref<20000x192xf32, #tpu.memory_space<hbm>> -> memref<56x128xf32, #tpu.memory_space<hbm>>
      %dma_wait3A_2303 = arith.constant 0 : i32
      %dma_wait3A_2304 = tpu.memref_slice %arg4[%add3A_2272, %dma_wait3A_2303] : memref<20000x192xf32, #tpu.memory_space<hbm>> -> memref<56x128xf32, #tpu.memory_space<hbm>>
      %dma_wait3A_2305 = arith.constant 0 : i32
      %dma_wait3A_2306 = arith.constant 0 : i32
      %dma_wait3A_2307 = tpu.memref_slice %arg7[%run_scoped3A_2273, %dma_wait3A_2305, %dma_wait3A_2306] : memref<2x128x128xf32, #tpu.memory_space<vmem>> -> memref<1x128x128xf32, #tpu.memory_space<vmem>>
      %dma_wait3A_2308 = tpu.memref_squeeze %dma_wait3A_2307 : memref<1x128x128xf32, #tpu.memory_space<vmem>> -> memref<128x128xf32, #tpu.memory_space<vmem>>
      %dma_wait3A_2309 = arith.constant 0 : i32
      %dma_wait3A_2310 = arith.constant 0 : i32
      %dma_wait3A_2311 = tpu.memref_slice %dma_wait3A_2308[%dma_wait3A_2309, %dma_wait3A_2310] : memref<128x128xf32, #tpu.memory_space<vmem>> -> memref<56x128xf32, #tpu.memory_space<vmem>>
      tpu.wait_dma2 semaphore(%run_scoped3A_2275 : memref<!tpu.dma_semaphore, #tpu.memory_space<semaphore_mem>>) src(%dma_wait3A_2311 : memref<56x128xf32, #tpu.memory_space<vmem>>) dst(%dma_wait3A_2304 : memref<56x128xf32, #tpu.memory_space<hbm>>)
      tpu.yield
    }) : () -> ()
    %run_scoped3A_2274 = arith.constant 1 : i32
    "tpu.region"() ({
      %run_scoped3A_2275 = tpu.sem_alloc : memref<!tpu.dma_semaphore, #tpu.memory_space<semaphore_mem>>
      %dma_start3A_2276 = arith.constant 0 : i32
      %dma_start3A_2277 = arith.constant 0 : i32
      %dma_start3A_2278 = tpu.memref_slice %arg7[%run_scoped3A_2274, %dma_start3A_2276, %dma_start3A_2277] : memref<2x128x128xf32, #tpu.memory_space<vmem>> -> memref<1x128x128xf32, #tpu.memory_space<vmem>>
      %dma_start3A_2279 = tpu.memref_squeeze %dma_start3A_2278 : memref<1x128x128xf32, #tpu.memory_space<vmem>> -> memref<128x128xf32, #tpu.memory_space<vmem>>
      %dma_start3A_2280 = arith.constant 64 : i32
      %dma_start3A_2281 = arith.constant 0 : i32
      %dma_start3A_2282 = tpu.memref_slice %dma_start3A_2279[%dma_start3A_2280, %dma_start3A_2281] : memref<128x128xf32, #tpu.memory_space<vmem>> -> memref<56x64xf32, #tpu.memory_space<vmem>>
      %dma_start3A_2283 = arith.constant 128 : i32
      %dma_start3A_2284 = tpu.memref_slice %arg4[%add3A_2272, %dma_start3A_2283] : memref<20000x192xf32, #tpu.memory_space<hbm>> -> memref<56x64xf32, #tpu.memory_space<hbm>>
      %dma_start3A_2285 = arith.constant 128 : i32
      %dma_start3A_2286 = tpu.memref_slice %arg4[%add3A_2272, %dma_start3A_2285] : memref<20000x192xf32, #tpu.memory_space<hbm>> -> memref<56x64xf32, #tpu.memory_space<hbm>>
      %dma_start3A_2287 = arith.constant 0 : i32
      %dma_start3A_2288 = arith.constant 0 : i32
      %dma_start3A_2289 = tpu.memref_slice %arg7[%run_scoped3A_2274, %dma_start3A_2287, %dma_start3A_2288] : memref<2x128x128xf32, #tpu.memory_space<vmem>> -> memref<1x128x128xf32, #tpu.memory_space<vmem>>
      %dma_start3A_2290 = tpu.memref_squeeze %dma_start3A_2289 : memref<1x128x128xf32, #tpu.memory_space<vmem>> -> memref<128x128xf32, #tpu.memory_space<vmem>>
      %dma_start3A_2291 = arith.constant 64 : i32
      %dma_start3A_2292 = arith.constant 0 : i32
      %dma_start3A_2293 = tpu.memref_slice %dma_start3A_2290[%dma_start3A_2291, %dma_start3A_2292] : memref<128x128xf32, #tpu.memory_space<vmem>> -> memref<56x64xf32, #tpu.memory_space<vmem>>
      tpu.enqueue_dma source(%dma_start3A_2293 : memref<56x64xf32, #tpu.memory_space<vmem>>) target(%dma_start3A_2286 : memref<56x64xf32, #tpu.memory_space<hbm>>) target_semaphore(%run_scoped3A_2275 : memref<!tpu.dma_semaphore, #tpu.memory_space<semaphore_mem>>)
      %dma_wait3A_2294 = arith.constant 0 : i32
      %dma_wait3A_2295 = arith.constant 0 : i32
      %dma_wait3A_2296 = tpu.memref_slice %arg7[%run_scoped3A_2274, %dma_wait3A_2294, %dma_wait3A_2295] : memref<2x128x128xf32, #tpu.memory_space<vmem>> -> memref<1x128x128xf32, #tpu.memory_space<vmem>>
      %dma_wait3A_2297 = tpu.memref_squeeze %dma_wait3A_2296 : memref<1x128x128xf32, #tpu.memory_space<vmem>> -> memref<128x128xf32, #tpu.memory_space<vmem>>
      %dma_wait3A_2298 = arith.constant 64 : i32
      %dma_wait3A_2299 = arith.constant 0 : i32
      %dma_wait3A_2300 = tpu.memref_slice %dma_wait3A_2297[%dma_wait3A_2298, %dma_wait3A_2299] : memref<128x128xf32, #tpu.memory_space<vmem>> -> memref<56x64xf32, #tpu.memory_space<vmem>>
      %dma_wait3A_2301 = arith.constant 128 : i32
      %dma_wait3A_2302 = tpu.memref_slice %arg4[%add3A_2272, %dma_wait3A_2301] : memref<20000x192xf32, #tpu.memory_space<hbm>> -> memref<56x64xf32, #tpu.memory_space<hbm>>
      %dma_wait3A_2303 = arith.constant 128 : i32
      %dma_wait3A_2304 = tpu.memref_slice %arg4[%add3A_2272, %dma_wait3A_2303] : memref<20000x192xf32, #tpu.memory_space<hbm>> -> memref<56x64xf32, #tpu.memory_space<hbm>>
      %dma_wait3A_2305 = arith.constant 0 : i32
      %dma_wait3A_2306 = arith.constant 0 : i32
      %dma_wait3A_2307 = tpu.memref_slice %arg7[%run_scoped3A_2274, %dma_wait3A_2305, %dma_wait3A_2306] : memref<2x128x128xf32, #tpu.memory_space<vmem>> -> memref<1x128x128xf32, #tpu.memory_space<vmem>>
      %dma_wait3A_2308 = tpu.memref_squeeze %dma_wait3A_2307 : memref<1x128x128xf32, #tpu.memory_space<vmem>> -> memref<128x128xf32, #tpu.memory_space<vmem>>
      %dma_wait3A_2309 = arith.constant 64 : i32
      %dma_wait3A_2310 = arith.constant 0 : i32
      %dma_wait3A_2311 = tpu.memref_slice %dma_wait3A_2308[%dma_wait3A_2309, %dma_wait3A_2310] : memref<128x128xf32, #tpu.memory_space<vmem>> -> memref<56x64xf32, #tpu.memory_space<vmem>>
      tpu.wait_dma2 semaphore(%run_scoped3A_2275 : memref<!tpu.dma_semaphore, #tpu.memory_space<semaphore_mem>>) src(%dma_wait3A_2311 : memref<56x64xf32, #tpu.memory_space<vmem>>) dst(%dma_wait3A_2304 : memref<56x64xf32, #tpu.memory_space<hbm>>)
      tpu.yield
    }) : () -> ()
    return
  }
}

module attributes {stable_mosaic.version = 14 : i64} {
  func.func @_tr_body(%arg0: i32, %arg1: memref<192x16x512xf32, #tpu.memory_space<vmem>>, %arg2: memref<16384x128xf32, #tpu.memory_space<vmem>>) attributes {dimension_semantics = [#tpu.dimension_semantics<arbitrary>], iteration_bounds = array<i64: 32>, scalar_prefetch = 0 : i64, scratch_operands = 0 : i64, tpu.core_type = #tpu.core_type<tc>, window_params = [{transform_indices = @transform_0, window_bounds = array<i64: 192, 16, 512>}, {transform_indices = @transform_1, window_bounds = array<i64: 16384, 128>}]} {
    %get3A = arith.constant 0 : index
    %get3A_0 = arith.constant 0 : index
    %get3A_1 = arith.constant 0 : index
    %get3A_2 = vector.load %arg1[%get3A, %get3A_0, %get3A_1] : memref<192x16x512xf32, #tpu.memory_space<vmem>>, vector<192x1x512xf32>
    %get3A_3 = vector.shape_cast %get3A_2 : vector<192x1x512xf32> to vector<192x512xf32>
    %transpose3A = tpu.transpose %get3A_3, [1, 0] : vector<192x512xf32> -> vector<512x192xf32>
    %get3A_4 = arith.constant 0 : index
    %get3A_5 = arith.constant 1 : index
    %get3A_6 = arith.constant 0 : index
    %get3A_7 = vector.load %arg1[%get3A_4, %get3A_5, %get3A_6] : memref<192x16x512xf32, #tpu.memory_space<vmem>>, vector<192x1x512xf32>
    %get3A_8 = vector.shape_cast %get3A_7 : vector<192x1x512xf32> to vector<192x512xf32>
    %transpose3A_9 = tpu.transpose %get3A_8, [1, 0] : vector<192x512xf32> -> vector<512x192xf32>
    %get3A_10 = arith.constant 0 : index
    %get3A_11 = arith.constant 2 : index
    %get3A_12 = arith.constant 0 : index
    %get3A_13 = vector.load %arg1[%get3A_10, %get3A_11, %get3A_12] : memref<192x16x512xf32, #tpu.memory_space<vmem>>, vector<192x1x512xf32>
    %get3A_14 = vector.shape_cast %get3A_13 : vector<192x1x512xf32> to vector<192x512xf32>
    %transpose3A_15 = tpu.transpose %get3A_14, [1, 0] : vector<192x512xf32> -> vector<512x192xf32>
    %get3A_16 = arith.constant 0 : index
    %get3A_17 = arith.constant 3 : index
    %get3A_18 = arith.constant 0 : index
    %get3A_19 = vector.load %arg1[%get3A_16, %get3A_17, %get3A_18] : memref<192x16x512xf32, #tpu.memory_space<vmem>>, vector<192x1x512xf32>
    %get3A_20 = vector.shape_cast %get3A_19 : vector<192x1x512xf32> to vector<192x512xf32>
    %transpose3A_21 = tpu.transpose %get3A_20, [1, 0] : vector<192x512xf32> -> vector<512x192xf32>
    %get3A_22 = arith.constant 0 : index
    %get3A_23 = arith.constant 4 : index
    %get3A_24 = arith.constant 0 : index
    %get3A_25 = vector.load %arg1[%get3A_22, %get3A_23, %get3A_24] : memref<192x16x512xf32, #tpu.memory_space<vmem>>, vector<192x1x512xf32>
    %get3A_26 = vector.shape_cast %get3A_25 : vector<192x1x512xf32> to vector<192x512xf32>
    %transpose3A_27 = tpu.transpose %get3A_26, [1, 0] : vector<192x512xf32> -> vector<512x192xf32>
    %get3A_28 = arith.constant 0 : index
    %get3A_29 = arith.constant 5 : index
    %get3A_30 = arith.constant 0 : index
    %get3A_31 = vector.load %arg1[%get3A_28, %get3A_29, %get3A_30] : memref<192x16x512xf32, #tpu.memory_space<vmem>>, vector<192x1x512xf32>
    %get3A_32 = vector.shape_cast %get3A_31 : vector<192x1x512xf32> to vector<192x512xf32>
    %transpose3A_33 = tpu.transpose %get3A_32, [1, 0] : vector<192x512xf32> -> vector<512x192xf32>
    %get3A_34 = arith.constant 0 : index
    %get3A_35 = arith.constant 6 : index
    %get3A_36 = arith.constant 0 : index
    %get3A_37 = vector.load %arg1[%get3A_34, %get3A_35, %get3A_36] : memref<192x16x512xf32, #tpu.memory_space<vmem>>, vector<192x1x512xf32>
    %get3A_38 = vector.shape_cast %get3A_37 : vector<192x1x512xf32> to vector<192x512xf32>
    %transpose3A_39 = tpu.transpose %get3A_38, [1, 0] : vector<192x512xf32> -> vector<512x192xf32>
    %get3A_40 = arith.constant 0 : index
    %get3A_41 = arith.constant 7 : index
    %get3A_42 = arith.constant 0 : index
    %get3A_43 = vector.load %arg1[%get3A_40, %get3A_41, %get3A_42] : memref<192x16x512xf32, #tpu.memory_space<vmem>>, vector<192x1x512xf32>
    %get3A_44 = vector.shape_cast %get3A_43 : vector<192x1x512xf32> to vector<192x512xf32>
    %transpose3A_45 = tpu.transpose %get3A_44, [1, 0] : vector<192x512xf32> -> vector<512x192xf32>
    %get3A_46 = arith.constant 0 : index
    %get3A_47 = arith.constant 8 : index
    %get3A_48 = arith.constant 0 : index
    %get3A_49 = vector.load %arg1[%get3A_46, %get3A_47, %get3A_48] : memref<192x16x512xf32, #tpu.memory_space<vmem>>, vector<192x1x512xf32>
    %get3A_50 = vector.shape_cast %get3A_49 : vector<192x1x512xf32> to vector<192x512xf32>
    %transpose3A_51 = tpu.transpose %get3A_50, [1, 0] : vector<192x512xf32> -> vector<512x192xf32>
    %get3A_52 = arith.constant 0 : index
    %get3A_53 = arith.constant 9 : index
    %get3A_54 = arith.constant 0 : index
    %get3A_55 = vector.load %arg1[%get3A_52, %get3A_53, %get3A_54] : memref<192x16x512xf32, #tpu.memory_space<vmem>>, vector<192x1x512xf32>
    %get3A_56 = vector.shape_cast %get3A_55 : vector<192x1x512xf32> to vector<192x512xf32>
    %transpose3A_57 = tpu.transpose %get3A_56, [1, 0] : vector<192x512xf32> -> vector<512x192xf32>
    %get3A_58 = arith.constant 0 : index
    %get3A_59 = arith.constant 10 : index
    %get3A_60 = arith.constant 0 : index
    %get3A_61 = vector.load %arg1[%get3A_58, %get3A_59, %get3A_60] : memref<192x16x512xf32, #tpu.memory_space<vmem>>, vector<192x1x512xf32>
    %get3A_62 = vector.shape_cast %get3A_61 : vector<192x1x512xf32> to vector<192x512xf32>
    %transpose3A_63 = tpu.transpose %get3A_62, [1, 0] : vector<192x512xf32> -> vector<512x192xf32>
    %get3A_64 = arith.constant 0 : index
    %get3A_65 = arith.constant 11 : index
    %get3A_66 = arith.constant 0 : index
    %get3A_67 = vector.load %arg1[%get3A_64, %get3A_65, %get3A_66] : memref<192x16x512xf32, #tpu.memory_space<vmem>>, vector<192x1x512xf32>
    %get3A_68 = vector.shape_cast %get3A_67 : vector<192x1x512xf32> to vector<192x512xf32>
    %transpose3A_69 = tpu.transpose %get3A_68, [1, 0] : vector<192x512xf32> -> vector<512x192xf32>
    %get3A_70 = arith.constant 0 : index
    %get3A_71 = arith.constant 12 : index
    %get3A_72 = arith.constant 0 : index
    %get3A_73 = vector.load %arg1[%get3A_70, %get3A_71, %get3A_72] : memref<192x16x512xf32, #tpu.memory_space<vmem>>, vector<192x1x512xf32>
    %get3A_74 = vector.shape_cast %get3A_73 : vector<192x1x512xf32> to vector<192x512xf32>
    %transpose3A_75 = tpu.transpose %get3A_74, [1, 0] : vector<192x512xf32> -> vector<512x192xf32>
    %get3A_76 = arith.constant 0 : index
    %get3A_77 = arith.constant 13 : index
    %get3A_78 = arith.constant 0 : index
    %get3A_79 = vector.load %arg1[%get3A_76, %get3A_77, %get3A_78] : memref<192x16x512xf32, #tpu.memory_space<vmem>>, vector<192x1x512xf32>
    %get3A_80 = vector.shape_cast %get3A_79 : vector<192x1x512xf32> to vector<192x512xf32>
    %transpose3A_81 = tpu.transpose %get3A_80, [1, 0] : vector<192x512xf32> -> vector<512x192xf32>
    %get3A_82 = arith.constant 0 : index
    %get3A_83 = arith.constant 14 : index
    %get3A_84 = arith.constant 0 : index
    %get3A_85 = vector.load %arg1[%get3A_82, %get3A_83, %get3A_84] : memref<192x16x512xf32, #tpu.memory_space<vmem>>, vector<192x1x512xf32>
    %get3A_86 = vector.shape_cast %get3A_85 : vector<192x1x512xf32> to vector<192x512xf32>
    %transpose3A_87 = tpu.transpose %get3A_86, [1, 0] : vector<192x512xf32> -> vector<512x192xf32>
    %get3A_88 = arith.constant 0 : index
    %get3A_89 = arith.constant 15 : index
    %get3A_90 = arith.constant 0 : index
    %get3A_91 = vector.load %arg1[%get3A_88, %get3A_89, %get3A_90] : memref<192x16x512xf32, #tpu.memory_space<vmem>>, vector<192x1x512xf32>
    %get3A_92 = vector.shape_cast %get3A_91 : vector<192x1x512xf32> to vector<192x512xf32>
    %transpose3A_93 = tpu.transpose %get3A_92, [1, 0] : vector<192x512xf32> -> vector<512x192xf32>
    %concatenate3A = tpu.concatenate %transpose3A, %transpose3A_9, %transpose3A_15, %transpose3A_21, %transpose3A_27, %transpose3A_33, %transpose3A_39, %transpose3A_45, %transpose3A_51, %transpose3A_57, %transpose3A_63, %transpose3A_69, %transpose3A_75, %transpose3A_81, %transpose3A_87, %transpose3A_93 in 0 : vector<512x192xf32>, vector<512x192xf32>, vector<512x192xf32>, vector<512x192xf32>, vector<512x192xf32>, vector<512x192xf32>, vector<512x192xf32>, vector<512x192xf32>, vector<512x192xf32>, vector<512x192xf32>, vector<512x192xf32>, vector<512x192xf32>, vector<512x192xf32>, vector<512x192xf32>, vector<512x192xf32>, vector<512x192xf32> -> vector<8192x192xf32>
    %slice3A = vector.extract_strided_slice %concatenate3A {offsets = [8190, 0], sizes = [2, 192], strides = [1, 1]} : vector<8192x192xf32> to vector<2x192xf32>
    %slice3A_94 = vector.extract_strided_slice %concatenate3A {offsets = [0, 0], sizes = [8190, 192], strides = [1, 1]} : vector<8192x192xf32> to vector<8190x192xf32>
    %concatenate3A_95 = tpu.concatenate %slice3A, %slice3A_94 in 0 : vector<2x192xf32>, vector<8190x192xf32> -> vector<8192x192xf32>
    %slice3A_96 = vector.extract_strided_slice %concatenate3A {offsets = [2, 0], sizes = [8190, 192], strides = [1, 1]} : vector<8192x192xf32> to vector<8190x192xf32>
    %slice3A_97 = vector.extract_strided_slice %concatenate3A {offsets = [0, 0], sizes = [2, 192], strides = [1, 1]} : vector<8192x192xf32> to vector<2x192xf32>
    %concatenate3A_98 = tpu.concatenate %slice3A_96, %slice3A_97 in 0 : vector<8190x192xf32>, vector<2x192xf32> -> vector<8192x192xf32>
    %add3A = arith.addf %concatenate3A_95, %concatenate3A_98 : vector<8192x192xf32>
    %mul3A = arith.constant 0.152469143 : f32
    %mul3A_99 = vector.broadcast %mul3A : f32 to vector<8192x192xf32>
    %mul3A_100 = arith.mulf %mul3A_99, %add3A : vector<8192x192xf32>
    %slice3A_101 = vector.extract_strided_slice %concatenate3A {offsets = [8191, 0], sizes = [1, 192], strides = [1, 1]} : vector<8192x192xf32> to vector<1x192xf32>
    %slice3A_102 = vector.extract_strided_slice %concatenate3A {offsets = [0, 0], sizes = [8191, 192], strides = [1, 1]} : vector<8192x192xf32> to vector<8191x192xf32>
    %concatenate3A_103 = tpu.concatenate %slice3A_101, %slice3A_102 in 0 : vector<1x192xf32>, vector<8191x192xf32> -> vector<8192x192xf32>
    %slice3A_104 = vector.extract_strided_slice %concatenate3A {offsets = [1, 0], sizes = [8191, 192], strides = [1, 1]} : vector<8192x192xf32> to vector<8191x192xf32>
    %slice3A_105 = vector.extract_strided_slice %concatenate3A {offsets = [0, 0], sizes = [1, 192], strides = [1, 1]} : vector<8192x192xf32> to vector<1x192xf32>
    %concatenate3A_106 = tpu.concatenate %slice3A_104, %slice3A_105 in 0 : vector<8191x192xf32>, vector<1x192xf32> -> vector<8192x192xf32>
    %add3A_107 = arith.addf %concatenate3A_103, %concatenate3A_106 : vector<8192x192xf32>
    %mul3A_108 = arith.constant 0.221841291 : f32
    %mul3A_109 = vector.broadcast %mul3A_108 : f32 to vector<8192x192xf32>
    %mul3A_110 = arith.mulf %mul3A_109, %add3A_107 : vector<8192x192xf32>
    %add3A_111 = arith.addf %mul3A_100, %mul3A_110 : vector<8192x192xf32>
    %mul3A_112 = arith.constant 0.251379132 : f32
    %mul3A_113 = vector.broadcast %mul3A_112 : f32 to vector<8192x192xf32>
    %mul3A_114 = arith.mulf %mul3A_113, %concatenate3A : vector<8192x192xf32>
    %add3A_115 = arith.addf %add3A_111, %mul3A_114 : vector<8192x192xf32>
    %slice3A_116 = vector.extract_strided_slice %add3A_115 {offsets = [0, 0], sizes = [8192, 128], strides = [1, 1]} : vector<8192x192xf32> to vector<8192x128xf32>
    %reshape3A = vector.shape_cast %slice3A_116 : vector<8192x128xf32> to vector<1024x1x8x128xf32>
    %slice3A_117 = vector.extract_strided_slice %add3A_115 {offsets = [0, 128], sizes = [8192, 64], strides = [1, 1]} : vector<8192x192xf32> to vector<8192x64xf32>
    %broadcast_in_dim3A = arith.constant 0.000000e+00 : f32
    %broadcast_in_dim3A_118 = vector.broadcast %broadcast_in_dim3A : f32 to vector<8192x64xf32>
    %concatenate3A_119 = tpu.concatenate %slice3A_117, %broadcast_in_dim3A_118 in 1 : vector<8192x64xf32>, vector<8192x64xf32> -> vector<8192x128xf32>
    %reshape3A_120 = vector.shape_cast %concatenate3A_119 : vector<8192x128xf32> to vector<1024x1x8x128xf32>
    %concatenate3A_121 = tpu.concatenate %reshape3A, %reshape3A_120 in 1 : vector<1024x1x8x128xf32>, vector<1024x1x8x128xf32> -> vector<1024x2x8x128xf32>
    %reshape3A_122 = vector.shape_cast %concatenate3A_121 : vector<1024x2x8x128xf32> to vector<16384x128xf32>
    %swap3A = arith.constant 0 : index
    %swap3A_123 = arith.constant 0 : index
    %swap3A_124 = vector.load %arg2[%swap3A, %swap3A_123] : memref<16384x128xf32, #tpu.memory_space<vmem>>, vector<16384x128xf32>
    tpu.vector_store %arg2[%swap3A, %swap3A_123], %reshape3A_122 {strides = array<i32>} : memref<16384x128xf32, #tpu.memory_space<vmem>>, vector<16384x128xf32>,
    return
  }
  func.func @transform_0(%arg0: i32) -> (i32, i32, i32) {
    %c0_i32 = arith.constant 0 : i32
    %c0_i32_0 = arith.constant 0 : i32
    %c0_i32_1 = arith.constant 0 : i32
    return %c0_i32, %arg0, %c0_i32_0 : i32, i32, i32
  }
  func.func @transform_1(%arg0: i32) -> (i32, i32) {
    %c0_i32 = arith.constant 0 : i32
    %c0_i32_0 = arith.constant 0 : i32
    return %arg0, %c0_i32 : i32, i32
  }
}

module attributes {stable_mosaic.version = 14 : i64} {
  func.func @_yblur_body(%arg0: i32, %arg1: memref<8x512x512xf32, #tpu.memory_space<vmem>>, %arg2: memref<8x512x512xf32, #tpu.memory_space<vmem>>) attributes {dimension_semantics = [#tpu.dimension_semantics<arbitrary>], iteration_bounds = array<i64: 24>, scalar_prefetch = 0 : i64, scratch_operands = 0 : i64, tpu.core_type = #tpu.core_type<tc>, window_params = [{transform_indices = @transform_0, window_bounds = array<i64: 8, 512, 512>}, {transform_indices = @transform_1, window_bounds = array<i64: 8, 512, 512>}]} {
    %get3A = arith.constant 0 : index
    %get3A_0 = arith.constant 0 : index
    %get3A_1 = arith.constant 0 : index
    %get3A_2 = vector.load %arg1[%get3A, %get3A_0, %get3A_1] : memref<8x512x512xf32, #tpu.memory_space<vmem>>, vector<8x508x512xf32>
    %get3A_3 = arith.constant 0 : index
    %get3A_4 = arith.constant 4 : index
    %get3A_5 = arith.constant 0 : index
    %get3A_6 = vector.load %arg1[%get3A_3, %get3A_4, %get3A_5] : memref<8x512x512xf32, #tpu.memory_space<vmem>>, vector<8x508x512xf32>
    %add3A = arith.addf %get3A_2, %get3A_6 : vector<8x508x512xf32>
    %mul3A = arith.constant 0.152469143 : f32
    %mul3A_7 = vector.broadcast %mul3A : f32 to vector<8x508x512xf32>
    %mul3A_8 = arith.mulf %mul3A_7, %add3A : vector<8x508x512xf32>
    %get3A_9 = arith.constant 0 : index
    %get3A_10 = arith.constant 1 : index
    %get3A_11 = arith.constant 0 : index
    %get3A_12 = vector.load %arg1[%get3A_9, %get3A_10, %get3A_11] : memref<8x512x512xf32, #tpu.memory_space<vmem>>, vector<8x508x512xf32>
    %get3A_13 = arith.constant 0 : index
    %get3A_14 = arith.constant 3 : index
    %get3A_15 = arith.constant 0 : index
    %get3A_16 = vector.load %arg1[%get3A_13, %get3A_14, %get3A_15] : memref<8x512x512xf32, #tpu.memory_space<vmem>>, vector<8x508x512xf32>
    %add3A_17 = arith.addf %get3A_12, %get3A_16 : vector<8x508x512xf32>
    %mul3A_18 = arith.constant 0.221841291 : f32
    %mul3A_19 = vector.broadcast %mul3A_18 : f32 to vector<8x508x512xf32>
    %mul3A_20 = arith.mulf %mul3A_19, %add3A_17 : vector<8x508x512xf32>
    %add3A_21 = arith.addf %mul3A_8, %mul3A_20 : vector<8x508x512xf32>
    %get3A_22 = arith.constant 0 : index
    %get3A_23 = arith.constant 2 : index
    %get3A_24 = arith.constant 0 : index
    %get3A_25 = vector.load %arg1[%get3A_22, %get3A_23, %get3A_24] : memref<8x512x512xf32, #tpu.memory_space<vmem>>, vector<8x508x512xf32>
    %mul3A_26 = arith.constant 0.251379132 : f32
    %mul3A_27 = vector.broadcast %mul3A_26 : f32 to vector<8x508x512xf32>
    %mul3A_28 = arith.mulf %mul3A_27, %get3A_25 : vector<8x508x512xf32>
    %add3A_29 = arith.addf %add3A_21, %mul3A_28 : vector<8x508x512xf32>
    %swap3A = arith.constant 0 : index
    %swap3A_30 = arith.constant 2 : index
    %swap3A_31 = arith.constant 0 : index
    %swap3A_32 = vector.load %arg2[%swap3A, %swap3A_30, %swap3A_31] : memref<8x512x512xf32, #tpu.memory_space<vmem>>, vector<8x508x512xf32>
    tpu.vector_store %arg2[%swap3A, %swap3A_30, %swap3A_31], %add3A_29 {strides = array<i32>} : memref<8x512x512xf32, #tpu.memory_space<vmem>>, vector<8x508x512xf32>,
    return
  }
  func.func @transform_0(%arg0: i32) -> (i32, i32, i32) {
    %c0_i32 = arith.constant 0 : i32
    %c0_i32_0 = arith.constant 0 : i32
    %c0_i32_1 = arith.constant 0 : i32
    return %arg0, %c0_i32, %c0_i32_0 : i32, i32, i32
  }
  func.func @transform_1(%arg0: i32) -> (i32, i32, i32) {
    %c0_i32 = arith.constant 0 : i32
    %c0_i32_0 = arith.constant 0 : i32
    %c0_i32_1 = arith.constant 0 : i32
    return %arg0, %c0_i32, %c0_i32_0 : i32, i32, i32
  }
}

module attributes {stable_mosaic.version = 14 : i64} {
  func.func @_out_tr_body(%arg0: memref<20000x192xf32, #tpu.memory_space<vmem>>, %arg1: memref<192x20000xf32, #tpu.memory_space<vmem>>) attributes {dimension_semantics = [], scalar_prefetch = 0 : i64, scratch_operands = 0 : i64, tpu.core_type = #tpu.core_type<tc>} {
    %get3A = arith.constant 0 : index
    %get3A_0 = arith.constant 0 : index
    %get3A_1 = vector.load %arg0[%get3A, %get3A_0] : memref<20000x192xf32, #tpu.memory_space<vmem>>, vector<20000x192xf32>
    %transpose3A = tpu.transpose %get3A_1, [1, 0] : vector<20000x192xf32> -> vector<192x20000xf32>
    %swap3A = arith.constant 0 : index
    %swap3A_2 = arith.constant 0 : index
    %swap3A_3 = vector.load %arg1[%swap3A, %swap3A_2] : memref<192x20000xf32, #tpu.memory_space<vmem>>, vector<192x20000xf32>
    tpu.vector_store %arg1[%swap3A, %swap3A_2], %transpose3A {strides = array<i32>} : memref<192x20000xf32, #tpu.memory_space<vmem>>, vector<192x20000xf32>,
    return
  }
}

</mosaic_0001>

<sc_bundles>
// kernel: kernel.6.cloned.1.call-start
scs
__scs_entry_jumppad:
0x0: {  	(pc) =	sbr.rel $0x88, $3  }
0x1: {  	(tag) =	ssettag $0x0;
	lr =	simm.s32 $0x1  }
0x2: {  	[smem:$0x3F9F] =	sst lr;
	_ =	strace $0xD0000000  }
0x3: {  	_ = 	snop  }
0x4: {  	_ = 	snop  }
0x5: {  	_ = 	snop  }
0x6: {  	_ = 	snop  }
0x7: {  	_ = 	snop  }
__scs_overlays_trampoline_lowered:
0x8: {  	[smem:$0x3FAE] =	sst s0  }
0x9: {  	[smem:$0x3FAF] =	sst s1  }
0xa: {  	[smem:$0x3FB0] =	sst s2  }
0xb: {  	[smem:$0x3FB1] =	sst s3  }
0xc: {  	[smem:$0x3FB2] =	sst s4  }
0xd: {  	[smem:$0x3FB3] =	sst s5  }
0xe: {  	[smem:$0x3FB4] =	sst s6  }
0xf: {  	[smem:$0x3FB5] =	sst s7  }
0x10: {  	[smem:$0x3FB6] =	sst s8  }
0x11: {  	[smem:$0x3FB7] =	sst s9;
	s0 =	simm.s32 @!p0 $0x0  }
0x12: {  	s1 =	sld [smem:$0x3F9D];
	s0 =	simm.s32 @p0 $0x1  }
0x13: {  	[smem:$0x3FB8] =	sst s0;
	s0 =	simm.s32 @!p1 $0x0  }
0x14: {  	s2 =	sld [smem:$0x3F9C];
	s0 =	simm.s32 @p1 $0x1  }
0x15: {  	[smem:$0x3FB9] =	sst s0;
	s0 =	simm.s32 @!p2 $0x0  }
0x16: {  	s3 =	sld [smem:$0x3FDB];
	s0 =	simm.s32 @p2 $0x1  }
0x17: {  	s4 =	simm.s32 $0x1BF5;
	[smem:$0x3FBB] =	sst s0  }
0x18: {  	s0 =	sld [smem:$0x3F9E];
	_ =	swait.ge [sflag:s4], $0x0  }
0x19: {  	s7 =	sld [smem:$0x3F9F]  }
0x1a: {  	s8 =	sadd.s32 $0xFFFFE003, lr  }
0x1b: {  	s9 =	sadd.s32 $0xFFFFFEF7, lr;
	s5 =	simm.s32 $0xFFFFFFFF;
	p2 =	slt.u32 s8, $0xFFFFF086  }
0x1c: {  	p1 =	slt.u32 s9, $0xF7A;
	s5 =	simm.s32 @!p2 $0x0  }
0x1d: {  	s5 =	simm.s32 @p1 $0x1;
	p0 =	seq.s32 s7, s2  }
0x1e: {  	s7 =	smul.u32 @!p0 $0xF7A, s2;
	p2 =	seq.s32 @!p0 s5, $0x0  }
0x1f: {  	s9 =	smul.u32 $0xF7A, s1;
	s8 =	simm.s32 @!p0 $0x1BF5;
	p2 =	por !p2, p0  }
0x20: {  	[sflag:s8] =	ssyncset.s32 @!p0 $0xFFFFF086;
	s6 =	sadd.s32 @!p0 s3, s7;
	s7 =	simm.s32 @!p0 $0x108  }
0x21: {  	s3 =	sadd.s32 s3, s9;
	s6 =	sadd.s32 @!p0 $0x88, s6;
	s7 =	simm.s32 @p2 $0x1082  }
0x22: {  	[simem:s7], [sflag:s8] =	dma.local @!p0 [hbm:s6], $0xF7A  }
0x23: {  	s9 =	sor.u32 $0xD0000000, s2;
	s6 =	simm.s32 $0x108;
	_ =	swait.ge @!p0 [sflag:s8], $0x0  }
0x24: {  	s3 =	sadd.s32 $0x88, s3;
	s6 =	simm.s32 @!p1 $0x1082;
	[sflag:s4] =	ssyncset.s32 $0xFFFFF086  }
0x25: {  	[simem:s6], [sflag:s4] =	dma.local [hbm:s3], $0xF7A  }
0x26: {  	[smem:$0x3F9F] =	sst s1;
	(tag) =	ssettag s2;
	_ =	strace s9  }
0x27: {  	s1 =	sld [smem:$0x3FAF]  }
0x28: {  	s2 =	sld [smem:$0x3FB0]  }
0x29: {  	s4 =	sld [smem:$0x3FB2]  }
0x2a: {  	p0 =	seq.s32 s5, $0x0;
	s5 =	sld [smem:$0x3FB3]  }
0x2b: {  	s6 =	sld [smem:$0x3FB4]  }
0x2c: {  	s7 =	sld [smem:$0x3FB5]  }
0x2d: {  	s3 =	simm.s32 $0x108;
	s8 =	sld [smem:$0x3FB6]  }
0x2e: {  	s3 =	simm.s32 @!p0 $0x1082;
	s9 =	sld [smem:$0x3FB7]  }
0x2f: {  	lr =	sadd.s32 s0, s3;
	s0 =	sld [smem:$0x3FAE]  }
0x30: {  	s3 =	sld [smem:$0x3FB1]  }
0x31: {  	[smem:$0x3FBA] =	sst s10  }
0x32: {  	s10 =	sld [smem:$0x3FB8];
	_ =	sdelay $0x3  }
0x33: {  	p0 =	seq.s32 s10, $0x1;
	s10 =	sld [smem:$0x3FBA];
	_ =	sdelay $0x3  }
0x34: {  	[smem:$0x3FBA] =	sst s10  }
0x35: {  	s10 =	sld [smem:$0x3FB9];
	_ =	sdelay $0x3  }
0x36: {  	p1 =	seq.s32 s10, $0x1;
	s10 =	sld [smem:$0x3FBA];
	_ =	sdelay $0x3  }
0x37: {  	[smem:$0x3FBA] =	sst s10  }
0x38: {  	s10 =	sld [smem:$0x3FBB]  }
0x39: {  	_ = 	snop;
	(pc) =	sbr.ind lr, $3  }
0x3a: {  	_ = 	snop  }
0x3b: {  	_ = 	snop  }
0x3c: {  	p2 =	seq.s32 s10, $0x1;
	s10 =	sld [smem:$0x3FBA]  }
0x3d: {  	_ =	shalt  }
0x3e: {  	_ =	shalt  }
0x3f: {  	_ =	shalt  }
0x40: {  	_ =	shalt  }
0x41: {  	_ =	shalt  }
0x42: {  	_ =	shalt  }
0x43: {  	_ =	shalt  }
0x44: {  	_ =	shalt  }
0x45: {  	_ =	shalt  }
0x46: {  	_ =	shalt  }
0x47: {  	_ =	shalt  }
0x48: {  	_ =	shalt  }
0x49: {  	_ =	shalt  }
0x4a: {  	_ =	shalt  }
0x4b: {  	_ =	shalt  }
0x4c: {  	_ =	shalt  }
0x4d: {  	_ =	shalt  }
0x4e: {  	_ =	shalt  }
0x4f: {  	_ =	shalt  }
0x50: {  	_ =	shalt  }
0x51: {  	_ =	shalt  }
0x52: {  	_ =	shalt  }
0x53: {  	_ =	shalt  }
0x54: {  	_ =	shalt  }
0x55: {  	_ =	shalt  }
0x56: {  	_ =	shalt  }
0x57: {  	_ =	shalt  }
0x58: {  	_ =	shalt  }
0x59: {  	_ =	shalt  }
0x5a: {  	_ =	shalt  }
0x5b: {  	_ =	shalt  }
0x5c: {  	_ =	shalt  }
0x5d: {  	_ =	shalt  }
0x5e: {  	_ =	shalt  }
0x5f: {  	_ =	shalt  }
0x60: {  	_ =	shalt  }
0x61: {  	_ =	shalt  }
0x62: {  	_ =	shalt  }
0x63: {  	_ =	shalt  }
0x64: {  	_ =	shalt  }
0x65: {  	_ =	shalt  }
0x66: {  	_ =	shalt  }
0x67: {  	_ =	shalt  }
0x68: {  	_ =	shalt  }
0x69: {  	_ =	shalt  }
0x6a: {  	_ =	shalt  }
0x6b: {  	_ =	shalt  }
0x6c: {  	_ =	shalt  }
0x6d: {  	_ =	shalt  }
0x6e: {  	_ =	shalt  }
0x6f: {  	_ =	shalt  }
0x70: {  	_ =	shalt  }
0x71: {  	_ =	shalt  }
0x72: {  	_ =	shalt  }
0x73: {  	_ =	shalt  }
0x74: {  	_ =	shalt  }
0x75: {  	_ =	shalt  }
0x76: {  	_ =	shalt  }
0x77: {  	_ =	shalt  }
0x78: {  	_ =	shalt  }
0x79: {  	_ =	shalt  }
0x7a: {  	_ =	shalt  }
0x7b: {  	_ =	shalt  }
0x7c: {  	_ =	shalt  }
0x7d: {  	_ =	shalt  }
0x7e: {  	_ =	shalt  }
0x7f: {  	_ =	shalt  }
0x80: {  	_ =	shalt  }
0x81: {  	_ =	shalt  }
0x82: {  	_ =	shalt  }
0x83: {  	_ =	shalt  }
0x84: {  	_ =	shalt  }
0x85: {  	_ =	shalt  }
0x86: {  	_ =	shalt  }
0x87: {  	_ =	shalt  }
.Lfunc_end0:
.L_simem_size_0:
called_computation_lowered:
.L_overlay_start_0:
0x88: {  	s2 =	sld [smem:$0x3FD9]  }
0x89: {  	s3 =	sld [smem:$0x3FFE];
	_ =	sdelay $0x1  }
0x8a: {  	s1 =	srdreg.scid  }
0x8b: {  	s0 =	sand.u32 $0x1, s1  }
0x8c: {  	s17 =	sshll.u32 s0, $0xA;
	s2 =	sadd.s32 s3, s2  }
0x8d: {  	s2 =	sadd.s32 s2, s17  }
0x8e: {  	[smem:$0x3FC6] =	sst s2  }
0x8f: {  	_ = 	snop  }
0x90: {  	s2 =	sld [smem:$0x3FD0];
	(tm) =	ssettm $0x1  }
0x91: {  	s18 =	sld [smem:$0x3FFB];
	_ =	sdelay $0x3  }
0x92: {  	_ =	strace s18  }
0x93: {  	s3 =	sld [smem:$0x3FFC];
	_ =	sdelay $0x3  }
0x94: {  	_ =	strace s3  }
0x95: {  	s3 =	sld [smem:$0x3FFD];
	_ =	sdelay $0x3  }
0x96: {  	_ =	strace s3  }
0x97: {  	_ =	strace $0x8FFFFFFF  }
0x98: {  	s19 =	sld [smem:$0x3FDB];
	_ =	sdelay $0x1  }
0x99: {  	s4 =	simm.s32 $_scs_section_size  }
0x9a: {  	s5 =	simm.s32 $_size__tile_overlayer_lowered;
	s6 =	simm.s32 $_tile_overlayer_lowered  }
0x9b: {  	s22 =	simm.s32 $0x1BFF;
	s21 =	sshll.u32 s6, $0x1;
	s3 =	sadd.s32 s4, s19  }
0x9c: {  	s7 =	simm.s32 $0x0;
	s20 =	sshll.u32 s5, $0x1;
	s5 =	sadd.s32 s21, s3  }
0x9d: {  	[timem:s7], [sflag:s22] =	dma.local [hbm:s5], s20  }
0x9e: {  	_ =	swait.ge [sflag:s22], s20  }
0x9f: {  	s4 =	ssub.s32 $0x0, s20;
	[sflag:s22] =	ssyncset.done $0x0  }
0xa0: {  	[sflag:s22] =	ssyncadd.s32 s4;
	_ =	sdelay $0x1  }
0xa1: {  	s23 =	simm.s32 $0x1B8B  }
0xa2: {  	_ =	swait.ge [sflag:s23], $0x1  }
0xa3: {  	[sflag:s23] =	ssyncset.done $0x0  }
0xa4: {  	s25 =	simm.s32 $0x1B8E;
	s24 =	sld [smem:$0x3FFE];
	[sflag:s23] =	ssyncadd.s32 $0xFFFFFFFF  }
0xa5: {  	s26 =	simm.s32 $execute0_lowered;
	[smem:$0x3FD2] =	sst s25  }
0xa6: {  	s5 =	sshll.u32 s26, $0x1;
	_ =	strace $0x80000046;
	[dreg:$0x1] =	wrdreg $0xFFFFFFFF  }
0xa7: {  	s28 =	simm.s32 $_size_execute0_lowered;
	s3 =	sadd.s32 s3, s5;
	[dreg:$0x0] =	wrdreg $0x0  }
0xa8: {  	s5 =	sshll.u32 s28, $0x1;
	[dreg:$0x2] =	wrdreg s3  }
0xa9: {  	[dreg:$0x3] =	wrdreg s5  }
0xaa: {  	[dreg:$0x4] =	wrdreg $0xC0  }
0xab: {  	_ =	task [dreg:s7], $0x5FFFF  }
0xac: {  	[dreg:$0x1] =	wrdreg $0xFFFFFFFF  }
0xad: {  	[dreg:$0x0] =	wrdreg $0x60  }
0xae: {  	[dreg:$0x2] =	wrdreg s24  }
0xaf: {  	[dreg:$0x3] =	wrdreg s2  }
0xb0: {  	[dreg:$0x4] =	wrdreg $0x9  }
0xb1: {  	_ =	task.clear_ibuf [dreg:s7], $0x5FFFF;
	_ =	strace $0x90000046  }
0xb2: {  	s29 =	simm.s32 $0x9;
	_ =	strace $0x80000048  }
0xb3: {  	_ =	swait.ge [sflag:s29], $0x1  }
0xb4: {  	[sflag:s29] =	ssyncadd.s32 $0xFFFFFFFF  }
0xb5: {  	_ =	strace $0x90000048  }
0xb6: {  	_ =	sfence  }
0xb7: {  	s30 =	sld [smem:$0x0];
	_ =	sdelay $0x2  }
0xb8: {  	s31 =	sshll.u32 s1, $0xD;
	s1 =	sshrl.u32 s1, $0x2  }
0xb9: {  	s3 =	sand.u32 $0x4000, s31;
	s1 =	sadd.s32 s1, s30  }
0xba: {  	s0 =	sor.u32 s3, s0;
	s1 =	sshll.u32 s1, $0x11  }
0xbb: {  	s0 =	sor.u32 s1, s0  }
0xbc: {  	s0 =	sadd.s32 $0x8F2B, s0  }
0xbd: {  	[sflag:s0] =	ssyncadd.remote.s32 $0x1  }
0xbe: {  	_ =	sfence.sel $0xFFFF  }
0xbf: {  	[dreg:$0x0] =	wrdreg $0xFFFFFFFF;
	(pc) =	sbr.abs _section_cstart, $3  }
0xc0: {  	[dreg:$0x1] =	wrdreg $0xFFFFFFFF  }
0xc1: {  	_ =	task.clear_ibuf [dreg:s7], $0x2FFFF;
	_ =	strace $0x9FFFFFFF  }
0xc2: {  	(tm) =	ssettm $0x7FFFFFFF  }
0xc3: {  	_ =	shalt  }
tec
execute0_lowered:
.L_overlay_start_1:
0x0: {  	(tag) =	ssettag $0x1  }
0x1: {  	s0 =	srdreg.scid;
	s1 =	stileid.u32  }
0x2: {  	s4 =	rddreg [dreg:$0x0];
	s0 =	sand.u32 $0x1, s0;
	s1 =	sshll.u32 s1, $0x1  }
0x3: {  	s5 =	rddreg [dreg:$0x1];
	s1 =	sor.u32 s0, s1  }
0x4: {  	s2 =	simm.s32 $0x0;
	s28 =	simm.s32 $0x80;
	s1 =	smul.u32 $0x278, s1  }
0x5: {  	s30 =	simm.s32 $0x780;
	s29 =	simm.s32 $0xC0;
	s31 =	simm.s32 $0x2  }
0x6: {  	[smem:$0x7FF] =	sst s2;
	s3 =	sadd.s32 $0x600400, s4;
	s1 =	smin.u32 s1, $0x4BA8  }
0x7: {  	s0 =	ssub.s32 $0x2, s0;
	s6 =	smul.u32 $0xC0, s1;
	s1 =	sshrl.u32 s1, $0x3  }
0x8: {  	_ =	strace $0x80000047;
	s7 =	sshrl.u32 s0, $0x1;
	s1 =	sadd.s32 s1, s4  }
0x9: {  	s0 =	ssub.s32 s0, s7;
	s6 =	sshrl.u32 s6, $0x3;
	s1 =	sadd.s32 $0x400, s1  }
0xa: {  	s4 =	sadd.s32 s5, s6;
	[dreg:$0x3] =	wrdreg s1;
	s1 =	simm.s32 $0x4780  }
0xb: {  	s5 =	simm.s32 $0x0;
	s6 =	sadd.s32 $0x10, s4;
	s23 =	sadd.s32 $0x600, s4  }
0xc: {  	s8 =	sadd.s32 $0x610, s4;
	s24 =	sadd.s32 $0xC00, s4;
	s10 =	sadd.s32 $0xC10, s4  }
0xd: {  	s25 =	sadd.s32 $0x1200, s4;
	s12 =	sadd.s32 $0x1210, s4;
	s26 =	sadd.s32 $0x1800, s4  }
0xe: {  	s14 =	sadd.s32 $0x1810, s4;
	s15 =	sadd.s32 $0x1E00, s4;
	s16 =	sadd.s32 $0x1E10, s4  }
0xf: {  	s17 =	sadd.s32 $0x2400, s4;
	s18 =	sadd.s32 $0x2410, s4;
	[dreg:$0x4] =	wrdreg s23  }
0x10: {  	s19 =	sadd.s32 $0x2A00, s4;
	s20 =	sadd.s32 $0x2A10, s4;
	[dreg:$0x5] =	wrdreg s24  }
0x11: {  	s21 =	sadd.s32 $0x3000, s4;
	s22 =	sadd.s32 $0x3010, s4;
	[dreg:$0x6] =	wrdreg s25  }
0x12: {  	[dreg:$0x7] =	wrdreg s26;
	s23 =	sadd.s32 $0x3600, s4;
	s24 =	sadd.s32 $0x3610, s4  }
0x13: {  	s25 =	smax.u32 s0, $0x1;
	s26 =	simm.s32 $0x3;
	s0 =	simm.s32 $0x1  }
.LBB2_1:
0x14: {  	s7 =	rddreg [dreg:$0x3]  }
0x15: {  	[tilespmem:s2], [sflag:$0x3] =	stream.linear.gather [hbm4b:s7+s2], $0x278, $0x38;
	[tilespmem:$0x8780] =	vst v63  }
0x16: {  	_ =	swait.ge [sflag:s26], $0x278  }
0x17: {  	[sflag:s26] =	ssyncset.done $0x0  }
0x18: {  	[sflag:s26] =	ssyncadd.s32 $0xFFFFFD88  }
0x19: {  	v0 =	vld [tilespmem:$0x0]  }
0x1a: {  	v2 =	vld [tilespmem:$0x10]  }
0x1b: {  	v4 =	vld [tilespmem:$0x20]  }
0x1c: {  	v6 =	vld [tilespmem:$0x30];
	_ =	sdelay $0x2  }
0x1d: {  	v1 =	vshra.s32 v0, $0x10;
	v0 =	vand.u32 $0xFFFF, v0  }
0x1e: {  	v5 =	vand.u32 $0xFFFF, v2;
	v2 =	vshra.s32 v2, $0x10;
	v21 =	vshra.s32 v4, $0x10  }
0x1f: {  	v23 =	vand.u32 $0xFFFF, v4;
	v8 =	vand.u32 $0xFFFF, v6;
	v6 =	vshra.s32 v6, $0x10  }
0x20: {  	vm0 =	vgt.s32 v1, $0x2;
	v0 =	vmax.u32 v0, $0x2;
	v18 =	vmax.u32 v5, $0x2  }
0x21: {  	vm9 =	vgt.s32 v2, $0x2;
	vm10 =	vgt.s32 v21, $0x2;
	v25 =	vmax.u32 v23, $0x2  }
0x22: {  	v30 =	vmax.u32 v8, $0x2;
	vm11 =	vgt.s32 v6, $0x2;
	v1 =	vnsel vm0, $0x2, v1  }
0x23: {  	v0 =	vmin.u32 v0, $0x1FD;
	v2 =	vnsel vm9, $0x2, v2;
	v24 =	vnsel vm10, $0x2, v21  }
0x24: {  	v31 =	vmin.u32 v30, $0x1FD;
	v32 =	vnsel vm11, $0x2, v6;
	v1 =	vmin.u32 v1, $0x1FD  }
0x25: {  	v3 =	vshll.u32 v0, $0x1;
	v0 =	vand.u32 $0x7, v0;
	v19 =	vmin.u32 v2, $0x1FD  }
0x26: {  	v26 =	vmin.u32 v24, $0x1FD;
	v34 =	vmin.u32 v32, $0x1FD;
	v35 =	vshll.u32 v31, $0x1  }
0x27: {  	v38 =	vand.u32 $0x7, v31;
	v1 =	vshll.u32 v1, $0xA;
	v3 =	vand.u32 $0x3F0, v3  }
0x28: {  	v36 =	vshll.u32 v34, $0xA;
	v1 =	vor.u32 v1, v3;
	v3 =	vmin.u32 v18, $0x1FD  }
0x29: {  	v37 =	vand.u32 $0x3F0, v35;
	v0 =	vor.u32 v0, v1;
	v20 =	vshll.u32 v3, $0x1  }
0x2a: {  	v1 =	vshll.u32 v19, $0xA;
	v22 =	vand.u32 $0x7, v3;
	v2 =	vand.u32 $0x3F0, v20  }
0x2b: {  	v7 =	vor.u32 $0x8, v0;
	[tilespmem:$0x280] =	vst v0;
	v1 =	vor.u32 v1, v2;
	v2 =	vmin.u32 v25, $0x1FD  }
0x2c: {  	v3 =	vshll.u32 v26, $0xA;
	[tilespmem:$0x2C0] =	vst v7;
	v1 =	vor.u32 v22, v1;
	v28 =	vshll.u32 v2, $0x1  }
0x2d: {  	v27 =	vor.u32 $0x8, v1;
	v29 =	vand.u32 $0x3F0, v28;
	[tilespmem:$0x290] =	vst v1;
	v1 =	vor.u32 v36, v37  }
0x2e: {  	v33 =	vand.u32 $0x7, v2;
	v0 =	vor.u32 v3, v29;
	[tilespmem:$0x2D0] =	vst v27;
	v39 =	vor.u32 v38, v1  }
0x2f: {  	v0 =	vor.u32 v33, v0;
	[tilespmem:$0x2B0] =	vst v39  }
0x30: {  	[tilespmem:$0x2A0] =	vst v0;
	v0 =	vor.u32 $0x8, v0  }
0x31: {  	[tilespmem:$0x2E0] =	vst v0;
	v0 =	vor.u32 $0x8, v39  }
0x32: {  	s11 =	simm.s32 $0x280;
	[tilespmem:$0x2F0] =	vst v0  }
0x33: {  	[tilespmem:s30], [sflag:$0x1] =	stream.indirect.gather [hbm4b:s3+s28], $0x80, s11, s28, $0xb8;
	[tilespmem:$0x8780] =	vst v63  }
0x34: {  	v40 =	vld [tilespmem:$0x40]  }
0x35: {  	v41 =	vld [tilespmem:$0x50]  }
0x36: {  	v45 =	vld [tilespmem:$0x60]  }
0x37: {  	v50 =	vld [tilespmem:$0x70];
	_ =	sdelay $0x2  }
0x38: {  	v42 =	vand.u32 $0xFFFF, v40;
	v0 =	vshra.s32 v40, $0x10;
	v44 =	vshra.s32 v41, $0x10  }
0x39: {  	v1 =	vand.u32 $0xFFFF, v41;
	v49 =	vand.u32 $0xFFFF, v45;
	v5 =	vshra.s32 v45, $0x10  }
0x3a: {  	v56 =	vand.u32 $0xFFFF, v50;
	v57 =	vshra.s32 v50, $0x10;
	v2 =	vmax.u32 v42, $0x2  }
0x3b: {  	vm12 =	vgt.s32 v0, $0x2;
	vm13 =	vgt.s32 v44, $0x2;
	v1 =	vmax.u32 v1, $0x2  }
0x3c: {  	v4 =	vmax.u32 v49, $0x2;
	vm14 =	vgt.s32 v5, $0x2;
	vm15 =	vgt.s32 v57, $0x2  }
0x3d: {  	v2 =	vmin.u32 v2, $0x1FD;
	v0 =	vnsel vm12, $0x2, v0;
	v46 =	vnsel vm13, $0x2, v44  }
0x3e: {  	v1 =	vmin.u32 v1, $0x1FD;
	v51 =	vmin.u32 v4, $0x1FD;
	v52 =	vnsel vm14, $0x2, v5  }
0x3f: {  	v58 =	vnsel vm15, $0x2, v57;
	v0 =	vmin.u32 v0, $0x1FD;
	v43 =	vshll.u32 v2, $0x1  }
0x40: {  	v2 =	vand.u32 $0x7, v2;
	v48 =	vshll.u32 v1, $0x1;
	v1 =	vand.u32 $0x7, v1  }
0x41: {  	v4 =	vmin.u32 v52, $0x1FD;
	v53 =	vshll.u32 v51, $0x1;
	v60 =	vand.u32 $0x7, v51  }
0x42: {  	v0 =	vshll.u32 v0, $0xA;
	v3 =	vand.u32 $0x3F0, v43;
	v54 =	vshll.u32 v4, $0xA  }
0x43: {  	v4 =	vmax.u32 v56, $0x2;
	v0 =	vor.u32 v0, v3;
	v3 =	vmin.u32 v46, $0x1FD  }
0x44: {  	v0 =	vor.u32 v2, v0;
	v47 =	vshll.u32 v3, $0xA;
	v3 =	vand.u32 $0x3F0, v48  }
0x45: {  	v4 =	vmin.u32 v4, $0x1FD;
	v2 =	vor.u32 v47, v3;
	[tilespmem:$0x300] =	vst v0;
	v0 =	vor.u32 $0x8, v0  }
0x46: {  	v55 =	vand.u32 $0x3F0, v53;
	v61 =	vshll.u32 v4, $0x1;
	v1 =	vor.u32 v1, v2;
	[tilespmem:$0x340] =	vst v0  }
0x47: {  	v2 =	vor.u32 v54, v55;
	v0 =	vmin.u32 v58, $0x1FD;
	v59 =	vor.u32 $0x8, v1;
	[tilespmem:$0x310] =	vst v1  }
0x48: {  	v62 =	vand.u32 $0x3F0, v61;
	v1 =	vor.u32 v60, v2;
	v0 =	vshll.u32 v0, $0xA;
	[tilespmem:$0x350] =	vst v59  }
0x49: {  	v63 =	vand.u32 $0x7, v4;
	v0 =	vor.u32 v0, v62;
	[tilespmem:$0x320] =	vst v1;
	v1 =	vor.u32 $0x8, v1  }
0x4a: {  	[tilespmem:$0x360] =	vst v1;
	v0 =	vor.u32 v63, v0  }
0x4b: {  	[tilespmem:$0x330] =	vst v0;
	v0 =	vor.u32 $0x8, v0  }
0x4c: {  	s13 =	simm.s32 $0x300;
	[tilespmem:$0x370] =	vst v0  }
0x4d: {  	[tilespmem:s1], [sflag:$0x2] =	stream.indirect.gather [hbm4b:s3+s28], $0x80, s13, s28, $0xb8;
	[tilespmem:$0x8780] =	vst v63  }
0x4e: {  	_ =	swait.ge [sflag:s0], $0x4000  }
0x4f: {  	[sflag:s0] =	ssyncset.done $0x0  }
0x50: {  	[sflag:s0] =	ssyncadd.s32 $0xFFFFC000  }
0x51: {  	[hbm4b:s4+s28] =	stream.strided.scatter [tilespmem:s30], [sflag:$0x3], $0x2000, s29, s28, $0x38;
	[tilespmem:$0x8780] =	vst v63  }
0x52: {  	_ =	swait.ge [sflag:s26], $0x2000  }
0x53: {  	s9 =	simm.s32 $0x18;
	s7 =	simm.s32 $0x2780;
	[sflag:s26] =	ssyncset.done $0x0  }
0x54: {  	s11 =	simm.s32 $0x2800;
	s13 =	sadd.s32 $0x0, s6;
	[sflag:s26] =	ssyncadd.s32 $0xFFFFE000  }
.LBB2_2:
0x55: {  	[hbm4b:s13+s2] =	stream.linear.scatter [tilespmem:s7], [sflag:$0x3], $0x40, $0x38;
	[tilespmem:$0x8780] =	vst v63  }
0x56: {  	s13 =	smov.u32 s9;
	s7 =	smov.u32 s11;
	p0 =	sne.s32 s9, $0x5E8  }
.Ltmp0:
0x57: {  	s9 =	sadd.s32 $0x18, s9;
	(pc) =	sbr.rel @p0 .LBB2_2-.Ltmp0, $2  }
0x58: {  	_ =	sdelay $0x2  }
0x59: {  	s11 =	sadd.s32 $0x80, s11;
	s13 =	sadd.s32 s13, s6  }
0x5a: {  	[hbm4b:s13+s2] =	stream.linear.scatter [tilespmem:s7], [sflag:$0x3], $0x40, $0x38;
	[tilespmem:$0x8780] =	vst v63  }
0x5b: {  	_ =	swait.ge [sflag:s26], $0x1000  }
0x5c: {  	[sflag:s26] =	ssyncset.done $0x0  }
0x5d: {  	[sflag:s26] =	ssyncadd.s32 $0xFFFFF000  }
0x5e: {  	v0 =	vld [tilespmem:$0x80]  }
0x5f: {  	v1 =	vld [tilespmem:$0x90]  }
0x60: {  	v5 =	vld [tilespmem:$0xA0]  }
0x61: {  	v6 =	vld [tilespmem:$0xB0];
	_ =	sdelay $0x2  }
0x62: {  	v2 =	vand.u32 $0xFFFF, v0;
	v0 =	vshra.s32 v0, $0x10;
	v4 =	vshra.s32 v1, $0x10  }
0x63: {  	v1 =	vand.u32 $0xFFFF, v1;
	v50 =	vand.u32 $0xFFFF, v5;
	v5 =	vshra.s32 v5, $0x10  }
0x64: {  	v56 =	vand.u32 $0xFFFF, v6;
	v57 =	vshra.s32 v6, $0x10;
	v2 =	vmax.u32 v2, $0x2  }
0x65: {  	vm0 =	vgt.s32 v0, $0x2;
	vm13 =	vgt.s32 v4, $0x2;
	v1 =	vmax.u32 v1, $0x2  }
0x66: {  	vm14 =	vgt.s32 v5, $0x2;
	vm15 =	vgt.s32 v57, $0x2;
	v2 =	vmin.u32 v2, $0x1FD  }
0x67: {  	v0 =	vnsel vm0, $0x2, v0;
	v47 =	vnsel vm13, $0x2, v4;
	v1 =	vmin.u32 v1, $0x1FD  }
0x68: {  	v4 =	vmax.u32 v50, $0x2;
	v52 =	vnsel vm14, $0x2, v5;
	v58 =	vnsel vm15, $0x2, v57  }
0x69: {  	v0 =	vmin.u32 v0, $0x1FD;
	v3 =	vshll.u32 v2, $0x1;
	v2 =	vand.u32 $0x7, v2  }
0x6a: {  	v49 =	vshll.u32 v1, $0x1;
	v51 =	vmin.u32 v4, $0x1FD;
	v1 =	vand.u32 $0x7, v1  }
0x6b: {  	v4 =	vmin.u32 v52, $0x1FD;
	v0 =	vshll.u32 v0, $0xA;
	v3 =	vand.u32 $0x3F0, v3  }
0x6c: {  	v53 =	vshll.u32 v51, $0x1;
	v54 =	vshll.u32 v4, $0xA;
	v4 =	vmax.u32 v56, $0x2  }
0x6d: {  	v60 =	vand.u32 $0x7, v51;
	v0 =	vor.u32 v0, v3;
	v3 =	vmin.u32 v47, $0x1FD  }
0x6e: {  	v0 =	vor.u32 v2, v0;
	v48 =	vshll.u32 v3, $0xA;
	v3 =	vand.u32 $0x3F0, v49  }
0x6f: {  	v4 =	vmin.u32 v4, $0x1FD;
	v2 =	vor.u32 v48, v3;
	[tilespmem:$0x380] =	vst v0;
	v0 =	vor.u32 $0x8, v0  }
0x70: {  	v55 =	vand.u32 $0x3F0, v53;
	v61 =	vshll.u32 v4, $0x1;
	v1 =	vor.u32 v1, v2;
	[tilespmem:$0x3C0] =	vst v0  }
0x71: {  	v2 =	vor.u32 v54, v55;
	v0 =	vmin.u32 v58, $0x1FD;
	v59 =	vor.u32 $0x8, v1;
	[tilespmem:$0x390] =	vst v1  }
0x72: {  	v62 =	vand.u32 $0x3F0, v61;
	v1 =	vor.u32 v60, v2;
	v0 =	vshll.u32 v0, $0xA;
	[tilespmem:$0x3D0] =	vst v59  }
0x73: {  	v63 =	vand.u32 $0x7, v4;
	v0 =	vor.u32 v0, v62;
	[tilespmem:$0x3A0] =	vst v1;
	v1 =	vor.u32 $0x8, v1  }
0x74: {  	[tilespmem:$0x3E0] =	vst v1;
	v0 =	vor.u32 v63, v0  }
0x75: {  	[tilespmem:$0x3B0] =	vst v0;
	v0 =	vor.u32 $0x8, v0  }
0x76: {  	s11 =	simm.s32 $0x380;
	[tilespmem:$0x3F0] =	vst v0  }
0x77: {  	[tilespmem:s30], [sflag:$0x1] =	stream.indirect.gather [hbm4b:s3+s28], $0x80, s11, s28, $0xb8;
	[tilespmem:$0x8780] =	vst v63  }
0x78: {  	_ =	swait.ge [sflag:s31], $0x4000  }
0x79: {  	[sflag:s31] =	ssyncset.done $0x0  }
0x7a: {  	s13 =	rddreg [dreg:$0x4];
	[sflag:s31] =	ssyncadd.s32 $0xFFFFC000  }
0x7b: {  	[hbm4b:s13+s28] =	stream.strided.scatter [tilespmem:s1], [sflag:$0x3], $0x2000, s29, s28, $0x38;
	[tilespmem:$0x8780] =	vst v63  }
0x7c: {  	_ =	swait.ge [sflag:s26], $0x2000  }
0x7d: {  	s7 =	simm.s32 $0x6780;
	s9 =	simm.s32 $0x18;
	[sflag:s26] =	ssyncset.done $0x0  }
0x7e: {  	s11 =	simm.s32 $0x6800;
	s13 =	sadd.s32 $0x0, s8;
	[sflag:s26] =	ssyncadd.s32 $0xFFFFE000  }
.LBB2_4:
0x7f: {  	[hbm4b:s13+s2] =	stream.linear.scatter [tilespmem:s7], [sflag:$0x3], $0x40, $0x38;
	[tilespmem:$0x8780] =	vst v63  }
0x80: {  	s13 =	smov.u32 s9;
	s7 =	smov.u32 s11;
	p0 =	sne.s32 s9, $0x5E8  }
.Ltmp1:
0x81: {  	s9 =	sadd.s32 $0x18, s9;
	(pc) =	sbr.rel @p0 .LBB2_4-.Ltmp1, $2  }
0x82: {  	_ =	sdelay $0x2  }
0x83: {  	s11 =	sadd.s32 $0x80, s11;
	s13 =	sadd.s32 s13, s8  }
0x84: {  	[hbm4b:s13+s2] =	stream.linear.scatter [tilespmem:s7], [sflag:$0x3], $0x40, $0x38;
	[tilespmem:$0x8780] =	vst v63  }
0x85: {  	_ =	swait.ge [sflag:s26], $0x1000  }
0x86: {  	[sflag:s26] =	ssyncset.done $0x0  }
0x87: {  	[sflag:s26] =	ssyncadd.s32 $0xFFFFF000  }
0x88: {  	v0 =	vld [tilespmem:$0xC0]  }
0x89: {  	v1 =	vld [tilespmem:$0xD0]  }
0x8a: {  	v5 =	vld [tilespmem:$0xE0]  }
0x8b: {  	v6 =	vld [tilespmem:$0xF0];
	_ =	sdelay $0x2  }
0x8c: {  	v2 =	vand.u32 $0xFFFF, v0;
	v0 =	vshra.s32 v0, $0x10;
	v4 =	vshra.s32 v1, $0x10  }
0x8d: {  	v1 =	vand.u32 $0xFFFF, v1;
	v50 =	vand.u32 $0xFFFF, v5;
	v5 =	vshra.s32 v5, $0x10  }
0x8e: {  	v56 =	vand.u32 $0xFFFF, v6;
	v57 =	vshra.s32 v6, $0x10;
	v2 =	vmax.u32 v2, $0x2  }
0x8f: {  	vm0 =	vgt.s32 v0, $0x2;
	vm13 =	vgt.s32 v4, $0x2;
	v1 =	vmax.u32 v1, $0x2  }
0x90: {  	vm14 =	vgt.s32 v5, $0x2;
	vm15 =	vgt.s32 v57, $0x2;
	v2 =	vmin.u32 v2, $0x1FD  }
0x91: {  	v0 =	vnsel vm0, $0x2, v0;
	v47 =	vnsel vm13, $0x2, v4;
	v1 =	vmin.u32 v1, $0x1FD  }
0x92: {  	v4 =	vmax.u32 v50, $0x2;
	v52 =	vnsel vm14, $0x2, v5;
	v58 =	vnsel vm15, $0x2, v57  }
0x93: {  	v0 =	vmin.u32 v0, $0x1FD;
	v3 =	vshll.u32 v2, $0x1;
	v2 =	vand.u32 $0x7, v2  }
0x94: {  	v49 =	vshll.u32 v1, $0x1;
	v51 =	vmin.u32 v4, $0x1FD;
	v1 =	vand.u32 $0x7, v1  }
0x95: {  	v4 =	vmin.u32 v52, $0x1FD;
	v0 =	vshll.u32 v0, $0xA;
	v3 =	vand.u32 $0x3F0, v3  }
0x96: {  	v53 =	vshll.u32 v51, $0x1;
	v54 =	vshll.u32 v4, $0xA;
	v4 =	vmax.u32 v56, $0x2  }
0x97: {  	v60 =	vand.u32 $0x7, v51;
	v0 =	vor.u32 v0, v3;
	v3 =	vmin.u32 v47, $0x1FD  }
0x98: {  	v0 =	vor.u32 v2, v0;
	v48 =	vshll.u32 v3, $0xA;
	v3 =	vand.u32 $0x3F0, v49  }
0x99: {  	v4 =	vmin.u32 v4, $0x1FD;
	v2 =	vor.u32 v48, v3;
	[tilespmem:$0x400] =	vst v0;
	v0 =	vor.u32 $0x8, v0  }
0x9a: {  	v55 =	vand.u32 $0x3F0, v53;
	v61 =	vshll.u32 v4, $0x1;
	v1 =	vor.u32 v1, v2;
	[tilespmem:$0x440] =	vst v0  }
0x9b: {  	v2 =	vor.u32 v54, v55;
	v0 =	vmin.u32 v58, $0x1FD;
	v59 =	vor.u32 $0x8, v1;
	[tilespmem:$0x410] =	vst v1  }
0x9c: {  	v62 =	vand.u32 $0x3F0, v61;
	v1 =	vor.u32 v60, v2;
	v0 =	vshll.u32 v0, $0xA;
	[tilespmem:$0x450] =	vst v59  }
0x9d: {  	v63 =	vand.u32 $0x7, v4;
	v0 =	vor.u32 v0, v62;
	[tilespmem:$0x420] =	vst v1;
	v1 =	vor.u32 $0x8, v1  }
0x9e: {  	[tilespmem:$0x460] =	vst v1;
	v0 =	vor.u32 v63, v0  }
0x9f: {  	[tilespmem:$0x430] =	vst v0;
	v0 =	vor.u32 $0x8, v0  }
0xa0: {  	s11 =	simm.s32 $0x400;
	[tilespmem:$0x470] =	vst v0  }
0xa1: {  	[tilespmem:s1], [sflag:$0x2] =	stream.indirect.gather [hbm4b:s3+s28], $0x80, s11, s28, $0xb8;
	[tilespmem:$0x8780] =	vst v63  }
0xa2: {  	_ =	swait.ge [sflag:s0], $0x4000  }
0xa3: {  	[sflag:s0] =	ssyncset.done $0x0  }
0xa4: {  	s13 =	rddreg [dreg:$0x5];
	[sflag:s0] =	ssyncadd.s32 $0xFFFFC000  }
0xa5: {  	[hbm4b:s13+s28] =	stream.strided.scatter [tilespmem:s30], [sflag:$0x3], $0x2000, s29, s28, $0x38;
	[tilespmem:$0x8780] =	vst v63  }
0xa6: {  	_ =	swait.ge [sflag:s26], $0x2000  }
0xa7: {  	s7 =	simm.s32 $0x2780;
	s9 =	simm.s32 $0x18;
	[sflag:s26] =	ssyncset.done $0x0  }
0xa8: {  	s11 =	simm.s32 $0x2800;
	s13 =	sadd.s32 $0x0, s10;
	[sflag:s26] =	ssyncadd.s32 $0xFFFFE000  }
.LBB2_6:
0xa9: {  	[hbm4b:s13+s2] =	stream.linear.scatter [tilespmem:s7], [sflag:$0x3], $0x40, $0x38;
	[tilespmem:$0x8780] =	vst v63  }
0xaa: {  	s13 =	smov.u32 s9;
	s7 =	smov.u32 s11;
	p0 =	sne.s32 s9, $0x5E8  }
.Ltmp2:
0xab: {  	s9 =	sadd.s32 $0x18, s9;
	(pc) =	sbr.rel @p0 .LBB2_6-.Ltmp2, $2  }
0xac: {  	_ =	sdelay $0x2  }
0xad: {  	s11 =	sadd.s32 $0x80, s11;
	s13 =	sadd.s32 s13, s10  }
0xae: {  	[hbm4b:s13+s2] =	stream.linear.scatter [tilespmem:s7], [sflag:$0x3], $0x40, $0x38;
	[tilespmem:$0x8780] =	vst v63  }
0xaf: {  	_ =	swait.ge [sflag:s26], $0x1000  }
0xb0: {  	[sflag:s26] =	ssyncset.done $0x0  }
0xb1: {  	[sflag:s26] =	ssyncadd.s32 $0xFFFFF000  }
0xb2: {  	v0 =	vld [tilespmem:$0x100]  }
0xb3: {  	v1 =	vld [tilespmem:$0x110]  }
0xb4: {  	v5 =	vld [tilespmem:$0x120]  }
0xb5: {  	v6 =	vld [tilespmem:$0x130];
	_ =	sdelay $0x2  }
0xb6: {  	v2 =	vand.u32 $0xFFFF, v0;
	v0 =	vshra.s32 v0, $0x10;
	v4 =	vshra.s32 v1, $0x10  }
0xb7: {  	v1 =	vand.u32 $0xFFFF, v1;
	v50 =	vand.u32 $0xFFFF, v5;
	v5 =	vshra.s32 v5, $0x10  }
0xb8: {  	v56 =	vand.u32 $0xFFFF, v6;
	v57 =	vshra.s32 v6, $0x10;
	v2 =	vmax.u32 v2, $0x2  }
0xb9: {  	vm0 =	vgt.s32 v0, $0x2;
	vm13 =	vgt.s32 v4, $0x2;
	v1 =	vmax.u32 v1, $0x2  }
0xba: {  	vm14 =	vgt.s32 v5, $0x2;
	vm15 =	vgt.s32 v57, $0x2;
	v2 =	vmin.u32 v2, $0x1FD  }
0xbb: {  	v0 =	vnsel vm0, $0x2, v0;
	v47 =	vnsel vm13, $0x2, v4;
	v1 =	vmin.u32 v1, $0x1FD  }
0xbc: {  	v4 =	vmax.u32 v50, $0x2;
	v52 =	vnsel vm14, $0x2, v5;
	v58 =	vnsel vm15, $0x2, v57  }
0xbd: {  	v0 =	vmin.u32 v0, $0x1FD;
	v3 =	vshll.u32 v2, $0x1;
	v2 =	vand.u32 $0x7, v2  }
0xbe: {  	v49 =	vshll.u32 v1, $0x1;
	v51 =	vmin.u32 v4, $0x1FD;
	v1 =	vand.u32 $0x7, v1  }
0xbf: {  	v4 =	vmin.u32 v52, $0x1FD;
	v0 =	vshll.u32 v0, $0xA;
	v3 =	vand.u32 $0x3F0, v3  }
0xc0: {  	v53 =	vshll.u32 v51, $0x1;
	v54 =	vshll.u32 v4, $0xA;
	v4 =	vmax.u32 v56, $0x2  }
0xc1: {  	v60 =	vand.u32 $0x7, v51;
	v0 =	vor.u32 v0, v3;
	v3 =	vmin.u32 v47, $0x1FD  }
0xc2: {  	v0 =	vor.u32 v2, v0;
	v48 =	vshll.u32 v3, $0xA;
	v3 =	vand.u32 $0x3F0, v49  }
0xc3: {  	v4 =	vmin.u32 v4, $0x1FD;
	v2 =	vor.u32 v48, v3;
	[tilespmem:$0x480] =	vst v0;
	v0 =	vor.u32 $0x8, v0  }
0xc4: {  	v55 =	vand.u32 $0x3F0, v53;
	v61 =	vshll.u32 v4, $0x1;
	v1 =	vor.u32 v1, v2;
	[tilespmem:$0x4C0] =	vst v0  }
0xc5: {  	v2 =	vor.u32 v54, v55;
	v0 =	vmin.u32 v58, $0x1FD;
	v59 =	vor.u32 $0x8, v1;
	[tilespmem:$0x490] =	vst v1  }
0xc6: {  	v62 =	vand.u32 $0x3F0, v61;
	v1 =	vor.u32 v60, v2;
	v0 =	vshll.u32 v0, $0xA;
	[tilespmem:$0x4D0] =	vst v59  }
0xc7: {  	v63 =	vand.u32 $0x7, v4;
	v0 =	vor.u32 v0, v62;
	[tilespmem:$0x4A0] =	vst v1;
	v1 =	vor.u32 $0x8, v1  }
0xc8: {  	[tilespmem:$0x4E0] =	vst v1;
	v0 =	vor.u32 v63, v0  }
0xc9: {  	[tilespmem:$0x4B0] =	vst v0;
	v0 =	vor.u32 $0x8, v0  }
0xca: {  	s11 =	simm.s32 $0x480;
	[tilespmem:$0x4F0] =	vst v0  }
0xcb: {  	[tilespmem:s30], [sflag:$0x1] =	stream.indirect.gather [hbm4b:s3+s28], $0x80, s11, s28, $0xb8;
	[tilespmem:$0x8780] =	vst v63  }
0xcc: {  	_ =	swait.ge [sflag:s31], $0x4000  }
0xcd: {  	[sflag:s31] =	ssyncset.done $0x0  }
0xce: {  	s13 =	rddreg [dreg:$0x6];
	[sflag:s31] =	ssyncadd.s32 $0xFFFFC000  }
0xcf: {  	[hbm4b:s13+s28] =	stream.strided.scatter [tilespmem:s1], [sflag:$0x3], $0x2000, s29, s28, $0x38;
	[tilespmem:$0x8780] =	vst v63  }
0xd0: {  	_ =	swait.ge [sflag:s26], $0x2000  }
0xd1: {  	s7 =	simm.s32 $0x6780;
	s9 =	simm.s32 $0x18;
	[sflag:s26] =	ssyncset.done $0x0  }
0xd2: {  	s11 =	simm.s32 $0x6800;
	s13 =	sadd.s32 $0x0, s12;
	[sflag:s26] =	ssyncadd.s32 $0xFFFFE000  }
.LBB2_8:
0xd3: {  	[hbm4b:s13+s2] =	stream.linear.scatter [tilespmem:s7], [sflag:$0x3], $0x40, $0x38;
	[tilespmem:$0x8780] =	vst v63  }
0xd4: {  	s13 =	smov.u32 s9;
	s7 =	smov.u32 s11;
	p0 =	sne.s32 s9, $0x5E8  }
.Ltmp3:
0xd5: {  	s9 =	sadd.s32 $0x18, s9;
	(pc) =	sbr.rel @p0 .LBB2_8-.Ltmp3, $2  }
0xd6: {  	_ =	sdelay $0x2  }
0xd7: {  	s11 =	sadd.s32 $0x80, s11;
	s13 =	sadd.s32 s13, s12  }
0xd8: {  	[hbm4b:s13+s2] =	stream.linear.scatter [tilespmem:s7], [sflag:$0x3], $0x40, $0x38;
	[tilespmem:$0x8780] =	vst v63  }
0xd9: {  	_ =	swait.ge [sflag:s26], $0x1000  }
0xda: {  	[sflag:s26] =	ssyncset.done $0x0  }
0xdb: {  	[sflag:s26] =	ssyncadd.s32 $0xFFFFF000  }
0xdc: {  	v0 =	vld [tilespmem:$0x140]  }
0xdd: {  	v1 =	vld [tilespmem:$0x150]  }
0xde: {  	v5 =	vld [tilespmem:$0x160]  }
0xdf: {  	v6 =	vld [tilespmem:$0x170];
	_ =	sdelay $0x2  }
0xe0: {  	v2 =	vand.u32 $0xFFFF, v0;
	v0 =	vshra.s32 v0, $0x10;
	v4 =	vshra.s32 v1, $0x10  }
0xe1: {  	v1 =	vand.u32 $0xFFFF, v1;
	v50 =	vand.u32 $0xFFFF, v5;
	v5 =	vshra.s32 v5, $0x10  }
0xe2: {  	v56 =	vand.u32 $0xFFFF, v6;
	v57 =	vshra.s32 v6, $0x10;
	v2 =	vmax.u32 v2, $0x2  }
0xe3: {  	vm0 =	vgt.s32 v0, $0x2;
	vm13 =	vgt.s32 v4, $0x2;
	v1 =	vmax.u32 v1, $0x2  }
0xe4: {  	vm14 =	vgt.s32 v5, $0x2;
	vm15 =	vgt.s32 v57, $0x2;
	v2 =	vmin.u32 v2, $0x1FD  }
0xe5: {  	v0 =	vnsel vm0, $0x2, v0;
	v47 =	vnsel vm13, $0x2, v4;
	v1 =	vmin.u32 v1, $0x1FD  }
0xe6: {  	v4 =	vmax.u32 v50, $0x2;
	v52 =	vnsel vm14, $0x2, v5;
	v58 =	vnsel vm15, $0x2, v57  }
0xe7: {  	v0 =	vmin.u32 v0, $0x1FD;
	v3 =	vshll.u32 v2, $0x1;
	v2 =	vand.u32 $0x7, v2  }
0xe8: {  	v49 =	vshll.u32 v1, $0x1;
	v51 =	vmin.u32 v4, $0x1FD;
	v1 =	vand.u32 $0x7, v1  }
0xe9: {  	v4 =	vmin.u32 v52, $0x1FD;
	v0 =	vshll.u32 v0, $0xA;
	v3 =	vand.u32 $0x3F0, v3  }
0xea: {  	v53 =	vshll.u32 v51, $0x1;
	v54 =	vshll.u32 v4, $0xA;
	v4 =	vmax.u32 v56, $0x2  }
0xeb: {  	v60 =	vand.u32 $0x7, v51;
	v0 =	vor.u32 v0, v3;
	v3 =	vmin.u32 v47, $0x1FD  }
0xec: {  	v0 =	vor.u32 v2, v0;
	v48 =	vshll.u32 v3, $0xA;
	v3 =	vand.u32 $0x3F0, v49  }
0xed: {  	v4 =	vmin.u32 v4, $0x1FD;
	v2 =	vor.u32 v48, v3;
	[tilespmem:$0x500] =	vst v0;
	v0 =	vor.u32 $0x8, v0  }
0xee: {  	v55 =	vand.u32 $0x3F0, v53;
	v61 =	vshll.u32 v4, $0x1;
	v1 =	vor.u32 v1, v2;
	[tilespmem:$0x540] =	vst v0  }
0xef: {  	v2 =	vor.u32 v54, v55;
	v0 =	vmin.u32 v58, $0x1FD;
	v59 =	vor.u32 $0x8, v1;
	[tilespmem:$0x510] =	vst v1  }
0xf0: {  	v62 =	vand.u32 $0x3F0, v61;
	v1 =	vor.u32 v60, v2;
	v0 =	vshll.u32 v0, $0xA;
	[tilespmem:$0x550] =	vst v59  }
0xf1: {  	v63 =	vand.u32 $0x7, v4;
	v0 =	vor.u32 v0, v62;
	[tilespmem:$0x520] =	vst v1;
	v1 =	vor.u32 $0x8, v1  }
0xf2: {  	[tilespmem:$0x560] =	vst v1;
	v0 =	vor.u32 v63, v0  }
0xf3: {  	[tilespmem:$0x530] =	vst v0;
	v0 =	vor.u32 $0x8, v0  }
0xf4: {  	s11 =	simm.s32 $0x500;
	[tilespmem:$0x570] =	vst v0  }
0xf5: {  	[tilespmem:s1], [sflag:$0x2] =	stream.indirect.gather [hbm4b:s3+s28], $0x80, s11, s28, $0xb8;
	[tilespmem:$0x8780] =	vst v63  }
0xf6: {  	_ =	swait.ge [sflag:s0], $0x4000  }
0xf7: {  	[sflag:s0] =	ssyncset.done $0x0  }
0xf8: {  	s13 =	rddreg [dreg:$0x7];
	[sflag:s0] =	ssyncadd.s32 $0xFFFFC000  }
0xf9: {  	[hbm4b:s13+s28] =	stream.strided.scatter [tilespmem:s30], [sflag:$0x3], $0x2000, s29, s28, $0x38;
	[tilespmem:$0x8780] =	vst v63  }
0xfa: {  	_ =	swait.ge [sflag:s26], $0x2000  }
0xfb: {  	s7 =	simm.s32 $0x2780;
	s9 =	simm.s32 $0x18;
	[sflag:s26] =	ssyncset.done $0x0  }
0xfc: {  	s11 =	simm.s32 $0x2800;
	s13 =	sadd.s32 $0x0, s14;
	[sflag:s26] =	ssyncadd.s32 $0xFFFFE000  }
.LBB2_10:
0xfd: {  	[hbm4b:s13+s2] =	stream.linear.scatter [tilespmem:s7], [sflag:$0x3], $0x40, $0x38;
	[tilespmem:$0x8780] =	vst v63  }
0xfe: {  	s13 =	smov.u32 s9;
	s7 =	smov.u32 s11;
	p0 =	sne.s32 s9, $0x5E8  }
.Ltmp4:
0xff: {  	s9 =	sadd.s32 $0x18, s9;
	(pc) =	sbr.rel @p0 .LBB2_10-.Ltmp4, $2  }
0x100: {  	_ =	sdelay $0x2  }
0x101: {  	s11 =	sadd.s32 $0x80, s11;
	s13 =	sadd.s32 s13, s14  }
0x102: {  	[hbm4b:s13+s2] =	stream.linear.scatter [tilespmem:s7], [sflag:$0x3], $0x40, $0x38;
	[tilespmem:$0x8780] =	vst v63  }
0x103: {  	_ =	swait.ge [sflag:s26], $0x1000  }
0x104: {  	[sflag:s26] =	ssyncset.done $0x0  }
0x105: {  	[sflag:s26] =	ssyncadd.s32 $0xFFFFF000  }
0x106: {  	v0 =	vld [tilespmem:$0x180]  }
0x107: {  	v1 =	vld [tilespmem:$0x190]  }
0x108: {  	v5 =	vld [tilespmem:$0x1A0]  }
0x109: {  	v6 =	vld [tilespmem:$0x1B0];
	_ =	sdelay $0x2  }
0x10a: {  	v2 =	vand.u32 $0xFFFF, v0;
	v0 =	vshra.s32 v0, $0x10;
	v4 =	vshra.s32 v1, $0x10  }
0x10b: {  	v1 =	vand.u32 $0xFFFF, v1;
	v50 =	vand.u32 $0xFFFF, v5;
	v5 =	vshra.s32 v5, $0x10  }
0x10c: {  	v56 =	vand.u32 $0xFFFF, v6;
	v57 =	vshra.s32 v6, $0x10;
	v2 =	vmax.u32 v2, $0x2  }
0x10d: {  	vm0 =	vgt.s32 v0, $0x2;
	vm13 =	vgt.s32 v4, $0x2;
	v1 =	vmax.u32 v1, $0x2  }
0x10e: {  	vm14 =	vgt.s32 v5, $0x2;
	vm15 =	vgt.s32 v57, $0x2;
	v2 =	vmin.u32 v2, $0x1FD  }
0x10f: {  	v0 =	vnsel vm0, $0x2, v0;
	v47 =	vnsel vm13, $0x2, v4;
	v1 =	vmin.u32 v1, $0x1FD  }
0x110: {  	v4 =	vmax.u32 v50, $0x2;
	v52 =	vnsel vm14, $0x2, v5;
	v58 =	vnsel vm15, $0x2, v57  }
0x111: {  	v0 =	vmin.u32 v0, $0x1FD;
	v3 =	vshll.u32 v2, $0x1;
	v2 =	vand.u32 $0x7, v2  }
0x112: {  	v49 =	vshll.u32 v1, $0x1;
	v51 =	vmin.u32 v4, $0x1FD;
	v1 =	vand.u32 $0x7, v1  }
0x113: {  	v4 =	vmin.u32 v52, $0x1FD;
	v0 =	vshll.u32 v0, $0xA;
	v3 =	vand.u32 $0x3F0, v3  }
0x114: {  	v53 =	vshll.u32 v51, $0x1;
	v54 =	vshll.u32 v4, $0xA;
	v4 =	vmax.u32 v56, $0x2  }
0x115: {  	v60 =	vand.u32 $0x7, v51;
	v0 =	vor.u32 v0, v3;
	v3 =	vmin.u32 v47, $0x1FD  }
0x116: {  	v0 =	vor.u32 v2, v0;
	v48 =	vshll.u32 v3, $0xA;
	v3 =	vand.u32 $0x3F0, v49  }
0x117: {  	v4 =	vmin.u32 v4, $0x1FD;
	v2 =	vor.u32 v48, v3;
	[tilespmem:$0x580] =	vst v0;
	v0 =	vor.u32 $0x8, v0  }
0x118: {  	v55 =	vand.u32 $0x3F0, v53;
	v61 =	vshll.u32 v4, $0x1;
	v1 =	vor.u32 v1, v2;
	[tilespmem:$0x5C0] =	vst v0  }
0x119: {  	v2 =	vor.u32 v54, v55;
	v0 =	vmin.u32 v58, $0x1FD;
	v59 =	vor.u32 $0x8, v1;
	[tilespmem:$0x590] =	vst v1  }
0x11a: {  	v62 =	vand.u32 $0x3F0, v61;
	v1 =	vor.u32 v60, v2;
	v0 =	vshll.u32 v0, $0xA;
	[tilespmem:$0x5D0] =	vst v59  }
0x11b: {  	v63 =	vand.u32 $0x7, v4;
	v0 =	vor.u32 v0, v62;
	[tilespmem:$0x5A0] =	vst v1;
	v1 =	vor.u32 $0x8, v1  }
0x11c: {  	[tilespmem:$0x5E0] =	vst v1;
	v0 =	vor.u32 v63, v0  }
0x11d: {  	[tilespmem:$0x5B0] =	vst v0;
	v0 =	vor.u32 $0x8, v0  }
0x11e: {  	s13 =	simm.s32 $0x580;
	[tilespmem:$0x5F0] =	vst v0  }
0x11f: {  	[tilespmem:s30], [sflag:$0x1] =	stream.indirect.gather [hbm4b:s3+s28], $0x80, s13, s28, $0xb8;
	[tilespmem:$0x8780] =	vst v63  }
0x120: {  	_ =	swait.ge [sflag:s31], $0x4000  }
0x121: {  	[sflag:s31] =	ssyncset.done $0x0  }
0x122: {  	[sflag:s31] =	ssyncadd.s32 $0xFFFFC000  }
0x123: {  	[hbm4b:s15+s28] =	stream.strided.scatter [tilespmem:s1], [sflag:$0x3], $0x2000, s29, s28, $0x38;
	[tilespmem:$0x8780] =	vst v63  }
0x124: {  	_ =	swait.ge [sflag:s26], $0x2000  }
0x125: {  	s7 =	simm.s32 $0x6780;
	s9 =	simm.s32 $0x18;
	[sflag:s26] =	ssyncset.done $0x0  }
0x126: {  	s11 =	simm.s32 $0x6800;
	s13 =	sadd.s32 $0x0, s16;
	[sflag:s26] =	ssyncadd.s32 $0xFFFFE000  }
.LBB2_12:
0x127: {  	[hbm4b:s13+s2] =	stream.linear.scatter [tilespmem:s7], [sflag:$0x3], $0x40, $0x38;
	[tilespmem:$0x8780] =	vst v63  }
0x128: {  	s13 =	smov.u32 s9;
	s7 =	smov.u32 s11;
	p0 =	sne.s32 s9, $0x5E8  }
.Ltmp5:
0x129: {  	s9 =	sadd.s32 $0x18, s9;
	(pc) =	sbr.rel @p0 .LBB2_12-.Ltmp5, $2  }
0x12a: {  	_ =	sdelay $0x2  }
0x12b: {  	s11 =	sadd.s32 $0x80, s11;
	s13 =	sadd.s32 s13, s16  }
0x12c: {  	[hbm4b:s13+s2] =	stream.linear.scatter [tilespmem:s7], [sflag:$0x3], $0x40, $0x38;
	[tilespmem:$0x8780] =	vst v63  }
0x12d: {  	_ =	swait.ge [sflag:s26], $0x1000  }
0x12e: {  	[sflag:s26] =	ssyncset.done $0x0  }
0x12f: {  	[sflag:s26] =	ssyncadd.s32 $0xFFFFF000  }
0x130: {  	v0 =	vld [tilespmem:$0x1C0]  }
0x131: {  	v1 =	vld [tilespmem:$0x1D0]  }
0x132: {  	v5 =	vld [tilespmem:$0x1E0]  }
0x133: {  	v6 =	vld [tilespmem:$0x1F0];
	_ =	sdelay $0x2  }
0x134: {  	v2 =	vand.u32 $0xFFFF, v0;
	v0 =	vshra.s32 v0, $0x10;
	v4 =	vshra.s32 v1, $0x10  }
0x135: {  	v1 =	vand.u32 $0xFFFF, v1;
	v50 =	vand.u32 $0xFFFF, v5;
	v5 =	vshra.s32 v5, $0x10  }
0x136: {  	v56 =	vand.u32 $0xFFFF, v6;
	v57 =	vshra.s32 v6, $0x10;
	v2 =	vmax.u32 v2, $0x2  }
0x137: {  	vm0 =	vgt.s32 v0, $0x2;
	vm13 =	vgt.s32 v4, $0x2;
	v1 =	vmax.u32 v1, $0x2  }
0x138: {  	vm14 =	vgt.s32 v5, $0x2;
	vm15 =	vgt.s32 v57, $0x2;
	v2 =	vmin.u32 v2, $0x1FD  }
0x139: {  	v0 =	vnsel vm0, $0x2, v0;
	v47 =	vnsel vm13, $0x2, v4;
	v1 =	vmin.u32 v1, $0x1FD  }
0x13a: {  	v4 =	vmax.u32 v50, $0x2;
	v52 =	vnsel vm14, $0x2, v5;
	v58 =	vnsel vm15, $0x2, v57  }
0x13b: {  	v0 =	vmin.u32 v0, $0x1FD;
	v3 =	vshll.u32 v2, $0x1;
	v2 =	vand.u32 $0x7, v2  }
0x13c: {  	v49 =	vshll.u32 v1, $0x1;
	v51 =	vmin.u32 v4, $0x1FD;
	v1 =	vand.u32 $0x7, v1  }
0x13d: {  	v4 =	vmin.u32 v52, $0x1FD;
	v0 =	vshll.u32 v0, $0xA;
	v3 =	vand.u32 $0x3F0, v3  }
0x13e: {  	v53 =	vshll.u32 v51, $0x1;
	v54 =	vshll.u32 v4, $0xA;
	v4 =	vmax.u32 v56, $0x2  }
0x13f: {  	v60 =	vand.u32 $0x7, v51;
	v0 =	vor.u32 v0, v3;
	v3 =	vmin.u32 v47, $0x1FD  }
0x140: {  	v0 =	vor.u32 v2, v0;
	v48 =	vshll.u32 v3, $0xA;
	v3 =	vand.u32 $0x3F0, v49  }
0x141: {  	v4 =	vmin.u32 v4, $0x1FD;
	v2 =	vor.u32 v48, v3;
	[tilespmem:$0x600] =	vst v0;
	v0 =	vor.u32 $0x8, v0  }
0x142: {  	v55 =	vand.u32 $0x3F0, v53;
	v61 =	vshll.u32 v4, $0x1;
	v1 =	vor.u32 v1, v2;
	[tilespmem:$0x640] =	vst v0  }
0x143: {  	v2 =	vor.u32 v54, v55;
	v0 =	vmin.u32 v58, $0x1FD;
	v59 =	vor.u32 $0x8, v1;
	[tilespmem:$0x610] =	vst v1  }
0x144: {  	v62 =	vand.u32 $0x3F0, v61;
	v1 =	vor.u32 v60, v2;
	v0 =	vshll.u32 v0, $0xA;
	[tilespmem:$0x650] =	vst v59  }
0x145: {  	v63 =	vand.u32 $0x7, v4;
	v0 =	vor.u32 v0, v62;
	[tilespmem:$0x620] =	vst v1;
	v1 =	vor.u32 $0x8, v1  }
0x146: {  	[tilespmem:$0x660] =	vst v1;
	v0 =	vor.u32 v63, v0  }
0x147: {  	[tilespmem:$0x630] =	vst v0;
	v0 =	vor.u32 $0x8, v0  }
0x148: {  	s13 =	simm.s32 $0x600;
	[tilespmem:$0x670] =	vst v0  }
0x149: {  	[tilespmem:s1], [sflag:$0x2] =	stream.indirect.gather [hbm4b:s3+s28], $0x80, s13, s28, $0xb8;
	[tilespmem:$0x8780] =	vst v63  }
0x14a: {  	_ =	swait.ge [sflag:s0], $0x4000  }
0x14b: {  	[sflag:s0] =	ssyncset.done $0x0  }
0x14c: {  	[sflag:s0] =	ssyncadd.s32 $0xFFFFC000  }
0x14d: {  	[hbm4b:s17+s28] =	stream.strided.scatter [tilespmem:s30], [sflag:$0x3], $0x2000, s29, s28, $0x38;
	[tilespmem:$0x8780] =	vst v63  }
0x14e: {  	_ =	swait.ge [sflag:s26], $0x2000  }
0x14f: {  	s7 =	simm.s32 $0x2780;
	s9 =	simm.s32 $0x18;
	[sflag:s26] =	ssyncset.done $0x0  }
0x150: {  	s11 =	simm.s32 $0x2800;
	s13 =	sadd.s32 $0x0, s18;
	[sflag:s26] =	ssyncadd.s32 $0xFFFFE000  }
.LBB2_14:
0x151: {  	[hbm4b:s13+s2] =	stream.linear.scatter [tilespmem:s7], [sflag:$0x3], $0x40, $0x38;
	[tilespmem:$0x8780] =	vst v63  }
0x152: {  	s13 =	smov.u32 s9;
	s7 =	smov.u32 s11;
	p0 =	sne.s32 s9, $0x5E8  }
.Ltmp6:
0x153: {  	s9 =	sadd.s32 $0x18, s9;
	(pc) =	sbr.rel @p0 .LBB2_14-.Ltmp6, $2  }
0x154: {  	_ =	sdelay $0x2  }
0x155: {  	s11 =	sadd.s32 $0x80, s11;
	s13 =	sadd.s32 s13, s18  }
0x156: {  	[hbm4b:s13+s2] =	stream.linear.scatter [tilespmem:s7], [sflag:$0x3], $0x40, $0x38;
	[tilespmem:$0x8780] =	vst v63  }
0x157: {  	_ =	swait.ge [sflag:s26], $0x1000  }
0x158: {  	[sflag:s26] =	ssyncset.done $0x0  }
0x159: {  	[sflag:s26] =	ssyncadd.s32 $0xFFFFF000  }
0x15a: {  	v0 =	vld [tilespmem:$0x200]  }
0x15b: {  	v1 =	vld [tilespmem:$0x210]  }
0x15c: {  	v5 =	vld [tilespmem:$0x220]  }
0x15d: {  	v6 =	vld [tilespmem:$0x230];
	_ =	sdelay $0x2  }
0x15e: {  	v2 =	vand.u32 $0xFFFF, v0;
	v0 =	vshra.s32 v0, $0x10;
	v4 =	vshra.s32 v1, $0x10  }
0x15f: {  	v1 =	vand.u32 $0xFFFF, v1;
	v50 =	vand.u32 $0xFFFF, v5;
	v5 =	vshra.s32 v5, $0x10  }
0x160: {  	v56 =	vand.u32 $0xFFFF, v6;
	v57 =	vshra.s32 v6, $0x10;
	v2 =	vmax.u32 v2, $0x2  }
0x161: {  	vm0 =	vgt.s32 v0, $0x2;
	vm13 =	vgt.s32 v4, $0x2;
	v1 =	vmax.u32 v1, $0x2  }
0x162: {  	vm14 =	vgt.s32 v5, $0x2;
	vm15 =	vgt.s32 v57, $0x2;
	v2 =	vmin.u32 v2, $0x1FD  }
0x163: {  	v0 =	vnsel vm0, $0x2, v0;
	v47 =	vnsel vm13, $0x2, v4;
	v1 =	vmin.u32 v1, $0x1FD  }
0x164: {  	v4 =	vmax.u32 v50, $0x2;
	v52 =	vnsel vm14, $0x2, v5;
	v58 =	vnsel vm15, $0x2, v57  }
0x165: {  	v0 =	vmin.u32 v0, $0x1FD;
	v3 =	vshll.u32 v2, $0x1;
	v2 =	vand.u32 $0x7, v2  }
0x166: {  	v49 =	vshll.u32 v1, $0x1;
	v51 =	vmin.u32 v4, $0x1FD;
	v1 =	vand.u32 $0x7, v1  }
0x167: {  	v4 =	vmin.u32 v52, $0x1FD;
	v0 =	vshll.u32 v0, $0xA;
	v3 =	vand.u32 $0x3F0, v3  }
0x168: {  	v53 =	vshll.u32 v51, $0x1;
	v54 =	vshll.u32 v4, $0xA;
	v4 =	vmax.u32 v56, $0x2  }
0x169: {  	v60 =	vand.u32 $0x7, v51;
	v0 =	vor.u32 v0, v3;
	v3 =	vmin.u32 v47, $0x1FD  }
0x16a: {  	v0 =	vor.u32 v2, v0;
	v48 =	vshll.u32 v3, $0xA;
	v3 =	vand.u32 $0x3F0, v49  }
0x16b: {  	v4 =	vmin.u32 v4, $0x1FD;
	v2 =	vor.u32 v48, v3;
	[tilespmem:$0x680] =	vst v0;
	v0 =	vor.u32 $0x8, v0  }
0x16c: {  	v55 =	vand.u32 $0x3F0, v53;
	v61 =	vshll.u32 v4, $0x1;
	v1 =	vor.u32 v1, v2;
	[tilespmem:$0x6C0] =	vst v0  }
0x16d: {  	v2 =	vor.u32 v54, v55;
	v0 =	vmin.u32 v58, $0x1FD;
	v59 =	vor.u32 $0x8, v1;
	[tilespmem:$0x690] =	vst v1  }
0x16e: {  	v62 =	vand.u32 $0x3F0, v61;
	v1 =	vor.u32 v60, v2;
	v0 =	vshll.u32 v0, $0xA;
	[tilespmem:$0x6D0] =	vst v59  }
0x16f: {  	v63 =	vand.u32 $0x7, v4;
	v0 =	vor.u32 v0, v62;
	[tilespmem:$0x6A0] =	vst v1;
	v1 =	vor.u32 $0x8, v1  }
0x170: {  	[tilespmem:$0x6E0] =	vst v1;
	v0 =	vor.u32 v63, v0  }
0x171: {  	[tilespmem:$0x6B0] =	vst v0;
	v0 =	vor.u32 $0x8, v0  }
0x172: {  	s13 =	simm.s32 $0x680;
	[tilespmem:$0x6F0] =	vst v0  }
0x173: {  	[tilespmem:s30], [sflag:$0x1] =	stream.indirect.gather [hbm4b:s3+s28], $0x80, s13, s28, $0xb8;
	[tilespmem:$0x8780] =	vst v63  }
0x174: {  	_ =	swait.ge [sflag:s31], $0x4000  }
0x175: {  	[sflag:s31] =	ssyncset.done $0x0  }
0x176: {  	[sflag:s31] =	ssyncadd.s32 $0xFFFFC000  }
0x177: {  	[hbm4b:s19+s28] =	stream.strided.scatter [tilespmem:s1], [sflag:$0x3], $0x2000, s29, s28, $0x38;
	[tilespmem:$0x8780] =	vst v63  }
0x178: {  	_ =	swait.ge [sflag:s26], $0x2000  }
0x179: {  	s7 =	simm.s32 $0x6780;
	s9 =	simm.s32 $0x18;
	[sflag:s26] =	ssyncset.done $0x0  }
0x17a: {  	s11 =	simm.s32 $0x6800;
	s13 =	sadd.s32 $0x0, s20;
	[sflag:s26] =	ssyncadd.s32 $0xFFFFE000  }
.LBB2_16:
0x17b: {  	[hbm4b:s13+s2] =	stream.linear.scatter [tilespmem:s7], [sflag:$0x3], $0x40, $0x38;
	[tilespmem:$0x8780] =	vst v63  }
0x17c: {  	s13 =	smov.u32 s9;
	s7 =	smov.u32 s11;
	p0 =	sne.s32 s9, $0x5E8  }
.Ltmp7:
0x17d: {  	s9 =	sadd.s32 $0x18, s9;
	(pc) =	sbr.rel @p0 .LBB2_16-.Ltmp7, $2  }
0x17e: {  	_ =	sdelay $0x2  }
0x17f: {  	s11 =	sadd.s32 $0x80, s11;
	s13 =	sadd.s32 s13, s20  }
0x180: {  	[hbm4b:s13+s2] =	stream.linear.scatter [tilespmem:s7], [sflag:$0x3], $0x40, $0x38;
	[tilespmem:$0x8780] =	vst v63  }
0x181: {  	_ =	swait.ge [sflag:s26], $0x1000  }
0x182: {  	[sflag:s26] =	ssyncset.done $0x0  }
0x183: {  	[sflag:s26] =	ssyncadd.s32 $0xFFFFF000  }
0x184: {  	v0 =	vld [tilespmem:$0x240]  }
0x185: {  	v1 =	vld [tilespmem:$0x250]  }
0x186: {  	v5 =	vld [tilespmem:$0x260]  }
0x187: {  	v6 =	vld [tilespmem:$0x270];
	_ =	sdelay $0x2  }
0x188: {  	v2 =	vand.u32 $0xFFFF, v0;
	v0 =	vshra.s32 v0, $0x10;
	v4 =	vshra.s32 v1, $0x10  }
0x189: {  	v1 =	vand.u32 $0xFFFF, v1;
	v50 =	vand.u32 $0xFFFF, v5;
	v5 =	vshra.s32 v5, $0x10  }
0x18a: {  	v56 =	vand.u32 $0xFFFF, v6;
	v57 =	vshra.s32 v6, $0x10;
	v2 =	vmax.u32 v2, $0x2  }
0x18b: {  	vm0 =	vgt.s32 v0, $0x2;
	vm13 =	vgt.s32 v4, $0x2;
	v1 =	vmax.u32 v1, $0x2  }
0x18c: {  	vm14 =	vgt.s32 v5, $0x2;
	vm15 =	vgt.s32 v57, $0x2;
	v2 =	vmin.u32 v2, $0x1FD  }
0x18d: {  	v0 =	vnsel vm0, $0x2, v0;
	v47 =	vnsel vm13, $0x2, v4;
	v1 =	vmin.u32 v1, $0x1FD  }
0x18e: {  	v4 =	vmax.u32 v50, $0x2;
	v52 =	vnsel vm14, $0x2, v5;
	v58 =	vnsel vm15, $0x2, v57  }
0x18f: {  	v0 =	vmin.u32 v0, $0x1FD;
	v3 =	vshll.u32 v2, $0x1;
	v2 =	vand.u32 $0x7, v2  }
0x190: {  	v49 =	vshll.u32 v1, $0x1;
	v51 =	vmin.u32 v4, $0x1FD;
	v1 =	vand.u32 $0x7, v1  }
0x191: {  	v4 =	vmin.u32 v52, $0x1FD;
	v0 =	vshll.u32 v0, $0xA;
	v3 =	vand.u32 $0x3F0, v3  }
0x192: {  	v53 =	vshll.u32 v51, $0x1;
	v54 =	vshll.u32 v4, $0xA;
	v4 =	vmax.u32 v56, $0x2  }
0x193: {  	v60 =	vand.u32 $0x7, v51;
	v0 =	vor.u32 v0, v3;
	v3 =	vmin.u32 v47, $0x1FD  }
0x194: {  	v0 =	vor.u32 v2, v0;
	v48 =	vshll.u32 v3, $0xA;
	v3 =	vand.u32 $0x3F0, v49  }
0x195: {  	v4 =	vmin.u32 v4, $0x1FD;
	v2 =	vor.u32 v48, v3;
	[tilespmem:$0x700] =	vst v0;
	v0 =	vor.u32 $0x8, v0  }
0x196: {  	v55 =	vand.u32 $0x3F0, v53;
	v61 =	vshll.u32 v4, $0x1;
	v1 =	vor.u32 v1, v2;
	[tilespmem:$0x740] =	vst v0  }
0x197: {  	v2 =	vor.u32 v54, v55;
	v0 =	vmin.u32 v58, $0x1FD;
	v59 =	vor.u32 $0x8, v1;
	[tilespmem:$0x710] =	vst v1  }
0x198: {  	v62 =	vand.u32 $0x3F0, v61;
	v1 =	vor.u32 v60, v2;
	v0 =	vshll.u32 v0, $0xA;
	[tilespmem:$0x750] =	vst v59  }
0x199: {  	v63 =	vand.u32 $0x7, v4;
	v0 =	vor.u32 v0, v62;
	[tilespmem:$0x720] =	vst v1;
	v1 =	vor.u32 $0x8, v1  }
0x19a: {  	[tilespmem:$0x760] =	vst v1;
	v0 =	vor.u32 v63, v0  }
0x19b: {  	[tilespmem:$0x730] =	vst v0;
	v0 =	vor.u32 $0x8, v0  }
0x19c: {  	s13 =	simm.s32 $0x700;
	[tilespmem:$0x770] =	vst v0  }
0x19d: {  	[tilespmem:s1], [sflag:$0x2] =	stream.indirect.gather [hbm4b:s3+s28], $0x80, s13, s28, $0xb8;
	[tilespmem:$0x8780] =	vst v63  }
0x19e: {  	_ =	swait.ge [sflag:s0], $0x4000  }
0x19f: {  	[sflag:s0] =	ssyncset.done $0x0  }
0x1a0: {  	[sflag:s0] =	ssyncadd.s32 $0xFFFFC000  }
0x1a1: {  	[hbm4b:s21+s28] =	stream.strided.scatter [tilespmem:s30], [sflag:$0x3], $0x2000, s29, s28, $0x38;
	[tilespmem:$0x8780] =	vst v63  }
0x1a2: {  	_ =	swait.ge [sflag:s26], $0x2000  }
0x1a3: {  	s7 =	simm.s32 $0x2780;
	s9 =	simm.s32 $0x18;
	[sflag:s26] =	ssyncset.done $0x0  }
0x1a4: {  	s11 =	simm.s32 $0x2800;
	s13 =	sadd.s32 $0x0, s22;
	[sflag:s26] =	ssyncadd.s32 $0xFFFFE000  }
.LBB2_18:
0x1a5: {  	[hbm4b:s13+s2] =	stream.linear.scatter [tilespmem:s7], [sflag:$0x3], $0x40, $0x38;
	[tilespmem:$0x8780] =	vst v63  }
0x1a6: {  	s13 =	smov.u32 s9;
	s7 =	smov.u32 s11;
	p0 =	sne.s32 s9, $0x5E8  }
.Ltmp8:
0x1a7: {  	s9 =	sadd.s32 $0x18, s9;
	(pc) =	sbr.rel @p0 .LBB2_18-.Ltmp8, $2  }
0x1a8: {  	_ =	sdelay $0x2  }
0x1a9: {  	s11 =	sadd.s32 $0x80, s11;
	s13 =	sadd.s32 s13, s22  }
0x1aa: {  	[hbm4b:s13+s2] =	stream.linear.scatter [tilespmem:s7], [sflag:$0x3], $0x40, $0x38;
	[tilespmem:$0x8780] =	vst v63  }
0x1ab: {  	_ =	swait.ge [sflag:s26], $0x1000  }
0x1ac: {  	[sflag:s26] =	ssyncset.done $0x0  }
0x1ad: {  	[sflag:s26] =	ssyncadd.s32 $0xFFFFF000  }
0x1ae: {  	_ =	swait.ge [sflag:s31], $0x4000  }
0x1af: {  	[sflag:s31] =	ssyncset.done $0x0  }
0x1b0: {  	[sflag:s31] =	ssyncadd.s32 $0xFFFFC000  }
0x1b1: {  	[hbm4b:s23+s28] =	stream.strided.scatter [tilespmem:s1], [sflag:$0x3], $0x1C00, s29, s28, $0x38;
	[tilespmem:$0x8780] =	vst v63  }
0x1b2: {  	_ =	swait.ge [sflag:s26], $0x1C00  }
0x1b3: {  	s7 =	simm.s32 $0x6780;
	s9 =	simm.s32 $0x18;
	[sflag:s26] =	ssyncset.done $0x0  }
0x1b4: {  	s13 =	sadd.s32 $0x0, s24;
	s11 =	simm.s32 $0x6800;
	[sflag:s26] =	ssyncadd.s32 $0xFFFFE400  }
.LBB2_20:
0x1b5: {  	[hbm4b:s13+s2] =	stream.linear.scatter [tilespmem:s7], [sflag:$0x3], $0x40, $0x38;
	[tilespmem:$0x8780] =	vst v63  }
0x1b6: {  	s13 =	smov.u32 s9;
	s7 =	smov.u32 s11;
	p0 =	sne.s32 s9, $0x528  }
.Ltmp9:
0x1b7: {  	s9 =	sadd.s32 $0x18, s9;
	(pc) =	sbr.rel @p0 .LBB2_20-.Ltmp9, $2  }
0x1b8: {  	_ =	sdelay $0x2  }
0x1b9: {  	s11 =	sadd.s32 $0x80, s11;
	s13 =	sadd.s32 s13, s24  }
0x1ba: {  	s5 =	sadd.s32 $0x1, s5  }
0x1bb: {  	p0 =	sne.s32 s5, s25  }
.Ltmp10:
0x1bc: {  	_ = 	snop;
	(pc) =	sbr.rel @p0 .LBB2_1-.Ltmp10, $4  }
0x1bd: {  	[hbm4b:s13+s2] =	stream.linear.scatter [tilespmem:s7], [sflag:$0x3], $0x40, $0x38;
	[tilespmem:$0x8780] =	vst v63  }
0x1be: {  	_ =	swait.ge [sflag:s26], $0xE00  }
0x1bf: {  	[sflag:s26] =	ssyncset.done $0x0  }
0x1c0: {  	[sflag:s26] =	ssyncadd.s32 $0xFFFFF200  }
0x1c1: {  	_ =	sfence.sel $0x180000  }
0x1c2: {  	[bflag:$0x0] =	sbarrier.arrive $0xFFFF  }
0x1c3: {  	_ =	strace $0x90000047  }
0x1c4: {  	s0 =	stileid.u32;
	[bflag:$0x2] =	sbarrier.arrive $0xFFFF  }
0x1c5: {  	p0 =	sne.s32 s0, $0x0;
	s0 =	rddreg [dreg:$0x2]  }
0x1c6: {  	s0 =	sadd.s32 @!p0 $0x100000, s0  }
0x1c7: {  	[sflag:s0] =	ssyncadd.tile.s32 @!p0 $0x1;
	_ =	shalt  }
.Lfunc_end2:
_tile_overlayer_lowered:
.L_overlay_start_2:
0x1c8: {  	(tag) =	ssettag $0x2  }
0x1c9: {  	s0 =	rddreg [dreg:$0x0];
	s2 =	stileid.u32  }
0x1ca: {  	s1 =	rddreg [dreg:$0x1];
	p0 =	sne.s32 s2, $0x0  }
0x1cb: {  	s3 =	rddreg [dreg:$0x2];
	[bflag:$0x3] =	sbarrier.arrive $0xFFFF;
	s2 =	simm.s32 @!p0 $0x1C03  }
0x1cc: {  	[timem:s3], [sflag:s2] =	dma.local @!p0 [hbm:s0], s1  }
0x1cd: {  	s0 =	simm.s32 @!p0 $0x3  }
0x1ce: {  	_ =	swait.ge @!p0 [sflag:s0], s1  }
0x1cf: {  	s1 =	ssub.s32 @!p0 $0x0, s1;
	[sflag:s0] =	ssyncset.done @!p0 $0x0  }
0x1d0: {  	[sflag:s0] =	ssyncadd.s32 @!p0 s1  }
0x1d1: {  	[bflag:$0x3] =	sbarrier.arrive $0xFFFF  }
0x1d2: {  	_ =	shalt  }

</sc_bundles>
